<compile_context>
chip_gen: v7x
topology: tpu7x:2x2x1
jax: 0.10.2.dev20260603
libtpu: 0.0.44.dev20260713+nightly
codegen_flags: <defaults>
</compile_context>

<pallas_src>
import functools

import jax
import jax.numpy as jnp
from jax import lax
from jax.experimental import pallas as pl
from jax.experimental.pallas import tpu as pltpu
from jax.experimental.pallas import tpu_sc as plsc

_N = 10000
_E = 320000
_DIN = 128
_DE = 16
_H = 256
_C = 10
_G = 64

_NC = 2
_NS = 16
_NP = 10240
_ROWS_PT = _NP // _NS
_EPT = 20480
_CH = 128
_NCH = _EPT // _CH
_STG = 40
_CH_EA = 100
_NCH_EA = 200
_WS = 128
_WE = 32
_BLK = 2048


def _sc_mesh():
    return plsc.VectorSubcoreMesh(
        core_axis_name="c", subcore_axis_name="s", num_cores=_NC, num_subcores=_NS
    )


_SC_PARAMS = pltpu.CompilerParams(use_tc_tiling_on_sc=False)


def _sc_ea(ea_ids, dst_ids, ones_in, zeros_e):

    @functools.partial(
        pl.kernel,
        out_type=(
            jax.ShapeDtypeStruct((_NC * _NP, _DE), jnp.float32),
            jax.ShapeDtypeStruct((_NC * _NP, _DE), jnp.float32),
        ),
        mesh=_sc_mesh(),
        compiler_params=_SC_PARAMS,
        scratch_types=(
            pltpu.VMEM_SHARED((_NP, _DE), jnp.float32),
            pltpu.VMEM_SHARED((_NP, _DE), jnp.float32),
            pltpu.VMEM((_CH_EA,), jnp.int32),
            pltpu.VMEM((_CH_EA, _DE), jnp.float32),
            pltpu.VMEM((_CH_EA, _DE), jnp.float32),
        ),
    )
    def body(ea_h, dst_h, ones_h, z_h, eaout_h, degout_h,
             acc_ea, acc_dg, didx, pbuf, obuf):
        cid = lax.axis_index("c")
        sid = lax.axis_index("s")
        r0 = sid * _ROWS_PT
        pltpu.sync_copy(z_h.at[pl.ds(r0, _ROWS_PT)],
                        acc_ea.at[pl.ds(r0, _ROWS_PT)])
        pltpu.sync_copy(z_h.at[pl.ds(r0, _ROWS_PT)],
                        acc_dg.at[pl.ds(r0, _ROWS_PT)])
        pltpu.sync_copy(ones_h, obuf)
        plsc.subcore_barrier()
        half = _NCH_EA // 2

        def step(j, c):
            base = sid * _NCH_EA + cid * half + j
            pltpu.sync_copy(dst_h.at[base], didx)
            pltpu.sync_copy(ea_h.at[base], pbuf)
            pltpu.sync_copy(pbuf, acc_ea.at[didx], add=True)
            pltpu.sync_copy(obuf, acc_dg.at[didx], add=True)
            return c

        lax.fori_loop(0, half, step, 0)
        plsc.subcore_barrier()
        pltpu.sync_copy(acc_ea.at[pl.ds(r0, _ROWS_PT)],
                        eaout_h.at[pl.ds(cid * _NP + r0, _ROWS_PT)])
        pltpu.sync_copy(acc_dg.at[pl.ds(r0, _ROWS_PT)],
                        degout_h.at[pl.ds(cid * _NP + r0, _ROWS_PT)])

    return body(ea_ids, dst_ids, ones_in, zeros_e)


def _sc_spmm(table, src_ids, dst_ids, zeros_w):

    @functools.partial(
        pl.kernel,
        out_type=jax.ShapeDtypeStruct((_NC * _NP, _WS), jnp.float32),
        mesh=_sc_mesh(),
        compiler_params=_SC_PARAMS,
        scratch_types=(
            pltpu.VMEM_SHARED((_NP, _WS), jnp.float32),
            pltpu.VMEM((_STG, _CH), jnp.int32),
            pltpu.VMEM((_STG, _CH), jnp.int32),
            pltpu.VMEM((_CH, _WS), jnp.float32),
            pltpu.VMEM((_CH, _WS), jnp.float32),
            pltpu.SemaphoreType.DMA,
            pltpu.SemaphoreType.DMA,
        ),
    )
    def body(table_h, src_h, dst_h, z_h, out_h,
             acc, sidx, didx, gb0, gb1, sem0, sem1):
        cid = lax.axis_index("c")
        sid = lax.axis_index("s")
        wid = cid * _NS + sid
        r0 = sid * _ROWS_PT
        pltpu.sync_copy(z_h.at[pl.ds(r0, _ROWS_PT)], acc.at[pl.ds(r0, _ROWS_PT)])
        plsc.subcore_barrier()

        for t in range(_NCH // _STG):
            pltpu.sync_copy(src_h.at[pl.ds(wid * _NCH + t * _STG, _STG)], sidx)
            pltpu.sync_copy(dst_h.at[pl.ds(sid * _NCH + t * _STG, _STG)], didx)
            pltpu.async_copy(table_h.at[sidx.at[0]], gb0, sem0)

            def step(k, c):
                pltpu.async_copy(table_h.at[sidx.at[2 * k + 1]], gb1, sem1)
                pltpu.make_async_copy(table_h.at[sidx.at[2 * k]], gb0,
                                      sem0).wait()
                pltpu.sync_copy(gb0, acc.at[didx.at[2 * k]], add=True)

                @pl.when(k < _STG // 2 - 1)
                def _():
                    pltpu.async_copy(table_h.at[sidx.at[2 * k + 2]], gb0, sem0)

                pltpu.make_async_copy(table_h.at[sidx.at[2 * k + 1]], gb1,
                                      sem1).wait()
                pltpu.sync_copy(gb1, acc.at[didx.at[2 * k + 1]], add=True)
                return c

            lax.fori_loop(0, _STG // 2, step, 0)

        plsc.subcore_barrier()
        pltpu.sync_copy(acc.at[pl.ds(r0, _ROWS_PT)],
                        out_h.at[pl.ds(cid * _NP + r0, _ROWS_PT)])

    return body(table, src_ids, dst_ids, zeros_w)


def _tc_mm(x, w):
    m, k = x.shape

    def kern(x_ref, w_ref, p_ref, t_ref):
        mm = jnp.dot(x_ref[...], w_ref[...], preferred_element_type=jnp.float32)
        p_ref[...] = mm[:, :_H]
        t_ref[...] = jnp.stack([mm[:, _H:_H + _WS], mm[:, _H + _WS:]], axis=0)

    return pl.pallas_call(
        kern,
        grid=(m // _BLK,),
        in_specs=[
            pl.BlockSpec((_BLK, k), lambda i: (i, 0)),
            pl.BlockSpec((k, 2 * _H), lambda i: (0, 0)),
        ],
        out_specs=[
            pl.BlockSpec((_BLK, _H), lambda i: (i, 0)),
            pl.BlockSpec((2, _BLK, _WS), lambda i: (0, i, 0)),
        ],
        out_shape=[
            jax.ShapeDtypeStruct((m, _H), jnp.float32),
            jax.ShapeDtypeStruct((2, m, _WS), jnp.float32),
        ],
    )(x, w)


_NB = _NP // _BLK


def _tc_combine(p, scat, eaout, degout, we_t, b, wn):
    m, h = p.shape

    def kern(p_ref, s0_ref, s1_ref, e0_ref, e1_ref, d0_ref, d1_ref,
             we_ref, b_ref, wn_ref, p2_ref, t_ref):
        s = jnp.concatenate([s0_ref[...], s1_ref[...]], axis=1)
        eagg = e0_ref[...] + e1_ref[...]
        deg = (d0_ref[...] + d1_ref[...])[:, :1]
        r = jnp.dot(eagg, we_ref[...], preferred_element_type=jnp.float32)
        hcur = jnp.maximum(deg * (p_ref[...] + b_ref[...]) + s + r, 0.0)
        mm = jnp.dot(hcur, wn_ref[...], preferred_element_type=jnp.float32)
        p2_ref[...] = mm[:, :_H]
        t_ref[...] = jnp.stack([mm[:, _H:_H + _WS], mm[:, _H + _WS:]], axis=0)

    return pl.pallas_call(
        kern,
        grid=(m // _BLK,),
        in_specs=[
            pl.BlockSpec((_BLK, h), lambda i: (i, 0)),
            pl.BlockSpec((_BLK, _WS), lambda i: (i, 0)),
            pl.BlockSpec((_BLK, _WS), lambda i: (i + _NB, 0)),
            pl.BlockSpec((_BLK, _DE), lambda i: (i, 0)),
            pl.BlockSpec((_BLK, _DE), lambda i: (i + _NB, 0)),
            pl.BlockSpec((_BLK, _DE), lambda i: (i, 0)),
            pl.BlockSpec((_BLK, _DE), lambda i: (i + _NB, 0)),
            pl.BlockSpec((_DE, h), lambda i: (0, 0)),
            pl.BlockSpec((1, h), lambda i: (0, 0)),
            pl.BlockSpec((h, 2 * _H), lambda i: (0, 0)),
        ],
        out_specs=[
            pl.BlockSpec((_BLK, _H), lambda i: (i, 0)),
            pl.BlockSpec((2, _BLK, _WS), lambda i: (0, i, 0)),
        ],
        out_shape=[
            jax.ShapeDtypeStruct((m, _H), jnp.float32),
            jax.ShapeDtypeStruct((2, m, _WS), jnp.float32),
        ],
    )(p, scat, scat, eaout, eaout, degout, degout, we_t, b, wn)


def _tc_final(p, scat, eaout, degout, we_t, b, batch, wl_t, bl):
    m, h = p.shape
    nblk = m // _BLK

    def kern(p_ref, s0_ref, s1_ref, e0_ref, e1_ref, d0_ref, d1_ref, we_ref,
             b_ref, batch_ref, wl_ref, bl_ref, o_ref, sums, cnts):
        i = pl.program_id(0)

        @pl.when(i == 0)
        def _():
            sums[...] = jnp.zeros_like(sums)
            cnts[...] = jnp.zeros_like(cnts)

        s = jnp.concatenate([s0_ref[...], s1_ref[...]], axis=1)
        eagg = e0_ref[...] + e1_ref[...]
        deg = (d0_ref[...] + d1_ref[...])[:, :1]
        r = jnp.dot(eagg, we_ref[...], preferred_element_type=jnp.float32)
        hcur = jnp.maximum(deg * (p_ref[...] + b_ref[...]) + s + r, 0.0)
        oh = (batch_ref[...][None, :]
              == lax.broadcasted_iota(jnp.int32, (_G, _BLK), 0)
              ).astype(jnp.float32)
        sums[...] += jnp.dot(oh, hcur, preferred_element_type=jnp.float32)
        cnts[...] += jnp.sum(oh, axis=1, keepdims=True)

        @pl.when(i == nblk - 1)
        def _():
            pooled = sums[...] / jnp.maximum(cnts[...], 1.0)
            logits = jnp.dot(pooled, wl_ref[...],
                             preferred_element_type=jnp.float32) + bl_ref[...]
            mx = jnp.max(logits, axis=1, keepdims=True)
            lse = jnp.log(jnp.sum(jnp.exp(logits - mx), axis=1, keepdims=True))
            o_ref[...] = (logits - mx) - lse

    return pl.pallas_call(
        kern,
        grid=(nblk,),
        in_specs=[
            pl.BlockSpec((_BLK, h), lambda i: (i, 0)),
            pl.BlockSpec((_BLK, _WS), lambda i: (i, 0)),
            pl.BlockSpec((_BLK, _WS), lambda i: (i + _NB, 0)),
            pl.BlockSpec((_BLK, _DE), lambda i: (i, 0)),
            pl.BlockSpec((_BLK, _DE), lambda i: (i + _NB, 0)),
            pl.BlockSpec((_BLK, _DE), lambda i: (i, 0)),
            pl.BlockSpec((_BLK, _DE), lambda i: (i + _NB, 0)),
            pl.BlockSpec((_DE, h), lambda i: (0, 0)),
            pl.BlockSpec((1, h), lambda i: (0, 0)),
            pl.BlockSpec((_BLK,), lambda i: (i,)),
            pl.BlockSpec((h, _C), lambda i: (0, 0)),
            pl.BlockSpec((1, _C), lambda i: (0, 0)),
        ],
        out_specs=pl.BlockSpec((_G, _C), lambda i: (0, 0)),
        out_shape=jax.ShapeDtypeStruct((_G, _C), jnp.float32),
        scratch_shapes=[
            pltpu.VMEM((_G, h), jnp.float32),
            pltpu.VMEM((_G, 1), jnp.float32),
        ],
    )(p, scat, scat, eaout, eaout, degout, degout, we_t, b, batch, wl_t, bl)


def kernel(x, edge_index, edge_attr, batch, W1, b1, W2, b2, W3, b3, Wlin, blin):
    src = edge_index[0]
    dst = edge_index[1]

    xp = jnp.pad(x, ((0, _NP - _N), (0, 0)))
    batch_p = jnp.pad(batch, (0, _NP - _N), constant_values=_G)

    ept_real = _E // _NS
    src_t = jnp.pad(src.reshape(_NS, ept_real), ((0, 0), (0, _EPT - ept_real)))
    dst_t = jnp.pad(dst.reshape(_NS, ept_real), ((0, 0), (0, _EPT - ept_real)),
                    constant_values=_NP - 1)
    src_ids = jnp.concatenate([src_t, src_t + _NP], axis=0)
    src_ids = src_ids.reshape(_NC * _NS * _NCH, _CH)
    dst_ids = dst_t.reshape(_NS * _NCH, _CH)
    dst_ids_ea = dst.reshape(_NS * _NCH_EA, _CH_EA)
    ea_ids = edge_attr.reshape(_NS * _NCH_EA, _CH_EA, _DE)

    zeros_w = jnp.zeros((_NP, _WS), jnp.float32)
    zeros_e = jnp.zeros((_NP, _DE), jnp.float32)
    ones_in = jnp.ones((_CH_EA, _DE), jnp.float32)

    w1i, w1j, w1e = W1[:, :_DIN], W1[:, _DIN:2 * _DIN], W1[:, 2 * _DIN:]
    w2i, w2j, w2e = W2[:, :_H], W2[:, _H:2 * _H], W2[:, 2 * _H:]
    w3i, w3j, w3e = W3[:, :_H], W3[:, _H:2 * _H], W3[:, 2 * _H:]

    eaout, degout = _sc_ea(ea_ids, dst_ids_ea, ones_in, zeros_e)

    p1, t1 = _tc_mm(xp, jnp.concatenate([w1i.T, w1j.T], axis=1))
    s1cat = _sc_spmm(t1.reshape(_NC * _NP, _WS), src_ids, dst_ids, zeros_w)

    p2, t2 = _tc_combine(p1, s1cat, eaout, degout, w1e.T, b1.reshape(1, _H),
                         jnp.concatenate([w2i.T, w2j.T], axis=1))
    s2cat = _sc_spmm(t2.reshape(_NC * _NP, _WS), src_ids, dst_ids, zeros_w)

    p3, t3 = _tc_combine(p2, s2cat, eaout, degout, w2e.T, b2.reshape(1, _H),
                         jnp.concatenate([w3i.T, w3j.T], axis=1))
    s3cat = _sc_spmm(t3.reshape(_NC * _NP, _WS), src_ids, dst_ids, zeros_w)

    return _tc_final(p3, s3cat, eaout, degout, w3e.T, b3.reshape(1, _H),
                     batch_p, Wlin.T, blin.reshape(1, _C))

# --- scband reference (transcript-rebuilt; emitter-appended) ---
"""Pipeline reference for scband-gcn-29188597743953 (READ-ONLY COPY).

The authoritative reference and input builder live on the scoring server;
editing this copy changes nothing except your own understanding.
"""

import jax, jax.numpy as jnp
import numpy as np

N = 10000
E = 320000
D_IN = 128
D_EDGE = 16
H = 256
C = 10
G = 64


def setup_inputs(seed: int = 0) -> dict:
    key = jax.random.key(seed)
    ks = jax.random.split(key, 12)
    x = jax.random.normal(ks[0], (N, D_IN), dtype=jnp.float32)
    edge_index = jax.random.randint(ks[1], (2, E), 0, N, dtype=jnp.int32)
    edge_attr = jax.random.normal(ks[2], (E, D_EDGE), dtype=jnp.float32)
    batch = jnp.sort(jax.random.randint(ks[3], (N,), 0, G, dtype=jnp.int32))
    f1 = 2 * D_IN + D_EDGE
    f2 = 2 * H + D_EDGE
    W1 = jax.random.normal(ks[4], (H, f1), dtype=jnp.float32) / np.sqrt(f1)
    b1 = jnp.zeros((H,), dtype=jnp.float32)
    W2 = jax.random.normal(ks[5], (H, f2), dtype=jnp.float32) / np.sqrt(f2)
    b2 = jnp.zeros((H,), dtype=jnp.float32)
    W3 = jax.random.normal(ks[6], (H, f2), dtype=jnp.float32) / np.sqrt(f2)
    b3 = jnp.zeros((H,), dtype=jnp.float32)
    Wlin = jax.random.normal(ks[7], (C, H), dtype=jnp.float32) / np.sqrt(H)
    blin = jnp.zeros((C,), dtype=jnp.float32)
    return {"x": x, "edge_index": edge_index, "edge_attr": edge_attr, "batch": batch,
            "W1": W1, "b1": b1, "W2": W2, "b2": b2, "W3": W3, "b3": b3,
            "Wlin": Wlin, "blin": blin}


def reference(x, edge_index, edge_attr, batch, W1, b1, W2, b2, W3, b3, Wlin, blin):
    src = edge_index[0]
    dst = edge_index[1]

    def conv(h, W, b):
        # PyG MessagePassing: x_i = target (dst), x_j = source (src), aggr='add' at dst
        x_i = jnp.take(h, dst, axis=0)
        x_j = jnp.take(h, src, axis=0)
        feats = jnp.concatenate([x_i, x_j, edge_attr], axis=1)
        msg = feats @ W.T + b
        return jax.ops.segment_sum(msg, dst, num_segments=N)

    h = jax.nn.relu(conv(x, W1, b1))
    h = jax.nn.relu(conv(h, W2, b2))
    h = jax.nn.relu(conv(h, W3, b3))
    # global_mean_pool
    sums = jax.ops.segment_sum(h, batch, num_segments=G)
    counts = jax.ops.segment_sum(jnp.ones((N, 1), dtype=jnp.float32), batch, num_segments=G)
    pooled = sums / jnp.maximum(counts, 1.0)
    logits = pooled @ Wlin.T + blin
    return jax.nn.log_softmax(logits, axis=1)

if __name__ == "__main__":
    import jax
    _d = setup_inputs()
    print(jax.jit(kernel)(*tuple(_d.values())))

</pallas_src>

<mosaic_0001>
#map = affine_map<(d0, d1) -> (0, 0)>
module attributes {stable_mosaic.version = 14 : i64} {
  func.func @body(%arg0: i32, %arg1: i32, %arg2: memref<20480x128xf32, #tpu.memory_space<hbm>>, %arg3: memref<5120x128xi32, #tpu.memory_space<hbm>>, %arg4: memref<2560x128xi32, #tpu.memory_space<hbm>>, %arg5: memref<10240x128xf32, #tpu.memory_space<hbm>>, %arg6: memref<20480x128xf32, #tpu.memory_space<hbm>>, %arg7: memref<10240x128xf32, #tpu.memory_space<vmem_shared>>, %arg8: memref<40x128xi32, #tpu.memory_space<vmem>>, %arg9: memref<40x128xi32, #tpu.memory_space<vmem>>, %arg10: memref<128x128xf32, #tpu.memory_space<vmem>>, %arg11: memref<128x128xf32, #tpu.memory_space<vmem>>, %arg12: memref<!tpu.dma_semaphore, #tpu.memory_space<semaphore_mem>>, %arg13: memref<!tpu.dma_semaphore, #tpu.memory_space<semaphore_mem>>) attributes {dimension_semantics = [#tpu.dimension_semantics<core_parallel>, #tpu.dimension_semantics<subcore_parallel>], iteration_bounds = array<i64: 2, 16>, scalar_prefetch = 0 : i64, scratch_operands = 7 : i64, tpu.core_type = #tpu.core_type<sc_vector_subcore>, window_params = [{transform_indices = #map}, {transform_indices = #map}, {transform_indices = #map}, {transform_indices = #map}, {transform_indices = #map}]} {
    %mul3A = arith.constant 16 : i32
    %mul3A_0 = arith.muli %arg0, %mul3A : i32
    %add3A = arith.addi %mul3A_0, %arg1 : i32
    %mul3A_1 = arith.constant 640 : i32
    %mul3A_2 = arith.muli %arg1, %mul3A_1 : i32
    "tpu.region"() ({
      %run_scoped3A = tpu.sem_alloc : memref<!tpu.dma_semaphore, #tpu.memory_space<semaphore_mem>>
      %dma_start3A_89 = arith.constant 0 : i32
      %dma_start3A_90 = tpu.memref_slice %arg7[%mul3A_2, %dma_start3A_89] : memref<10240x128xf32, #tpu.memory_space<vmem_shared>> -> memref<640x128xf32, #tpu.memory_space<vmem_shared>>
      %dma_start3A_91 = arith.constant 0 : i32
      %dma_start3A_92 = tpu.memref_slice %arg5[%mul3A_2, %dma_start3A_91] : memref<10240x128xf32, #tpu.memory_space<hbm>> -> memref<640x128xf32, #tpu.memory_space<hbm>>
      tpu.enqueue_dma source(%dma_start3A_92 : memref<640x128xf32, #tpu.memory_space<hbm>>) target(%dma_start3A_90 : memref<640x128xf32, #tpu.memory_space<vmem_shared>>) target_semaphore(%run_scoped3A : memref<!tpu.dma_semaphore, #tpu.memory_space<semaphore_mem>>)
      %dma_wait3A = arith.constant 0 : i32
      %dma_wait3A_93 = tpu.memref_slice %arg7[%mul3A_2, %dma_wait3A] : memref<10240x128xf32, #tpu.memory_space<vmem_shared>> -> memref<640x128xf32, #tpu.memory_space<vmem_shared>>
      %dma_wait3A_94 = arith.constant 0 : i32
      %dma_wait3A_95 = tpu.memref_slice %arg5[%mul3A_2, %dma_wait3A_94] : memref<10240x128xf32, #tpu.memory_space<hbm>> -> memref<640x128xf32, #tpu.memory_space<hbm>>
      tpu.wait_dma2 semaphore(%run_scoped3A : memref<!tpu.dma_semaphore, #tpu.memory_space<semaphore_mem>>) src(%dma_wait3A_95 : memref<640x128xf32, #tpu.memory_space<hbm>>) dst(%dma_wait3A_93 : memref<640x128xf32, #tpu.memory_space<vmem_shared>>)
      tpu.yield
    }) : () -> ()
    %barrier3A = arith.constant 0 : index
    tpu.barrier barrier_id(%barrier3A)
    %mul3A_3 = arith.constant 160 : i32
    %mul3A_4 = arith.muli %add3A, %mul3A_3 : i32
    %add3A_5 = arith.constant 0 : i32
    %add3A_6 = arith.addi %mul3A_4, %add3A_5 : i32
    "tpu.region"() ({
      %run_scoped3A = tpu.sem_alloc : memref<!tpu.dma_semaphore, #tpu.memory_space<semaphore_mem>>
      %dma_start3A_89 = arith.constant 0 : i32
      %dma_start3A_90 = tpu.memref_slice %arg3[%add3A_6, %dma_start3A_89] : memref<5120x128xi32, #tpu.memory_space<hbm>> -> memref<40x128xi32, #tpu.memory_space<hbm>>
      %dma_start3A_91 = arith.constant 0 : i32
      %dma_start3A_92 = tpu.memref_slice %arg3[%add3A_6, %dma_start3A_91] : memref<5120x128xi32, #tpu.memory_space<hbm>> -> memref<40x128xi32, #tpu.memory_space<hbm>>
      tpu.enqueue_dma source(%dma_start3A_92 : memref<40x128xi32, #tpu.memory_space<hbm>>) target(%arg8 : memref<40x128xi32, #tpu.memory_space<vmem>>) target_semaphore(%run_scoped3A : memref<!tpu.dma_semaphore, #tpu.memory_space<semaphore_mem>>)
      %dma_wait3A = arith.constant 0 : i32
      %dma_wait3A_93 = tpu.memref_slice %arg3[%add3A_6, %dma_wait3A] : memref<5120x128xi32, #tpu.memory_space<hbm>> -> memref<40x128xi32, #tpu.memory_space<hbm>>
      %dma_wait3A_94 = arith.constant 0 : i32
      %dma_wait3A_95 = tpu.memref_slice %arg3[%add3A_6, %dma_wait3A_94] : memref<5120x128xi32, #tpu.memory_space<hbm>> -> memref<40x128xi32, #tpu.memory_space<hbm>>
      tpu.wait_dma2 semaphore(%run_scoped3A : memref<!tpu.dma_semaphore, #tpu.memory_space<semaphore_mem>>) src(%dma_wait3A_95 : memref<40x128xi32, #tpu.memory_space<hbm>>) dst(%arg8 : memref<40x128xi32, #tpu.memory_space<vmem>>)
      tpu.yield
    }) : () -> ()
    %mul3A_7 = arith.constant 160 : i32
    %mul3A_8 = arith.muli %arg1, %mul3A_7 : i32
    %add3A_9 = arith.constant 0 : i32
    %add3A_10 = arith.addi %mul3A_8, %add3A_9 : i32
    "tpu.region"() ({
      %run_scoped3A = tpu.sem_alloc : memref<!tpu.dma_semaphore, #tpu.memory_space<semaphore_mem>>
      %dma_start3A_89 = arith.constant 0 : i32
      %dma_start3A_90 = tpu.memref_slice %arg4[%add3A_10, %dma_start3A_89] : memref<2560x128xi32, #tpu.memory_space<hbm>> -> memref<40x128xi32, #tpu.memory_space<hbm>>
      %dma_start3A_91 = arith.constant 0 : i32
      %dma_start3A_92 = tpu.memref_slice %arg4[%add3A_10, %dma_start3A_91] : memref<2560x128xi32, #tpu.memory_space<hbm>> -> memref<40x128xi32, #tpu.memory_space<hbm>>
      tpu.enqueue_dma source(%dma_start3A_92 : memref<40x128xi32, #tpu.memory_space<hbm>>) target(%arg9 : memref<40x128xi32, #tpu.memory_space<vmem>>) target_semaphore(%run_scoped3A : memref<!tpu.dma_semaphore, #tpu.memory_space<semaphore_mem>>)
      %dma_wait3A = arith.constant 0 : i32
      %dma_wait3A_93 = tpu.memref_slice %arg4[%add3A_10, %dma_wait3A] : memref<2560x128xi32, #tpu.memory_space<hbm>> -> memref<40x128xi32, #tpu.memory_space<hbm>>
      %dma_wait3A_94 = arith.constant 0 : i32
      %dma_wait3A_95 = tpu.memref_slice %arg4[%add3A_10, %dma_wait3A_94] : memref<2560x128xi32, #tpu.memory_space<hbm>> -> memref<40x128xi32, #tpu.memory_space<hbm>>
      tpu.wait_dma2 semaphore(%run_scoped3A : memref<!tpu.dma_semaphore, #tpu.memory_space<semaphore_mem>>) src(%dma_wait3A_95 : memref<40x128xi32, #tpu.memory_space<hbm>>) dst(%arg9 : memref<40x128xi32, #tpu.memory_space<vmem>>)
      tpu.yield
    }) : () -> ()
    %dma_start3A = arith.constant 0 : i32
    %dma_start3A_11 = arith.constant 0 : i32
    %dma_start3A_12 = tpu.memref_slice %arg8[%dma_start3A, %dma_start3A_11] : memref<40x128xi32, #tpu.memory_space<vmem>> -> memref<1x128xi32, #tpu.memory_space<vmem>>
    %dma_start3A_13 = tpu.memref_squeeze %dma_start3A_12 : memref<1x128xi32, #tpu.memory_space<vmem>> -> memref<128xi32, #tpu.memory_space<vmem>>
    %dma_start3A_14 = arith.constant 0 : i32
    %dma_start3A_15 = arith.constant 0 : i32
    %dma_start3A_16 = tpu.memref_slice %arg2[%dma_start3A_14, %dma_start3A_15] : memref<20480x128xf32, #tpu.memory_space<hbm>> -> memref<20480x128xf32, #tpu.memory_space<hbm>>
    tpu.enqueue_indirect_dma source(%dma_start3A_16 : memref<20480x128xf32, #tpu.memory_space<hbm>>) target(%arg10 : memref<128x128xf32, #tpu.memory_space<vmem>>) offsets(%dma_start3A_13 : memref<128xi32, #tpu.memory_space<vmem>>) semaphore(%arg12 : memref<!tpu.dma_semaphore, #tpu.memory_space<semaphore_mem>>)
    %scan3A = arith.constant 0 : i32
    %scan3A_17 = arith.constant 0 : i32
    %scan3A_18 = arith.constant 20 : i32
    %scan3A_19 = arith.addi %scan3A_17, %scan3A_18 : i32
    %scan3A_20 = arith.constant 1 : i32
    scf.for %scan3A_89 = %scan3A_17 to %scan3A_19 step %scan3A_20  : i32 {
      %mul3A_90 = arith.constant 2 : i32
      %mul3A_91 = arith.muli %mul3A_90, %scan3A_89 : i32
      %add3A_92 = arith.constant 1 : i32
      %add3A_93 = arith.addi %mul3A_91, %add3A_92 : i32
      %dma_start3A_94 = arith.constant 0 : i32
      %dma_start3A_95 = tpu.memref_slice %arg8[%add3A_93, %dma_start3A_94] : memref<40x128xi32, #tpu.memory_space<vmem>> -> memref<1x128xi32, #tpu.memory_space<vmem>>
      %dma_start3A_96 = tpu.memref_squeeze %dma_start3A_95 : memref<1x128xi32, #tpu.memory_space<vmem>> -> memref<128xi32, #tpu.memory_space<vmem>>
      %dma_start3A_97 = arith.constant 0 : i32
      %dma_start3A_98 = arith.constant 0 : i32
      %dma_start3A_99 = tpu.memref_slice %arg2[%dma_start3A_97, %dma_start3A_98] : memref<20480x128xf32, #tpu.memory_space<hbm>> -> memref<20480x128xf32, #tpu.memory_space<hbm>>
      tpu.enqueue_indirect_dma source(%dma_start3A_99 : memref<20480x128xf32, #tpu.memory_space<hbm>>) target(%arg11 : memref<128x128xf32, #tpu.memory_space<vmem>>) offsets(%dma_start3A_96 : memref<128xi32, #tpu.memory_space<vmem>>) semaphore(%arg13 : memref<!tpu.dma_semaphore, #tpu.memory_space<semaphore_mem>>)
      %mul3A_100 = arith.constant 2 : i32
      %mul3A_101 = arith.muli %mul3A_100, %scan3A_89 : i32
      %dma_wait3A = arith.constant 0 : i32
      %dma_wait3A_102 = tpu.memref_slice %arg8[%mul3A_101, %dma_wait3A] : memref<40x128xi32, #tpu.memory_space<vmem>> -> memref<1x128xi32, #tpu.memory_space<vmem>>
      %dma_wait3A_103 = tpu.memref_squeeze %dma_wait3A_102 : memref<1x128xi32, #tpu.memory_space<vmem>> -> memref<128xi32, #tpu.memory_space<vmem>>
      %dma_wait3A_104 = arith.constant 0 : i32
      %dma_wait3A_105 = arith.constant 0 : i32
      %dma_wait3A_106 = tpu.memref_slice %arg2[%dma_wait3A_104, %dma_wait3A_105] : memref<20480x128xf32, #tpu.memory_space<hbm>> -> memref<20480x128xf32, #tpu.memory_space<hbm>>
      tpu.wait_indirect_dma semaphore(%arg12 : memref<!tpu.dma_semaphore, #tpu.memory_space<semaphore_mem>>) src(%dma_wait3A_106 : memref<20480x128xf32, #tpu.memory_space<hbm>>) dst(%arg10 : memref<128x128xf32, #tpu.memory_space<vmem>>)
      %mul3A_107 = arith.constant 2 : i32
      %mul3A_108 = arith.muli %mul3A_107, %scan3A_89 : i32
      "tpu.region"() ({
        %run_scoped3A = tpu.sem_alloc : memref<!tpu.dma_semaphore, #tpu.memory_space<semaphore_mem>>
        %dma_start3A_125 = arith.constant 0 : i32
        %dma_start3A_126 = tpu.memref_slice %arg9[%mul3A_108, %dma_start3A_125] : memref<40x128xi32, #tpu.memory_space<vmem>> -> memref<1x128xi32, #tpu.memory_space<vmem>>
        %dma_start3A_127 = tpu.memref_squeeze %dma_start3A_126 : memref<1x128xi32, #tpu.memory_space<vmem>> -> memref<128xi32, #tpu.memory_space<vmem>>
        %dma_start3A_128 = arith.constant 0 : i32
        %dma_start3A_129 = arith.constant 0 : i32
        %dma_start3A_130 = tpu.memref_slice %arg7[%dma_start3A_128, %dma_start3A_129] : memref<10240x128xf32, #tpu.memory_space<vmem_shared>> -> memref<10240x128xf32, #tpu.memory_space<vmem_shared>>
        tpu.enqueue_indirect_dma source(%arg10 : memref<128x128xf32, #tpu.memory_space<vmem>>) target(%dma_start3A_130 : memref<10240x128xf32, #tpu.memory_space<vmem_shared>>) offsets(%dma_start3A_127 : memref<128xi32, #tpu.memory_space<vmem>>) semaphore(%run_scoped3A : memref<!tpu.dma_semaphore, #tpu.memory_space<semaphore_mem>>) {add = true}
        %dma_wait3A_131 = arith.constant 0 : i32
        %dma_wait3A_132 = tpu.memref_slice %arg9[%mul3A_108, %dma_wait3A_131] : memref<40x128xi32, #tpu.memory_space<vmem>> -> memref<1x128xi32, #tpu.memory_space<vmem>>
        %dma_wait3A_133 = tpu.memref_squeeze %dma_wait3A_132 : memref<1x128xi32, #tpu.memory_space<vmem>> -> memref<128xi32, #tpu.memory_space<vmem>>
        %dma_wait3A_134 = arith.constant 0 : i32
        %dma_wait3A_135 = arith.constant 0 : i32
        %dma_wait3A_136 = tpu.memref_slice %arg7[%dma_wait3A_134, %dma_wait3A_135] : memref<10240x128xf32, #tpu.memory_space<vmem_shared>> -> memref<10240x128xf32, #tpu.memory_space<vmem_shared>>
        tpu.wait_indirect_dma semaphore(%run_scoped3A : memref<!tpu.dma_semaphore, #tpu.memory_space<semaphore_mem>>) src(%arg10 : memref<128x128xf32, #tpu.memory_space<vmem>>) dst(%dma_wait3A_136 : memref<10240x128xf32, #tpu.memory_space<vmem_shared>>)
        tpu.yield
      }) : () -> ()
      %lt3A = arith.constant 19 : i32
      %lt3A_109 = arith.cmpi slt, %scan3A_89, %lt3A : i32
      %convert_element_type3A = arith.extui %lt3A_109 : i1 to i32
      %cond3A = arith.constant 0 : i32
      %cond3A_110 = arith.cmpi ne, %convert_element_type3A, %cond3A : i32
      scf.if %cond3A_110 {
        %mul3A_125 = arith.constant 2 : i32
        %mul3A_126 = arith.muli %mul3A_125, %scan3A_89 : i32
        %add3A_127 = arith.constant 2 : i32
        %add3A_128 = arith.addi %mul3A_126, %add3A_127 : i32
        %dma_start3A_129 = arith.constant 0 : i32
        %dma_start3A_130 = tpu.memref_slice %arg8[%add3A_128, %dma_start3A_129] : memref<40x128xi32, #tpu.memory_space<vmem>> -> memref<1x128xi32, #tpu.memory_space<vmem>>
        %dma_start3A_131 = tpu.memref_squeeze %dma_start3A_130 : memref<1x128xi32, #tpu.memory_space<vmem>> -> memref<128xi32, #tpu.memory_space<vmem>>
        %dma_start3A_132 = arith.constant 0 : i32
        %dma_start3A_133 = arith.constant 0 : i32
        %dma_start3A_134 = tpu.memref_slice %arg2[%dma_start3A_132, %dma_start3A_133] : memref<20480x128xf32, #tpu.memory_space<hbm>> -> memref<20480x128xf32, #tpu.memory_space<hbm>>
        tpu.enqueue_indirect_dma source(%dma_start3A_134 : memref<20480x128xf32, #tpu.memory_space<hbm>>) target(%arg10 : memref<128x128xf32, #tpu.memory_space<vmem>>) offsets(%dma_start3A_131 : memref<128xi32, #tpu.memory_space<vmem>>) semaphore(%arg12 : memref<!tpu.dma_semaphore, #tpu.memory_space<semaphore_mem>>)
      } else {
      }
      %mul3A_111 = arith.constant 2 : i32
      %mul3A_112 = arith.muli %mul3A_111, %scan3A_89 : i32
      %add3A_113 = arith.constant 1 : i32
      %add3A_114 = arith.addi %mul3A_112, %add3A_113 : i32
      %dma_wait3A_115 = arith.constant 0 : i32
      %dma_wait3A_116 = tpu.memref_slice %arg8[%add3A_114, %dma_wait3A_115] : memref<40x128xi32, #tpu.memory_space<vmem>> -> memref<1x128xi32, #tpu.memory_space<vmem>>
      %dma_wait3A_117 = tpu.memref_squeeze %dma_wait3A_116 : memref<1x128xi32, #tpu.memory_space<vmem>> -> memref<128xi32, #tpu.memory_space<vmem>>
      %dma_wait3A_118 = arith.constant 0 : i32
      %dma_wait3A_119 = arith.constant 0 : i32
      %dma_wait3A_120 = tpu.memref_slice %arg2[%dma_wait3A_118, %dma_wait3A_119] : memref<20480x128xf32, #tpu.memory_space<hbm>> -> memref<20480x128xf32, #tpu.memory_space<hbm>>
      tpu.wait_indirect_dma semaphore(%arg13 : memref<!tpu.dma_semaphore, #tpu.memory_space<semaphore_mem>>) src(%dma_wait3A_120 : memref<20480x128xf32, #tpu.memory_space<hbm>>) dst(%arg11 : memref<128x128xf32, #tpu.memory_space<vmem>>)
      %mul3A_121 = arith.constant 2 : i32
      %mul3A_122 = arith.muli %mul3A_121, %scan3A_89 : i32
      %add3A_123 = arith.constant 1 : i32
      %add3A_124 = arith.addi %mul3A_122, %add3A_123 : i32
      "tpu.region"() ({
        %run_scoped3A = tpu.sem_alloc : memref<!tpu.dma_semaphore, #tpu.memory_space<semaphore_mem>>
        %dma_start3A_125 = arith.constant 0 : i32
        %dma_start3A_126 = tpu.memref_slice %arg9[%add3A_124, %dma_start3A_125] : memref<40x128xi32, #tpu.memory_space<vmem>> -> memref<1x128xi32, #tpu.memory_space<vmem>>
        %dma_start3A_127 = tpu.memref_squeeze %dma_start3A_126 : memref<1x128xi32, #tpu.memory_space<vmem>> -> memref<128xi32, #tpu.memory_space<vmem>>
        %dma_start3A_128 = arith.constant 0 : i32
        %dma_start3A_129 = arith.constant 0 : i32
        %dma_start3A_130 = tpu.memref_slice %arg7[%dma_start3A_128, %dma_start3A_129] : memref<10240x128xf32, #tpu.memory_space<vmem_shared>> -> memref<10240x128xf32, #tpu.memory_space<vmem_shared>>
        tpu.enqueue_indirect_dma source(%arg11 : memref<128x128xf32, #tpu.memory_space<vmem>>) target(%dma_start3A_130 : memref<10240x128xf32, #tpu.memory_space<vmem_shared>>) offsets(%dma_start3A_127 : memref<128xi32, #tpu.memory_space<vmem>>) semaphore(%run_scoped3A : memref<!tpu.dma_semaphore, #tpu.memory_space<semaphore_mem>>) {add = true}
        %dma_wait3A_131 = arith.constant 0 : i32
        %dma_wait3A_132 = tpu.memref_slice %arg9[%add3A_124, %dma_wait3A_131] : memref<40x128xi32, #tpu.memory_space<vmem>> -> memref<1x128xi32, #tpu.memory_space<vmem>>
        %dma_wait3A_133 = tpu.memref_squeeze %dma_wait3A_132 : memref<1x128xi32, #tpu.memory_space<vmem>> -> memref<128xi32, #tpu.memory_space<vmem>>
        %dma_wait3A_134 = arith.constant 0 : i32
        %dma_wait3A_135 = arith.constant 0 : i32
        %dma_wait3A_136 = tpu.memref_slice %arg7[%dma_wait3A_134, %dma_wait3A_135] : memref<10240x128xf32, #tpu.memory_space<vmem_shared>> -> memref<10240x128xf32, #tpu.memory_space<vmem_shared>>
        tpu.wait_indirect_dma semaphore(%run_scoped3A : memref<!tpu.dma_semaphore, #tpu.memory_space<semaphore_mem>>) src(%arg11 : memref<128x128xf32, #tpu.memory_space<vmem>>) dst(%dma_wait3A_136 : memref<10240x128xf32, #tpu.memory_space<vmem_shared>>)
        tpu.yield
      }) : () -> ()
    }
    %scan3A_21 = arith.constant 20 : i32
    %mul3A_22 = arith.constant 160 : i32
    %mul3A_23 = arith.muli %add3A, %mul3A_22 : i32
    %add3A_24 = arith.constant 40 : i32
    %add3A_25 = arith.addi %mul3A_23, %add3A_24 : i32
    "tpu.region"() ({
      %run_scoped3A = tpu.sem_alloc : memref<!tpu.dma_semaphore, #tpu.memory_space<semaphore_mem>>
      %dma_start3A_89 = arith.constant 0 : i32
      %dma_start3A_90 = tpu.memref_slice %arg3[%add3A_25, %dma_start3A_89] : memref<5120x128xi32, #tpu.memory_space<hbm>> -> memref<40x128xi32, #tpu.memory_space<hbm>>
      %dma_start3A_91 = arith.constant 0 : i32
      %dma_start3A_92 = tpu.memref_slice %arg3[%add3A_25, %dma_start3A_91] : memref<5120x128xi32, #tpu.memory_space<hbm>> -> memref<40x128xi32, #tpu.memory_space<hbm>>
      tpu.enqueue_dma source(%dma_start3A_92 : memref<40x128xi32, #tpu.memory_space<hbm>>) target(%arg8 : memref<40x128xi32, #tpu.memory_space<vmem>>) target_semaphore(%run_scoped3A : memref<!tpu.dma_semaphore, #tpu.memory_space<semaphore_mem>>)
      %dma_wait3A = arith.constant 0 : i32
      %dma_wait3A_93 = tpu.memref_slice %arg3[%add3A_25, %dma_wait3A] : memref<5120x128xi32, #tpu.memory_space<hbm>> -> memref<40x128xi32, #tpu.memory_space<hbm>>
      %dma_wait3A_94 = arith.constant 0 : i32
      %dma_wait3A_95 = tpu.memref_slice %arg3[%add3A_25, %dma_wait3A_94] : memref<5120x128xi32, #tpu.memory_space<hbm>> -> memref<40x128xi32, #tpu.memory_space<hbm>>
      tpu.wait_dma2 semaphore(%run_scoped3A : memref<!tpu.dma_semaphore, #tpu.memory_space<semaphore_mem>>) src(%dma_wait3A_95 : memref<40x128xi32, #tpu.memory_space<hbm>>) dst(%arg8 : memref<40x128xi32, #tpu.memory_space<vmem>>)
      tpu.yield
    }) : () -> ()
    %mul3A_26 = arith.constant 160 : i32
    %mul3A_27 = arith.muli %arg1, %mul3A_26 : i32
    %add3A_28 = arith.constant 40 : i32
    %add3A_29 = arith.addi %mul3A_27, %add3A_28 : i32
    "tpu.region"() ({
      %run_scoped3A = tpu.sem_alloc : memref<!tpu.dma_semaphore, #tpu.memory_space<semaphore_mem>>
      %dma_start3A_89 = arith.constant 0 : i32
      %dma_start3A_90 = tpu.memref_slice %arg4[%add3A_29, %dma_start3A_89] : memref<2560x128xi32, #tpu.memory_space<hbm>> -> memref<40x128xi32, #tpu.memory_space<hbm>>
      %dma_start3A_91 = arith.constant 0 : i32
      %dma_start3A_92 = tpu.memref_slice %arg4[%add3A_29, %dma_start3A_91] : memref<2560x128xi32, #tpu.memory_space<hbm>> -> memref<40x128xi32, #tpu.memory_space<hbm>>
      tpu.enqueue_dma source(%dma_start3A_92 : memref<40x128xi32, #tpu.memory_space<hbm>>) target(%arg9 : memref<40x128xi32, #tpu.memory_space<vmem>>) target_semaphore(%run_scoped3A : memref<!tpu.dma_semaphore, #tpu.memory_space<semaphore_mem>>)
      %dma_wait3A = arith.constant 0 : i32
      %dma_wait3A_93 = tpu.memref_slice %arg4[%add3A_29, %dma_wait3A] : memref<2560x128xi32, #tpu.memory_space<hbm>> -> memref<40x128xi32, #tpu.memory_space<hbm>>
      %dma_wait3A_94 = arith.constant 0 : i32
      %dma_wait3A_95 = tpu.memref_slice %arg4[%add3A_29, %dma_wait3A_94] : memref<2560x128xi32, #tpu.memory_space<hbm>> -> memref<40x128xi32, #tpu.memory_space<hbm>>
      tpu.wait_dma2 semaphore(%run_scoped3A : memref<!tpu.dma_semaphore, #tpu.memory_space<semaphore_mem>>) src(%dma_wait3A_95 : memref<40x128xi32, #tpu.memory_space<hbm>>) dst(%arg9 : memref<40x128xi32, #tpu.memory_space<vmem>>)
      tpu.yield
    }) : () -> ()
    %dma_start3A_30 = arith.constant 0 : i32
    %dma_start3A_31 = arith.constant 0 : i32
    %dma_start3A_32 = tpu.memref_slice %arg8[%dma_start3A_30, %dma_start3A_31] : memref<40x128xi32, #tpu.memory_space<vmem>> -> memref<1x128xi32, #tpu.memory_space<vmem>>
    %dma_start3A_33 = tpu.memref_squeeze %dma_start3A_32 : memref<1x128xi32, #tpu.memory_space<vmem>> -> memref<128xi32, #tpu.memory_space<vmem>>
    %dma_start3A_34 = arith.constant 0 : i32
    %dma_start3A_35 = arith.constant 0 : i32
    %dma_start3A_36 = tpu.memref_slice %arg2[%dma_start3A_34, %dma_start3A_35] : memref<20480x128xf32, #tpu.memory_space<hbm>> -> memref<20480x128xf32, #tpu.memory_space<hbm>>
    tpu.enqueue_indirect_dma source(%dma_start3A_36 : memref<20480x128xf32, #tpu.memory_space<hbm>>) target(%arg10 : memref<128x128xf32, #tpu.memory_space<vmem>>) offsets(%dma_start3A_33 : memref<128xi32, #tpu.memory_space<vmem>>) semaphore(%arg12 : memref<!tpu.dma_semaphore, #tpu.memory_space<semaphore_mem>>)
    %scan3A_37 = arith.constant 0 : i32
    %scan3A_38 = arith.constant 0 : i32
    %scan3A_39 = arith.constant 20 : i32
    %scan3A_40 = arith.addi %scan3A_38, %scan3A_39 : i32
    %scan3A_41 = arith.constant 1 : i32
    scf.for %scan3A_89 = %scan3A_38 to %scan3A_40 step %scan3A_41  : i32 {
      %mul3A_90 = arith.constant 2 : i32
      %mul3A_91 = arith.muli %mul3A_90, %scan3A_89 : i32
      %add3A_92 = arith.constant 1 : i32
      %add3A_93 = arith.addi %mul3A_91, %add3A_92 : i32
      %dma_start3A_94 = arith.constant 0 : i32
      %dma_start3A_95 = tpu.memref_slice %arg8[%add3A_93, %dma_start3A_94] : memref<40x128xi32, #tpu.memory_space<vmem>> -> memref<1x128xi32, #tpu.memory_space<vmem>>
      %dma_start3A_96 = tpu.memref_squeeze %dma_start3A_95 : memref<1x128xi32, #tpu.memory_space<vmem>> -> memref<128xi32, #tpu.memory_space<vmem>>
      %dma_start3A_97 = arith.constant 0 : i32
      %dma_start3A_98 = arith.constant 0 : i32
      %dma_start3A_99 = tpu.memref_slice %arg2[%dma_start3A_97, %dma_start3A_98] : memref<20480x128xf32, #tpu.memory_space<hbm>> -> memref<20480x128xf32, #tpu.memory_space<hbm>>
      tpu.enqueue_indirect_dma source(%dma_start3A_99 : memref<20480x128xf32, #tpu.memory_space<hbm>>) target(%arg11 : memref<128x128xf32, #tpu.memory_space<vmem>>) offsets(%dma_start3A_96 : memref<128xi32, #tpu.memory_space<vmem>>) semaphore(%arg13 : memref<!tpu.dma_semaphore, #tpu.memory_space<semaphore_mem>>)
      %mul3A_100 = arith.constant 2 : i32
      %mul3A_101 = arith.muli %mul3A_100, %scan3A_89 : i32
      %dma_wait3A = arith.constant 0 : i32
      %dma_wait3A_102 = tpu.memref_slice %arg8[%mul3A_101, %dma_wait3A] : memref<40x128xi32, #tpu.memory_space<vmem>> -> memref<1x128xi32, #tpu.memory_space<vmem>>
      %dma_wait3A_103 = tpu.memref_squeeze %dma_wait3A_102 : memref<1x128xi32, #tpu.memory_space<vmem>> -> memref<128xi32, #tpu.memory_space<vmem>>
      %dma_wait3A_104 = arith.constant 0 : i32
      %dma_wait3A_105 = arith.constant 0 : i32
      %dma_wait3A_106 = tpu.memref_slice %arg2[%dma_wait3A_104, %dma_wait3A_105] : memref<20480x128xf32, #tpu.memory_space<hbm>> -> memref<20480x128xf32, #tpu.memory_space<hbm>>
      tpu.wait_indirect_dma semaphore(%arg12 : memref<!tpu.dma_semaphore, #tpu.memory_space<semaphore_mem>>) src(%dma_wait3A_106 : memref<20480x128xf32, #tpu.memory_space<hbm>>) dst(%arg10 : memref<128x128xf32, #tpu.memory_space<vmem>>)
      %mul3A_107 = arith.constant 2 : i32
      %mul3A_108 = arith.muli %mul3A_107, %scan3A_89 : i32
      "tpu.region"() ({
        %run_scoped3A = tpu.sem_alloc : memref<!tpu.dma_semaphore, #tpu.memory_space<semaphore_mem>>
        %dma_start3A_125 = arith.constant 0 : i32
        %dma_start3A_126 = tpu.memref_slice %arg9[%mul3A_108, %dma_start3A_125] : memref<40x128xi32, #tpu.memory_space<vmem>> -> memref<1x128xi32, #tpu.memory_space<vmem>>
        %dma_start3A_127 = tpu.memref_squeeze %dma_start3A_126 : memref<1x128xi32, #tpu.memory_space<vmem>> -> memref<128xi32, #tpu.memory_space<vmem>>
        %dma_start3A_128 = arith.constant 0 : i32
        %dma_start3A_129 = arith.constant 0 : i32
        %dma_start3A_130 = tpu.memref_slice %arg7[%dma_start3A_128, %dma_start3A_129] : memref<10240x128xf32, #tpu.memory_space<vmem_shared>> -> memref<10240x128xf32, #tpu.memory_space<vmem_shared>>
        tpu.enqueue_indirect_dma source(%arg10 : memref<128x128xf32, #tpu.memory_space<vmem>>) target(%dma_start3A_130 : memref<10240x128xf32, #tpu.memory_space<vmem_shared>>) offsets(%dma_start3A_127 : memref<128xi32, #tpu.memory_space<vmem>>) semaphore(%run_scoped3A : memref<!tpu.dma_semaphore, #tpu.memory_space<semaphore_mem>>) {add = true}
        %dma_wait3A_131 = arith.constant 0 : i32
        %dma_wait3A_132 = tpu.memref_slice %arg9[%mul3A_108, %dma_wait3A_131] : memref<40x128xi32, #tpu.memory_space<vmem>> -> memref<1x128xi32, #tpu.memory_space<vmem>>
        %dma_wait3A_133 = tpu.memref_squeeze %dma_wait3A_132 : memref<1x128xi32, #tpu.memory_space<vmem>> -> memref<128xi32, #tpu.memory_space<vmem>>
        %dma_wait3A_134 = arith.constant 0 : i32
        %dma_wait3A_135 = arith.constant 0 : i32
        %dma_wait3A_136 = tpu.memref_slice %arg7[%dma_wait3A_134, %dma_wait3A_135] : memref<10240x128xf32, #tpu.memory_space<vmem_shared>> -> memref<10240x128xf32, #tpu.memory_space<vmem_shared>>
        tpu.wait_indirect_dma semaphore(%run_scoped3A : memref<!tpu.dma_semaphore, #tpu.memory_space<semaphore_mem>>) src(%arg10 : memref<128x128xf32, #tpu.memory_space<vmem>>) dst(%dma_wait3A_136 : memref<10240x128xf32, #tpu.memory_space<vmem_shared>>)
        tpu.yield
      }) : () -> ()
      %lt3A = arith.constant 19 : i32
      %lt3A_109 = arith.cmpi slt, %scan3A_89, %lt3A : i32
      %convert_element_type3A = arith.extui %lt3A_109 : i1 to i32
      %cond3A = arith.constant 0 : i32
      %cond3A_110 = arith.cmpi ne, %convert_element_type3A, %cond3A : i32
      scf.if %cond3A_110 {
        %mul3A_125 = arith.constant 2 : i32
        %mul3A_126 = arith.muli %mul3A_125, %scan3A_89 : i32
        %add3A_127 = arith.constant 2 : i32
        %add3A_128 = arith.addi %mul3A_126, %add3A_127 : i32
        %dma_start3A_129 = arith.constant 0 : i32
        %dma_start3A_130 = tpu.memref_slice %arg8[%add3A_128, %dma_start3A_129] : memref<40x128xi32, #tpu.memory_space<vmem>> -> memref<1x128xi32, #tpu.memory_space<vmem>>
        %dma_start3A_131 = tpu.memref_squeeze %dma_start3A_130 : memref<1x128xi32, #tpu.memory_space<vmem>> -> memref<128xi32, #tpu.memory_space<vmem>>
        %dma_start3A_132 = arith.constant 0 : i32
        %dma_start3A_133 = arith.constant 0 : i32
        %dma_start3A_134 = tpu.memref_slice %arg2[%dma_start3A_132, %dma_start3A_133] : memref<20480x128xf32, #tpu.memory_space<hbm>> -> memref<20480x128xf32, #tpu.memory_space<hbm>>
        tpu.enqueue_indirect_dma source(%dma_start3A_134 : memref<20480x128xf32, #tpu.memory_space<hbm>>) target(%arg10 : memref<128x128xf32, #tpu.memory_space<vmem>>) offsets(%dma_start3A_131 : memref<128xi32, #tpu.memory_space<vmem>>) semaphore(%arg12 : memref<!tpu.dma_semaphore, #tpu.memory_space<semaphore_mem>>)
      } else {
      }
      %mul3A_111 = arith.constant 2 : i32
      %mul3A_112 = arith.muli %mul3A_111, %scan3A_89 : i32
      %add3A_113 = arith.constant 1 : i32
      %add3A_114 = arith.addi %mul3A_112, %add3A_113 : i32
      %dma_wait3A_115 = arith.constant 0 : i32
      %dma_wait3A_116 = tpu.memref_slice %arg8[%add3A_114, %dma_wait3A_115] : memref<40x128xi32, #tpu.memory_space<vmem>> -> memref<1x128xi32, #tpu.memory_space<vmem>>
      %dma_wait3A_117 = tpu.memref_squeeze %dma_wait3A_116 : memref<1x128xi32, #tpu.memory_space<vmem>> -> memref<128xi32, #tpu.memory_space<vmem>>
      %dma_wait3A_118 = arith.constant 0 : i32
      %dma_wait3A_119 = arith.constant 0 : i32
      %dma_wait3A_120 = tpu.memref_slice %arg2[%dma_wait3A_118, %dma_wait3A_119] : memref<20480x128xf32, #tpu.memory_space<hbm>> -> memref<20480x128xf32, #tpu.memory_space<hbm>>
      tpu.wait_indirect_dma semaphore(%arg13 : memref<!tpu.dma_semaphore, #tpu.memory_space<semaphore_mem>>) src(%dma_wait3A_120 : memref<20480x128xf32, #tpu.memory_space<hbm>>) dst(%arg11 : memref<128x128xf32, #tpu.memory_space<vmem>>)
      %mul3A_121 = arith.constant 2 : i32
      %mul3A_122 = arith.muli %mul3A_121, %scan3A_89 : i32
      %add3A_123 = arith.constant 1 : i32
      %add3A_124 = arith.addi %mul3A_122, %add3A_123 : i32
      "tpu.region"() ({
        %run_scoped3A = tpu.sem_alloc : memref<!tpu.dma_semaphore, #tpu.memory_space<semaphore_mem>>
        %dma_start3A_125 = arith.constant 0 : i32
        %dma_start3A_126 = tpu.memref_slice %arg9[%add3A_124, %dma_start3A_125] : memref<40x128xi32, #tpu.memory_space<vmem>> -> memref<1x128xi32, #tpu.memory_space<vmem>>
        %dma_start3A_127 = tpu.memref_squeeze %dma_start3A_126 : memref<1x128xi32, #tpu.memory_space<vmem>> -> memref<128xi32, #tpu.memory_space<vmem>>
        %dma_start3A_128 = arith.constant 0 : i32
        %dma_start3A_129 = arith.constant 0 : i32
        %dma_start3A_130 = tpu.memref_slice %arg7[%dma_start3A_128, %dma_start3A_129] : memref<10240x128xf32, #tpu.memory_space<vmem_shared>> -> memref<10240x128xf32, #tpu.memory_space<vmem_shared>>
        tpu.enqueue_indirect_dma source(%arg11 : memref<128x128xf32, #tpu.memory_space<vmem>>) target(%dma_start3A_130 : memref<10240x128xf32, #tpu.memory_space<vmem_shared>>) offsets(%dma_start3A_127 : memref<128xi32, #tpu.memory_space<vmem>>) semaphore(%run_scoped3A : memref<!tpu.dma_semaphore, #tpu.memory_space<semaphore_mem>>) {add = true}
        %dma_wait3A_131 = arith.constant 0 : i32
        %dma_wait3A_132 = tpu.memref_slice %arg9[%add3A_124, %dma_wait3A_131] : memref<40x128xi32, #tpu.memory_space<vmem>> -> memref<1x128xi32, #tpu.memory_space<vmem>>
        %dma_wait3A_133 = tpu.memref_squeeze %dma_wait3A_132 : memref<1x128xi32, #tpu.memory_space<vmem>> -> memref<128xi32, #tpu.memory_space<vmem>>
        %dma_wait3A_134 = arith.constant 0 : i32
        %dma_wait3A_135 = arith.constant 0 : i32
        %dma_wait3A_136 = tpu.memref_slice %arg7[%dma_wait3A_134, %dma_wait3A_135] : memref<10240x128xf32, #tpu.memory_space<vmem_shared>> -> memref<10240x128xf32, #tpu.memory_space<vmem_shared>>
        tpu.wait_indirect_dma semaphore(%run_scoped3A : memref<!tpu.dma_semaphore, #tpu.memory_space<semaphore_mem>>) src(%arg11 : memref<128x128xf32, #tpu.memory_space<vmem>>) dst(%dma_wait3A_136 : memref<10240x128xf32, #tpu.memory_space<vmem_shared>>)
        tpu.yield
      }) : () -> ()
    }
    %scan3A_42 = arith.constant 20 : i32
    %mul3A_43 = arith.constant 160 : i32
    %mul3A_44 = arith.muli %add3A, %mul3A_43 : i32
    %add3A_45 = arith.constant 80 : i32
    %add3A_46 = arith.addi %mul3A_44, %add3A_45 : i32
    "tpu.region"() ({
      %run_scoped3A = tpu.sem_alloc : memref<!tpu.dma_semaphore, #tpu.memory_space<semaphore_mem>>
      %dma_start3A_89 = arith.constant 0 : i32
      %dma_start3A_90 = tpu.memref_slice %arg3[%add3A_46, %dma_start3A_89] : memref<5120x128xi32, #tpu.memory_space<hbm>> -> memref<40x128xi32, #tpu.memory_space<hbm>>
      %dma_start3A_91 = arith.constant 0 : i32
      %dma_start3A_92 = tpu.memref_slice %arg3[%add3A_46, %dma_start3A_91] : memref<5120x128xi32, #tpu.memory_space<hbm>> -> memref<40x128xi32, #tpu.memory_space<hbm>>
      tpu.enqueue_dma source(%dma_start3A_92 : memref<40x128xi32, #tpu.memory_space<hbm>>) target(%arg8 : memref<40x128xi32, #tpu.memory_space<vmem>>) target_semaphore(%run_scoped3A : memref<!tpu.dma_semaphore, #tpu.memory_space<semaphore_mem>>)
      %dma_wait3A = arith.constant 0 : i32
      %dma_wait3A_93 = tpu.memref_slice %arg3[%add3A_46, %dma_wait3A] : memref<5120x128xi32, #tpu.memory_space<hbm>> -> memref<40x128xi32, #tpu.memory_space<hbm>>
      %dma_wait3A_94 = arith.constant 0 : i32
      %dma_wait3A_95 = tpu.memref_slice %arg3[%add3A_46, %dma_wait3A_94] : memref<5120x128xi32, #tpu.memory_space<hbm>> -> memref<40x128xi32, #tpu.memory_space<hbm>>
      tpu.wait_dma2 semaphore(%run_scoped3A : memref<!tpu.dma_semaphore, #tpu.memory_space<semaphore_mem>>) src(%dma_wait3A_95 : memref<40x128xi32, #tpu.memory_space<hbm>>) dst(%arg8 : memref<40x128xi32, #tpu.memory_space<vmem>>)
      tpu.yield
    }) : () -> ()
    %mul3A_47 = arith.constant 160 : i32
    %mul3A_48 = arith.muli %arg1, %mul3A_47 : i32
    %add3A_49 = arith.constant 80 : i32
    %add3A_50 = arith.addi %mul3A_48, %add3A_49 : i32
    "tpu.region"() ({
      %run_scoped3A = tpu.sem_alloc : memref<!tpu.dma_semaphore, #tpu.memory_space<semaphore_mem>>
      %dma_start3A_89 = arith.constant 0 : i32
      %dma_start3A_90 = tpu.memref_slice %arg4[%add3A_50, %dma_start3A_89] : memref<2560x128xi32, #tpu.memory_space<hbm>> -> memref<40x128xi32, #tpu.memory_space<hbm>>
      %dma_start3A_91 = arith.constant 0 : i32
      %dma_start3A_92 = tpu.memref_slice %arg4[%add3A_50, %dma_start3A_91] : memref<2560x128xi32, #tpu.memory_space<hbm>> -> memref<40x128xi32, #tpu.memory_space<hbm>>
      tpu.enqueue_dma source(%dma_start3A_92 : memref<40x128xi32, #tpu.memory_space<hbm>>) target(%arg9 : memref<40x128xi32, #tpu.memory_space<vmem>>) target_semaphore(%run_scoped3A : memref<!tpu.dma_semaphore, #tpu.memory_space<semaphore_mem>>)
      %dma_wait3A = arith.constant 0 : i32
      %dma_wait3A_93 = tpu.memref_slice %arg4[%add3A_50, %dma_wait3A] : memref<2560x128xi32, #tpu.memory_space<hbm>> -> memref<40x128xi32, #tpu.memory_space<hbm>>
      %dma_wait3A_94 = arith.constant 0 : i32
      %dma_wait3A_95 = tpu.memref_slice %arg4[%add3A_50, %dma_wait3A_94] : memref<2560x128xi32, #tpu.memory_space<hbm>> -> memref<40x128xi32, #tpu.memory_space<hbm>>
      tpu.wait_dma2 semaphore(%run_scoped3A : memref<!tpu.dma_semaphore, #tpu.memory_space<semaphore_mem>>) src(%dma_wait3A_95 : memref<40x128xi32, #tpu.memory_space<hbm>>) dst(%arg9 : memref<40x128xi32, #tpu.memory_space<vmem>>)
      tpu.yield
    }) : () -> ()
    %dma_start3A_51 = arith.constant 0 : i32
    %dma_start3A_52 = arith.constant 0 : i32
    %dma_start3A_53 = tpu.memref_slice %arg8[%dma_start3A_51, %dma_start3A_52] : memref<40x128xi32, #tpu.memory_space<vmem>> -> memref<1x128xi32, #tpu.memory_space<vmem>>
    %dma_start3A_54 = tpu.memref_squeeze %dma_start3A_53 : memref<1x128xi32, #tpu.memory_space<vmem>> -> memref<128xi32, #tpu.memory_space<vmem>>
    %dma_start3A_55 = arith.constant 0 : i32
    %dma_start3A_56 = arith.constant 0 : i32
    %dma_start3A_57 = tpu.memref_slice %arg2[%dma_start3A_55, %dma_start3A_56] : memref<20480x128xf32, #tpu.memory_space<hbm>> -> memref<20480x128xf32, #tpu.memory_space<hbm>>
    tpu.enqueue_indirect_dma source(%dma_start3A_57 : memref<20480x128xf32, #tpu.memory_space<hbm>>) target(%arg10 : memref<128x128xf32, #tpu.memory_space<vmem>>) offsets(%dma_start3A_54 : memref<128xi32, #tpu.memory_space<vmem>>) semaphore(%arg12 : memref<!tpu.dma_semaphore, #tpu.memory_space<semaphore_mem>>)
    %scan3A_58 = arith.constant 0 : i32
    %scan3A_59 = arith.constant 0 : i32
    %scan3A_60 = arith.constant 20 : i32
    %scan3A_61 = arith.addi %scan3A_59, %scan3A_60 : i32
    %scan3A_62 = arith.constant 1 : i32
    scf.for %scan3A_89 = %scan3A_59 to %scan3A_61 step %scan3A_62  : i32 {
      %mul3A_90 = arith.constant 2 : i32
      %mul3A_91 = arith.muli %mul3A_90, %scan3A_89 : i32
      %add3A_92 = arith.constant 1 : i32
      %add3A_93 = arith.addi %mul3A_91, %add3A_92 : i32
      %dma_start3A_94 = arith.constant 0 : i32
      %dma_start3A_95 = tpu.memref_slice %arg8[%add3A_93, %dma_start3A_94] : memref<40x128xi32, #tpu.memory_space<vmem>> -> memref<1x128xi32, #tpu.memory_space<vmem>>
      %dma_start3A_96 = tpu.memref_squeeze %dma_start3A_95 : memref<1x128xi32, #tpu.memory_space<vmem>> -> memref<128xi32, #tpu.memory_space<vmem>>
      %dma_start3A_97 = arith.constant 0 : i32
      %dma_start3A_98 = arith.constant 0 : i32
      %dma_start3A_99 = tpu.memref_slice %arg2[%dma_start3A_97, %dma_start3A_98] : memref<20480x128xf32, #tpu.memory_space<hbm>> -> memref<20480x128xf32, #tpu.memory_space<hbm>>
      tpu.enqueue_indirect_dma source(%dma_start3A_99 : memref<20480x128xf32, #tpu.memory_space<hbm>>) target(%arg11 : memref<128x128xf32, #tpu.memory_space<vmem>>) offsets(%dma_start3A_96 : memref<128xi32, #tpu.memory_space<vmem>>) semaphore(%arg13 : memref<!tpu.dma_semaphore, #tpu.memory_space<semaphore_mem>>)
      %mul3A_100 = arith.constant 2 : i32
      %mul3A_101 = arith.muli %mul3A_100, %scan3A_89 : i32
      %dma_wait3A = arith.constant 0 : i32
      %dma_wait3A_102 = tpu.memref_slice %arg8[%mul3A_101, %dma_wait3A] : memref<40x128xi32, #tpu.memory_space<vmem>> -> memref<1x128xi32, #tpu.memory_space<vmem>>
      %dma_wait3A_103 = tpu.memref_squeeze %dma_wait3A_102 : memref<1x128xi32, #tpu.memory_space<vmem>> -> memref<128xi32, #tpu.memory_space<vmem>>
      %dma_wait3A_104 = arith.constant 0 : i32
      %dma_wait3A_105 = arith.constant 0 : i32
      %dma_wait3A_106 = tpu.memref_slice %arg2[%dma_wait3A_104, %dma_wait3A_105] : memref<20480x128xf32, #tpu.memory_space<hbm>> -> memref<20480x128xf32, #tpu.memory_space<hbm>>
      tpu.wait_indirect_dma semaphore(%arg12 : memref<!tpu.dma_semaphore, #tpu.memory_space<semaphore_mem>>) src(%dma_wait3A_106 : memref<20480x128xf32, #tpu.memory_space<hbm>>) dst(%arg10 : memref<128x128xf32, #tpu.memory_space<vmem>>)
      %mul3A_107 = arith.constant 2 : i32
      %mul3A_108 = arith.muli %mul3A_107, %scan3A_89 : i32
      "tpu.region"() ({
        %run_scoped3A = tpu.sem_alloc : memref<!tpu.dma_semaphore, #tpu.memory_space<semaphore_mem>>
        %dma_start3A_125 = arith.constant 0 : i32
        %dma_start3A_126 = tpu.memref_slice %arg9[%mul3A_108, %dma_start3A_125] : memref<40x128xi32, #tpu.memory_space<vmem>> -> memref<1x128xi32, #tpu.memory_space<vmem>>
        %dma_start3A_127 = tpu.memref_squeeze %dma_start3A_126 : memref<1x128xi32, #tpu.memory_space<vmem>> -> memref<128xi32, #tpu.memory_space<vmem>>
        %dma_start3A_128 = arith.constant 0 : i32
        %dma_start3A_129 = arith.constant 0 : i32
        %dma_start3A_130 = tpu.memref_slice %arg7[%dma_start3A_128, %dma_start3A_129] : memref<10240x128xf32, #tpu.memory_space<vmem_shared>> -> memref<10240x128xf32, #tpu.memory_space<vmem_shared>>
        tpu.enqueue_indirect_dma source(%arg10 : memref<128x128xf32, #tpu.memory_space<vmem>>) target(%dma_start3A_130 : memref<10240x128xf32, #tpu.memory_space<vmem_shared>>) offsets(%dma_start3A_127 : memref<128xi32, #tpu.memory_space<vmem>>) semaphore(%run_scoped3A : memref<!tpu.dma_semaphore, #tpu.memory_space<semaphore_mem>>) {add = true}
        %dma_wait3A_131 = arith.constant 0 : i32
        %dma_wait3A_132 = tpu.memref_slice %arg9[%mul3A_108, %dma_wait3A_131] : memref<40x128xi32, #tpu.memory_space<vmem>> -> memref<1x128xi32, #tpu.memory_space<vmem>>
        %dma_wait3A_133 = tpu.memref_squeeze %dma_wait3A_132 : memref<1x128xi32, #tpu.memory_space<vmem>> -> memref<128xi32, #tpu.memory_space<vmem>>
        %dma_wait3A_134 = arith.constant 0 : i32
        %dma_wait3A_135 = arith.constant 0 : i32
        %dma_wait3A_136 = tpu.memref_slice %arg7[%dma_wait3A_134, %dma_wait3A_135] : memref<10240x128xf32, #tpu.memory_space<vmem_shared>> -> memref<10240x128xf32, #tpu.memory_space<vmem_shared>>
        tpu.wait_indirect_dma semaphore(%run_scoped3A : memref<!tpu.dma_semaphore, #tpu.memory_space<semaphore_mem>>) src(%arg10 : memref<128x128xf32, #tpu.memory_space<vmem>>) dst(%dma_wait3A_136 : memref<10240x128xf32, #tpu.memory_space<vmem_shared>>)
        tpu.yield
      }) : () -> ()
      %lt3A = arith.constant 19 : i32
      %lt3A_109 = arith.cmpi slt, %scan3A_89, %lt3A : i32
      %convert_element_type3A = arith.extui %lt3A_109 : i1 to i32
      %cond3A = arith.constant 0 : i32
      %cond3A_110 = arith.cmpi ne, %convert_element_type3A, %cond3A : i32
      scf.if %cond3A_110 {
        %mul3A_125 = arith.constant 2 : i32
        %mul3A_126 = arith.muli %mul3A_125, %scan3A_89 : i32
        %add3A_127 = arith.constant 2 : i32
        %add3A_128 = arith.addi %mul3A_126, %add3A_127 : i32
        %dma_start3A_129 = arith.constant 0 : i32
        %dma_start3A_130 = tpu.memref_slice %arg8[%add3A_128, %dma_start3A_129] : memref<40x128xi32, #tpu.memory_space<vmem>> -> memref<1x128xi32, #tpu.memory_space<vmem>>
        %dma_start3A_131 = tpu.memref_squeeze %dma_start3A_130 : memref<1x128xi32, #tpu.memory_space<vmem>> -> memref<128xi32, #tpu.memory_space<vmem>>
        %dma_start3A_132 = arith.constant 0 : i32
        %dma_start3A_133 = arith.constant 0 : i32
        %dma_start3A_134 = tpu.memref_slice %arg2[%dma_start3A_132, %dma_start3A_133] : memref<20480x128xf32, #tpu.memory_space<hbm>> -> memref<20480x128xf32, #tpu.memory_space<hbm>>
        tpu.enqueue_indirect_dma source(%dma_start3A_134 : memref<20480x128xf32, #tpu.memory_space<hbm>>) target(%arg10 : memref<128x128xf32, #tpu.memory_space<vmem>>) offsets(%dma_start3A_131 : memref<128xi32, #tpu.memory_space<vmem>>) semaphore(%arg12 : memref<!tpu.dma_semaphore, #tpu.memory_space<semaphore_mem>>)
      } else {
      }
      %mul3A_111 = arith.constant 2 : i32
      %mul3A_112 = arith.muli %mul3A_111, %scan3A_89 : i32
      %add3A_113 = arith.constant 1 : i32
      %add3A_114 = arith.addi %mul3A_112, %add3A_113 : i32
      %dma_wait3A_115 = arith.constant 0 : i32
      %dma_wait3A_116 = tpu.memref_slice %arg8[%add3A_114, %dma_wait3A_115] : memref<40x128xi32, #tpu.memory_space<vmem>> -> memref<1x128xi32, #tpu.memory_space<vmem>>
      %dma_wait3A_117 = tpu.memref_squeeze %dma_wait3A_116 : memref<1x128xi32, #tpu.memory_space<vmem>> -> memref<128xi32, #tpu.memory_space<vmem>>
      %dma_wait3A_118 = arith.constant 0 : i32
      %dma_wait3A_119 = arith.constant 0 : i32
      %dma_wait3A_120 = tpu.memref_slice %arg2[%dma_wait3A_118, %dma_wait3A_119] : memref<20480x128xf32, #tpu.memory_space<hbm>> -> memref<20480x128xf32, #tpu.memory_space<hbm>>
      tpu.wait_indirect_dma semaphore(%arg13 : memref<!tpu.dma_semaphore, #tpu.memory_space<semaphore_mem>>) src(%dma_wait3A_120 : memref<20480x128xf32, #tpu.memory_space<hbm>>) dst(%arg11 : memref<128x128xf32, #tpu.memory_space<vmem>>)
      %mul3A_121 = arith.constant 2 : i32
      %mul3A_122 = arith.muli %mul3A_121, %scan3A_89 : i32
      %add3A_123 = arith.constant 1 : i32
      %add3A_124 = arith.addi %mul3A_122, %add3A_123 : i32
      "tpu.region"() ({
        %run_scoped3A = tpu.sem_alloc : memref<!tpu.dma_semaphore, #tpu.memory_space<semaphore_mem>>
        %dma_start3A_125 = arith.constant 0 : i32
        %dma_start3A_126 = tpu.memref_slice %arg9[%add3A_124, %dma_start3A_125] : memref<40x128xi32, #tpu.memory_space<vmem>> -> memref<1x128xi32, #tpu.memory_space<vmem>>
        %dma_start3A_127 = tpu.memref_squeeze %dma_start3A_126 : memref<1x128xi32, #tpu.memory_space<vmem>> -> memref<128xi32, #tpu.memory_space<vmem>>
        %dma_start3A_128 = arith.constant 0 : i32
        %dma_start3A_129 = arith.constant 0 : i32
        %dma_start3A_130 = tpu.memref_slice %arg7[%dma_start3A_128, %dma_start3A_129] : memref<10240x128xf32, #tpu.memory_space<vmem_shared>> -> memref<10240x128xf32, #tpu.memory_space<vmem_shared>>
        tpu.enqueue_indirect_dma source(%arg11 : memref<128x128xf32, #tpu.memory_space<vmem>>) target(%dma_start3A_130 : memref<10240x128xf32, #tpu.memory_space<vmem_shared>>) offsets(%dma_start3A_127 : memref<128xi32, #tpu.memory_space<vmem>>) semaphore(%run_scoped3A : memref<!tpu.dma_semaphore, #tpu.memory_space<semaphore_mem>>) {add = true}
        %dma_wait3A_131 = arith.constant 0 : i32
        %dma_wait3A_132 = tpu.memref_slice %arg9[%add3A_124, %dma_wait3A_131] : memref<40x128xi32, #tpu.memory_space<vmem>> -> memref<1x128xi32, #tpu.memory_space<vmem>>
        %dma_wait3A_133 = tpu.memref_squeeze %dma_wait3A_132 : memref<1x128xi32, #tpu.memory_space<vmem>> -> memref<128xi32, #tpu.memory_space<vmem>>
        %dma_wait3A_134 = arith.constant 0 : i32
        %dma_wait3A_135 = arith.constant 0 : i32
        %dma_wait3A_136 = tpu.memref_slice %arg7[%dma_wait3A_134, %dma_wait3A_135] : memref<10240x128xf32, #tpu.memory_space<vmem_shared>> -> memref<10240x128xf32, #tpu.memory_space<vmem_shared>>
        tpu.wait_indirect_dma semaphore(%run_scoped3A : memref<!tpu.dma_semaphore, #tpu.memory_space<semaphore_mem>>) src(%arg11 : memref<128x128xf32, #tpu.memory_space<vmem>>) dst(%dma_wait3A_136 : memref<10240x128xf32, #tpu.memory_space<vmem_shared>>)
        tpu.yield
      }) : () -> ()
    }
    %scan3A_63 = arith.constant 20 : i32
    %mul3A_64 = arith.constant 160 : i32
    %mul3A_65 = arith.muli %add3A, %mul3A_64 : i32
    %add3A_66 = arith.constant 120 : i32
    %add3A_67 = arith.addi %mul3A_65, %add3A_66 : i32
    "tpu.region"() ({
      %run_scoped3A = tpu.sem_alloc : memref<!tpu.dma_semaphore, #tpu.memory_space<semaphore_mem>>
      %dma_start3A_89 = arith.constant 0 : i32
      %dma_start3A_90 = tpu.memref_slice %arg3[%add3A_67, %dma_start3A_89] : memref<5120x128xi32, #tpu.memory_space<hbm>> -> memref<40x128xi32, #tpu.memory_space<hbm>>
      %dma_start3A_91 = arith.constant 0 : i32
      %dma_start3A_92 = tpu.memref_slice %arg3[%add3A_67, %dma_start3A_91] : memref<5120x128xi32, #tpu.memory_space<hbm>> -> memref<40x128xi32, #tpu.memory_space<hbm>>
      tpu.enqueue_dma source(%dma_start3A_92 : memref<40x128xi32, #tpu.memory_space<hbm>>) target(%arg8 : memref<40x128xi32, #tpu.memory_space<vmem>>) target_semaphore(%run_scoped3A : memref<!tpu.dma_semaphore, #tpu.memory_space<semaphore_mem>>)
      %dma_wait3A = arith.constant 0 : i32
      %dma_wait3A_93 = tpu.memref_slice %arg3[%add3A_67, %dma_wait3A] : memref<5120x128xi32, #tpu.memory_space<hbm>> -> memref<40x128xi32, #tpu.memory_space<hbm>>
      %dma_wait3A_94 = arith.constant 0 : i32
      %dma_wait3A_95 = tpu.memref_slice %arg3[%add3A_67, %dma_wait3A_94] : memref<5120x128xi32, #tpu.memory_space<hbm>> -> memref<40x128xi32, #tpu.memory_space<hbm>>
      tpu.wait_dma2 semaphore(%run_scoped3A : memref<!tpu.dma_semaphore, #tpu.memory_space<semaphore_mem>>) src(%dma_wait3A_95 : memref<40x128xi32, #tpu.memory_space<hbm>>) dst(%arg8 : memref<40x128xi32, #tpu.memory_space<vmem>>)
      tpu.yield
    }) : () -> ()
    %mul3A_68 = arith.constant 160 : i32
    %mul3A_69 = arith.muli %arg1, %mul3A_68 : i32
    %add3A_70 = arith.constant 120 : i32
    %add3A_71 = arith.addi %mul3A_69, %add3A_70 : i32
    "tpu.region"() ({
      %run_scoped3A = tpu.sem_alloc : memref<!tpu.dma_semaphore, #tpu.memory_space<semaphore_mem>>
      %dma_start3A_89 = arith.constant 0 : i32
      %dma_start3A_90 = tpu.memref_slice %arg4[%add3A_71, %dma_start3A_89] : memref<2560x128xi32, #tpu.memory_space<hbm>> -> memref<40x128xi32, #tpu.memory_space<hbm>>
      %dma_start3A_91 = arith.constant 0 : i32
      %dma_start3A_92 = tpu.memref_slice %arg4[%add3A_71, %dma_start3A_91] : memref<2560x128xi32, #tpu.memory_space<hbm>> -> memref<40x128xi32, #tpu.memory_space<hbm>>
      tpu.enqueue_dma source(%dma_start3A_92 : memref<40x128xi32, #tpu.memory_space<hbm>>) target(%arg9 : memref<40x128xi32, #tpu.memory_space<vmem>>) target_semaphore(%run_scoped3A : memref<!tpu.dma_semaphore, #tpu.memory_space<semaphore_mem>>)
      %dma_wait3A = arith.constant 0 : i32
      %dma_wait3A_93 = tpu.memref_slice %arg4[%add3A_71, %dma_wait3A] : memref<2560x128xi32, #tpu.memory_space<hbm>> -> memref<40x128xi32, #tpu.memory_space<hbm>>
      %dma_wait3A_94 = arith.constant 0 : i32
      %dma_wait3A_95 = tpu.memref_slice %arg4[%add3A_71, %dma_wait3A_94] : memref<2560x128xi32, #tpu.memory_space<hbm>> -> memref<40x128xi32, #tpu.memory_space<hbm>>
      tpu.wait_dma2 semaphore(%run_scoped3A : memref<!tpu.dma_semaphore, #tpu.memory_space<semaphore_mem>>) src(%dma_wait3A_95 : memref<40x128xi32, #tpu.memory_space<hbm>>) dst(%arg9 : memref<40x128xi32, #tpu.memory_space<vmem>>)
      tpu.yield
    }) : () -> ()
    %dma_start3A_72 = arith.constant 0 : i32
    %dma_start3A_73 = arith.constant 0 : i32
    %dma_start3A_74 = tpu.memref_slice %arg8[%dma_start3A_72, %dma_start3A_73] : memref<40x128xi32, #tpu.memory_space<vmem>> -> memref<1x128xi32, #tpu.memory_space<vmem>>
    %dma_start3A_75 = tpu.memref_squeeze %dma_start3A_74 : memref<1x128xi32, #tpu.memory_space<vmem>> -> memref<128xi32, #tpu.memory_space<vmem>>
    %dma_start3A_76 = arith.constant 0 : i32
    %dma_start3A_77 = arith.constant 0 : i32
    %dma_start3A_78 = tpu.memref_slice %arg2[%dma_start3A_76, %dma_start3A_77] : memref<20480x128xf32, #tpu.memory_space<hbm>> -> memref<20480x128xf32, #tpu.memory_space<hbm>>
    tpu.enqueue_indirect_dma source(%dma_start3A_78 : memref<20480x128xf32, #tpu.memory_space<hbm>>) target(%arg10 : memref<128x128xf32, #tpu.memory_space<vmem>>) offsets(%dma_start3A_75 : memref<128xi32, #tpu.memory_space<vmem>>) semaphore(%arg12 : memref<!tpu.dma_semaphore, #tpu.memory_space<semaphore_mem>>)
    %scan3A_79 = arith.constant 0 : i32
    %scan3A_80 = arith.constant 0 : i32
    %scan3A_81 = arith.constant 20 : i32
    %scan3A_82 = arith.addi %scan3A_80, %scan3A_81 : i32
    %scan3A_83 = arith.constant 1 : i32
    scf.for %scan3A_89 = %scan3A_80 to %scan3A_82 step %scan3A_83  : i32 {
      %mul3A_90 = arith.constant 2 : i32
      %mul3A_91 = arith.muli %mul3A_90, %scan3A_89 : i32
      %add3A_92 = arith.constant 1 : i32
      %add3A_93 = arith.addi %mul3A_91, %add3A_92 : i32
      %dma_start3A_94 = arith.constant 0 : i32
      %dma_start3A_95 = tpu.memref_slice %arg8[%add3A_93, %dma_start3A_94] : memref<40x128xi32, #tpu.memory_space<vmem>> -> memref<1x128xi32, #tpu.memory_space<vmem>>
      %dma_start3A_96 = tpu.memref_squeeze %dma_start3A_95 : memref<1x128xi32, #tpu.memory_space<vmem>> -> memref<128xi32, #tpu.memory_space<vmem>>
      %dma_start3A_97 = arith.constant 0 : i32
      %dma_start3A_98 = arith.constant 0 : i32
      %dma_start3A_99 = tpu.memref_slice %arg2[%dma_start3A_97, %dma_start3A_98] : memref<20480x128xf32, #tpu.memory_space<hbm>> -> memref<20480x128xf32, #tpu.memory_space<hbm>>
      tpu.enqueue_indirect_dma source(%dma_start3A_99 : memref<20480x128xf32, #tpu.memory_space<hbm>>) target(%arg11 : memref<128x128xf32, #tpu.memory_space<vmem>>) offsets(%dma_start3A_96 : memref<128xi32, #tpu.memory_space<vmem>>) semaphore(%arg13 : memref<!tpu.dma_semaphore, #tpu.memory_space<semaphore_mem>>)
      %mul3A_100 = arith.constant 2 : i32
      %mul3A_101 = arith.muli %mul3A_100, %scan3A_89 : i32
      %dma_wait3A = arith.constant 0 : i32
      %dma_wait3A_102 = tpu.memref_slice %arg8[%mul3A_101, %dma_wait3A] : memref<40x128xi32, #tpu.memory_space<vmem>> -> memref<1x128xi32, #tpu.memory_space<vmem>>
      %dma_wait3A_103 = tpu.memref_squeeze %dma_wait3A_102 : memref<1x128xi32, #tpu.memory_space<vmem>> -> memref<128xi32, #tpu.memory_space<vmem>>
      %dma_wait3A_104 = arith.constant 0 : i32
      %dma_wait3A_105 = arith.constant 0 : i32
      %dma_wait3A_106 = tpu.memref_slice %arg2[%dma_wait3A_104, %dma_wait3A_105] : memref<20480x128xf32, #tpu.memory_space<hbm>> -> memref<20480x128xf32, #tpu.memory_space<hbm>>
      tpu.wait_indirect_dma semaphore(%arg12 : memref<!tpu.dma_semaphore, #tpu.memory_space<semaphore_mem>>) src(%dma_wait3A_106 : memref<20480x128xf32, #tpu.memory_space<hbm>>) dst(%arg10 : memref<128x128xf32, #tpu.memory_space<vmem>>)
      %mul3A_107 = arith.constant 2 : i32
      %mul3A_108 = arith.muli %mul3A_107, %scan3A_89 : i32
      "tpu.region"() ({
        %run_scoped3A = tpu.sem_alloc : memref<!tpu.dma_semaphore, #tpu.memory_space<semaphore_mem>>
        %dma_start3A_125 = arith.constant 0 : i32
        %dma_start3A_126 = tpu.memref_slice %arg9[%mul3A_108, %dma_start3A_125] : memref<40x128xi32, #tpu.memory_space<vmem>> -> memref<1x128xi32, #tpu.memory_space<vmem>>
        %dma_start3A_127 = tpu.memref_squeeze %dma_start3A_126 : memref<1x128xi32, #tpu.memory_space<vmem>> -> memref<128xi32, #tpu.memory_space<vmem>>
        %dma_start3A_128 = arith.constant 0 : i32
        %dma_start3A_129 = arith.constant 0 : i32
        %dma_start3A_130 = tpu.memref_slice %arg7[%dma_start3A_128, %dma_start3A_129] : memref<10240x128xf32, #tpu.memory_space<vmem_shared>> -> memref<10240x128xf32, #tpu.memory_space<vmem_shared>>
        tpu.enqueue_indirect_dma source(%arg10 : memref<128x128xf32, #tpu.memory_space<vmem>>) target(%dma_start3A_130 : memref<10240x128xf32, #tpu.memory_space<vmem_shared>>) offsets(%dma_start3A_127 : memref<128xi32, #tpu.memory_space<vmem>>) semaphore(%run_scoped3A : memref<!tpu.dma_semaphore, #tpu.memory_space<semaphore_mem>>) {add = true}
        %dma_wait3A_131 = arith.constant 0 : i32
        %dma_wait3A_132 = tpu.memref_slice %arg9[%mul3A_108, %dma_wait3A_131] : memref<40x128xi32, #tpu.memory_space<vmem>> -> memref<1x128xi32, #tpu.memory_space<vmem>>
        %dma_wait3A_133 = tpu.memref_squeeze %dma_wait3A_132 : memref<1x128xi32, #tpu.memory_space<vmem>> -> memref<128xi32, #tpu.memory_space<vmem>>
        %dma_wait3A_134 = arith.constant 0 : i32
        %dma_wait3A_135 = arith.constant 0 : i32
        %dma_wait3A_136 = tpu.memref_slice %arg7[%dma_wait3A_134, %dma_wait3A_135] : memref<10240x128xf32, #tpu.memory_space<vmem_shared>> -> memref<10240x128xf32, #tpu.memory_space<vmem_shared>>
        tpu.wait_indirect_dma semaphore(%run_scoped3A : memref<!tpu.dma_semaphore, #tpu.memory_space<semaphore_mem>>) src(%arg10 : memref<128x128xf32, #tpu.memory_space<vmem>>) dst(%dma_wait3A_136 : memref<10240x128xf32, #tpu.memory_space<vmem_shared>>)
        tpu.yield
      }) : () -> ()
      %lt3A = arith.constant 19 : i32
      %lt3A_109 = arith.cmpi slt, %scan3A_89, %lt3A : i32
      %convert_element_type3A = arith.extui %lt3A_109 : i1 to i32
      %cond3A = arith.constant 0 : i32
      %cond3A_110 = arith.cmpi ne, %convert_element_type3A, %cond3A : i32
      scf.if %cond3A_110 {
        %mul3A_125 = arith.constant 2 : i32
        %mul3A_126 = arith.muli %mul3A_125, %scan3A_89 : i32
        %add3A_127 = arith.constant 2 : i32
        %add3A_128 = arith.addi %mul3A_126, %add3A_127 : i32
        %dma_start3A_129 = arith.constant 0 : i32
        %dma_start3A_130 = tpu.memref_slice %arg8[%add3A_128, %dma_start3A_129] : memref<40x128xi32, #tpu.memory_space<vmem>> -> memref<1x128xi32, #tpu.memory_space<vmem>>
        %dma_start3A_131 = tpu.memref_squeeze %dma_start3A_130 : memref<1x128xi32, #tpu.memory_space<vmem>> -> memref<128xi32, #tpu.memory_space<vmem>>
        %dma_start3A_132 = arith.constant 0 : i32
        %dma_start3A_133 = arith.constant 0 : i32
        %dma_start3A_134 = tpu.memref_slice %arg2[%dma_start3A_132, %dma_start3A_133] : memref<20480x128xf32, #tpu.memory_space<hbm>> -> memref<20480x128xf32, #tpu.memory_space<hbm>>
        tpu.enqueue_indirect_dma source(%dma_start3A_134 : memref<20480x128xf32, #tpu.memory_space<hbm>>) target(%arg10 : memref<128x128xf32, #tpu.memory_space<vmem>>) offsets(%dma_start3A_131 : memref<128xi32, #tpu.memory_space<vmem>>) semaphore(%arg12 : memref<!tpu.dma_semaphore, #tpu.memory_space<semaphore_mem>>)
      } else {
      }
      %mul3A_111 = arith.constant 2 : i32
      %mul3A_112 = arith.muli %mul3A_111, %scan3A_89 : i32
      %add3A_113 = arith.constant 1 : i32
      %add3A_114 = arith.addi %mul3A_112, %add3A_113 : i32
      %dma_wait3A_115 = arith.constant 0 : i32
      %dma_wait3A_116 = tpu.memref_slice %arg8[%add3A_114, %dma_wait3A_115] : memref<40x128xi32, #tpu.memory_space<vmem>> -> memref<1x128xi32, #tpu.memory_space<vmem>>
      %dma_wait3A_117 = tpu.memref_squeeze %dma_wait3A_116 : memref<1x128xi32, #tpu.memory_space<vmem>> -> memref<128xi32, #tpu.memory_space<vmem>>
      %dma_wait3A_118 = arith.constant 0 : i32
      %dma_wait3A_119 = arith.constant 0 : i32
      %dma_wait3A_120 = tpu.memref_slice %arg2[%dma_wait3A_118, %dma_wait3A_119] : memref<20480x128xf32, #tpu.memory_space<hbm>> -> memref<20480x128xf32, #tpu.memory_space<hbm>>
      tpu.wait_indirect_dma semaphore(%arg13 : memref<!tpu.dma_semaphore, #tpu.memory_space<semaphore_mem>>) src(%dma_wait3A_120 : memref<20480x128xf32, #tpu.memory_space<hbm>>) dst(%arg11 : memref<128x128xf32, #tpu.memory_space<vmem>>)
      %mul3A_121 = arith.constant 2 : i32
      %mul3A_122 = arith.muli %mul3A_121, %scan3A_89 : i32
      %add3A_123 = arith.constant 1 : i32
      %add3A_124 = arith.addi %mul3A_122, %add3A_123 : i32
      "tpu.region"() ({
        %run_scoped3A = tpu.sem_alloc : memref<!tpu.dma_semaphore, #tpu.memory_space<semaphore_mem>>
        %dma_start3A_125 = arith.constant 0 : i32
        %dma_start3A_126 = tpu.memref_slice %arg9[%add3A_124, %dma_start3A_125] : memref<40x128xi32, #tpu.memory_space<vmem>> -> memref<1x128xi32, #tpu.memory_space<vmem>>
        %dma_start3A_127 = tpu.memref_squeeze %dma_start3A_126 : memref<1x128xi32, #tpu.memory_space<vmem>> -> memref<128xi32, #tpu.memory_space<vmem>>
        %dma_start3A_128 = arith.constant 0 : i32
        %dma_start3A_129 = arith.constant 0 : i32
        %dma_start3A_130 = tpu.memref_slice %arg7[%dma_start3A_128, %dma_start3A_129] : memref<10240x128xf32, #tpu.memory_space<vmem_shared>> -> memref<10240x128xf32, #tpu.memory_space<vmem_shared>>
        tpu.enqueue_indirect_dma source(%arg11 : memref<128x128xf32, #tpu.memory_space<vmem>>) target(%dma_start3A_130 : memref<10240x128xf32, #tpu.memory_space<vmem_shared>>) offsets(%dma_start3A_127 : memref<128xi32, #tpu.memory_space<vmem>>) semaphore(%run_scoped3A : memref<!tpu.dma_semaphore, #tpu.memory_space<semaphore_mem>>) {add = true}
        %dma_wait3A_131 = arith.constant 0 : i32
        %dma_wait3A_132 = tpu.memref_slice %arg9[%add3A_124, %dma_wait3A_131] : memref<40x128xi32, #tpu.memory_space<vmem>> -> memref<1x128xi32, #tpu.memory_space<vmem>>
        %dma_wait3A_133 = tpu.memref_squeeze %dma_wait3A_132 : memref<1x128xi32, #tpu.memory_space<vmem>> -> memref<128xi32, #tpu.memory_space<vmem>>
        %dma_wait3A_134 = arith.constant 0 : i32
        %dma_wait3A_135 = arith.constant 0 : i32
        %dma_wait3A_136 = tpu.memref_slice %arg7[%dma_wait3A_134, %dma_wait3A_135] : memref<10240x128xf32, #tpu.memory_space<vmem_shared>> -> memref<10240x128xf32, #tpu.memory_space<vmem_shared>>
        tpu.wait_indirect_dma semaphore(%run_scoped3A : memref<!tpu.dma_semaphore, #tpu.memory_space<semaphore_mem>>) src(%arg11 : memref<128x128xf32, #tpu.memory_space<vmem>>) dst(%dma_wait3A_136 : memref<10240x128xf32, #tpu.memory_space<vmem_shared>>)
        tpu.yield
      }) : () -> ()
    }
    %scan3A_84 = arith.constant 20 : i32
    %barrier3A_85 = arith.constant 0 : index
    tpu.barrier barrier_id(%barrier3A_85)
    %mul3A_86 = arith.constant 10240 : i32
    %mul3A_87 = arith.muli %arg0, %mul3A_86 : i32
    %add3A_88 = arith.addi %mul3A_87, %mul3A_2 : i32
    "tpu.region"() ({
      %run_scoped3A = tpu.sem_alloc : memref<!tpu.dma_semaphore, #tpu.memory_space<semaphore_mem>>
      %dma_start3A_89 = arith.constant 0 : i32
      %dma_start3A_90 = tpu.memref_slice %arg6[%add3A_88, %dma_start3A_89] : memref<20480x128xf32, #tpu.memory_space<hbm>> -> memref<640x128xf32, #tpu.memory_space<hbm>>
      %dma_start3A_91 = arith.constant 0 : i32
      %dma_start3A_92 = tpu.memref_slice %arg7[%mul3A_2, %dma_start3A_91] : memref<10240x128xf32, #tpu.memory_space<vmem_shared>> -> memref<640x128xf32, #tpu.memory_space<vmem_shared>>
      tpu.enqueue_dma source(%dma_start3A_92 : memref<640x128xf32, #tpu.memory_space<vmem_shared>>) target(%dma_start3A_90 : memref<640x128xf32, #tpu.memory_space<hbm>>) target_semaphore(%run_scoped3A : memref<!tpu.dma_semaphore, #tpu.memory_space<semaphore_mem>>)
      %dma_wait3A = arith.constant 0 : i32
      %dma_wait3A_93 = tpu.memref_slice %arg6[%add3A_88, %dma_wait3A] : memref<20480x128xf32, #tpu.memory_space<hbm>> -> memref<640x128xf32, #tpu.memory_space<hbm>>
      %dma_wait3A_94 = arith.constant 0 : i32
      %dma_wait3A_95 = tpu.memref_slice %arg7[%mul3A_2, %dma_wait3A_94] : memref<10240x128xf32, #tpu.memory_space<vmem_shared>> -> memref<640x128xf32, #tpu.memory_space<vmem_shared>>
      tpu.wait_dma2 semaphore(%run_scoped3A : memref<!tpu.dma_semaphore, #tpu.memory_space<semaphore_mem>>) src(%dma_wait3A_95 : memref<640x128xf32, #tpu.memory_space<vmem_shared>>) dst(%dma_wait3A_93 : memref<640x128xf32, #tpu.memory_space<hbm>>)
      tpu.yield
    }) : () -> ()
    return
  }
}

#map = affine_map<(d0, d1) -> (0, 0)>
module attributes {stable_mosaic.version = 14 : i64} {
  func.func @body(%arg0: i32, %arg1: i32, %arg2: memref<20480x128xf32, #tpu.memory_space<hbm>>, %arg3: memref<5120x128xi32, #tpu.memory_space<hbm>>, %arg4: memref<2560x128xi32, #tpu.memory_space<hbm>>, %arg5: memref<10240x128xf32, #tpu.memory_space<hbm>>, %arg6: memref<20480x128xf32, #tpu.memory_space<hbm>>, %arg7: memref<10240x128xf32, #tpu.memory_space<vmem_shared>>, %arg8: memref<40x128xi32, #tpu.memory_space<vmem>>, %arg9: memref<40x128xi32, #tpu.memory_space<vmem>>, %arg10: memref<128x128xf32, #tpu.memory_space<vmem>>, %arg11: memref<128x128xf32, #tpu.memory_space<vmem>>, %arg12: memref<!tpu.dma_semaphore, #tpu.memory_space<semaphore_mem>>, %arg13: memref<!tpu.dma_semaphore, #tpu.memory_space<semaphore_mem>>) attributes {dimension_semantics = [#tpu.dimension_semantics<core_parallel>, #tpu.dimension_semantics<subcore_parallel>], iteration_bounds = array<i64: 2, 16>, scalar_prefetch = 0 : i64, scratch_operands = 7 : i64, tpu.core_type = #tpu.core_type<sc_vector_subcore>, window_params = [{transform_indices = #map}, {transform_indices = #map}, {transform_indices = #map}, {transform_indices = #map}, {transform_indices = #map}]} {
    %mul3A = arith.constant 16 : i32
    %mul3A_0 = arith.muli %arg0, %mul3A : i32
    %add3A = arith.addi %mul3A_0, %arg1 : i32
    %mul3A_1 = arith.constant 640 : i32
    %mul3A_2 = arith.muli %arg1, %mul3A_1 : i32
    "tpu.region"() ({
      %run_scoped3A = tpu.sem_alloc : memref<!tpu.dma_semaphore, #tpu.memory_space<semaphore_mem>>
      %dma_start3A_89 = arith.constant 0 : i32
      %dma_start3A_90 = tpu.memref_slice %arg7[%mul3A_2, %dma_start3A_89] : memref<10240x128xf32, #tpu.memory_space<vmem_shared>> -> memref<640x128xf32, #tpu.memory_space<vmem_shared>>
      %dma_start3A_91 = arith.constant 0 : i32
      %dma_start3A_92 = tpu.memref_slice %arg5[%mul3A_2, %dma_start3A_91] : memref<10240x128xf32, #tpu.memory_space<hbm>> -> memref<640x128xf32, #tpu.memory_space<hbm>>
      tpu.enqueue_dma source(%dma_start3A_92 : memref<640x128xf32, #tpu.memory_space<hbm>>) target(%dma_start3A_90 : memref<640x128xf32, #tpu.memory_space<vmem_shared>>) target_semaphore(%run_scoped3A : memref<!tpu.dma_semaphore, #tpu.memory_space<semaphore_mem>>)
      %dma_wait3A = arith.constant 0 : i32
      %dma_wait3A_93 = tpu.memref_slice %arg7[%mul3A_2, %dma_wait3A] : memref<10240x128xf32, #tpu.memory_space<vmem_shared>> -> memref<640x128xf32, #tpu.memory_space<vmem_shared>>
      %dma_wait3A_94 = arith.constant 0 : i32
      %dma_wait3A_95 = tpu.memref_slice %arg5[%mul3A_2, %dma_wait3A_94] : memref<10240x128xf32, #tpu.memory_space<hbm>> -> memref<640x128xf32, #tpu.memory_space<hbm>>
      tpu.wait_dma2 semaphore(%run_scoped3A : memref<!tpu.dma_semaphore, #tpu.memory_space<semaphore_mem>>) src(%dma_wait3A_95 : memref<640x128xf32, #tpu.memory_space<hbm>>) dst(%dma_wait3A_93 : memref<640x128xf32, #tpu.memory_space<vmem_shared>>)
      tpu.yield
    }) : () -> ()
    %barrier3A = arith.constant 0 : index
    tpu.barrier barrier_id(%barrier3A)
    %mul3A_3 = arith.constant 160 : i32
    %mul3A_4 = arith.muli %add3A, %mul3A_3 : i32
    %add3A_5 = arith.constant 0 : i32
    %add3A_6 = arith.addi %mul3A_4, %add3A_5 : i32
    "tpu.region"() ({
      %run_scoped3A = tpu.sem_alloc : memref<!tpu.dma_semaphore, #tpu.memory_space<semaphore_mem>>
      %dma_start3A_89 = arith.constant 0 : i32
      %dma_start3A_90 = tpu.memref_slice %arg3[%add3A_6, %dma_start3A_89] : memref<5120x128xi32, #tpu.memory_space<hbm>> -> memref<40x128xi32, #tpu.memory_space<hbm>>
      %dma_start3A_91 = arith.constant 0 : i32
      %dma_start3A_92 = tpu.memref_slice %arg3[%add3A_6, %dma_start3A_91] : memref<5120x128xi32, #tpu.memory_space<hbm>> -> memref<40x128xi32, #tpu.memory_space<hbm>>
      tpu.enqueue_dma source(%dma_start3A_92 : memref<40x128xi32, #tpu.memory_space<hbm>>) target(%arg8 : memref<40x128xi32, #tpu.memory_space<vmem>>) target_semaphore(%run_scoped3A : memref<!tpu.dma_semaphore, #tpu.memory_space<semaphore_mem>>)
      %dma_wait3A = arith.constant 0 : i32
      %dma_wait3A_93 = tpu.memref_slice %arg3[%add3A_6, %dma_wait3A] : memref<5120x128xi32, #tpu.memory_space<hbm>> -> memref<40x128xi32, #tpu.memory_space<hbm>>
      %dma_wait3A_94 = arith.constant 0 : i32
      %dma_wait3A_95 = tpu.memref_slice %arg3[%add3A_6, %dma_wait3A_94] : memref<5120x128xi32, #tpu.memory_space<hbm>> -> memref<40x128xi32, #tpu.memory_space<hbm>>
      tpu.wait_dma2 semaphore(%run_scoped3A : memref<!tpu.dma_semaphore, #tpu.memory_space<semaphore_mem>>) src(%dma_wait3A_95 : memref<40x128xi32, #tpu.memory_space<hbm>>) dst(%arg8 : memref<40x128xi32, #tpu.memory_space<vmem>>)
      tpu.yield
    }) : () -> ()
    %mul3A_7 = arith.constant 160 : i32
    %mul3A_8 = arith.muli %arg1, %mul3A_7 : i32
    %add3A_9 = arith.constant 0 : i32
    %add3A_10 = arith.addi %mul3A_8, %add3A_9 : i32
    "tpu.region"() ({
      %run_scoped3A = tpu.sem_alloc : memref<!tpu.dma_semaphore, #tpu.memory_space<semaphore_mem>>
      %dma_start3A_89 = arith.constant 0 : i32
      %dma_start3A_90 = tpu.memref_slice %arg4[%add3A_10, %dma_start3A_89] : memref<2560x128xi32, #tpu.memory_space<hbm>> -> memref<40x128xi32, #tpu.memory_space<hbm>>
      %dma_start3A_91 = arith.constant 0 : i32
      %dma_start3A_92 = tpu.memref_slice %arg4[%add3A_10, %dma_start3A_91] : memref<2560x128xi32, #tpu.memory_space<hbm>> -> memref<40x128xi32, #tpu.memory_space<hbm>>
      tpu.enqueue_dma source(%dma_start3A_92 : memref<40x128xi32, #tpu.memory_space<hbm>>) target(%arg9 : memref<40x128xi32, #tpu.memory_space<vmem>>) target_semaphore(%run_scoped3A : memref<!tpu.dma_semaphore, #tpu.memory_space<semaphore_mem>>)
      %dma_wait3A = arith.constant 0 : i32
      %dma_wait3A_93 = tpu.memref_slice %arg4[%add3A_10, %dma_wait3A] : memref<2560x128xi32, #tpu.memory_space<hbm>> -> memref<40x128xi32, #tpu.memory_space<hbm>>
      %dma_wait3A_94 = arith.constant 0 : i32
      %dma_wait3A_95 = tpu.memref_slice %arg4[%add3A_10, %dma_wait3A_94] : memref<2560x128xi32, #tpu.memory_space<hbm>> -> memref<40x128xi32, #tpu.memory_space<hbm>>
      tpu.wait_dma2 semaphore(%run_scoped3A : memref<!tpu.dma_semaphore, #tpu.memory_space<semaphore_mem>>) src(%dma_wait3A_95 : memref<40x128xi32, #tpu.memory_space<hbm>>) dst(%arg9 : memref<40x128xi32, #tpu.memory_space<vmem>>)
      tpu.yield
    }) : () -> ()
    %dma_start3A = arith.constant 0 : i32
    %dma_start3A_11 = arith.constant 0 : i32
    %dma_start3A_12 = tpu.memref_slice %arg8[%dma_start3A, %dma_start3A_11] : memref<40x128xi32, #tpu.memory_space<vmem>> -> memref<1x128xi32, #tpu.memory_space<vmem>>
    %dma_start3A_13 = tpu.memref_squeeze %dma_start3A_12 : memref<1x128xi32, #tpu.memory_space<vmem>> -> memref<128xi32, #tpu.memory_space<vmem>>
    %dma_start3A_14 = arith.constant 0 : i32
    %dma_start3A_15 = arith.constant 0 : i32
    %dma_start3A_16 = tpu.memref_slice %arg2[%dma_start3A_14, %dma_start3A_15] : memref<20480x128xf32, #tpu.memory_space<hbm>> -> memref<20480x128xf32, #tpu.memory_space<hbm>>
    tpu.enqueue_indirect_dma source(%dma_start3A_16 : memref<20480x128xf32, #tpu.memory_space<hbm>>) target(%arg10 : memref<128x128xf32, #tpu.memory_space<vmem>>) offsets(%dma_start3A_13 : memref<128xi32, #tpu.memory_space<vmem>>) semaphore(%arg12 : memref<!tpu.dma_semaphore, #tpu.memory_space<semaphore_mem>>)
    %scan3A = arith.constant 0 : i32
    %scan3A_17 = arith.constant 0 : i32
    %scan3A_18 = arith.constant 20 : i32
    %scan3A_19 = arith.addi %scan3A_17, %scan3A_18 : i32
    %scan3A_20 = arith.constant 1 : i32
    scf.for %scan3A_89 = %scan3A_17 to %scan3A_19 step %scan3A_20  : i32 {
      %mul3A_90 = arith.constant 2 : i32
      %mul3A_91 = arith.muli %mul3A_90, %scan3A_89 : i32
      %add3A_92 = arith.constant 1 : i32
      %add3A_93 = arith.addi %mul3A_91, %add3A_92 : i32
      %dma_start3A_94 = arith.constant 0 : i32
      %dma_start3A_95 = tpu.memref_slice %arg8[%add3A_93, %dma_start3A_94] : memref<40x128xi32, #tpu.memory_space<vmem>> -> memref<1x128xi32, #tpu.memory_space<vmem>>
      %dma_start3A_96 = tpu.memref_squeeze %dma_start3A_95 : memref<1x128xi32, #tpu.memory_space<vmem>> -> memref<128xi32, #tpu.memory_space<vmem>>
      %dma_start3A_97 = arith.constant 0 : i32
      %dma_start3A_98 = arith.constant 0 : i32
      %dma_start3A_99 = tpu.memref_slice %arg2[%dma_start3A_97, %dma_start3A_98] : memref<20480x128xf32, #tpu.memory_space<hbm>> -> memref<20480x128xf32, #tpu.memory_space<hbm>>
      tpu.enqueue_indirect_dma source(%dma_start3A_99 : memref<20480x128xf32, #tpu.memory_space<hbm>>) target(%arg11 : memref<128x128xf32, #tpu.memory_space<vmem>>) offsets(%dma_start3A_96 : memref<128xi32, #tpu.memory_space<vmem>>) semaphore(%arg13 : memref<!tpu.dma_semaphore, #tpu.memory_space<semaphore_mem>>)
      %mul3A_100 = arith.constant 2 : i32
      %mul3A_101 = arith.muli %mul3A_100, %scan3A_89 : i32
      %dma_wait3A = arith.constant 0 : i32
      %dma_wait3A_102 = tpu.memref_slice %arg8[%mul3A_101, %dma_wait3A] : memref<40x128xi32, #tpu.memory_space<vmem>> -> memref<1x128xi32, #tpu.memory_space<vmem>>
      %dma_wait3A_103 = tpu.memref_squeeze %dma_wait3A_102 : memref<1x128xi32, #tpu.memory_space<vmem>> -> memref<128xi32, #tpu.memory_space<vmem>>
      %dma_wait3A_104 = arith.constant 0 : i32
      %dma_wait3A_105 = arith.constant 0 : i32
      %dma_wait3A_106 = tpu.memref_slice %arg2[%dma_wait3A_104, %dma_wait3A_105] : memref<20480x128xf32, #tpu.memory_space<hbm>> -> memref<20480x128xf32, #tpu.memory_space<hbm>>
      tpu.wait_indirect_dma semaphore(%arg12 : memref<!tpu.dma_semaphore, #tpu.memory_space<semaphore_mem>>) src(%dma_wait3A_106 : memref<20480x128xf32, #tpu.memory_space<hbm>>) dst(%arg10 : memref<128x128xf32, #tpu.memory_space<vmem>>)
      %mul3A_107 = arith.constant 2 : i32
      %mul3A_108 = arith.muli %mul3A_107, %scan3A_89 : i32
      "tpu.region"() ({
        %run_scoped3A = tpu.sem_alloc : memref<!tpu.dma_semaphore, #tpu.memory_space<semaphore_mem>>
        %dma_start3A_125 = arith.constant 0 : i32
        %dma_start3A_126 = tpu.memref_slice %arg9[%mul3A_108, %dma_start3A_125] : memref<40x128xi32, #tpu.memory_space<vmem>> -> memref<1x128xi32, #tpu.memory_space<vmem>>
        %dma_start3A_127 = tpu.memref_squeeze %dma_start3A_126 : memref<1x128xi32, #tpu.memory_space<vmem>> -> memref<128xi32, #tpu.memory_space<vmem>>
        %dma_start3A_128 = arith.constant 0 : i32
        %dma_start3A_129 = arith.constant 0 : i32
        %dma_start3A_130 = tpu.memref_slice %arg7[%dma_start3A_128, %dma_start3A_129] : memref<10240x128xf32, #tpu.memory_space<vmem_shared>> -> memref<10240x128xf32, #tpu.memory_space<vmem_shared>>
        tpu.enqueue_indirect_dma source(%arg10 : memref<128x128xf32, #tpu.memory_space<vmem>>) target(%dma_start3A_130 : memref<10240x128xf32, #tpu.memory_space<vmem_shared>>) offsets(%dma_start3A_127 : memref<128xi32, #tpu.memory_space<vmem>>) semaphore(%run_scoped3A : memref<!tpu.dma_semaphore, #tpu.memory_space<semaphore_mem>>) {add = true}
        %dma_wait3A_131 = arith.constant 0 : i32
        %dma_wait3A_132 = tpu.memref_slice %arg9[%mul3A_108, %dma_wait3A_131] : memref<40x128xi32, #tpu.memory_space<vmem>> -> memref<1x128xi32, #tpu.memory_space<vmem>>
        %dma_wait3A_133 = tpu.memref_squeeze %dma_wait3A_132 : memref<1x128xi32, #tpu.memory_space<vmem>> -> memref<128xi32, #tpu.memory_space<vmem>>
        %dma_wait3A_134 = arith.constant 0 : i32
        %dma_wait3A_135 = arith.constant 0 : i32
        %dma_wait3A_136 = tpu.memref_slice %arg7[%dma_wait3A_134, %dma_wait3A_135] : memref<10240x128xf32, #tpu.memory_space<vmem_shared>> -> memref<10240x128xf32, #tpu.memory_space<vmem_shared>>
        tpu.wait_indirect_dma semaphore(%run_scoped3A : memref<!tpu.dma_semaphore, #tpu.memory_space<semaphore_mem>>) src(%arg10 : memref<128x128xf32, #tpu.memory_space<vmem>>) dst(%dma_wait3A_136 : memref<10240x128xf32, #tpu.memory_space<vmem_shared>>)
        tpu.yield
      }) : () -> ()
      %lt3A = arith.constant 19 : i32
      %lt3A_109 = arith.cmpi slt, %scan3A_89, %lt3A : i32
      %convert_element_type3A = arith.extui %lt3A_109 : i1 to i32
      %cond3A = arith.constant 0 : i32
      %cond3A_110 = arith.cmpi ne, %convert_element_type3A, %cond3A : i32
      scf.if %cond3A_110 {
        %mul3A_125 = arith.constant 2 : i32
        %mul3A_126 = arith.muli %mul3A_125, %scan3A_89 : i32
        %add3A_127 = arith.constant 2 : i32
        %add3A_128 = arith.addi %mul3A_126, %add3A_127 : i32
        %dma_start3A_129 = arith.constant 0 : i32
        %dma_start3A_130 = tpu.memref_slice %arg8[%add3A_128, %dma_start3A_129] : memref<40x128xi32, #tpu.memory_space<vmem>> -> memref<1x128xi32, #tpu.memory_space<vmem>>
        %dma_start3A_131 = tpu.memref_squeeze %dma_start3A_130 : memref<1x128xi32, #tpu.memory_space<vmem>> -> memref<128xi32, #tpu.memory_space<vmem>>
        %dma_start3A_132 = arith.constant 0 : i32
        %dma_start3A_133 = arith.constant 0 : i32
        %dma_start3A_134 = tpu.memref_slice %arg2[%dma_start3A_132, %dma_start3A_133] : memref<20480x128xf32, #tpu.memory_space<hbm>> -> memref<20480x128xf32, #tpu.memory_space<hbm>>
        tpu.enqueue_indirect_dma source(%dma_start3A_134 : memref<20480x128xf32, #tpu.memory_space<hbm>>) target(%arg10 : memref<128x128xf32, #tpu.memory_space<vmem>>) offsets(%dma_start3A_131 : memref<128xi32, #tpu.memory_space<vmem>>) semaphore(%arg12 : memref<!tpu.dma_semaphore, #tpu.memory_space<semaphore_mem>>)
      } else {
      }
      %mul3A_111 = arith.constant 2 : i32
      %mul3A_112 = arith.muli %mul3A_111, %scan3A_89 : i32
      %add3A_113 = arith.constant 1 : i32
      %add3A_114 = arith.addi %mul3A_112, %add3A_113 : i32
      %dma_wait3A_115 = arith.constant 0 : i32
      %dma_wait3A_116 = tpu.memref_slice %arg8[%add3A_114, %dma_wait3A_115] : memref<40x128xi32, #tpu.memory_space<vmem>> -> memref<1x128xi32, #tpu.memory_space<vmem>>
      %dma_wait3A_117 = tpu.memref_squeeze %dma_wait3A_116 : memref<1x128xi32, #tpu.memory_space<vmem>> -> memref<128xi32, #tpu.memory_space<vmem>>
      %dma_wait3A_118 = arith.constant 0 : i32
      %dma_wait3A_119 = arith.constant 0 : i32
      %dma_wait3A_120 = tpu.memref_slice %arg2[%dma_wait3A_118, %dma_wait3A_119] : memref<20480x128xf32, #tpu.memory_space<hbm>> -> memref<20480x128xf32, #tpu.memory_space<hbm>>
      tpu.wait_indirect_dma semaphore(%arg13 : memref<!tpu.dma_semaphore, #tpu.memory_space<semaphore_mem>>) src(%dma_wait3A_120 : memref<20480x128xf32, #tpu.memory_space<hbm>>) dst(%arg11 : memref<128x128xf32, #tpu.memory_space<vmem>>)
      %mul3A_121 = arith.constant 2 : i32
      %mul3A_122 = arith.muli %mul3A_121, %scan3A_89 : i32
      %add3A_123 = arith.constant 1 : i32
      %add3A_124 = arith.addi %mul3A_122, %add3A_123 : i32
      "tpu.region"() ({
        %run_scoped3A = tpu.sem_alloc : memref<!tpu.dma_semaphore, #tpu.memory_space<semaphore_mem>>
        %dma_start3A_125 = arith.constant 0 : i32
        %dma_start3A_126 = tpu.memref_slice %arg9[%add3A_124, %dma_start3A_125] : memref<40x128xi32, #tpu.memory_space<vmem>> -> memref<1x128xi32, #tpu.memory_space<vmem>>
        %dma_start3A_127 = tpu.memref_squeeze %dma_start3A_126 : memref<1x128xi32, #tpu.memory_space<vmem>> -> memref<128xi32, #tpu.memory_space<vmem>>
        %dma_start3A_128 = arith.constant 0 : i32
        %dma_start3A_129 = arith.constant 0 : i32
        %dma_start3A_130 = tpu.memref_slice %arg7[%dma_start3A_128, %dma_start3A_129] : memref<10240x128xf32, #tpu.memory_space<vmem_shared>> -> memref<10240x128xf32, #tpu.memory_space<vmem_shared>>
        tpu.enqueue_indirect_dma source(%arg11 : memref<128x128xf32, #tpu.memory_space<vmem>>) target(%dma_start3A_130 : memref<10240x128xf32, #tpu.memory_space<vmem_shared>>) offsets(%dma_start3A_127 : memref<128xi32, #tpu.memory_space<vmem>>) semaphore(%run_scoped3A : memref<!tpu.dma_semaphore, #tpu.memory_space<semaphore_mem>>) {add = true}
        %dma_wait3A_131 = arith.constant 0 : i32
        %dma_wait3A_132 = tpu.memref_slice %arg9[%add3A_124, %dma_wait3A_131] : memref<40x128xi32, #tpu.memory_space<vmem>> -> memref<1x128xi32, #tpu.memory_space<vmem>>
        %dma_wait3A_133 = tpu.memref_squeeze %dma_wait3A_132 : memref<1x128xi32, #tpu.memory_space<vmem>> -> memref<128xi32, #tpu.memory_space<vmem>>
        %dma_wait3A_134 = arith.constant 0 : i32
        %dma_wait3A_135 = arith.constant 0 : i32
        %dma_wait3A_136 = tpu.memref_slice %arg7[%dma_wait3A_134, %dma_wait3A_135] : memref<10240x128xf32, #tpu.memory_space<vmem_shared>> -> memref<10240x128xf32, #tpu.memory_space<vmem_shared>>
        tpu.wait_indirect_dma semaphore(%run_scoped3A : memref<!tpu.dma_semaphore, #tpu.memory_space<semaphore_mem>>) src(%arg11 : memref<128x128xf32, #tpu.memory_space<vmem>>) dst(%dma_wait3A_136 : memref<10240x128xf32, #tpu.memory_space<vmem_shared>>)
        tpu.yield
      }) : () -> ()
    }
    %scan3A_21 = arith.constant 20 : i32
    %mul3A_22 = arith.constant 160 : i32
    %mul3A_23 = arith.muli %add3A, %mul3A_22 : i32
    %add3A_24 = arith.constant 40 : i32
    %add3A_25 = arith.addi %mul3A_23, %add3A_24 : i32
    "tpu.region"() ({
      %run_scoped3A = tpu.sem_alloc : memref<!tpu.dma_semaphore, #tpu.memory_space<semaphore_mem>>
      %dma_start3A_89 = arith.constant 0 : i32
      %dma_start3A_90 = tpu.memref_slice %arg3[%add3A_25, %dma_start3A_89] : memref<5120x128xi32, #tpu.memory_space<hbm>> -> memref<40x128xi32, #tpu.memory_space<hbm>>
      %dma_start3A_91 = arith.constant 0 : i32
      %dma_start3A_92 = tpu.memref_slice %arg3[%add3A_25, %dma_start3A_91] : memref<5120x128xi32, #tpu.memory_space<hbm>> -> memref<40x128xi32, #tpu.memory_space<hbm>>
      tpu.enqueue_dma source(%dma_start3A_92 : memref<40x128xi32, #tpu.memory_space<hbm>>) target(%arg8 : memref<40x128xi32, #tpu.memory_space<vmem>>) target_semaphore(%run_scoped3A : memref<!tpu.dma_semaphore, #tpu.memory_space<semaphore_mem>>)
      %dma_wait3A = arith.constant 0 : i32
      %dma_wait3A_93 = tpu.memref_slice %arg3[%add3A_25, %dma_wait3A] : memref<5120x128xi32, #tpu.memory_space<hbm>> -> memref<40x128xi32, #tpu.memory_space<hbm>>
      %dma_wait3A_94 = arith.constant 0 : i32
      %dma_wait3A_95 = tpu.memref_slice %arg3[%add3A_25, %dma_wait3A_94] : memref<5120x128xi32, #tpu.memory_space<hbm>> -> memref<40x128xi32, #tpu.memory_space<hbm>>
      tpu.wait_dma2 semaphore(%run_scoped3A : memref<!tpu.dma_semaphore, #tpu.memory_space<semaphore_mem>>) src(%dma_wait3A_95 : memref<40x128xi32, #tpu.memory_space<hbm>>) dst(%arg8 : memref<40x128xi32, #tpu.memory_space<vmem>>)
      tpu.yield
    }) : () -> ()
    %mul3A_26 = arith.constant 160 : i32
    %mul3A_27 = arith.muli %arg1, %mul3A_26 : i32
    %add3A_28 = arith.constant 40 : i32
    %add3A_29 = arith.addi %mul3A_27, %add3A_28 : i32
    "tpu.region"() ({
      %run_scoped3A = tpu.sem_alloc : memref<!tpu.dma_semaphore, #tpu.memory_space<semaphore_mem>>
      %dma_start3A_89 = arith.constant 0 : i32
      %dma_start3A_90 = tpu.memref_slice %arg4[%add3A_29, %dma_start3A_89] : memref<2560x128xi32, #tpu.memory_space<hbm>> -> memref<40x128xi32, #tpu.memory_space<hbm>>
      %dma_start3A_91 = arith.constant 0 : i32
      %dma_start3A_92 = tpu.memref_slice %arg4[%add3A_29, %dma_start3A_91] : memref<2560x128xi32, #tpu.memory_space<hbm>> -> memref<40x128xi32, #tpu.memory_space<hbm>>
      tpu.enqueue_dma source(%dma_start3A_92 : memref<40x128xi32, #tpu.memory_space<hbm>>) target(%arg9 : memref<40x128xi32, #tpu.memory_space<vmem>>) target_semaphore(%run_scoped3A : memref<!tpu.dma_semaphore, #tpu.memory_space<semaphore_mem>>)
      %dma_wait3A = arith.constant 0 : i32
      %dma_wait3A_93 = tpu.memref_slice %arg4[%add3A_29, %dma_wait3A] : memref<2560x128xi32, #tpu.memory_space<hbm>> -> memref<40x128xi32, #tpu.memory_space<hbm>>
      %dma_wait3A_94 = arith.constant 0 : i32
      %dma_wait3A_95 = tpu.memref_slice %arg4[%add3A_29, %dma_wait3A_94] : memref<2560x128xi32, #tpu.memory_space<hbm>> -> memref<40x128xi32, #tpu.memory_space<hbm>>
      tpu.wait_dma2 semaphore(%run_scoped3A : memref<!tpu.dma_semaphore, #tpu.memory_space<semaphore_mem>>) src(%dma_wait3A_95 : memref<40x128xi32, #tpu.memory_space<hbm>>) dst(%arg9 : memref<40x128xi32, #tpu.memory_space<vmem>>)
      tpu.yield
    }) : () -> ()
    %dma_start3A_30 = arith.constant 0 : i32
    %dma_start3A_31 = arith.constant 0 : i32
    %dma_start3A_32 = tpu.memref_slice %arg8[%dma_start3A_30, %dma_start3A_31] : memref<40x128xi32, #tpu.memory_space<vmem>> -> memref<1x128xi32, #tpu.memory_space<vmem>>
    %dma_start3A_33 = tpu.memref_squeeze %dma_start3A_32 : memref<1x128xi32, #tpu.memory_space<vmem>> -> memref<128xi32, #tpu.memory_space<vmem>>
    %dma_start3A_34 = arith.constant 0 : i32
    %dma_start3A_35 = arith.constant 0 : i32
    %dma_start3A_36 = tpu.memref_slice %arg2[%dma_start3A_34, %dma_start3A_35] : memref<20480x128xf32, #tpu.memory_space<hbm>> -> memref<20480x128xf32, #tpu.memory_space<hbm>>
    tpu.enqueue_indirect_dma source(%dma_start3A_36 : memref<20480x128xf32, #tpu.memory_space<hbm>>) target(%arg10 : memref<128x128xf32, #tpu.memory_space<vmem>>) offsets(%dma_start3A_33 : memref<128xi32, #tpu.memory_space<vmem>>) semaphore(%arg12 : memref<!tpu.dma_semaphore, #tpu.memory_space<semaphore_mem>>)
    %scan3A_37 = arith.constant 0 : i32
    %scan3A_38 = arith.constant 0 : i32
    %scan3A_39 = arith.constant 20 : i32
    %scan3A_40 = arith.addi %scan3A_38, %scan3A_39 : i32
    %scan3A_41 = arith.constant 1 : i32
    scf.for %scan3A_89 = %scan3A_38 to %scan3A_40 step %scan3A_41  : i32 {
      %mul3A_90 = arith.constant 2 : i32
      %mul3A_91 = arith.muli %mul3A_90, %scan3A_89 : i32
      %add3A_92 = arith.constant 1 : i32
      %add3A_93 = arith.addi %mul3A_91, %add3A_92 : i32
      %dma_start3A_94 = arith.constant 0 : i32
      %dma_start3A_95 = tpu.memref_slice %arg8[%add3A_93, %dma_start3A_94] : memref<40x128xi32, #tpu.memory_space<vmem>> -> memref<1x128xi32, #tpu.memory_space<vmem>>
      %dma_start3A_96 = tpu.memref_squeeze %dma_start3A_95 : memref<1x128xi32, #tpu.memory_space<vmem>> -> memref<128xi32, #tpu.memory_space<vmem>>
      %dma_start3A_97 = arith.constant 0 : i32
      %dma_start3A_98 = arith.constant 0 : i32
      %dma_start3A_99 = tpu.memref_slice %arg2[%dma_start3A_97, %dma_start3A_98] : memref<20480x128xf32, #tpu.memory_space<hbm>> -> memref<20480x128xf32, #tpu.memory_space<hbm>>
      tpu.enqueue_indirect_dma source(%dma_start3A_99 : memref<20480x128xf32, #tpu.memory_space<hbm>>) target(%arg11 : memref<128x128xf32, #tpu.memory_space<vmem>>) offsets(%dma_start3A_96 : memref<128xi32, #tpu.memory_space<vmem>>) semaphore(%arg13 : memref<!tpu.dma_semaphore, #tpu.memory_space<semaphore_mem>>)
      %mul3A_100 = arith.constant 2 : i32
      %mul3A_101 = arith.muli %mul3A_100, %scan3A_89 : i32
      %dma_wait3A = arith.constant 0 : i32
      %dma_wait3A_102 = tpu.memref_slice %arg8[%mul3A_101, %dma_wait3A] : memref<40x128xi32, #tpu.memory_space<vmem>> -> memref<1x128xi32, #tpu.memory_space<vmem>>
      %dma_wait3A_103 = tpu.memref_squeeze %dma_wait3A_102 : memref<1x128xi32, #tpu.memory_space<vmem>> -> memref<128xi32, #tpu.memory_space<vmem>>
      %dma_wait3A_104 = arith.constant 0 : i32
      %dma_wait3A_105 = arith.constant 0 : i32
      %dma_wait3A_106 = tpu.memref_slice %arg2[%dma_wait3A_104, %dma_wait3A_105] : memref<20480x128xf32, #tpu.memory_space<hbm>> -> memref<20480x128xf32, #tpu.memory_space<hbm>>
      tpu.wait_indirect_dma semaphore(%arg12 : memref<!tpu.dma_semaphore, #tpu.memory_space<semaphore_mem>>) src(%dma_wait3A_106 : memref<20480x128xf32, #tpu.memory_space<hbm>>) dst(%arg10 : memref<128x128xf32, #tpu.memory_space<vmem>>)
      %mul3A_107 = arith.constant 2 : i32
      %mul3A_108 = arith.muli %mul3A_107, %scan3A_89 : i32
      "tpu.region"() ({
        %run_scoped3A = tpu.sem_alloc : memref<!tpu.dma_semaphore, #tpu.memory_space<semaphore_mem>>
        %dma_start3A_125 = arith.constant 0 : i32
        %dma_start3A_126 = tpu.memref_slice %arg9[%mul3A_108, %dma_start3A_125] : memref<40x128xi32, #tpu.memory_space<vmem>> -> memref<1x128xi32, #tpu.memory_space<vmem>>
        %dma_start3A_127 = tpu.memref_squeeze %dma_start3A_126 : memref<1x128xi32, #tpu.memory_space<vmem>> -> memref<128xi32, #tpu.memory_space<vmem>>
        %dma_start3A_128 = arith.constant 0 : i32
        %dma_start3A_129 = arith.constant 0 : i32
        %dma_start3A_130 = tpu.memref_slice %arg7[%dma_start3A_128, %dma_start3A_129] : memref<10240x128xf32, #tpu.memory_space<vmem_shared>> -> memref<10240x128xf32, #tpu.memory_space<vmem_shared>>
        tpu.enqueue_indirect_dma source(%arg10 : memref<128x128xf32, #tpu.memory_space<vmem>>) target(%dma_start3A_130 : memref<10240x128xf32, #tpu.memory_space<vmem_shared>>) offsets(%dma_start3A_127 : memref<128xi32, #tpu.memory_space<vmem>>) semaphore(%run_scoped3A : memref<!tpu.dma_semaphore, #tpu.memory_space<semaphore_mem>>) {add = true}
        %dma_wait3A_131 = arith.constant 0 : i32
        %dma_wait3A_132 = tpu.memref_slice %arg9[%mul3A_108, %dma_wait3A_131] : memref<40x128xi32, #tpu.memory_space<vmem>> -> memref<1x128xi32, #tpu.memory_space<vmem>>
        %dma_wait3A_133 = tpu.memref_squeeze %dma_wait3A_132 : memref<1x128xi32, #tpu.memory_space<vmem>> -> memref<128xi32, #tpu.memory_space<vmem>>
        %dma_wait3A_134 = arith.constant 0 : i32
        %dma_wait3A_135 = arith.constant 0 : i32
        %dma_wait3A_136 = tpu.memref_slice %arg7[%dma_wait3A_134, %dma_wait3A_135] : memref<10240x128xf32, #tpu.memory_space<vmem_shared>> -> memref<10240x128xf32, #tpu.memory_space<vmem_shared>>
        tpu.wait_indirect_dma semaphore(%run_scoped3A : memref<!tpu.dma_semaphore, #tpu.memory_space<semaphore_mem>>) src(%arg10 : memref<128x128xf32, #tpu.memory_space<vmem>>) dst(%dma_wait3A_136 : memref<10240x128xf32, #tpu.memory_space<vmem_shared>>)
        tpu.yield
      }) : () -> ()
      %lt3A = arith.constant 19 : i32
      %lt3A_109 = arith.cmpi slt, %scan3A_89, %lt3A : i32
      %convert_element_type3A = arith.extui %lt3A_109 : i1 to i32
      %cond3A = arith.constant 0 : i32
      %cond3A_110 = arith.cmpi ne, %convert_element_type3A, %cond3A : i32
      scf.if %cond3A_110 {
        %mul3A_125 = arith.constant 2 : i32
        %mul3A_126 = arith.muli %mul3A_125, %scan3A_89 : i32
        %add3A_127 = arith.constant 2 : i32
        %add3A_128 = arith.addi %mul3A_126, %add3A_127 : i32
        %dma_start3A_129 = arith.constant 0 : i32
        %dma_start3A_130 = tpu.memref_slice %arg8[%add3A_128, %dma_start3A_129] : memref<40x128xi32, #tpu.memory_space<vmem>> -> memref<1x128xi32, #tpu.memory_space<vmem>>
        %dma_start3A_131 = tpu.memref_squeeze %dma_start3A_130 : memref<1x128xi32, #tpu.memory_space<vmem>> -> memref<128xi32, #tpu.memory_space<vmem>>
        %dma_start3A_132 = arith.constant 0 : i32
        %dma_start3A_133 = arith.constant 0 : i32
        %dma_start3A_134 = tpu.memref_slice %arg2[%dma_start3A_132, %dma_start3A_133] : memref<20480x128xf32, #tpu.memory_space<hbm>> -> memref<20480x128xf32, #tpu.memory_space<hbm>>
        tpu.enqueue_indirect_dma source(%dma_start3A_134 : memref<20480x128xf32, #tpu.memory_space<hbm>>) target(%arg10 : memref<128x128xf32, #tpu.memory_space<vmem>>) offsets(%dma_start3A_131 : memref<128xi32, #tpu.memory_space<vmem>>) semaphore(%arg12 : memref<!tpu.dma_semaphore, #tpu.memory_space<semaphore_mem>>)
      } else {
      }
      %mul3A_111 = arith.constant 2 : i32
      %mul3A_112 = arith.muli %mul3A_111, %scan3A_89 : i32
      %add3A_113 = arith.constant 1 : i32
      %add3A_114 = arith.addi %mul3A_112, %add3A_113 : i32
      %dma_wait3A_115 = arith.constant 0 : i32
      %dma_wait3A_116 = tpu.memref_slice %arg8[%add3A_114, %dma_wait3A_115] : memref<40x128xi32, #tpu.memory_space<vmem>> -> memref<1x128xi32, #tpu.memory_space<vmem>>
      %dma_wait3A_117 = tpu.memref_squeeze %dma_wait3A_116 : memref<1x128xi32, #tpu.memory_space<vmem>> -> memref<128xi32, #tpu.memory_space<vmem>>
      %dma_wait3A_118 = arith.constant 0 : i32
      %dma_wait3A_119 = arith.constant 0 : i32
      %dma_wait3A_120 = tpu.memref_slice %arg2[%dma_wait3A_118, %dma_wait3A_119] : memref<20480x128xf32, #tpu.memory_space<hbm>> -> memref<20480x128xf32, #tpu.memory_space<hbm>>
      tpu.wait_indirect_dma semaphore(%arg13 : memref<!tpu.dma_semaphore, #tpu.memory_space<semaphore_mem>>) src(%dma_wait3A_120 : memref<20480x128xf32, #tpu.memory_space<hbm>>) dst(%arg11 : memref<128x128xf32, #tpu.memory_space<vmem>>)
      %mul3A_121 = arith.constant 2 : i32
      %mul3A_122 = arith.muli %mul3A_121, %scan3A_89 : i32
      %add3A_123 = arith.constant 1 : i32
      %add3A_124 = arith.addi %mul3A_122, %add3A_123 : i32
      "tpu.region"() ({
        %run_scoped3A = tpu.sem_alloc : memref<!tpu.dma_semaphore, #tpu.memory_space<semaphore_mem>>
        %dma_start3A_125 = arith.constant 0 : i32
        %dma_start3A_126 = tpu.memref_slice %arg9[%add3A_124, %dma_start3A_125] : memref<40x128xi32, #tpu.memory_space<vmem>> -> memref<1x128xi32, #tpu.memory_space<vmem>>
        %dma_start3A_127 = tpu.memref_squeeze %dma_start3A_126 : memref<1x128xi32, #tpu.memory_space<vmem>> -> memref<128xi32, #tpu.memory_space<vmem>>
        %dma_start3A_128 = arith.constant 0 : i32
        %dma_start3A_129 = arith.constant 0 : i32
        %dma_start3A_130 = tpu.memref_slice %arg7[%dma_start3A_128, %dma_start3A_129] : memref<10240x128xf32, #tpu.memory_space<vmem_shared>> -> memref<10240x128xf32, #tpu.memory_space<vmem_shared>>
        tpu.enqueue_indirect_dma source(%arg11 : memref<128x128xf32, #tpu.memory_space<vmem>>) target(%dma_start3A_130 : memref<10240x128xf32, #tpu.memory_space<vmem_shared>>) offsets(%dma_start3A_127 : memref<128xi32, #tpu.memory_space<vmem>>) semaphore(%run_scoped3A : memref<!tpu.dma_semaphore, #tpu.memory_space<semaphore_mem>>) {add = true}
        %dma_wait3A_131 = arith.constant 0 : i32
        %dma_wait3A_132 = tpu.memref_slice %arg9[%add3A_124, %dma_wait3A_131] : memref<40x128xi32, #tpu.memory_space<vmem>> -> memref<1x128xi32, #tpu.memory_space<vmem>>
        %dma_wait3A_133 = tpu.memref_squeeze %dma_wait3A_132 : memref<1x128xi32, #tpu.memory_space<vmem>> -> memref<128xi32, #tpu.memory_space<vmem>>
        %dma_wait3A_134 = arith.constant 0 : i32
        %dma_wait3A_135 = arith.constant 0 : i32
        %dma_wait3A_136 = tpu.memref_slice %arg7[%dma_wait3A_134, %dma_wait3A_135] : memref<10240x128xf32, #tpu.memory_space<vmem_shared>> -> memref<10240x128xf32, #tpu.memory_space<vmem_shared>>
        tpu.wait_indirect_dma semaphore(%run_scoped3A : memref<!tpu.dma_semaphore, #tpu.memory_space<semaphore_mem>>) src(%arg11 : memref<128x128xf32, #tpu.memory_space<vmem>>) dst(%dma_wait3A_136 : memref<10240x128xf32, #tpu.memory_space<vmem_shared>>)
        tpu.yield
      }) : () -> ()
    }
    %scan3A_42 = arith.constant 20 : i32
    %mul3A_43 = arith.constant 160 : i32
    %mul3A_44 = arith.muli %add3A, %mul3A_43 : i32
    %add3A_45 = arith.constant 80 : i32
    %add3A_46 = arith.addi %mul3A_44, %add3A_45 : i32
    "tpu.region"() ({
      %run_scoped3A = tpu.sem_alloc : memref<!tpu.dma_semaphore, #tpu.memory_space<semaphore_mem>>
      %dma_start3A_89 = arith.constant 0 : i32
      %dma_start3A_90 = tpu.memref_slice %arg3[%add3A_46, %dma_start3A_89] : memref<5120x128xi32, #tpu.memory_space<hbm>> -> memref<40x128xi32, #tpu.memory_space<hbm>>
      %dma_start3A_91 = arith.constant 0 : i32
      %dma_start3A_92 = tpu.memref_slice %arg3[%add3A_46, %dma_start3A_91] : memref<5120x128xi32, #tpu.memory_space<hbm>> -> memref<40x128xi32, #tpu.memory_space<hbm>>
      tpu.enqueue_dma source(%dma_start3A_92 : memref<40x128xi32, #tpu.memory_space<hbm>>) target(%arg8 : memref<40x128xi32, #tpu.memory_space<vmem>>) target_semaphore(%run_scoped3A : memref<!tpu.dma_semaphore, #tpu.memory_space<semaphore_mem>>)
      %dma_wait3A = arith.constant 0 : i32
      %dma_wait3A_93 = tpu.memref_slice %arg3[%add3A_46, %dma_wait3A] : memref<5120x128xi32, #tpu.memory_space<hbm>> -> memref<40x128xi32, #tpu.memory_space<hbm>>
      %dma_wait3A_94 = arith.constant 0 : i32
      %dma_wait3A_95 = tpu.memref_slice %arg3[%add3A_46, %dma_wait3A_94] : memref<5120x128xi32, #tpu.memory_space<hbm>> -> memref<40x128xi32, #tpu.memory_space<hbm>>
      tpu.wait_dma2 semaphore(%run_scoped3A : memref<!tpu.dma_semaphore, #tpu.memory_space<semaphore_mem>>) src(%dma_wait3A_95 : memref<40x128xi32, #tpu.memory_space<hbm>>) dst(%arg8 : memref<40x128xi32, #tpu.memory_space<vmem>>)
      tpu.yield
    }) : () -> ()
    %mul3A_47 = arith.constant 160 : i32
    %mul3A_48 = arith.muli %arg1, %mul3A_47 : i32
    %add3A_49 = arith.constant 80 : i32
    %add3A_50 = arith.addi %mul3A_48, %add3A_49 : i32
    "tpu.region"() ({
      %run_scoped3A = tpu.sem_alloc : memref<!tpu.dma_semaphore, #tpu.memory_space<semaphore_mem>>
      %dma_start3A_89 = arith.constant 0 : i32
      %dma_start3A_90 = tpu.memref_slice %arg4[%add3A_50, %dma_start3A_89] : memref<2560x128xi32, #tpu.memory_space<hbm>> -> memref<40x128xi32, #tpu.memory_space<hbm>>
      %dma_start3A_91 = arith.constant 0 : i32
      %dma_start3A_92 = tpu.memref_slice %arg4[%add3A_50, %dma_start3A_91] : memref<2560x128xi32, #tpu.memory_space<hbm>> -> memref<40x128xi32, #tpu.memory_space<hbm>>
      tpu.enqueue_dma source(%dma_start3A_92 : memref<40x128xi32, #tpu.memory_space<hbm>>) target(%arg9 : memref<40x128xi32, #tpu.memory_space<vmem>>) target_semaphore(%run_scoped3A : memref<!tpu.dma_semaphore, #tpu.memory_space<semaphore_mem>>)
      %dma_wait3A = arith.constant 0 : i32
      %dma_wait3A_93 = tpu.memref_slice %arg4[%add3A_50, %dma_wait3A] : memref<2560x128xi32, #tpu.memory_space<hbm>> -> memref<40x128xi32, #tpu.memory_space<hbm>>
      %dma_wait3A_94 = arith.constant 0 : i32
      %dma_wait3A_95 = tpu.memref_slice %arg4[%add3A_50, %dma_wait3A_94] : memref<2560x128xi32, #tpu.memory_space<hbm>> -> memref<40x128xi32, #tpu.memory_space<hbm>>
      tpu.wait_dma2 semaphore(%run_scoped3A : memref<!tpu.dma_semaphore, #tpu.memory_space<semaphore_mem>>) src(%dma_wait3A_95 : memref<40x128xi32, #tpu.memory_space<hbm>>) dst(%arg9 : memref<40x128xi32, #tpu.memory_space<vmem>>)
      tpu.yield
    }) : () -> ()
    %dma_start3A_51 = arith.constant 0 : i32
    %dma_start3A_52 = arith.constant 0 : i32
    %dma_start3A_53 = tpu.memref_slice %arg8[%dma_start3A_51, %dma_start3A_52] : memref<40x128xi32, #tpu.memory_space<vmem>> -> memref<1x128xi32, #tpu.memory_space<vmem>>
    %dma_start3A_54 = tpu.memref_squeeze %dma_start3A_53 : memref<1x128xi32, #tpu.memory_space<vmem>> -> memref<128xi32, #tpu.memory_space<vmem>>
    %dma_start3A_55 = arith.constant 0 : i32
    %dma_start3A_56 = arith.constant 0 : i32
    %dma_start3A_57 = tpu.memref_slice %arg2[%dma_start3A_55, %dma_start3A_56] : memref<20480x128xf32, #tpu.memory_space<hbm>> -> memref<20480x128xf32, #tpu.memory_space<hbm>>
    tpu.enqueue_indirect_dma source(%dma_start3A_57 : memref<20480x128xf32, #tpu.memory_space<hbm>>) target(%arg10 : memref<128x128xf32, #tpu.memory_space<vmem>>) offsets(%dma_start3A_54 : memref<128xi32, #tpu.memory_space<vmem>>) semaphore(%arg12 : memref<!tpu.dma_semaphore, #tpu.memory_space<semaphore_mem>>)
    %scan3A_58 = arith.constant 0 : i32
    %scan3A_59 = arith.constant 0 : i32
    %scan3A_60 = arith.constant 20 : i32
    %scan3A_61 = arith.addi %scan3A_59, %scan3A_60 : i32
    %scan3A_62 = arith.constant 1 : i32
    scf.for %scan3A_89 = %scan3A_59 to %scan3A_61 step %scan3A_62  : i32 {
      %mul3A_90 = arith.constant 2 : i32
      %mul3A_91 = arith.muli %mul3A_90, %scan3A_89 : i32
      %add3A_92 = arith.constant 1 : i32
      %add3A_93 = arith.addi %mul3A_91, %add3A_92 : i32
      %dma_start3A_94 = arith.constant 0 : i32
      %dma_start3A_95 = tpu.memref_slice %arg8[%add3A_93, %dma_start3A_94] : memref<40x128xi32, #tpu.memory_space<vmem>> -> memref<1x128xi32, #tpu.memory_space<vmem>>
      %dma_start3A_96 = tpu.memref_squeeze %dma_start3A_95 : memref<1x128xi32, #tpu.memory_space<vmem>> -> memref<128xi32, #tpu.memory_space<vmem>>
      %dma_start3A_97 = arith.constant 0 : i32
      %dma_start3A_98 = arith.constant 0 : i32
      %dma_start3A_99 = tpu.memref_slice %arg2[%dma_start3A_97, %dma_start3A_98] : memref<20480x128xf32, #tpu.memory_space<hbm>> -> memref<20480x128xf32, #tpu.memory_space<hbm>>
      tpu.enqueue_indirect_dma source(%dma_start3A_99 : memref<20480x128xf32, #tpu.memory_space<hbm>>) target(%arg11 : memref<128x128xf32, #tpu.memory_space<vmem>>) offsets(%dma_start3A_96 : memref<128xi32, #tpu.memory_space<vmem>>) semaphore(%arg13 : memref<!tpu.dma_semaphore, #tpu.memory_space<semaphore_mem>>)
      %mul3A_100 = arith.constant 2 : i32
      %mul3A_101 = arith.muli %mul3A_100, %scan3A_89 : i32
      %dma_wait3A = arith.constant 0 : i32
      %dma_wait3A_102 = tpu.memref_slice %arg8[%mul3A_101, %dma_wait3A] : memref<40x128xi32, #tpu.memory_space<vmem>> -> memref<1x128xi32, #tpu.memory_space<vmem>>
      %dma_wait3A_103 = tpu.memref_squeeze %dma_wait3A_102 : memref<1x128xi32, #tpu.memory_space<vmem>> -> memref<128xi32, #tpu.memory_space<vmem>>
      %dma_wait3A_104 = arith.constant 0 : i32
      %dma_wait3A_105 = arith.constant 0 : i32
      %dma_wait3A_106 = tpu.memref_slice %arg2[%dma_wait3A_104, %dma_wait3A_105] : memref<20480x128xf32, #tpu.memory_space<hbm>> -> memref<20480x128xf32, #tpu.memory_space<hbm>>
      tpu.wait_indirect_dma semaphore(%arg12 : memref<!tpu.dma_semaphore, #tpu.memory_space<semaphore_mem>>) src(%dma_wait3A_106 : memref<20480x128xf32, #tpu.memory_space<hbm>>) dst(%arg10 : memref<128x128xf32, #tpu.memory_space<vmem>>)
      %mul3A_107 = arith.constant 2 : i32
      %mul3A_108 = arith.muli %mul3A_107, %scan3A_89 : i32
      "tpu.region"() ({
        %run_scoped3A = tpu.sem_alloc : memref<!tpu.dma_semaphore, #tpu.memory_space<semaphore_mem>>
        %dma_start3A_125 = arith.constant 0 : i32
        %dma_start3A_126 = tpu.memref_slice %arg9[%mul3A_108, %dma_start3A_125] : memref<40x128xi32, #tpu.memory_space<vmem>> -> memref<1x128xi32, #tpu.memory_space<vmem>>
        %dma_start3A_127 = tpu.memref_squeeze %dma_start3A_126 : memref<1x128xi32, #tpu.memory_space<vmem>> -> memref<128xi32, #tpu.memory_space<vmem>>
        %dma_start3A_128 = arith.constant 0 : i32
        %dma_start3A_129 = arith.constant 0 : i32
        %dma_start3A_130 = tpu.memref_slice %arg7[%dma_start3A_128, %dma_start3A_129] : memref<10240x128xf32, #tpu.memory_space<vmem_shared>> -> memref<10240x128xf32, #tpu.memory_space<vmem_shared>>
        tpu.enqueue_indirect_dma source(%arg10 : memref<128x128xf32, #tpu.memory_space<vmem>>) target(%dma_start3A_130 : memref<10240x128xf32, #tpu.memory_space<vmem_shared>>) offsets(%dma_start3A_127 : memref<128xi32, #tpu.memory_space<vmem>>) semaphore(%run_scoped3A : memref<!tpu.dma_semaphore, #tpu.memory_space<semaphore_mem>>) {add = true}
        %dma_wait3A_131 = arith.constant 0 : i32
        %dma_wait3A_132 = tpu.memref_slice %arg9[%mul3A_108, %dma_wait3A_131] : memref<40x128xi32, #tpu.memory_space<vmem>> -> memref<1x128xi32, #tpu.memory_space<vmem>>
        %dma_wait3A_133 = tpu.memref_squeeze %dma_wait3A_132 : memref<1x128xi32, #tpu.memory_space<vmem>> -> memref<128xi32, #tpu.memory_space<vmem>>
        %dma_wait3A_134 = arith.constant 0 : i32
        %dma_wait3A_135 = arith.constant 0 : i32
        %dma_wait3A_136 = tpu.memref_slice %arg7[%dma_wait3A_134, %dma_wait3A_135] : memref<10240x128xf32, #tpu.memory_space<vmem_shared>> -> memref<10240x128xf32, #tpu.memory_space<vmem_shared>>
        tpu.wait_indirect_dma semaphore(%run_scoped3A : memref<!tpu.dma_semaphore, #tpu.memory_space<semaphore_mem>>) src(%arg10 : memref<128x128xf32, #tpu.memory_space<vmem>>) dst(%dma_wait3A_136 : memref<10240x128xf32, #tpu.memory_space<vmem_shared>>)
        tpu.yield
      }) : () -> ()
      %lt3A = arith.constant 19 : i32
      %lt3A_109 = arith.cmpi slt, %scan3A_89, %lt3A : i32
      %convert_element_type3A = arith.extui %lt3A_109 : i1 to i32
      %cond3A = arith.constant 0 : i32
      %cond3A_110 = arith.cmpi ne, %convert_element_type3A, %cond3A : i32
      scf.if %cond3A_110 {
        %mul3A_125 = arith.constant 2 : i32
        %mul3A_126 = arith.muli %mul3A_125, %scan3A_89 : i32
        %add3A_127 = arith.constant 2 : i32
        %add3A_128 = arith.addi %mul3A_126, %add3A_127 : i32
        %dma_start3A_129 = arith.constant 0 : i32
        %dma_start3A_130 = tpu.memref_slice %arg8[%add3A_128, %dma_start3A_129] : memref<40x128xi32, #tpu.memory_space<vmem>> -> memref<1x128xi32, #tpu.memory_space<vmem>>
        %dma_start3A_131 = tpu.memref_squeeze %dma_start3A_130 : memref<1x128xi32, #tpu.memory_space<vmem>> -> memref<128xi32, #tpu.memory_space<vmem>>
        %dma_start3A_132 = arith.constant 0 : i32
        %dma_start3A_133 = arith.constant 0 : i32
        %dma_start3A_134 = tpu.memref_slice %arg2[%dma_start3A_132, %dma_start3A_133] : memref<20480x128xf32, #tpu.memory_space<hbm>> -> memref<20480x128xf32, #tpu.memory_space<hbm>>
        tpu.enqueue_indirect_dma source(%dma_start3A_134 : memref<20480x128xf32, #tpu.memory_space<hbm>>) target(%arg10 : memref<128x128xf32, #tpu.memory_space<vmem>>) offsets(%dma_start3A_131 : memref<128xi32, #tpu.memory_space<vmem>>) semaphore(%arg12 : memref<!tpu.dma_semaphore, #tpu.memory_space<semaphore_mem>>)
      } else {
      }
      %mul3A_111 = arith.constant 2 : i32
      %mul3A_112 = arith.muli %mul3A_111, %scan3A_89 : i32
      %add3A_113 = arith.constant 1 : i32
      %add3A_114 = arith.addi %mul3A_112, %add3A_113 : i32
      %dma_wait3A_115 = arith.constant 0 : i32
      %dma_wait3A_116 = tpu.memref_slice %arg8[%add3A_114, %dma_wait3A_115] : memref<40x128xi32, #tpu.memory_space<vmem>> -> memref<1x128xi32, #tpu.memory_space<vmem>>
      %dma_wait3A_117 = tpu.memref_squeeze %dma_wait3A_116 : memref<1x128xi32, #tpu.memory_space<vmem>> -> memref<128xi32, #tpu.memory_space<vmem>>
      %dma_wait3A_118 = arith.constant 0 : i32
      %dma_wait3A_119 = arith.constant 0 : i32
      %dma_wait3A_120 = tpu.memref_slice %arg2[%dma_wait3A_118, %dma_wait3A_119] : memref<20480x128xf32, #tpu.memory_space<hbm>> -> memref<20480x128xf32, #tpu.memory_space<hbm>>
      tpu.wait_indirect_dma semaphore(%arg13 : memref<!tpu.dma_semaphore, #tpu.memory_space<semaphore_mem>>) src(%dma_wait3A_120 : memref<20480x128xf32, #tpu.memory_space<hbm>>) dst(%arg11 : memref<128x128xf32, #tpu.memory_space<vmem>>)
      %mul3A_121 = arith.constant 2 : i32
      %mul3A_122 = arith.muli %mul3A_121, %scan3A_89 : i32
      %add3A_123 = arith.constant 1 : i32
      %add3A_124 = arith.addi %mul3A_122, %add3A_123 : i32
      "tpu.region"() ({
        %run_scoped3A = tpu.sem_alloc : memref<!tpu.dma_semaphore, #tpu.memory_space<semaphore_mem>>
        %dma_start3A_125 = arith.constant 0 : i32
        %dma_start3A_126 = tpu.memref_slice %arg9[%add3A_124, %dma_start3A_125] : memref<40x128xi32, #tpu.memory_space<vmem>> -> memref<1x128xi32, #tpu.memory_space<vmem>>
        %dma_start3A_127 = tpu.memref_squeeze %dma_start3A_126 : memref<1x128xi32, #tpu.memory_space<vmem>> -> memref<128xi32, #tpu.memory_space<vmem>>
        %dma_start3A_128 = arith.constant 0 : i32
        %dma_start3A_129 = arith.constant 0 : i32
        %dma_start3A_130 = tpu.memref_slice %arg7[%dma_start3A_128, %dma_start3A_129] : memref<10240x128xf32, #tpu.memory_space<vmem_shared>> -> memref<10240x128xf32, #tpu.memory_space<vmem_shared>>
        tpu.enqueue_indirect_dma source(%arg11 : memref<128x128xf32, #tpu.memory_space<vmem>>) target(%dma_start3A_130 : memref<10240x128xf32, #tpu.memory_space<vmem_shared>>) offsets(%dma_start3A_127 : memref<128xi32, #tpu.memory_space<vmem>>) semaphore(%run_scoped3A : memref<!tpu.dma_semaphore, #tpu.memory_space<semaphore_mem>>) {add = true}
        %dma_wait3A_131 = arith.constant 0 : i32
        %dma_wait3A_132 = tpu.memref_slice %arg9[%add3A_124, %dma_wait3A_131] : memref<40x128xi32, #tpu.memory_space<vmem>> -> memref<1x128xi32, #tpu.memory_space<vmem>>
        %dma_wait3A_133 = tpu.memref_squeeze %dma_wait3A_132 : memref<1x128xi32, #tpu.memory_space<vmem>> -> memref<128xi32, #tpu.memory_space<vmem>>
        %dma_wait3A_134 = arith.constant 0 : i32
        %dma_wait3A_135 = arith.constant 0 : i32
        %dma_wait3A_136 = tpu.memref_slice %arg7[%dma_wait3A_134, %dma_wait3A_135] : memref<10240x128xf32, #tpu.memory_space<vmem_shared>> -> memref<10240x128xf32, #tpu.memory_space<vmem_shared>>
        tpu.wait_indirect_dma semaphore(%run_scoped3A : memref<!tpu.dma_semaphore, #tpu.memory_space<semaphore_mem>>) src(%arg11 : memref<128x128xf32, #tpu.memory_space<vmem>>) dst(%dma_wait3A_136 : memref<10240x128xf32, #tpu.memory_space<vmem_shared>>)
        tpu.yield
      }) : () -> ()
    }
    %scan3A_63 = arith.constant 20 : i32
    %mul3A_64 = arith.constant 160 : i32
    %mul3A_65 = arith.muli %add3A, %mul3A_64 : i32
    %add3A_66 = arith.constant 120 : i32
    %add3A_67 = arith.addi %mul3A_65, %add3A_66 : i32
    "tpu.region"() ({
      %run_scoped3A = tpu.sem_alloc : memref<!tpu.dma_semaphore, #tpu.memory_space<semaphore_mem>>
      %dma_start3A_89 = arith.constant 0 : i32
      %dma_start3A_90 = tpu.memref_slice %arg3[%add3A_67, %dma_start3A_89] : memref<5120x128xi32, #tpu.memory_space<hbm>> -> memref<40x128xi32, #tpu.memory_space<hbm>>
      %dma_start3A_91 = arith.constant 0 : i32
      %dma_start3A_92 = tpu.memref_slice %arg3[%add3A_67, %dma_start3A_91] : memref<5120x128xi32, #tpu.memory_space<hbm>> -> memref<40x128xi32, #tpu.memory_space<hbm>>
      tpu.enqueue_dma source(%dma_start3A_92 : memref<40x128xi32, #tpu.memory_space<hbm>>) target(%arg8 : memref<40x128xi32, #tpu.memory_space<vmem>>) target_semaphore(%run_scoped3A : memref<!tpu.dma_semaphore, #tpu.memory_space<semaphore_mem>>)
      %dma_wait3A = arith.constant 0 : i32
      %dma_wait3A_93 = tpu.memref_slice %arg3[%add3A_67, %dma_wait3A] : memref<5120x128xi32, #tpu.memory_space<hbm>> -> memref<40x128xi32, #tpu.memory_space<hbm>>
      %dma_wait3A_94 = arith.constant 0 : i32
      %dma_wait3A_95 = tpu.memref_slice %arg3[%add3A_67, %dma_wait3A_94] : memref<5120x128xi32, #tpu.memory_space<hbm>> -> memref<40x128xi32, #tpu.memory_space<hbm>>
      tpu.wait_dma2 semaphore(%run_scoped3A : memref<!tpu.dma_semaphore, #tpu.memory_space<semaphore_mem>>) src(%dma_wait3A_95 : memref<40x128xi32, #tpu.memory_space<hbm>>) dst(%arg8 : memref<40x128xi32, #tpu.memory_space<vmem>>)
      tpu.yield
    }) : () -> ()
    %mul3A_68 = arith.constant 160 : i32
    %mul3A_69 = arith.muli %arg1, %mul3A_68 : i32
    %add3A_70 = arith.constant 120 : i32
    %add3A_71 = arith.addi %mul3A_69, %add3A_70 : i32
    "tpu.region"() ({
      %run_scoped3A = tpu.sem_alloc : memref<!tpu.dma_semaphore, #tpu.memory_space<semaphore_mem>>
      %dma_start3A_89 = arith.constant 0 : i32
      %dma_start3A_90 = tpu.memref_slice %arg4[%add3A_71, %dma_start3A_89] : memref<2560x128xi32, #tpu.memory_space<hbm>> -> memref<40x128xi32, #tpu.memory_space<hbm>>
      %dma_start3A_91 = arith.constant 0 : i32
      %dma_start3A_92 = tpu.memref_slice %arg4[%add3A_71, %dma_start3A_91] : memref<2560x128xi32, #tpu.memory_space<hbm>> -> memref<40x128xi32, #tpu.memory_space<hbm>>
      tpu.enqueue_dma source(%dma_start3A_92 : memref<40x128xi32, #tpu.memory_space<hbm>>) target(%arg9 : memref<40x128xi32, #tpu.memory_space<vmem>>) target_semaphore(%run_scoped3A : memref<!tpu.dma_semaphore, #tpu.memory_space<semaphore_mem>>)
      %dma_wait3A = arith.constant 0 : i32
      %dma_wait3A_93 = tpu.memref_slice %arg4[%add3A_71, %dma_wait3A] : memref<2560x128xi32, #tpu.memory_space<hbm>> -> memref<40x128xi32, #tpu.memory_space<hbm>>
      %dma_wait3A_94 = arith.constant 0 : i32
      %dma_wait3A_95 = tpu.memref_slice %arg4[%add3A_71, %dma_wait3A_94] : memref<2560x128xi32, #tpu.memory_space<hbm>> -> memref<40x128xi32, #tpu.memory_space<hbm>>
      tpu.wait_dma2 semaphore(%run_scoped3A : memref<!tpu.dma_semaphore, #tpu.memory_space<semaphore_mem>>) src(%dma_wait3A_95 : memref<40x128xi32, #tpu.memory_space<hbm>>) dst(%arg9 : memref<40x128xi32, #tpu.memory_space<vmem>>)
      tpu.yield
    }) : () -> ()
    %dma_start3A_72 = arith.constant 0 : i32
    %dma_start3A_73 = arith.constant 0 : i32
    %dma_start3A_74 = tpu.memref_slice %arg8[%dma_start3A_72, %dma_start3A_73] : memref<40x128xi32, #tpu.memory_space<vmem>> -> memref<1x128xi32, #tpu.memory_space<vmem>>
    %dma_start3A_75 = tpu.memref_squeeze %dma_start3A_74 : memref<1x128xi32, #tpu.memory_space<vmem>> -> memref<128xi32, #tpu.memory_space<vmem>>
    %dma_start3A_76 = arith.constant 0 : i32
    %dma_start3A_77 = arith.constant 0 : i32
    %dma_start3A_78 = tpu.memref_slice %arg2[%dma_start3A_76, %dma_start3A_77] : memref<20480x128xf32, #tpu.memory_space<hbm>> -> memref<20480x128xf32, #tpu.memory_space<hbm>>
    tpu.enqueue_indirect_dma source(%dma_start3A_78 : memref<20480x128xf32, #tpu.memory_space<hbm>>) target(%arg10 : memref<128x128xf32, #tpu.memory_space<vmem>>) offsets(%dma_start3A_75 : memref<128xi32, #tpu.memory_space<vmem>>) semaphore(%arg12 : memref<!tpu.dma_semaphore, #tpu.memory_space<semaphore_mem>>)
    %scan3A_79 = arith.constant 0 : i32
    %scan3A_80 = arith.constant 0 : i32
    %scan3A_81 = arith.constant 20 : i32
    %scan3A_82 = arith.addi %scan3A_80, %scan3A_81 : i32
    %scan3A_83 = arith.constant 1 : i32
    scf.for %scan3A_89 = %scan3A_80 to %scan3A_82 step %scan3A_83  : i32 {
      %mul3A_90 = arith.constant 2 : i32
      %mul3A_91 = arith.muli %mul3A_90, %scan3A_89 : i32
      %add3A_92 = arith.constant 1 : i32
      %add3A_93 = arith.addi %mul3A_91, %add3A_92 : i32
      %dma_start3A_94 = arith.constant 0 : i32
      %dma_start3A_95 = tpu.memref_slice %arg8[%add3A_93, %dma_start3A_94] : memref<40x128xi32, #tpu.memory_space<vmem>> -> memref<1x128xi32, #tpu.memory_space<vmem>>
      %dma_start3A_96 = tpu.memref_squeeze %dma_start3A_95 : memref<1x128xi32, #tpu.memory_space<vmem>> -> memref<128xi32, #tpu.memory_space<vmem>>
      %dma_start3A_97 = arith.constant 0 : i32
      %dma_start3A_98 = arith.constant 0 : i32
      %dma_start3A_99 = tpu.memref_slice %arg2[%dma_start3A_97, %dma_start3A_98] : memref<20480x128xf32, #tpu.memory_space<hbm>> -> memref<20480x128xf32, #tpu.memory_space<hbm>>
      tpu.enqueue_indirect_dma source(%dma_start3A_99 : memref<20480x128xf32, #tpu.memory_space<hbm>>) target(%arg11 : memref<128x128xf32, #tpu.memory_space<vmem>>) offsets(%dma_start3A_96 : memref<128xi32, #tpu.memory_space<vmem>>) semaphore(%arg13 : memref<!tpu.dma_semaphore, #tpu.memory_space<semaphore_mem>>)
      %mul3A_100 = arith.constant 2 : i32
      %mul3A_101 = arith.muli %mul3A_100, %scan3A_89 : i32
      %dma_wait3A = arith.constant 0 : i32
      %dma_wait3A_102 = tpu.memref_slice %arg8[%mul3A_101, %dma_wait3A] : memref<40x128xi32, #tpu.memory_space<vmem>> -> memref<1x128xi32, #tpu.memory_space<vmem>>
      %dma_wait3A_103 = tpu.memref_squeeze %dma_wait3A_102 : memref<1x128xi32, #tpu.memory_space<vmem>> -> memref<128xi32, #tpu.memory_space<vmem>>
      %dma_wait3A_104 = arith.constant 0 : i32
      %dma_wait3A_105 = arith.constant 0 : i32
      %dma_wait3A_106 = tpu.memref_slice %arg2[%dma_wait3A_104, %dma_wait3A_105] : memref<20480x128xf32, #tpu.memory_space<hbm>> -> memref<20480x128xf32, #tpu.memory_space<hbm>>
      tpu.wait_indirect_dma semaphore(%arg12 : memref<!tpu.dma_semaphore, #tpu.memory_space<semaphore_mem>>) src(%dma_wait3A_106 : memref<20480x128xf32, #tpu.memory_space<hbm>>) dst(%arg10 : memref<128x128xf32, #tpu.memory_space<vmem>>)
      %mul3A_107 = arith.constant 2 : i32
      %mul3A_108 = arith.muli %mul3A_107, %scan3A_89 : i32
      "tpu.region"() ({
        %run_scoped3A = tpu.sem_alloc : memref<!tpu.dma_semaphore, #tpu.memory_space<semaphore_mem>>
        %dma_start3A_125 = arith.constant 0 : i32
        %dma_start3A_126 = tpu.memref_slice %arg9[%mul3A_108, %dma_start3A_125] : memref<40x128xi32, #tpu.memory_space<vmem>> -> memref<1x128xi32, #tpu.memory_space<vmem>>
        %dma_start3A_127 = tpu.memref_squeeze %dma_start3A_126 : memref<1x128xi32, #tpu.memory_space<vmem>> -> memref<128xi32, #tpu.memory_space<vmem>>
        %dma_start3A_128 = arith.constant 0 : i32
        %dma_start3A_129 = arith.constant 0 : i32
        %dma_start3A_130 = tpu.memref_slice %arg7[%dma_start3A_128, %dma_start3A_129] : memref<10240x128xf32, #tpu.memory_space<vmem_shared>> -> memref<10240x128xf32, #tpu.memory_space<vmem_shared>>
        tpu.enqueue_indirect_dma source(%arg10 : memref<128x128xf32, #tpu.memory_space<vmem>>) target(%dma_start3A_130 : memref<10240x128xf32, #tpu.memory_space<vmem_shared>>) offsets(%dma_start3A_127 : memref<128xi32, #tpu.memory_space<vmem>>) semaphore(%run_scoped3A : memref<!tpu.dma_semaphore, #tpu.memory_space<semaphore_mem>>) {add = true}
        %dma_wait3A_131 = arith.constant 0 : i32
        %dma_wait3A_132 = tpu.memref_slice %arg9[%mul3A_108, %dma_wait3A_131] : memref<40x128xi32, #tpu.memory_space<vmem>> -> memref<1x128xi32, #tpu.memory_space<vmem>>
        %dma_wait3A_133 = tpu.memref_squeeze %dma_wait3A_132 : memref<1x128xi32, #tpu.memory_space<vmem>> -> memref<128xi32, #tpu.memory_space<vmem>>
        %dma_wait3A_134 = arith.constant 0 : i32
        %dma_wait3A_135 = arith.constant 0 : i32
        %dma_wait3A_136 = tpu.memref_slice %arg7[%dma_wait3A_134, %dma_wait3A_135] : memref<10240x128xf32, #tpu.memory_space<vmem_shared>> -> memref<10240x128xf32, #tpu.memory_space<vmem_shared>>
        tpu.wait_indirect_dma semaphore(%run_scoped3A : memref<!tpu.dma_semaphore, #tpu.memory_space<semaphore_mem>>) src(%arg10 : memref<128x128xf32, #tpu.memory_space<vmem>>) dst(%dma_wait3A_136 : memref<10240x128xf32, #tpu.memory_space<vmem_shared>>)
        tpu.yield
      }) : () -> ()
      %lt3A = arith.constant 19 : i32
      %lt3A_109 = arith.cmpi slt, %scan3A_89, %lt3A : i32
      %convert_element_type3A = arith.extui %lt3A_109 : i1 to i32
      %cond3A = arith.constant 0 : i32
      %cond3A_110 = arith.cmpi ne, %convert_element_type3A, %cond3A : i32
      scf.if %cond3A_110 {
        %mul3A_125 = arith.constant 2 : i32
        %mul3A_126 = arith.muli %mul3A_125, %scan3A_89 : i32
        %add3A_127 = arith.constant 2 : i32
        %add3A_128 = arith.addi %mul3A_126, %add3A_127 : i32
        %dma_start3A_129 = arith.constant 0 : i32
        %dma_start3A_130 = tpu.memref_slice %arg8[%add3A_128, %dma_start3A_129] : memref<40x128xi32, #tpu.memory_space<vmem>> -> memref<1x128xi32, #tpu.memory_space<vmem>>
        %dma_start3A_131 = tpu.memref_squeeze %dma_start3A_130 : memref<1x128xi32, #tpu.memory_space<vmem>> -> memref<128xi32, #tpu.memory_space<vmem>>
        %dma_start3A_132 = arith.constant 0 : i32
        %dma_start3A_133 = arith.constant 0 : i32
        %dma_start3A_134 = tpu.memref_slice %arg2[%dma_start3A_132, %dma_start3A_133] : memref<20480x128xf32, #tpu.memory_space<hbm>> -> memref<20480x128xf32, #tpu.memory_space<hbm>>
        tpu.enqueue_indirect_dma source(%dma_start3A_134 : memref<20480x128xf32, #tpu.memory_space<hbm>>) target(%arg10 : memref<128x128xf32, #tpu.memory_space<vmem>>) offsets(%dma_start3A_131 : memref<128xi32, #tpu.memory_space<vmem>>) semaphore(%arg12 : memref<!tpu.dma_semaphore, #tpu.memory_space<semaphore_mem>>)
      } else {
      }
      %mul3A_111 = arith.constant 2 : i32
      %mul3A_112 = arith.muli %mul3A_111, %scan3A_89 : i32
      %add3A_113 = arith.constant 1 : i32
      %add3A_114 = arith.addi %mul3A_112, %add3A_113 : i32
      %dma_wait3A_115 = arith.constant 0 : i32
      %dma_wait3A_116 = tpu.memref_slice %arg8[%add3A_114, %dma_wait3A_115] : memref<40x128xi32, #tpu.memory_space<vmem>> -> memref<1x128xi32, #tpu.memory_space<vmem>>
      %dma_wait3A_117 = tpu.memref_squeeze %dma_wait3A_116 : memref<1x128xi32, #tpu.memory_space<vmem>> -> memref<128xi32, #tpu.memory_space<vmem>>
      %dma_wait3A_118 = arith.constant 0 : i32
      %dma_wait3A_119 = arith.constant 0 : i32
      %dma_wait3A_120 = tpu.memref_slice %arg2[%dma_wait3A_118, %dma_wait3A_119] : memref<20480x128xf32, #tpu.memory_space<hbm>> -> memref<20480x128xf32, #tpu.memory_space<hbm>>
      tpu.wait_indirect_dma semaphore(%arg13 : memref<!tpu.dma_semaphore, #tpu.memory_space<semaphore_mem>>) src(%dma_wait3A_120 : memref<20480x128xf32, #tpu.memory_space<hbm>>) dst(%arg11 : memref<128x128xf32, #tpu.memory_space<vmem>>)
      %mul3A_121 = arith.constant 2 : i32
      %mul3A_122 = arith.muli %mul3A_121, %scan3A_89 : i32
      %add3A_123 = arith.constant 1 : i32
      %add3A_124 = arith.addi %mul3A_122, %add3A_123 : i32
      "tpu.region"() ({
        %run_scoped3A = tpu.sem_alloc : memref<!tpu.dma_semaphore, #tpu.memory_space<semaphore_mem>>
        %dma_start3A_125 = arith.constant 0 : i32
        %dma_start3A_126 = tpu.memref_slice %arg9[%add3A_124, %dma_start3A_125] : memref<40x128xi32, #tpu.memory_space<vmem>> -> memref<1x128xi32, #tpu.memory_space<vmem>>
        %dma_start3A_127 = tpu.memref_squeeze %dma_start3A_126 : memref<1x128xi32, #tpu.memory_space<vmem>> -> memref<128xi32, #tpu.memory_space<vmem>>
        %dma_start3A_128 = arith.constant 0 : i32
        %dma_start3A_129 = arith.constant 0 : i32
        %dma_start3A_130 = tpu.memref_slice %arg7[%dma_start3A_128, %dma_start3A_129] : memref<10240x128xf32, #tpu.memory_space<vmem_shared>> -> memref<10240x128xf32, #tpu.memory_space<vmem_shared>>
        tpu.enqueue_indirect_dma source(%arg11 : memref<128x128xf32, #tpu.memory_space<vmem>>) target(%dma_start3A_130 : memref<10240x128xf32, #tpu.memory_space<vmem_shared>>) offsets(%dma_start3A_127 : memref<128xi32, #tpu.memory_space<vmem>>) semaphore(%run_scoped3A : memref<!tpu.dma_semaphore, #tpu.memory_space<semaphore_mem>>) {add = true}
        %dma_wait3A_131 = arith.constant 0 : i32
        %dma_wait3A_132 = tpu.memref_slice %arg9[%add3A_124, %dma_wait3A_131] : memref<40x128xi32, #tpu.memory_space<vmem>> -> memref<1x128xi32, #tpu.memory_space<vmem>>
        %dma_wait3A_133 = tpu.memref_squeeze %dma_wait3A_132 : memref<1x128xi32, #tpu.memory_space<vmem>> -> memref<128xi32, #tpu.memory_space<vmem>>
        %dma_wait3A_134 = arith.constant 0 : i32
        %dma_wait3A_135 = arith.constant 0 : i32
        %dma_wait3A_136 = tpu.memref_slice %arg7[%dma_wait3A_134, %dma_wait3A_135] : memref<10240x128xf32, #tpu.memory_space<vmem_shared>> -> memref<10240x128xf32, #tpu.memory_space<vmem_shared>>
        tpu.wait_indirect_dma semaphore(%run_scoped3A : memref<!tpu.dma_semaphore, #tpu.memory_space<semaphore_mem>>) src(%arg11 : memref<128x128xf32, #tpu.memory_space<vmem>>) dst(%dma_wait3A_136 : memref<10240x128xf32, #tpu.memory_space<vmem_shared>>)
        tpu.yield
      }) : () -> ()
    }
    %scan3A_84 = arith.constant 20 : i32
    %barrier3A_85 = arith.constant 0 : index
    tpu.barrier barrier_id(%barrier3A_85)
    %mul3A_86 = arith.constant 10240 : i32
    %mul3A_87 = arith.muli %arg0, %mul3A_86 : i32
    %add3A_88 = arith.addi %mul3A_87, %mul3A_2 : i32
    "tpu.region"() ({
      %run_scoped3A = tpu.sem_alloc : memref<!tpu.dma_semaphore, #tpu.memory_space<semaphore_mem>>
      %dma_start3A_89 = arith.constant 0 : i32
      %dma_start3A_90 = tpu.memref_slice %arg6[%add3A_88, %dma_start3A_89] : memref<20480x128xf32, #tpu.memory_space<hbm>> -> memref<640x128xf32, #tpu.memory_space<hbm>>
      %dma_start3A_91 = arith.constant 0 : i32
      %dma_start3A_92 = tpu.memref_slice %arg7[%mul3A_2, %dma_start3A_91] : memref<10240x128xf32, #tpu.memory_space<vmem_shared>> -> memref<640x128xf32, #tpu.memory_space<vmem_shared>>
      tpu.enqueue_dma source(%dma_start3A_92 : memref<640x128xf32, #tpu.memory_space<vmem_shared>>) target(%dma_start3A_90 : memref<640x128xf32, #tpu.memory_space<hbm>>) target_semaphore(%run_scoped3A : memref<!tpu.dma_semaphore, #tpu.memory_space<semaphore_mem>>)
      %dma_wait3A = arith.constant 0 : i32
      %dma_wait3A_93 = tpu.memref_slice %arg6[%add3A_88, %dma_wait3A] : memref<20480x128xf32, #tpu.memory_space<hbm>> -> memref<640x128xf32, #tpu.memory_space<hbm>>
      %dma_wait3A_94 = arith.constant 0 : i32
      %dma_wait3A_95 = tpu.memref_slice %arg7[%mul3A_2, %dma_wait3A_94] : memref<10240x128xf32, #tpu.memory_space<vmem_shared>> -> memref<640x128xf32, #tpu.memory_space<vmem_shared>>
      tpu.wait_dma2 semaphore(%run_scoped3A : memref<!tpu.dma_semaphore, #tpu.memory_space<semaphore_mem>>) src(%dma_wait3A_95 : memref<640x128xf32, #tpu.memory_space<vmem_shared>>) dst(%dma_wait3A_93 : memref<640x128xf32, #tpu.memory_space<hbm>>)
      tpu.yield
    }) : () -> ()
    return
  }
}

#map = affine_map<(d0, d1) -> (0, 0, 0)>
#map1 = affine_map<(d0, d1) -> (0, 0)>
module attributes {stable_mosaic.version = 14 : i64} {
  func.func @body(%arg0: i32, %arg1: i32, %arg2: memref<3200x100x16xf32, #tpu.memory_space<hbm>>, %arg3: memref<3200x100xi32, #tpu.memory_space<hbm>>, %arg4: memref<100x16xf32, #tpu.memory_space<hbm>>, %arg5: memref<10240x16xf32, #tpu.memory_space<hbm>>, %arg6: memref<20480x16xf32, #tpu.memory_space<hbm>>, %arg7: memref<20480x16xf32, #tpu.memory_space<hbm>>, %arg8: memref<10240x16xf32, #tpu.memory_space<vmem_shared>>, %arg9: memref<10240x16xf32, #tpu.memory_space<vmem_shared>>, %arg10: memref<100xi32, #tpu.memory_space<vmem>>, %arg11: memref<100x16xf32, #tpu.memory_space<vmem>>, %arg12: memref<100x16xf32, #tpu.memory_space<vmem>>) attributes {dimension_semantics = [#tpu.dimension_semantics<core_parallel>, #tpu.dimension_semantics<subcore_parallel>], iteration_bounds = array<i64: 2, 16>, scalar_prefetch = 0 : i64, scratch_operands = 5 : i64, tpu.core_type = #tpu.core_type<sc_vector_subcore>, window_params = [{transform_indices = #map}, {transform_indices = #map1}, {transform_indices = #map1}, {transform_indices = #map1}, {transform_indices = #map1}, {transform_indices = #map1}]} {
    %mul3A = arith.constant 640 : i32
    %mul3A_0 = arith.muli %arg1, %mul3A : i32
    "tpu.region"() ({
      %run_scoped3A = tpu.sem_alloc : memref<!tpu.dma_semaphore, #tpu.memory_space<semaphore_mem>>
      %dma_start3A = arith.constant 0 : i32
      %dma_start3A_12 = tpu.memref_slice %arg8[%mul3A_0, %dma_start3A] : memref<10240x16xf32, #tpu.memory_space<vmem_shared>> -> memref<640x16xf32, #tpu.memory_space<vmem_shared>>
      %dma_start3A_13 = arith.constant 0 : i32
      %dma_start3A_14 = tpu.memref_slice %arg5[%mul3A_0, %dma_start3A_13] : memref<10240x16xf32, #tpu.memory_space<hbm>> -> memref<640x16xf32, #tpu.memory_space<hbm>>
      tpu.enqueue_dma source(%dma_start3A_14 : memref<640x16xf32, #tpu.memory_space<hbm>>) target(%dma_start3A_12 : memref<640x16xf32, #tpu.memory_space<vmem_shared>>) target_semaphore(%run_scoped3A : memref<!tpu.dma_semaphore, #tpu.memory_space<semaphore_mem>>)
      %dma_wait3A = arith.constant 0 : i32
      %dma_wait3A_15 = tpu.memref_slice %arg8[%mul3A_0, %dma_wait3A] : memref<10240x16xf32, #tpu.memory_space<vmem_shared>> -> memref<640x16xf32, #tpu.memory_space<vmem_shared>>
      %dma_wait3A_16 = arith.constant 0 : i32
      %dma_wait3A_17 = tpu.memref_slice %arg5[%mul3A_0, %dma_wait3A_16] : memref<10240x16xf32, #tpu.memory_space<hbm>> -> memref<640x16xf32, #tpu.memory_space<hbm>>
      tpu.wait_dma2 semaphore(%run_scoped3A : memref<!tpu.dma_semaphore, #tpu.memory_space<semaphore_mem>>) src(%dma_wait3A_17 : memref<640x16xf32, #tpu.memory_space<hbm>>) dst(%dma_wait3A_15 : memref<640x16xf32, #tpu.memory_space<vmem_shared>>)
      tpu.yield
    }) : () -> ()
    "tpu.region"() ({
      %run_scoped3A = tpu.sem_alloc : memref<!tpu.dma_semaphore, #tpu.memory_space<semaphore_mem>>
      %dma_start3A = arith.constant 0 : i32
      %dma_start3A_12 = tpu.memref_slice %arg9[%mul3A_0, %dma_start3A] : memref<10240x16xf32, #tpu.memory_space<vmem_shared>> -> memref<640x16xf32, #tpu.memory_space<vmem_shared>>
      %dma_start3A_13 = arith.constant 0 : i32
      %dma_start3A_14 = tpu.memref_slice %arg5[%mul3A_0, %dma_start3A_13] : memref<10240x16xf32, #tpu.memory_space<hbm>> -> memref<640x16xf32, #tpu.memory_space<hbm>>
      tpu.enqueue_dma source(%dma_start3A_14 : memref<640x16xf32, #tpu.memory_space<hbm>>) target(%dma_start3A_12 : memref<640x16xf32, #tpu.memory_space<vmem_shared>>) target_semaphore(%run_scoped3A : memref<!tpu.dma_semaphore, #tpu.memory_space<semaphore_mem>>)
      %dma_wait3A = arith.constant 0 : i32
      %dma_wait3A_15 = tpu.memref_slice %arg9[%mul3A_0, %dma_wait3A] : memref<10240x16xf32, #tpu.memory_space<vmem_shared>> -> memref<640x16xf32, #tpu.memory_space<vmem_shared>>
      %dma_wait3A_16 = arith.constant 0 : i32
      %dma_wait3A_17 = tpu.memref_slice %arg5[%mul3A_0, %dma_wait3A_16] : memref<10240x16xf32, #tpu.memory_space<hbm>> -> memref<640x16xf32, #tpu.memory_space<hbm>>
      tpu.wait_dma2 semaphore(%run_scoped3A : memref<!tpu.dma_semaphore, #tpu.memory_space<semaphore_mem>>) src(%dma_wait3A_17 : memref<640x16xf32, #tpu.memory_space<hbm>>) dst(%dma_wait3A_15 : memref<640x16xf32, #tpu.memory_space<vmem_shared>>)
      tpu.yield
    }) : () -> ()
    "tpu.region"() ({
      %run_scoped3A = tpu.sem_alloc : memref<!tpu.dma_semaphore, #tpu.memory_space<semaphore_mem>>
      tpu.enqueue_dma source(%arg4 : memref<100x16xf32, #tpu.memory_space<hbm>>) target(%arg12 : memref<100x16xf32, #tpu.memory_space<vmem>>) target_semaphore(%run_scoped3A : memref<!tpu.dma_semaphore, #tpu.memory_space<semaphore_mem>>)
      tpu.wait_dma2 semaphore(%run_scoped3A : memref<!tpu.dma_semaphore, #tpu.memory_space<semaphore_mem>>) src(%arg4 : memref<100x16xf32, #tpu.memory_space<hbm>>) dst(%arg12 : memref<100x16xf32, #tpu.memory_space<vmem>>)
      tpu.yield
    }) : () -> ()
    %barrier3A = arith.constant 0 : index
    tpu.barrier barrier_id(%barrier3A)
    %scan3A = arith.constant 0 : i32
    %scan3A_1 = arith.constant 0 : i32
    %scan3A_2 = arith.constant 100 : i32
    %scan3A_3 = arith.addi %scan3A_1, %scan3A_2 : i32
    %scan3A_4 = arith.constant 1 : i32
    scf.for %scan3A_12 = %scan3A_1 to %scan3A_3 step %scan3A_4  : i32 {
      %mul3A_13 = arith.constant 200 : i32
      %mul3A_14 = arith.muli %arg1, %mul3A_13 : i32
      %mul3A_15 = arith.constant 100 : i32
      %mul3A_16 = arith.muli %arg0, %mul3A_15 : i32
      %add3A_17 = arith.addi %mul3A_14, %mul3A_16 : i32
      %add3A_18 = arith.addi %add3A_17, %scan3A_12 : i32
      "tpu.region"() ({
        %run_scoped3A = tpu.sem_alloc : memref<!tpu.dma_semaphore, #tpu.memory_space<semaphore_mem>>
        %dma_start3A = arith.constant 0 : i32
        %dma_start3A_19 = tpu.memref_slice %arg3[%add3A_18, %dma_start3A] : memref<3200x100xi32, #tpu.memory_space<hbm>> -> memref<1x100xi32, #tpu.memory_space<hbm>>
        %dma_start3A_20 = tpu.memref_squeeze %dma_start3A_19 : memref<1x100xi32, #tpu.memory_space<hbm>> -> memref<100xi32, #tpu.memory_space<hbm>>
        %dma_start3A_21 = arith.constant 0 : i32
        %dma_start3A_22 = tpu.memref_slice %arg3[%add3A_18, %dma_start3A_21] : memref<3200x100xi32, #tpu.memory_space<hbm>> -> memref<1x100xi32, #tpu.memory_space<hbm>>
        %dma_start3A_23 = tpu.memref_squeeze %dma_start3A_22 : memref<1x100xi32, #tpu.memory_space<hbm>> -> memref<100xi32, #tpu.memory_space<hbm>>
        tpu.enqueue_dma source(%dma_start3A_23 : memref<100xi32, #tpu.memory_space<hbm>>) target(%arg10 : memref<100xi32, #tpu.memory_space<vmem>>) target_semaphore(%run_scoped3A : memref<!tpu.dma_semaphore, #tpu.memory_space<semaphore_mem>>)
        %dma_wait3A = arith.constant 0 : i32
        %dma_wait3A_24 = tpu.memref_slice %arg3[%add3A_18, %dma_wait3A] : memref<3200x100xi32, #tpu.memory_space<hbm>> -> memref<1x100xi32, #tpu.memory_space<hbm>>
        %dma_wait3A_25 = tpu.memref_squeeze %dma_wait3A_24 : memref<1x100xi32, #tpu.memory_space<hbm>> -> memref<100xi32, #tpu.memory_space<hbm>>
        %dma_wait3A_26 = arith.constant 0 : i32
        %dma_wait3A_27 = tpu.memref_slice %arg3[%add3A_18, %dma_wait3A_26] : memref<3200x100xi32, #tpu.memory_space<hbm>> -> memref<1x100xi32, #tpu.memory_space<hbm>>
        %dma_wait3A_28 = tpu.memref_squeeze %dma_wait3A_27 : memref<1x100xi32, #tpu.memory_space<hbm>> -> memref<100xi32, #tpu.memory_space<hbm>>
        tpu.wait_dma2 semaphore(%run_scoped3A : memref<!tpu.dma_semaphore, #tpu.memory_space<semaphore_mem>>) src(%dma_wait3A_28 : memref<100xi32, #tpu.memory_space<hbm>>) dst(%arg10 : memref<100xi32, #tpu.memory_space<vmem>>)
        tpu.yield
      }) : () -> ()
      "tpu.region"() ({
        %run_scoped3A = tpu.sem_alloc : memref<!tpu.dma_semaphore, #tpu.memory_space<semaphore_mem>>
        %dma_start3A = arith.constant 0 : i32
        %dma_start3A_19 = arith.constant 0 : i32
        %dma_start3A_20 = tpu.memref_slice %arg2[%add3A_18, %dma_start3A, %dma_start3A_19] : memref<3200x100x16xf32, #tpu.memory_space<hbm>> -> memref<1x100x16xf32, #tpu.memory_space<hbm>>
        %dma_start3A_21 = tpu.memref_squeeze %dma_start3A_20 : memref<1x100x16xf32, #tpu.memory_space<hbm>> -> memref<100x16xf32, #tpu.memory_space<hbm>>
        %dma_start3A_22 = arith.constant 0 : i32
        %dma_start3A_23 = arith.constant 0 : i32
        %dma_start3A_24 = tpu.memref_slice %arg2[%add3A_18, %dma_start3A_22, %dma_start3A_23] : memref<3200x100x16xf32, #tpu.memory_space<hbm>> -> memref<1x100x16xf32, #tpu.memory_space<hbm>>
        %dma_start3A_25 = tpu.memref_squeeze %dma_start3A_24 : memref<1x100x16xf32, #tpu.memory_space<hbm>> -> memref<100x16xf32, #tpu.memory_space<hbm>>
        tpu.enqueue_dma source(%dma_start3A_25 : memref<100x16xf32, #tpu.memory_space<hbm>>) target(%arg11 : memref<100x16xf32, #tpu.memory_space<vmem>>) target_semaphore(%run_scoped3A : memref<!tpu.dma_semaphore, #tpu.memory_space<semaphore_mem>>)
        %dma_wait3A = arith.constant 0 : i32
        %dma_wait3A_26 = arith.constant 0 : i32
        %dma_wait3A_27 = tpu.memref_slice %arg2[%add3A_18, %dma_wait3A, %dma_wait3A_26] : memref<3200x100x16xf32, #tpu.memory_space<hbm>> -> memref<1x100x16xf32, #tpu.memory_space<hbm>>
        %dma_wait3A_28 = tpu.memref_squeeze %dma_wait3A_27 : memref<1x100x16xf32, #tpu.memory_space<hbm>> -> memref<100x16xf32, #tpu.memory_space<hbm>>
        %dma_wait3A_29 = arith.constant 0 : i32
        %dma_wait3A_30 = arith.constant 0 : i32
        %dma_wait3A_31 = tpu.memref_slice %arg2[%add3A_18, %dma_wait3A_29, %dma_wait3A_30] : memref<3200x100x16xf32, #tpu.memory_space<hbm>> -> memref<1x100x16xf32, #tpu.memory_space<hbm>>
        %dma_wait3A_32 = tpu.memref_squeeze %dma_wait3A_31 : memref<1x100x16xf32, #tpu.memory_space<hbm>> -> memref<100x16xf32, #tpu.memory_space<hbm>>
        tpu.wait_dma2 semaphore(%run_scoped3A : memref<!tpu.dma_semaphore, #tpu.memory_space<semaphore_mem>>) src(%dma_wait3A_32 : memref<100x16xf32, #tpu.memory_space<hbm>>) dst(%arg11 : memref<100x16xf32, #tpu.memory_space<vmem>>)
        tpu.yield
      }) : () -> ()
      "tpu.region"() ({
        %run_scoped3A = tpu.sem_alloc : memref<!tpu.dma_semaphore, #tpu.memory_space<semaphore_mem>>
        %dma_start3A = arith.constant 0 : i32
        %dma_start3A_19 = arith.constant 0 : i32
        %dma_start3A_20 = tpu.memref_slice %arg8[%dma_start3A, %dma_start3A_19] : memref<10240x16xf32, #tpu.memory_space<vmem_shared>> -> memref<10240x16xf32, #tpu.memory_space<vmem_shared>>
        tpu.enqueue_indirect_dma source(%arg11 : memref<100x16xf32, #tpu.memory_space<vmem>>) target(%dma_start3A_20 : memref<10240x16xf32, #tpu.memory_space<vmem_shared>>) offsets(%arg10 : memref<100xi32, #tpu.memory_space<vmem>>) semaphore(%run_scoped3A : memref<!tpu.dma_semaphore, #tpu.memory_space<semaphore_mem>>) {add = true}
        %dma_wait3A = arith.constant 0 : i32
        %dma_wait3A_21 = arith.constant 0 : i32
        %dma_wait3A_22 = tpu.memref_slice %arg8[%dma_wait3A, %dma_wait3A_21] : memref<10240x16xf32, #tpu.memory_space<vmem_shared>> -> memref<10240x16xf32, #tpu.memory_space<vmem_shared>>
        tpu.wait_indirect_dma semaphore(%run_scoped3A : memref<!tpu.dma_semaphore, #tpu.memory_space<semaphore_mem>>) src(%arg11 : memref<100x16xf32, #tpu.memory_space<vmem>>) dst(%dma_wait3A_22 : memref<10240x16xf32, #tpu.memory_space<vmem_shared>>)
        tpu.yield
      }) : () -> ()
      "tpu.region"() ({
        %run_scoped3A = tpu.sem_alloc : memref<!tpu.dma_semaphore, #tpu.memory_space<semaphore_mem>>
        %dma_start3A = arith.constant 0 : i32
        %dma_start3A_19 = arith.constant 0 : i32
        %dma_start3A_20 = tpu.memref_slice %arg9[%dma_start3A, %dma_start3A_19] : memref<10240x16xf32, #tpu.memory_space<vmem_shared>> -> memref<10240x16xf32, #tpu.memory_space<vmem_shared>>
        tpu.enqueue_indirect_dma source(%arg12 : memref<100x16xf32, #tpu.memory_space<vmem>>) target(%dma_start3A_20 : memref<10240x16xf32, #tpu.memory_space<vmem_shared>>) offsets(%arg10 : memref<100xi32, #tpu.memory_space<vmem>>) semaphore(%run_scoped3A : memref<!tpu.dma_semaphore, #tpu.memory_space<semaphore_mem>>) {add = true}
        %dma_wait3A = arith.constant 0 : i32
        %dma_wait3A_21 = arith.constant 0 : i32
        %dma_wait3A_22 = tpu.memref_slice %arg9[%dma_wait3A, %dma_wait3A_21] : memref<10240x16xf32, #tpu.memory_space<vmem_shared>> -> memref<10240x16xf32, #tpu.memory_space<vmem_shared>>
        tpu.wait_indirect_dma semaphore(%run_scoped3A : memref<!tpu.dma_semaphore, #tpu.memory_space<semaphore_mem>>) src(%arg12 : memref<100x16xf32, #tpu.memory_space<vmem>>) dst(%dma_wait3A_22 : memref<10240x16xf32, #tpu.memory_space<vmem_shared>>)
        tpu.yield
      }) : () -> ()
    }
    %scan3A_5 = arith.constant 100 : i32
    %barrier3A_6 = arith.constant 0 : index
    tpu.barrier barrier_id(%barrier3A_6)
    %mul3A_7 = arith.constant 10240 : i32
    %mul3A_8 = arith.muli %arg0, %mul3A_7 : i32
    %add3A = arith.addi %mul3A_8, %mul3A_0 : i32
    "tpu.region"() ({
      %run_scoped3A = tpu.sem_alloc : memref<!tpu.dma_semaphore, #tpu.memory_space<semaphore_mem>>
      %dma_start3A = arith.constant 0 : i32
      %dma_start3A_12 = tpu.memref_slice %arg6[%add3A, %dma_start3A] : memref<20480x16xf32, #tpu.memory_space<hbm>> -> memref<640x16xf32, #tpu.memory_space<hbm>>
      %dma_start3A_13 = arith.constant 0 : i32
      %dma_start3A_14 = tpu.memref_slice %arg8[%mul3A_0, %dma_start3A_13] : memref<10240x16xf32, #tpu.memory_space<vmem_shared>> -> memref<640x16xf32, #tpu.memory_space<vmem_shared>>
      tpu.enqueue_dma source(%dma_start3A_14 : memref<640x16xf32, #tpu.memory_space<vmem_shared>>) target(%dma_start3A_12 : memref<640x16xf32, #tpu.memory_space<hbm>>) target_semaphore(%run_scoped3A : memref<!tpu.dma_semaphore, #tpu.memory_space<semaphore_mem>>)
      %dma_wait3A = arith.constant 0 : i32
      %dma_wait3A_15 = tpu.memref_slice %arg6[%add3A, %dma_wait3A] : memref<20480x16xf32, #tpu.memory_space<hbm>> -> memref<640x16xf32, #tpu.memory_space<hbm>>
      %dma_wait3A_16 = arith.constant 0 : i32
      %dma_wait3A_17 = tpu.memref_slice %arg8[%mul3A_0, %dma_wait3A_16] : memref<10240x16xf32, #tpu.memory_space<vmem_shared>> -> memref<640x16xf32, #tpu.memory_space<vmem_shared>>
      tpu.wait_dma2 semaphore(%run_scoped3A : memref<!tpu.dma_semaphore, #tpu.memory_space<semaphore_mem>>) src(%dma_wait3A_17 : memref<640x16xf32, #tpu.memory_space<vmem_shared>>) dst(%dma_wait3A_15 : memref<640x16xf32, #tpu.memory_space<hbm>>)
      tpu.yield
    }) : () -> ()
    %mul3A_9 = arith.constant 10240 : i32
    %mul3A_10 = arith.muli %arg0, %mul3A_9 : i32
    %add3A_11 = arith.addi %mul3A_10, %mul3A_0 : i32
    "tpu.region"() ({
      %run_scoped3A = tpu.sem_alloc : memref<!tpu.dma_semaphore, #tpu.memory_space<semaphore_mem>>
      %dma_start3A = arith.constant 0 : i32
      %dma_start3A_12 = tpu.memref_slice %arg7[%add3A_11, %dma_start3A] : memref<20480x16xf32, #tpu.memory_space<hbm>> -> memref<640x16xf32, #tpu.memory_space<hbm>>
      %dma_start3A_13 = arith.constant 0 : i32
      %dma_start3A_14 = tpu.memref_slice %arg9[%mul3A_0, %dma_start3A_13] : memref<10240x16xf32, #tpu.memory_space<vmem_shared>> -> memref<640x16xf32, #tpu.memory_space<vmem_shared>>
      tpu.enqueue_dma source(%dma_start3A_14 : memref<640x16xf32, #tpu.memory_space<vmem_shared>>) target(%dma_start3A_12 : memref<640x16xf32, #tpu.memory_space<hbm>>) target_semaphore(%run_scoped3A : memref<!tpu.dma_semaphore, #tpu.memory_space<semaphore_mem>>)
      %dma_wait3A = arith.constant 0 : i32
      %dma_wait3A_15 = tpu.memref_slice %arg7[%add3A_11, %dma_wait3A] : memref<20480x16xf32, #tpu.memory_space<hbm>> -> memref<640x16xf32, #tpu.memory_space<hbm>>
      %dma_wait3A_16 = arith.constant 0 : i32
      %dma_wait3A_17 = tpu.memref_slice %arg9[%mul3A_0, %dma_wait3A_16] : memref<10240x16xf32, #tpu.memory_space<vmem_shared>> -> memref<640x16xf32, #tpu.memory_space<vmem_shared>>
      tpu.wait_dma2 semaphore(%run_scoped3A : memref<!tpu.dma_semaphore, #tpu.memory_space<semaphore_mem>>) src(%dma_wait3A_17 : memref<640x16xf32, #tpu.memory_space<vmem_shared>>) dst(%dma_wait3A_15 : memref<640x16xf32, #tpu.memory_space<hbm>>)
      tpu.yield
    }) : () -> ()
    return
  }
}

#map = affine_map<(d0, d1) -> (0, 0)>
module attributes {stable_mosaic.version = 14 : i64} {
  func.func @body(%arg0: i32, %arg1: i32, %arg2: memref<20480x128xf32, #tpu.memory_space<hbm>>, %arg3: memref<5120x128xi32, #tpu.memory_space<hbm>>, %arg4: memref<2560x128xi32, #tpu.memory_space<hbm>>, %arg5: memref<10240x128xf32, #tpu.memory_space<hbm>>, %arg6: memref<20480x128xf32, #tpu.memory_space<hbm>>, %arg7: memref<10240x128xf32, #tpu.memory_space<vmem_shared>>, %arg8: memref<40x128xi32, #tpu.memory_space<vmem>>, %arg9: memref<40x128xi32, #tpu.memory_space<vmem>>, %arg10: memref<128x128xf32, #tpu.memory_space<vmem>>, %arg11: memref<128x128xf32, #tpu.memory_space<vmem>>, %arg12: memref<!tpu.dma_semaphore, #tpu.memory_space<semaphore_mem>>, %arg13: memref<!tpu.dma_semaphore, #tpu.memory_space<semaphore_mem>>) attributes {dimension_semantics = [#tpu.dimension_semantics<core_parallel>, #tpu.dimension_semantics<subcore_parallel>], iteration_bounds = array<i64: 2, 16>, scalar_prefetch = 0 : i64, scratch_operands = 7 : i64, tpu.core_type = #tpu.core_type<sc_vector_subcore>, window_params = [{transform_indices = #map}, {transform_indices = #map}, {transform_indices = #map}, {transform_indices = #map}, {transform_indices = #map}]} {
    %mul3A = arith.constant 16 : i32
    %mul3A_0 = arith.muli %arg0, %mul3A : i32
    %add3A = arith.addi %mul3A_0, %arg1 : i32
    %mul3A_1 = arith.constant 640 : i32
    %mul3A_2 = arith.muli %arg1, %mul3A_1 : i32
    "tpu.region"() ({
      %run_scoped3A = tpu.sem_alloc : memref<!tpu.dma_semaphore, #tpu.memory_space<semaphore_mem>>
      %dma_start3A_89 = arith.constant 0 : i32
      %dma_start3A_90 = tpu.memref_slice %arg7[%mul3A_2, %dma_start3A_89] : memref<10240x128xf32, #tpu.memory_space<vmem_shared>> -> memref<640x128xf32, #tpu.memory_space<vmem_shared>>
      %dma_start3A_91 = arith.constant 0 : i32
      %dma_start3A_92 = tpu.memref_slice %arg5[%mul3A_2, %dma_start3A_91] : memref<10240x128xf32, #tpu.memory_space<hbm>> -> memref<640x128xf32, #tpu.memory_space<hbm>>
      tpu.enqueue_dma source(%dma_start3A_92 : memref<640x128xf32, #tpu.memory_space<hbm>>) target(%dma_start3A_90 : memref<640x128xf32, #tpu.memory_space<vmem_shared>>) target_semaphore(%run_scoped3A : memref<!tpu.dma_semaphore, #tpu.memory_space<semaphore_mem>>)
      %dma_wait3A = arith.constant 0 : i32
      %dma_wait3A_93 = tpu.memref_slice %arg7[%mul3A_2, %dma_wait3A] : memref<10240x128xf32, #tpu.memory_space<vmem_shared>> -> memref<640x128xf32, #tpu.memory_space<vmem_shared>>
      %dma_wait3A_94 = arith.constant 0 : i32
      %dma_wait3A_95 = tpu.memref_slice %arg5[%mul3A_2, %dma_wait3A_94] : memref<10240x128xf32, #tpu.memory_space<hbm>> -> memref<640x128xf32, #tpu.memory_space<hbm>>
      tpu.wait_dma2 semaphore(%run_scoped3A : memref<!tpu.dma_semaphore, #tpu.memory_space<semaphore_mem>>) src(%dma_wait3A_95 : memref<640x128xf32, #tpu.memory_space<hbm>>) dst(%dma_wait3A_93 : memref<640x128xf32, #tpu.memory_space<vmem_shared>>)
      tpu.yield
    }) : () -> ()
    %barrier3A = arith.constant 0 : index
    tpu.barrier barrier_id(%barrier3A)
    %mul3A_3 = arith.constant 160 : i32
    %mul3A_4 = arith.muli %add3A, %mul3A_3 : i32
    %add3A_5 = arith.constant 0 : i32
    %add3A_6 = arith.addi %mul3A_4, %add3A_5 : i32
    "tpu.region"() ({
      %run_scoped3A = tpu.sem_alloc : memref<!tpu.dma_semaphore, #tpu.memory_space<semaphore_mem>>
      %dma_start3A_89 = arith.constant 0 : i32
      %dma_start3A_90 = tpu.memref_slice %arg3[%add3A_6, %dma_start3A_89] : memref<5120x128xi32, #tpu.memory_space<hbm>> -> memref<40x128xi32, #tpu.memory_space<hbm>>
      %dma_start3A_91 = arith.constant 0 : i32
      %dma_start3A_92 = tpu.memref_slice %arg3[%add3A_6, %dma_start3A_91] : memref<5120x128xi32, #tpu.memory_space<hbm>> -> memref<40x128xi32, #tpu.memory_space<hbm>>
      tpu.enqueue_dma source(%dma_start3A_92 : memref<40x128xi32, #tpu.memory_space<hbm>>) target(%arg8 : memref<40x128xi32, #tpu.memory_space<vmem>>) target_semaphore(%run_scoped3A : memref<!tpu.dma_semaphore, #tpu.memory_space<semaphore_mem>>)
      %dma_wait3A = arith.constant 0 : i32
      %dma_wait3A_93 = tpu.memref_slice %arg3[%add3A_6, %dma_wait3A] : memref<5120x128xi32, #tpu.memory_space<hbm>> -> memref<40x128xi32, #tpu.memory_space<hbm>>
      %dma_wait3A_94 = arith.constant 0 : i32
      %dma_wait3A_95 = tpu.memref_slice %arg3[%add3A_6, %dma_wait3A_94] : memref<5120x128xi32, #tpu.memory_space<hbm>> -> memref<40x128xi32, #tpu.memory_space<hbm>>
      tpu.wait_dma2 semaphore(%run_scoped3A : memref<!tpu.dma_semaphore, #tpu.memory_space<semaphore_mem>>) src(%dma_wait3A_95 : memref<40x128xi32, #tpu.memory_space<hbm>>) dst(%arg8 : memref<40x128xi32, #tpu.memory_space<vmem>>)
      tpu.yield
    }) : () -> ()
    %mul3A_7 = arith.constant 160 : i32
    %mul3A_8 = arith.muli %arg1, %mul3A_7 : i32
    %add3A_9 = arith.constant 0 : i32
    %add3A_10 = arith.addi %mul3A_8, %add3A_9 : i32
    "tpu.region"() ({
      %run_scoped3A = tpu.sem_alloc : memref<!tpu.dma_semaphore, #tpu.memory_space<semaphore_mem>>
      %dma_start3A_89 = arith.constant 0 : i32
      %dma_start3A_90 = tpu.memref_slice %arg4[%add3A_10, %dma_start3A_89] : memref<2560x128xi32, #tpu.memory_space<hbm>> -> memref<40x128xi32, #tpu.memory_space<hbm>>
      %dma_start3A_91 = arith.constant 0 : i32
      %dma_start3A_92 = tpu.memref_slice %arg4[%add3A_10, %dma_start3A_91] : memref<2560x128xi32, #tpu.memory_space<hbm>> -> memref<40x128xi32, #tpu.memory_space<hbm>>
      tpu.enqueue_dma source(%dma_start3A_92 : memref<40x128xi32, #tpu.memory_space<hbm>>) target(%arg9 : memref<40x128xi32, #tpu.memory_space<vmem>>) target_semaphore(%run_scoped3A : memref<!tpu.dma_semaphore, #tpu.memory_space<semaphore_mem>>)
      %dma_wait3A = arith.constant 0 : i32
      %dma_wait3A_93 = tpu.memref_slice %arg4[%add3A_10, %dma_wait3A] : memref<2560x128xi32, #tpu.memory_space<hbm>> -> memref<40x128xi32, #tpu.memory_space<hbm>>
      %dma_wait3A_94 = arith.constant 0 : i32
      %dma_wait3A_95 = tpu.memref_slice %arg4[%add3A_10, %dma_wait3A_94] : memref<2560x128xi32, #tpu.memory_space<hbm>> -> memref<40x128xi32, #tpu.memory_space<hbm>>
      tpu.wait_dma2 semaphore(%run_scoped3A : memref<!tpu.dma_semaphore, #tpu.memory_space<semaphore_mem>>) src(%dma_wait3A_95 : memref<40x128xi32, #tpu.memory_space<hbm>>) dst(%arg9 : memref<40x128xi32, #tpu.memory_space<vmem>>)
      tpu.yield
    }) : () -> ()
    %dma_start3A = arith.constant 0 : i32
    %dma_start3A_11 = arith.constant 0 : i32
    %dma_start3A_12 = tpu.memref_slice %arg8[%dma_start3A, %dma_start3A_11] : memref<40x128xi32, #tpu.memory_space<vmem>> -> memref<1x128xi32, #tpu.memory_space<vmem>>
    %dma_start3A_13 = tpu.memref_squeeze %dma_start3A_12 : memref<1x128xi32, #tpu.memory_space<vmem>> -> memref<128xi32, #tpu.memory_space<vmem>>
    %dma_start3A_14 = arith.constant 0 : i32
    %dma_start3A_15 = arith.constant 0 : i32
    %dma_start3A_16 = tpu.memref_slice %arg2[%dma_start3A_14, %dma_start3A_15] : memref<20480x128xf32, #tpu.memory_space<hbm>> -> memref<20480x128xf32, #tpu.memory_space<hbm>>
    tpu.enqueue_indirect_dma source(%dma_start3A_16 : memref<20480x128xf32, #tpu.memory_space<hbm>>) target(%arg10 : memref<128x128xf32, #tpu.memory_space<vmem>>) offsets(%dma_start3A_13 : memref<128xi32, #tpu.memory_space<vmem>>) semaphore(%arg12 : memref<!tpu.dma_semaphore, #tpu.memory_space<semaphore_mem>>)
    %scan3A = arith.constant 0 : i32
    %scan3A_17 = arith.constant 0 : i32
    %scan3A_18 = arith.constant 20 : i32
    %scan3A_19 = arith.addi %scan3A_17, %scan3A_18 : i32
    %scan3A_20 = arith.constant 1 : i32
    scf.for %scan3A_89 = %scan3A_17 to %scan3A_19 step %scan3A_20  : i32 {
      %mul3A_90 = arith.constant 2 : i32
      %mul3A_91 = arith.muli %mul3A_90, %scan3A_89 : i32
      %add3A_92 = arith.constant 1 : i32
      %add3A_93 = arith.addi %mul3A_91, %add3A_92 : i32
      %dma_start3A_94 = arith.constant 0 : i32
      %dma_start3A_95 = tpu.memref_slice %arg8[%add3A_93, %dma_start3A_94] : memref<40x128xi32, #tpu.memory_space<vmem>> -> memref<1x128xi32, #tpu.memory_space<vmem>>
      %dma_start3A_96 = tpu.memref_squeeze %dma_start3A_95 : memref<1x128xi32, #tpu.memory_space<vmem>> -> memref<128xi32, #tpu.memory_space<vmem>>
      %dma_start3A_97 = arith.constant 0 : i32
      %dma_start3A_98 = arith.constant 0 : i32
      %dma_start3A_99 = tpu.memref_slice %arg2[%dma_start3A_97, %dma_start3A_98] : memref<20480x128xf32, #tpu.memory_space<hbm>> -> memref<20480x128xf32, #tpu.memory_space<hbm>>
      tpu.enqueue_indirect_dma source(%dma_start3A_99 : memref<20480x128xf32, #tpu.memory_space<hbm>>) target(%arg11 : memref<128x128xf32, #tpu.memory_space<vmem>>) offsets(%dma_start3A_96 : memref<128xi32, #tpu.memory_space<vmem>>) semaphore(%arg13 : memref<!tpu.dma_semaphore, #tpu.memory_space<semaphore_mem>>)
      %mul3A_100 = arith.constant 2 : i32
      %mul3A_101 = arith.muli %mul3A_100, %scan3A_89 : i32
      %dma_wait3A = arith.constant 0 : i32
      %dma_wait3A_102 = tpu.memref_slice %arg8[%mul3A_101, %dma_wait3A] : memref<40x128xi32, #tpu.memory_space<vmem>> -> memref<1x128xi32, #tpu.memory_space<vmem>>
      %dma_wait3A_103 = tpu.memref_squeeze %dma_wait3A_102 : memref<1x128xi32, #tpu.memory_space<vmem>> -> memref<128xi32, #tpu.memory_space<vmem>>
      %dma_wait3A_104 = arith.constant 0 : i32
      %dma_wait3A_105 = arith.constant 0 : i32
      %dma_wait3A_106 = tpu.memref_slice %arg2[%dma_wait3A_104, %dma_wait3A_105] : memref<20480x128xf32, #tpu.memory_space<hbm>> -> memref<20480x128xf32, #tpu.memory_space<hbm>>
      tpu.wait_indirect_dma semaphore(%arg12 : memref<!tpu.dma_semaphore, #tpu.memory_space<semaphore_mem>>) src(%dma_wait3A_106 : memref<20480x128xf32, #tpu.memory_space<hbm>>) dst(%arg10 : memref<128x128xf32, #tpu.memory_space<vmem>>)
      %mul3A_107 = arith.constant 2 : i32
      %mul3A_108 = arith.muli %mul3A_107, %scan3A_89 : i32
      "tpu.region"() ({
        %run_scoped3A = tpu.sem_alloc : memref<!tpu.dma_semaphore, #tpu.memory_space<semaphore_mem>>
        %dma_start3A_125 = arith.constant 0 : i32
        %dma_start3A_126 = tpu.memref_slice %arg9[%mul3A_108, %dma_start3A_125] : memref<40x128xi32, #tpu.memory_space<vmem>> -> memref<1x128xi32, #tpu.memory_space<vmem>>
        %dma_start3A_127 = tpu.memref_squeeze %dma_start3A_126 : memref<1x128xi32, #tpu.memory_space<vmem>> -> memref<128xi32, #tpu.memory_space<vmem>>
        %dma_start3A_128 = arith.constant 0 : i32
        %dma_start3A_129 = arith.constant 0 : i32
        %dma_start3A_130 = tpu.memref_slice %arg7[%dma_start3A_128, %dma_start3A_129] : memref<10240x128xf32, #tpu.memory_space<vmem_shared>> -> memref<10240x128xf32, #tpu.memory_space<vmem_shared>>
        tpu.enqueue_indirect_dma source(%arg10 : memref<128x128xf32, #tpu.memory_space<vmem>>) target(%dma_start3A_130 : memref<10240x128xf32, #tpu.memory_space<vmem_shared>>) offsets(%dma_start3A_127 : memref<128xi32, #tpu.memory_space<vmem>>) semaphore(%run_scoped3A : memref<!tpu.dma_semaphore, #tpu.memory_space<semaphore_mem>>) {add = true}
        %dma_wait3A_131 = arith.constant 0 : i32
        %dma_wait3A_132 = tpu.memref_slice %arg9[%mul3A_108, %dma_wait3A_131] : memref<40x128xi32, #tpu.memory_space<vmem>> -> memref<1x128xi32, #tpu.memory_space<vmem>>
        %dma_wait3A_133 = tpu.memref_squeeze %dma_wait3A_132 : memref<1x128xi32, #tpu.memory_space<vmem>> -> memref<128xi32, #tpu.memory_space<vmem>>
        %dma_wait3A_134 = arith.constant 0 : i32
        %dma_wait3A_135 = arith.constant 0 : i32
        %dma_wait3A_136 = tpu.memref_slice %arg7[%dma_wait3A_134, %dma_wait3A_135] : memref<10240x128xf32, #tpu.memory_space<vmem_shared>> -> memref<10240x128xf32, #tpu.memory_space<vmem_shared>>
        tpu.wait_indirect_dma semaphore(%run_scoped3A : memref<!tpu.dma_semaphore, #tpu.memory_space<semaphore_mem>>) src(%arg10 : memref<128x128xf32, #tpu.memory_space<vmem>>) dst(%dma_wait3A_136 : memref<10240x128xf32, #tpu.memory_space<vmem_shared>>)
        tpu.yield
      }) : () -> ()
      %lt3A = arith.constant 19 : i32
      %lt3A_109 = arith.cmpi slt, %scan3A_89, %lt3A : i32
      %convert_element_type3A = arith.extui %lt3A_109 : i1 to i32
      %cond3A = arith.constant 0 : i32
      %cond3A_110 = arith.cmpi ne, %convert_element_type3A, %cond3A : i32
      scf.if %cond3A_110 {
        %mul3A_125 = arith.constant 2 : i32
        %mul3A_126 = arith.muli %mul3A_125, %scan3A_89 : i32
        %add3A_127 = arith.constant 2 : i32
        %add3A_128 = arith.addi %mul3A_126, %add3A_127 : i32
        %dma_start3A_129 = arith.constant 0 : i32
        %dma_start3A_130 = tpu.memref_slice %arg8[%add3A_128, %dma_start3A_129] : memref<40x128xi32, #tpu.memory_space<vmem>> -> memref<1x128xi32, #tpu.memory_space<vmem>>
        %dma_start3A_131 = tpu.memref_squeeze %dma_start3A_130 : memref<1x128xi32, #tpu.memory_space<vmem>> -> memref<128xi32, #tpu.memory_space<vmem>>
        %dma_start3A_132 = arith.constant 0 : i32
        %dma_start3A_133 = arith.constant 0 : i32
        %dma_start3A_134 = tpu.memref_slice %arg2[%dma_start3A_132, %dma_start3A_133] : memref<20480x128xf32, #tpu.memory_space<hbm>> -> memref<20480x128xf32, #tpu.memory_space<hbm>>
        tpu.enqueue_indirect_dma source(%dma_start3A_134 : memref<20480x128xf32, #tpu.memory_space<hbm>>) target(%arg10 : memref<128x128xf32, #tpu.memory_space<vmem>>) offsets(%dma_start3A_131 : memref<128xi32, #tpu.memory_space<vmem>>) semaphore(%arg12 : memref<!tpu.dma_semaphore, #tpu.memory_space<semaphore_mem>>)
      } else {
      }
      %mul3A_111 = arith.constant 2 : i32
      %mul3A_112 = arith.muli %mul3A_111, %scan3A_89 : i32
      %add3A_113 = arith.constant 1 : i32
      %add3A_114 = arith.addi %mul3A_112, %add3A_113 : i32
      %dma_wait3A_115 = arith.constant 0 : i32
      %dma_wait3A_116 = tpu.memref_slice %arg8[%add3A_114, %dma_wait3A_115] : memref<40x128xi32, #tpu.memory_space<vmem>> -> memref<1x128xi32, #tpu.memory_space<vmem>>
      %dma_wait3A_117 = tpu.memref_squeeze %dma_wait3A_116 : memref<1x128xi32, #tpu.memory_space<vmem>> -> memref<128xi32, #tpu.memory_space<vmem>>
      %dma_wait3A_118 = arith.constant 0 : i32
      %dma_wait3A_119 = arith.constant 0 : i32
      %dma_wait3A_120 = tpu.memref_slice %arg2[%dma_wait3A_118, %dma_wait3A_119] : memref<20480x128xf32, #tpu.memory_space<hbm>> -> memref<20480x128xf32, #tpu.memory_space<hbm>>
      tpu.wait_indirect_dma semaphore(%arg13 : memref<!tpu.dma_semaphore, #tpu.memory_space<semaphore_mem>>) src(%dma_wait3A_120 : memref<20480x128xf32, #tpu.memory_space<hbm>>) dst(%arg11 : memref<128x128xf32, #tpu.memory_space<vmem>>)
      %mul3A_121 = arith.constant 2 : i32
      %mul3A_122 = arith.muli %mul3A_121, %scan3A_89 : i32
      %add3A_123 = arith.constant 1 : i32
      %add3A_124 = arith.addi %mul3A_122, %add3A_123 : i32
      "tpu.region"() ({
        %run_scoped3A = tpu.sem_alloc : memref<!tpu.dma_semaphore, #tpu.memory_space<semaphore_mem>>
        %dma_start3A_125 = arith.constant 0 : i32
        %dma_start3A_126 = tpu.memref_slice %arg9[%add3A_124, %dma_start3A_125] : memref<40x128xi32, #tpu.memory_space<vmem>> -> memref<1x128xi32, #tpu.memory_space<vmem>>
        %dma_start3A_127 = tpu.memref_squeeze %dma_start3A_126 : memref<1x128xi32, #tpu.memory_space<vmem>> -> memref<128xi32, #tpu.memory_space<vmem>>
        %dma_start3A_128 = arith.constant 0 : i32
        %dma_start3A_129 = arith.constant 0 : i32
        %dma_start3A_130 = tpu.memref_slice %arg7[%dma_start3A_128, %dma_start3A_129] : memref<10240x128xf32, #tpu.memory_space<vmem_shared>> -> memref<10240x128xf32, #tpu.memory_space<vmem_shared>>
        tpu.enqueue_indirect_dma source(%arg11 : memref<128x128xf32, #tpu.memory_space<vmem>>) target(%dma_start3A_130 : memref<10240x128xf32, #tpu.memory_space<vmem_shared>>) offsets(%dma_start3A_127 : memref<128xi32, #tpu.memory_space<vmem>>) semaphore(%run_scoped3A : memref<!tpu.dma_semaphore, #tpu.memory_space<semaphore_mem>>) {add = true}
        %dma_wait3A_131 = arith.constant 0 : i32
        %dma_wait3A_132 = tpu.memref_slice %arg9[%add3A_124, %dma_wait3A_131] : memref<40x128xi32, #tpu.memory_space<vmem>> -> memref<1x128xi32, #tpu.memory_space<vmem>>
        %dma_wait3A_133 = tpu.memref_squeeze %dma_wait3A_132 : memref<1x128xi32, #tpu.memory_space<vmem>> -> memref<128xi32, #tpu.memory_space<vmem>>
        %dma_wait3A_134 = arith.constant 0 : i32
        %dma_wait3A_135 = arith.constant 0 : i32
        %dma_wait3A_136 = tpu.memref_slice %arg7[%dma_wait3A_134, %dma_wait3A_135] : memref<10240x128xf32, #tpu.memory_space<vmem_shared>> -> memref<10240x128xf32, #tpu.memory_space<vmem_shared>>
        tpu.wait_indirect_dma semaphore(%run_scoped3A : memref<!tpu.dma_semaphore, #tpu.memory_space<semaphore_mem>>) src(%arg11 : memref<128x128xf32, #tpu.memory_space<vmem>>) dst(%dma_wait3A_136 : memref<10240x128xf32, #tpu.memory_space<vmem_shared>>)
        tpu.yield
      }) : () -> ()
    }
    %scan3A_21 = arith.constant 20 : i32
    %mul3A_22 = arith.constant 160 : i32
    %mul3A_23 = arith.muli %add3A, %mul3A_22 : i32
    %add3A_24 = arith.constant 40 : i32
    %add3A_25 = arith.addi %mul3A_23, %add3A_24 : i32
    "tpu.region"() ({
      %run_scoped3A = tpu.sem_alloc : memref<!tpu.dma_semaphore, #tpu.memory_space<semaphore_mem>>
      %dma_start3A_89 = arith.constant 0 : i32
      %dma_start3A_90 = tpu.memref_slice %arg3[%add3A_25, %dma_start3A_89] : memref<5120x128xi32, #tpu.memory_space<hbm>> -> memref<40x128xi32, #tpu.memory_space<hbm>>
      %dma_start3A_91 = arith.constant 0 : i32
      %dma_start3A_92 = tpu.memref_slice %arg3[%add3A_25, %dma_start3A_91] : memref<5120x128xi32, #tpu.memory_space<hbm>> -> memref<40x128xi32, #tpu.memory_space<hbm>>
      tpu.enqueue_dma source(%dma_start3A_92 : memref<40x128xi32, #tpu.memory_space<hbm>>) target(%arg8 : memref<40x128xi32, #tpu.memory_space<vmem>>) target_semaphore(%run_scoped3A : memref<!tpu.dma_semaphore, #tpu.memory_space<semaphore_mem>>)
      %dma_wait3A = arith.constant 0 : i32
      %dma_wait3A_93 = tpu.memref_slice %arg3[%add3A_25, %dma_wait3A] : memref<5120x128xi32, #tpu.memory_space<hbm>> -> memref<40x128xi32, #tpu.memory_space<hbm>>
      %dma_wait3A_94 = arith.constant 0 : i32
      %dma_wait3A_95 = tpu.memref_slice %arg3[%add3A_25, %dma_wait3A_94] : memref<5120x128xi32, #tpu.memory_space<hbm>> -> memref<40x128xi32, #tpu.memory_space<hbm>>
      tpu.wait_dma2 semaphore(%run_scoped3A : memref<!tpu.dma_semaphore, #tpu.memory_space<semaphore_mem>>) src(%dma_wait3A_95 : memref<40x128xi32, #tpu.memory_space<hbm>>) dst(%arg8 : memref<40x128xi32, #tpu.memory_space<vmem>>)
      tpu.yield
    }) : () -> ()
    %mul3A_26 = arith.constant 160 : i32
    %mul3A_27 = arith.muli %arg1, %mul3A_26 : i32
    %add3A_28 = arith.constant 40 : i32
    %add3A_29 = arith.addi %mul3A_27, %add3A_28 : i32
    "tpu.region"() ({
      %run_scoped3A = tpu.sem_alloc : memref<!tpu.dma_semaphore, #tpu.memory_space<semaphore_mem>>
      %dma_start3A_89 = arith.constant 0 : i32
      %dma_start3A_90 = tpu.memref_slice %arg4[%add3A_29, %dma_start3A_89] : memref<2560x128xi32, #tpu.memory_space<hbm>> -> memref<40x128xi32, #tpu.memory_space<hbm>>
      %dma_start3A_91 = arith.constant 0 : i32
      %dma_start3A_92 = tpu.memref_slice %arg4[%add3A_29, %dma_start3A_91] : memref<2560x128xi32, #tpu.memory_space<hbm>> -> memref<40x128xi32, #tpu.memory_space<hbm>>
      tpu.enqueue_dma source(%dma_start3A_92 : memref<40x128xi32, #tpu.memory_space<hbm>>) target(%arg9 : memref<40x128xi32, #tpu.memory_space<vmem>>) target_semaphore(%run_scoped3A : memref<!tpu.dma_semaphore, #tpu.memory_space<semaphore_mem>>)
      %dma_wait3A = arith.constant 0 : i32
      %dma_wait3A_93 = tpu.memref_slice %arg4[%add3A_29, %dma_wait3A] : memref<2560x128xi32, #tpu.memory_space<hbm>> -> memref<40x128xi32, #tpu.memory_space<hbm>>
      %dma_wait3A_94 = arith.constant 0 : i32
      %dma_wait3A_95 = tpu.memref_slice %arg4[%add3A_29, %dma_wait3A_94] : memref<2560x128xi32, #tpu.memory_space<hbm>> -> memref<40x128xi32, #tpu.memory_space<hbm>>
      tpu.wait_dma2 semaphore(%run_scoped3A : memref<!tpu.dma_semaphore, #tpu.memory_space<semaphore_mem>>) src(%dma_wait3A_95 : memref<40x128xi32, #tpu.memory_space<hbm>>) dst(%arg9 : memref<40x128xi32, #tpu.memory_space<vmem>>)
      tpu.yield
    }) : () -> ()
    %dma_start3A_30 = arith.constant 0 : i32
    %dma_start3A_31 = arith.constant 0 : i32
    %dma_start3A_32 = tpu.memref_slice %arg8[%dma_start3A_30, %dma_start3A_31] : memref<40x128xi32, #tpu.memory_space<vmem>> -> memref<1x128xi32, #tpu.memory_space<vmem>>
    %dma_start3A_33 = tpu.memref_squeeze %dma_start3A_32 : memref<1x128xi32, #tpu.memory_space<vmem>> -> memref<128xi32, #tpu.memory_space<vmem>>
    %dma_start3A_34 = arith.constant 0 : i32
    %dma_start3A_35 = arith.constant 0 : i32
    %dma_start3A_36 = tpu.memref_slice %arg2[%dma_start3A_34, %dma_start3A_35] : memref<20480x128xf32, #tpu.memory_space<hbm>> -> memref<20480x128xf32, #tpu.memory_space<hbm>>
    tpu.enqueue_indirect_dma source(%dma_start3A_36 : memref<20480x128xf32, #tpu.memory_space<hbm>>) target(%arg10 : memref<128x128xf32, #tpu.memory_space<vmem>>) offsets(%dma_start3A_33 : memref<128xi32, #tpu.memory_space<vmem>>) semaphore(%arg12 : memref<!tpu.dma_semaphore, #tpu.memory_space<semaphore_mem>>)
    %scan3A_37 = arith.constant 0 : i32
    %scan3A_38 = arith.constant 0 : i32
    %scan3A_39 = arith.constant 20 : i32
    %scan3A_40 = arith.addi %scan3A_38, %scan3A_39 : i32
    %scan3A_41 = arith.constant 1 : i32
    scf.for %scan3A_89 = %scan3A_38 to %scan3A_40 step %scan3A_41  : i32 {
      %mul3A_90 = arith.constant 2 : i32
      %mul3A_91 = arith.muli %mul3A_90, %scan3A_89 : i32
      %add3A_92 = arith.constant 1 : i32
      %add3A_93 = arith.addi %mul3A_91, %add3A_92 : i32
      %dma_start3A_94 = arith.constant 0 : i32
      %dma_start3A_95 = tpu.memref_slice %arg8[%add3A_93, %dma_start3A_94] : memref<40x128xi32, #tpu.memory_space<vmem>> -> memref<1x128xi32, #tpu.memory_space<vmem>>
      %dma_start3A_96 = tpu.memref_squeeze %dma_start3A_95 : memref<1x128xi32, #tpu.memory_space<vmem>> -> memref<128xi32, #tpu.memory_space<vmem>>
      %dma_start3A_97 = arith.constant 0 : i32
      %dma_start3A_98 = arith.constant 0 : i32
      %dma_start3A_99 = tpu.memref_slice %arg2[%dma_start3A_97, %dma_start3A_98] : memref<20480x128xf32, #tpu.memory_space<hbm>> -> memref<20480x128xf32, #tpu.memory_space<hbm>>
      tpu.enqueue_indirect_dma source(%dma_start3A_99 : memref<20480x128xf32, #tpu.memory_space<hbm>>) target(%arg11 : memref<128x128xf32, #tpu.memory_space<vmem>>) offsets(%dma_start3A_96 : memref<128xi32, #tpu.memory_space<vmem>>) semaphore(%arg13 : memref<!tpu.dma_semaphore, #tpu.memory_space<semaphore_mem>>)
      %mul3A_100 = arith.constant 2 : i32
      %mul3A_101 = arith.muli %mul3A_100, %scan3A_89 : i32
      %dma_wait3A = arith.constant 0 : i32
      %dma_wait3A_102 = tpu.memref_slice %arg8[%mul3A_101, %dma_wait3A] : memref<40x128xi32, #tpu.memory_space<vmem>> -> memref<1x128xi32, #tpu.memory_space<vmem>>
      %dma_wait3A_103 = tpu.memref_squeeze %dma_wait3A_102 : memref<1x128xi32, #tpu.memory_space<vmem>> -> memref<128xi32, #tpu.memory_space<vmem>>
      %dma_wait3A_104 = arith.constant 0 : i32
      %dma_wait3A_105 = arith.constant 0 : i32
      %dma_wait3A_106 = tpu.memref_slice %arg2[%dma_wait3A_104, %dma_wait3A_105] : memref<20480x128xf32, #tpu.memory_space<hbm>> -> memref<20480x128xf32, #tpu.memory_space<hbm>>
      tpu.wait_indirect_dma semaphore(%arg12 : memref<!tpu.dma_semaphore, #tpu.memory_space<semaphore_mem>>) src(%dma_wait3A_106 : memref<20480x128xf32, #tpu.memory_space<hbm>>) dst(%arg10 : memref<128x128xf32, #tpu.memory_space<vmem>>)
      %mul3A_107 = arith.constant 2 : i32
      %mul3A_108 = arith.muli %mul3A_107, %scan3A_89 : i32
      "tpu.region"() ({
        %run_scoped3A = tpu.sem_alloc : memref<!tpu.dma_semaphore, #tpu.memory_space<semaphore_mem>>
        %dma_start3A_125 = arith.constant 0 : i32
        %dma_start3A_126 = tpu.memref_slice %arg9[%mul3A_108, %dma_start3A_125] : memref<40x128xi32, #tpu.memory_space<vmem>> -> memref<1x128xi32, #tpu.memory_space<vmem>>
        %dma_start3A_127 = tpu.memref_squeeze %dma_start3A_126 : memref<1x128xi32, #tpu.memory_space<vmem>> -> memref<128xi32, #tpu.memory_space<vmem>>
        %dma_start3A_128 = arith.constant 0 : i32
        %dma_start3A_129 = arith.constant 0 : i32
        %dma_start3A_130 = tpu.memref_slice %arg7[%dma_start3A_128, %dma_start3A_129] : memref<10240x128xf32, #tpu.memory_space<vmem_shared>> -> memref<10240x128xf32, #tpu.memory_space<vmem_shared>>
        tpu.enqueue_indirect_dma source(%arg10 : memref<128x128xf32, #tpu.memory_space<vmem>>) target(%dma_start3A_130 : memref<10240x128xf32, #tpu.memory_space<vmem_shared>>) offsets(%dma_start3A_127 : memref<128xi32, #tpu.memory_space<vmem>>) semaphore(%run_scoped3A : memref<!tpu.dma_semaphore, #tpu.memory_space<semaphore_mem>>) {add = true}
        %dma_wait3A_131 = arith.constant 0 : i32
        %dma_wait3A_132 = tpu.memref_slice %arg9[%mul3A_108, %dma_wait3A_131] : memref<40x128xi32, #tpu.memory_space<vmem>> -> memref<1x128xi32, #tpu.memory_space<vmem>>
        %dma_wait3A_133 = tpu.memref_squeeze %dma_wait3A_132 : memref<1x128xi32, #tpu.memory_space<vmem>> -> memref<128xi32, #tpu.memory_space<vmem>>
        %dma_wait3A_134 = arith.constant 0 : i32
        %dma_wait3A_135 = arith.constant 0 : i32
        %dma_wait3A_136 = tpu.memref_slice %arg7[%dma_wait3A_134, %dma_wait3A_135] : memref<10240x128xf32, #tpu.memory_space<vmem_shared>> -> memref<10240x128xf32, #tpu.memory_space<vmem_shared>>
        tpu.wait_indirect_dma semaphore(%run_scoped3A : memref<!tpu.dma_semaphore, #tpu.memory_space<semaphore_mem>>) src(%arg10 : memref<128x128xf32, #tpu.memory_space<vmem>>) dst(%dma_wait3A_136 : memref<10240x128xf32, #tpu.memory_space<vmem_shared>>)
        tpu.yield
      }) : () -> ()
      %lt3A = arith.constant 19 : i32
      %lt3A_109 = arith.cmpi slt, %scan3A_89, %lt3A : i32
      %convert_element_type3A = arith.extui %lt3A_109 : i1 to i32
      %cond3A = arith.constant 0 : i32
      %cond3A_110 = arith.cmpi ne, %convert_element_type3A, %cond3A : i32
      scf.if %cond3A_110 {
        %mul3A_125 = arith.constant 2 : i32
        %mul3A_126 = arith.muli %mul3A_125, %scan3A_89 : i32
        %add3A_127 = arith.constant 2 : i32
        %add3A_128 = arith.addi %mul3A_126, %add3A_127 : i32
        %dma_start3A_129 = arith.constant 0 : i32
        %dma_start3A_130 = tpu.memref_slice %arg8[%add3A_128, %dma_start3A_129] : memref<40x128xi32, #tpu.memory_space<vmem>> -> memref<1x128xi32, #tpu.memory_space<vmem>>
        %dma_start3A_131 = tpu.memref_squeeze %dma_start3A_130 : memref<1x128xi32, #tpu.memory_space<vmem>> -> memref<128xi32, #tpu.memory_space<vmem>>
        %dma_start3A_132 = arith.constant 0 : i32
        %dma_start3A_133 = arith.constant 0 : i32
        %dma_start3A_134 = tpu.memref_slice %arg2[%dma_start3A_132, %dma_start3A_133] : memref<20480x128xf32, #tpu.memory_space<hbm>> -> memref<20480x128xf32, #tpu.memory_space<hbm>>
        tpu.enqueue_indirect_dma source(%dma_start3A_134 : memref<20480x128xf32, #tpu.memory_space<hbm>>) target(%arg10 : memref<128x128xf32, #tpu.memory_space<vmem>>) offsets(%dma_start3A_131 : memref<128xi32, #tpu.memory_space<vmem>>) semaphore(%arg12 : memref<!tpu.dma_semaphore, #tpu.memory_space<semaphore_mem>>)
      } else {
      }
      %mul3A_111 = arith.constant 2 : i32
      %mul3A_112 = arith.muli %mul3A_111, %scan3A_89 : i32
      %add3A_113 = arith.constant 1 : i32
      %add3A_114 = arith.addi %mul3A_112, %add3A_113 : i32
      %dma_wait3A_115 = arith.constant 0 : i32
      %dma_wait3A_116 = tpu.memref_slice %arg8[%add3A_114, %dma_wait3A_115] : memref<40x128xi32, #tpu.memory_space<vmem>> -> memref<1x128xi32, #tpu.memory_space<vmem>>
      %dma_wait3A_117 = tpu.memref_squeeze %dma_wait3A_116 : memref<1x128xi32, #tpu.memory_space<vmem>> -> memref<128xi32, #tpu.memory_space<vmem>>
      %dma_wait3A_118 = arith.constant 0 : i32
      %dma_wait3A_119 = arith.constant 0 : i32
      %dma_wait3A_120 = tpu.memref_slice %arg2[%dma_wait3A_118, %dma_wait3A_119] : memref<20480x128xf32, #tpu.memory_space<hbm>> -> memref<20480x128xf32, #tpu.memory_space<hbm>>
      tpu.wait_indirect_dma semaphore(%arg13 : memref<!tpu.dma_semaphore, #tpu.memory_space<semaphore_mem>>) src(%dma_wait3A_120 : memref<20480x128xf32, #tpu.memory_space<hbm>>) dst(%arg11 : memref<128x128xf32, #tpu.memory_space<vmem>>)
      %mul3A_121 = arith.constant 2 : i32
      %mul3A_122 = arith.muli %mul3A_121, %scan3A_89 : i32
      %add3A_123 = arith.constant 1 : i32
      %add3A_124 = arith.addi %mul3A_122, %add3A_123 : i32
      "tpu.region"() ({
        %run_scoped3A = tpu.sem_alloc : memref<!tpu.dma_semaphore, #tpu.memory_space<semaphore_mem>>
        %dma_start3A_125 = arith.constant 0 : i32
        %dma_start3A_126 = tpu.memref_slice %arg9[%add3A_124, %dma_start3A_125] : memref<40x128xi32, #tpu.memory_space<vmem>> -> memref<1x128xi32, #tpu.memory_space<vmem>>
        %dma_start3A_127 = tpu.memref_squeeze %dma_start3A_126 : memref<1x128xi32, #tpu.memory_space<vmem>> -> memref<128xi32, #tpu.memory_space<vmem>>
        %dma_start3A_128 = arith.constant 0 : i32
        %dma_start3A_129 = arith.constant 0 : i32
        %dma_start3A_130 = tpu.memref_slice %arg7[%dma_start3A_128, %dma_start3A_129] : memref<10240x128xf32, #tpu.memory_space<vmem_shared>> -> memref<10240x128xf32, #tpu.memory_space<vmem_shared>>
        tpu.enqueue_indirect_dma source(%arg11 : memref<128x128xf32, #tpu.memory_space<vmem>>) target(%dma_start3A_130 : memref<10240x128xf32, #tpu.memory_space<vmem_shared>>) offsets(%dma_start3A_127 : memref<128xi32, #tpu.memory_space<vmem>>) semaphore(%run_scoped3A : memref<!tpu.dma_semaphore, #tpu.memory_space<semaphore_mem>>) {add = true}
        %dma_wait3A_131 = arith.constant 0 : i32
        %dma_wait3A_132 = tpu.memref_slice %arg9[%add3A_124, %dma_wait3A_131] : memref<40x128xi32, #tpu.memory_space<vmem>> -> memref<1x128xi32, #tpu.memory_space<vmem>>
        %dma_wait3A_133 = tpu.memref_squeeze %dma_wait3A_132 : memref<1x128xi32, #tpu.memory_space<vmem>> -> memref<128xi32, #tpu.memory_space<vmem>>
        %dma_wait3A_134 = arith.constant 0 : i32
        %dma_wait3A_135 = arith.constant 0 : i32
        %dma_wait3A_136 = tpu.memref_slice %arg7[%dma_wait3A_134, %dma_wait3A_135] : memref<10240x128xf32, #tpu.memory_space<vmem_shared>> -> memref<10240x128xf32, #tpu.memory_space<vmem_shared>>
        tpu.wait_indirect_dma semaphore(%run_scoped3A : memref<!tpu.dma_semaphore, #tpu.memory_space<semaphore_mem>>) src(%arg11 : memref<128x128xf32, #tpu.memory_space<vmem>>) dst(%dma_wait3A_136 : memref<10240x128xf32, #tpu.memory_space<vmem_shared>>)
        tpu.yield
      }) : () -> ()
    }
    %scan3A_42 = arith.constant 20 : i32
    %mul3A_43 = arith.constant 160 : i32
    %mul3A_44 = arith.muli %add3A, %mul3A_43 : i32
    %add3A_45 = arith.constant 80 : i32
    %add3A_46 = arith.addi %mul3A_44, %add3A_45 : i32
    "tpu.region"() ({
      %run_scoped3A = tpu.sem_alloc : memref<!tpu.dma_semaphore, #tpu.memory_space<semaphore_mem>>
      %dma_start3A_89 = arith.constant 0 : i32
      %dma_start3A_90 = tpu.memref_slice %arg3[%add3A_46, %dma_start3A_89] : memref<5120x128xi32, #tpu.memory_space<hbm>> -> memref<40x128xi32, #tpu.memory_space<hbm>>
      %dma_start3A_91 = arith.constant 0 : i32
      %dma_start3A_92 = tpu.memref_slice %arg3[%add3A_46, %dma_start3A_91] : memref<5120x128xi32, #tpu.memory_space<hbm>> -> memref<40x128xi32, #tpu.memory_space<hbm>>
      tpu.enqueue_dma source(%dma_start3A_92 : memref<40x128xi32, #tpu.memory_space<hbm>>) target(%arg8 : memref<40x128xi32, #tpu.memory_space<vmem>>) target_semaphore(%run_scoped3A : memref<!tpu.dma_semaphore, #tpu.memory_space<semaphore_mem>>)
      %dma_wait3A = arith.constant 0 : i32
      %dma_wait3A_93 = tpu.memref_slice %arg3[%add3A_46, %dma_wait3A] : memref<5120x128xi32, #tpu.memory_space<hbm>> -> memref<40x128xi32, #tpu.memory_space<hbm>>
      %dma_wait3A_94 = arith.constant 0 : i32
      %dma_wait3A_95 = tpu.memref_slice %arg3[%add3A_46, %dma_wait3A_94] : memref<5120x128xi32, #tpu.memory_space<hbm>> -> memref<40x128xi32, #tpu.memory_space<hbm>>
      tpu.wait_dma2 semaphore(%run_scoped3A : memref<!tpu.dma_semaphore, #tpu.memory_space<semaphore_mem>>) src(%dma_wait3A_95 : memref<40x128xi32, #tpu.memory_space<hbm>>) dst(%arg8 : memref<40x128xi32, #tpu.memory_space<vmem>>)
      tpu.yield
    }) : () -> ()
    %mul3A_47 = arith.constant 160 : i32
    %mul3A_48 = arith.muli %arg1, %mul3A_47 : i32
    %add3A_49 = arith.constant 80 : i32
    %add3A_50 = arith.addi %mul3A_48, %add3A_49 : i32
    "tpu.region"() ({
      %run_scoped3A = tpu.sem_alloc : memref<!tpu.dma_semaphore, #tpu.memory_space<semaphore_mem>>
      %dma_start3A_89 = arith.constant 0 : i32
      %dma_start3A_90 = tpu.memref_slice %arg4[%add3A_50, %dma_start3A_89] : memref<2560x128xi32, #tpu.memory_space<hbm>> -> memref<40x128xi32, #tpu.memory_space<hbm>>
      %dma_start3A_91 = arith.constant 0 : i32
      %dma_start3A_92 = tpu.memref_slice %arg4[%add3A_50, %dma_start3A_91] : memref<2560x128xi32, #tpu.memory_space<hbm>> -> memref<40x128xi32, #tpu.memory_space<hbm>>
      tpu.enqueue_dma source(%dma_start3A_92 : memref<40x128xi32, #tpu.memory_space<hbm>>) target(%arg9 : memref<40x128xi32, #tpu.memory_space<vmem>>) target_semaphore(%run_scoped3A : memref<!tpu.dma_semaphore, #tpu.memory_space<semaphore_mem>>)
      %dma_wait3A = arith.constant 0 : i32
      %dma_wait3A_93 = tpu.memref_slice %arg4[%add3A_50, %dma_wait3A] : memref<2560x128xi32, #tpu.memory_space<hbm>> -> memref<40x128xi32, #tpu.memory_space<hbm>>
      %dma_wait3A_94 = arith.constant 0 : i32
      %dma_wait3A_95 = tpu.memref_slice %arg4[%add3A_50, %dma_wait3A_94] : memref<2560x128xi32, #tpu.memory_space<hbm>> -> memref<40x128xi32, #tpu.memory_space<hbm>>
      tpu.wait_dma2 semaphore(%run_scoped3A : memref<!tpu.dma_semaphore, #tpu.memory_space<semaphore_mem>>) src(%dma_wait3A_95 : memref<40x128xi32, #tpu.memory_space<hbm>>) dst(%arg9 : memref<40x128xi32, #tpu.memory_space<vmem>>)
      tpu.yield
    }) : () -> ()
    %dma_start3A_51 = arith.constant 0 : i32
    %dma_start3A_52 = arith.constant 0 : i32
    %dma_start3A_53 = tpu.memref_slice %arg8[%dma_start3A_51, %dma_start3A_52] : memref<40x128xi32, #tpu.memory_space<vmem>> -> memref<1x128xi32, #tpu.memory_space<vmem>>
    %dma_start3A_54 = tpu.memref_squeeze %dma_start3A_53 : memref<1x128xi32, #tpu.memory_space<vmem>> -> memref<128xi32, #tpu.memory_space<vmem>>
    %dma_start3A_55 = arith.constant 0 : i32
    %dma_start3A_56 = arith.constant 0 : i32
    %dma_start3A_57 = tpu.memref_slice %arg2[%dma_start3A_55, %dma_start3A_56] : memref<20480x128xf32, #tpu.memory_space<hbm>> -> memref<20480x128xf32, #tpu.memory_space<hbm>>
    tpu.enqueue_indirect_dma source(%dma_start3A_57 : memref<20480x128xf32, #tpu.memory_space<hbm>>) target(%arg10 : memref<128x128xf32, #tpu.memory_space<vmem>>) offsets(%dma_start3A_54 : memref<128xi32, #tpu.memory_space<vmem>>) semaphore(%arg12 : memref<!tpu.dma_semaphore, #tpu.memory_space<semaphore_mem>>)
    %scan3A_58 = arith.constant 0 : i32
    %scan3A_59 = arith.constant 0 : i32
    %scan3A_60 = arith.constant 20 : i32
    %scan3A_61 = arith.addi %scan3A_59, %scan3A_60 : i32
    %scan3A_62 = arith.constant 1 : i32
    scf.for %scan3A_89 = %scan3A_59 to %scan3A_61 step %scan3A_62  : i32 {
      %mul3A_90 = arith.constant 2 : i32
      %mul3A_91 = arith.muli %mul3A_90, %scan3A_89 : i32
      %add3A_92 = arith.constant 1 : i32
      %add3A_93 = arith.addi %mul3A_91, %add3A_92 : i32
      %dma_start3A_94 = arith.constant 0 : i32
      %dma_start3A_95 = tpu.memref_slice %arg8[%add3A_93, %dma_start3A_94] : memref<40x128xi32, #tpu.memory_space<vmem>> -> memref<1x128xi32, #tpu.memory_space<vmem>>
      %dma_start3A_96 = tpu.memref_squeeze %dma_start3A_95 : memref<1x128xi32, #tpu.memory_space<vmem>> -> memref<128xi32, #tpu.memory_space<vmem>>
      %dma_start3A_97 = arith.constant 0 : i32
      %dma_start3A_98 = arith.constant 0 : i32
      %dma_start3A_99 = tpu.memref_slice %arg2[%dma_start3A_97, %dma_start3A_98] : memref<20480x128xf32, #tpu.memory_space<hbm>> -> memref<20480x128xf32, #tpu.memory_space<hbm>>
      tpu.enqueue_indirect_dma source(%dma_start3A_99 : memref<20480x128xf32, #tpu.memory_space<hbm>>) target(%arg11 : memref<128x128xf32, #tpu.memory_space<vmem>>) offsets(%dma_start3A_96 : memref<128xi32, #tpu.memory_space<vmem>>) semaphore(%arg13 : memref<!tpu.dma_semaphore, #tpu.memory_space<semaphore_mem>>)
      %mul3A_100 = arith.constant 2 : i32
      %mul3A_101 = arith.muli %mul3A_100, %scan3A_89 : i32
      %dma_wait3A = arith.constant 0 : i32
      %dma_wait3A_102 = tpu.memref_slice %arg8[%mul3A_101, %dma_wait3A] : memref<40x128xi32, #tpu.memory_space<vmem>> -> memref<1x128xi32, #tpu.memory_space<vmem>>
      %dma_wait3A_103 = tpu.memref_squeeze %dma_wait3A_102 : memref<1x128xi32, #tpu.memory_space<vmem>> -> memref<128xi32, #tpu.memory_space<vmem>>
      %dma_wait3A_104 = arith.constant 0 : i32
      %dma_wait3A_105 = arith.constant 0 : i32
      %dma_wait3A_106 = tpu.memref_slice %arg2[%dma_wait3A_104, %dma_wait3A_105] : memref<20480x128xf32, #tpu.memory_space<hbm>> -> memref<20480x128xf32, #tpu.memory_space<hbm>>
      tpu.wait_indirect_dma semaphore(%arg12 : memref<!tpu.dma_semaphore, #tpu.memory_space<semaphore_mem>>) src(%dma_wait3A_106 : memref<20480x128xf32, #tpu.memory_space<hbm>>) dst(%arg10 : memref<128x128xf32, #tpu.memory_space<vmem>>)
      %mul3A_107 = arith.constant 2 : i32
      %mul3A_108 = arith.muli %mul3A_107, %scan3A_89 : i32
      "tpu.region"() ({
        %run_scoped3A = tpu.sem_alloc : memref<!tpu.dma_semaphore, #tpu.memory_space<semaphore_mem>>
        %dma_start3A_125 = arith.constant 0 : i32
        %dma_start3A_126 = tpu.memref_slice %arg9[%mul3A_108, %dma_start3A_125] : memref<40x128xi32, #tpu.memory_space<vmem>> -> memref<1x128xi32, #tpu.memory_space<vmem>>
        %dma_start3A_127 = tpu.memref_squeeze %dma_start3A_126 : memref<1x128xi32, #tpu.memory_space<vmem>> -> memref<128xi32, #tpu.memory_space<vmem>>
        %dma_start3A_128 = arith.constant 0 : i32
        %dma_start3A_129 = arith.constant 0 : i32
        %dma_start3A_130 = tpu.memref_slice %arg7[%dma_start3A_128, %dma_start3A_129] : memref<10240x128xf32, #tpu.memory_space<vmem_shared>> -> memref<10240x128xf32, #tpu.memory_space<vmem_shared>>
        tpu.enqueue_indirect_dma source(%arg10 : memref<128x128xf32, #tpu.memory_space<vmem>>) target(%dma_start3A_130 : memref<10240x128xf32, #tpu.memory_space<vmem_shared>>) offsets(%dma_start3A_127 : memref<128xi32, #tpu.memory_space<vmem>>) semaphore(%run_scoped3A : memref<!tpu.dma_semaphore, #tpu.memory_space<semaphore_mem>>) {add = true}
        %dma_wait3A_131 = arith.constant 0 : i32
        %dma_wait3A_132 = tpu.memref_slice %arg9[%mul3A_108, %dma_wait3A_131] : memref<40x128xi32, #tpu.memory_space<vmem>> -> memref<1x128xi32, #tpu.memory_space<vmem>>
        %dma_wait3A_133 = tpu.memref_squeeze %dma_wait3A_132 : memref<1x128xi32, #tpu.memory_space<vmem>> -> memref<128xi32, #tpu.memory_space<vmem>>
        %dma_wait3A_134 = arith.constant 0 : i32
        %dma_wait3A_135 = arith.constant 0 : i32
        %dma_wait3A_136 = tpu.memref_slice %arg7[%dma_wait3A_134, %dma_wait3A_135] : memref<10240x128xf32, #tpu.memory_space<vmem_shared>> -> memref<10240x128xf32, #tpu.memory_space<vmem_shared>>
        tpu.wait_indirect_dma semaphore(%run_scoped3A : memref<!tpu.dma_semaphore, #tpu.memory_space<semaphore_mem>>) src(%arg10 : memref<128x128xf32, #tpu.memory_space<vmem>>) dst(%dma_wait3A_136 : memref<10240x128xf32, #tpu.memory_space<vmem_shared>>)
        tpu.yield
      }) : () -> ()
      %lt3A = arith.constant 19 : i32
      %lt3A_109 = arith.cmpi slt, %scan3A_89, %lt3A : i32
      %convert_element_type3A = arith.extui %lt3A_109 : i1 to i32
      %cond3A = arith.constant 0 : i32
      %cond3A_110 = arith.cmpi ne, %convert_element_type3A, %cond3A : i32
      scf.if %cond3A_110 {
        %mul3A_125 = arith.constant 2 : i32
        %mul3A_126 = arith.muli %mul3A_125, %scan3A_89 : i32
        %add3A_127 = arith.constant 2 : i32
        %add3A_128 = arith.addi %mul3A_126, %add3A_127 : i32
        %dma_start3A_129 = arith.constant 0 : i32
        %dma_start3A_130 = tpu.memref_slice %arg8[%add3A_128, %dma_start3A_129] : memref<40x128xi32, #tpu.memory_space<vmem>> -> memref<1x128xi32, #tpu.memory_space<vmem>>
        %dma_start3A_131 = tpu.memref_squeeze %dma_start3A_130 : memref<1x128xi32, #tpu.memory_space<vmem>> -> memref<128xi32, #tpu.memory_space<vmem>>
        %dma_start3A_132 = arith.constant 0 : i32
        %dma_start3A_133 = arith.constant 0 : i32
        %dma_start3A_134 = tpu.memref_slice %arg2[%dma_start3A_132, %dma_start3A_133] : memref<20480x128xf32, #tpu.memory_space<hbm>> -> memref<20480x128xf32, #tpu.memory_space<hbm>>
        tpu.enqueue_indirect_dma source(%dma_start3A_134 : memref<20480x128xf32, #tpu.memory_space<hbm>>) target(%arg10 : memref<128x128xf32, #tpu.memory_space<vmem>>) offsets(%dma_start3A_131 : memref<128xi32, #tpu.memory_space<vmem>>) semaphore(%arg12 : memref<!tpu.dma_semaphore, #tpu.memory_space<semaphore_mem>>)
      } else {
      }
      %mul3A_111 = arith.constant 2 : i32
      %mul3A_112 = arith.muli %mul3A_111, %scan3A_89 : i32
      %add3A_113 = arith.constant 1 : i32
      %add3A_114 = arith.addi %mul3A_112, %add3A_113 : i32
      %dma_wait3A_115 = arith.constant 0 : i32
      %dma_wait3A_116 = tpu.memref_slice %arg8[%add3A_114, %dma_wait3A_115] : memref<40x128xi32, #tpu.memory_space<vmem>> -> memref<1x128xi32, #tpu.memory_space<vmem>>
      %dma_wait3A_117 = tpu.memref_squeeze %dma_wait3A_116 : memref<1x128xi32, #tpu.memory_space<vmem>> -> memref<128xi32, #tpu.memory_space<vmem>>
      %dma_wait3A_118 = arith.constant 0 : i32
      %dma_wait3A_119 = arith.constant 0 : i32
      %dma_wait3A_120 = tpu.memref_slice %arg2[%dma_wait3A_118, %dma_wait3A_119] : memref<20480x128xf32, #tpu.memory_space<hbm>> -> memref<20480x128xf32, #tpu.memory_space<hbm>>
      tpu.wait_indirect_dma semaphore(%arg13 : memref<!tpu.dma_semaphore, #tpu.memory_space<semaphore_mem>>) src(%dma_wait3A_120 : memref<20480x128xf32, #tpu.memory_space<hbm>>) dst(%arg11 : memref<128x128xf32, #tpu.memory_space<vmem>>)
      %mul3A_121 = arith.constant 2 : i32
      %mul3A_122 = arith.muli %mul3A_121, %scan3A_89 : i32
      %add3A_123 = arith.constant 1 : i32
      %add3A_124 = arith.addi %mul3A_122, %add3A_123 : i32
      "tpu.region"() ({
        %run_scoped3A = tpu.sem_alloc : memref<!tpu.dma_semaphore, #tpu.memory_space<semaphore_mem>>
        %dma_start3A_125 = arith.constant 0 : i32
        %dma_start3A_126 = tpu.memref_slice %arg9[%add3A_124, %dma_start3A_125] : memref<40x128xi32, #tpu.memory_space<vmem>> -> memref<1x128xi32, #tpu.memory_space<vmem>>
        %dma_start3A_127 = tpu.memref_squeeze %dma_start3A_126 : memref<1x128xi32, #tpu.memory_space<vmem>> -> memref<128xi32, #tpu.memory_space<vmem>>
        %dma_start3A_128 = arith.constant 0 : i32
        %dma_start3A_129 = arith.constant 0 : i32
        %dma_start3A_130 = tpu.memref_slice %arg7[%dma_start3A_128, %dma_start3A_129] : memref<10240x128xf32, #tpu.memory_space<vmem_shared>> -> memref<10240x128xf32, #tpu.memory_space<vmem_shared>>
        tpu.enqueue_indirect_dma source(%arg11 : memref<128x128xf32, #tpu.memory_space<vmem>>) target(%dma_start3A_130 : memref<10240x128xf32, #tpu.memory_space<vmem_shared>>) offsets(%dma_start3A_127 : memref<128xi32, #tpu.memory_space<vmem>>) semaphore(%run_scoped3A : memref<!tpu.dma_semaphore, #tpu.memory_space<semaphore_mem>>) {add = true}
        %dma_wait3A_131 = arith.constant 0 : i32
        %dma_wait3A_132 = tpu.memref_slice %arg9[%add3A_124, %dma_wait3A_131] : memref<40x128xi32, #tpu.memory_space<vmem>> -> memref<1x128xi32, #tpu.memory_space<vmem>>
        %dma_wait3A_133 = tpu.memref_squeeze %dma_wait3A_132 : memref<1x128xi32, #tpu.memory_space<vmem>> -> memref<128xi32, #tpu.memory_space<vmem>>
        %dma_wait3A_134 = arith.constant 0 : i32
        %dma_wait3A_135 = arith.constant 0 : i32
        %dma_wait3A_136 = tpu.memref_slice %arg7[%dma_wait3A_134, %dma_wait3A_135] : memref<10240x128xf32, #tpu.memory_space<vmem_shared>> -> memref<10240x128xf32, #tpu.memory_space<vmem_shared>>
        tpu.wait_indirect_dma semaphore(%run_scoped3A : memref<!tpu.dma_semaphore, #tpu.memory_space<semaphore_mem>>) src(%arg11 : memref<128x128xf32, #tpu.memory_space<vmem>>) dst(%dma_wait3A_136 : memref<10240x128xf32, #tpu.memory_space<vmem_shared>>)
        tpu.yield
      }) : () -> ()
    }
    %scan3A_63 = arith.constant 20 : i32
    %mul3A_64 = arith.constant 160 : i32
    %mul3A_65 = arith.muli %add3A, %mul3A_64 : i32
    %add3A_66 = arith.constant 120 : i32
    %add3A_67 = arith.addi %mul3A_65, %add3A_66 : i32
    "tpu.region"() ({
      %run_scoped3A = tpu.sem_alloc : memref<!tpu.dma_semaphore, #tpu.memory_space<semaphore_mem>>
      %dma_start3A_89 = arith.constant 0 : i32
      %dma_start3A_90 = tpu.memref_slice %arg3[%add3A_67, %dma_start3A_89] : memref<5120x128xi32, #tpu.memory_space<hbm>> -> memref<40x128xi32, #tpu.memory_space<hbm>>
      %dma_start3A_91 = arith.constant 0 : i32
      %dma_start3A_92 = tpu.memref_slice %arg3[%add3A_67, %dma_start3A_91] : memref<5120x128xi32, #tpu.memory_space<hbm>> -> memref<40x128xi32, #tpu.memory_space<hbm>>
      tpu.enqueue_dma source(%dma_start3A_92 : memref<40x128xi32, #tpu.memory_space<hbm>>) target(%arg8 : memref<40x128xi32, #tpu.memory_space<vmem>>) target_semaphore(%run_scoped3A : memref<!tpu.dma_semaphore, #tpu.memory_space<semaphore_mem>>)
      %dma_wait3A = arith.constant 0 : i32
      %dma_wait3A_93 = tpu.memref_slice %arg3[%add3A_67, %dma_wait3A] : memref<5120x128xi32, #tpu.memory_space<hbm>> -> memref<40x128xi32, #tpu.memory_space<hbm>>
      %dma_wait3A_94 = arith.constant 0 : i32
      %dma_wait3A_95 = tpu.memref_slice %arg3[%add3A_67, %dma_wait3A_94] : memref<5120x128xi32, #tpu.memory_space<hbm>> -> memref<40x128xi32, #tpu.memory_space<hbm>>
      tpu.wait_dma2 semaphore(%run_scoped3A : memref<!tpu.dma_semaphore, #tpu.memory_space<semaphore_mem>>) src(%dma_wait3A_95 : memref<40x128xi32, #tpu.memory_space<hbm>>) dst(%arg8 : memref<40x128xi32, #tpu.memory_space<vmem>>)
      tpu.yield
    }) : () -> ()
    %mul3A_68 = arith.constant 160 : i32
    %mul3A_69 = arith.muli %arg1, %mul3A_68 : i32
    %add3A_70 = arith.constant 120 : i32
    %add3A_71 = arith.addi %mul3A_69, %add3A_70 : i32
    "tpu.region"() ({
      %run_scoped3A = tpu.sem_alloc : memref<!tpu.dma_semaphore, #tpu.memory_space<semaphore_mem>>
      %dma_start3A_89 = arith.constant 0 : i32
      %dma_start3A_90 = tpu.memref_slice %arg4[%add3A_71, %dma_start3A_89] : memref<2560x128xi32, #tpu.memory_space<hbm>> -> memref<40x128xi32, #tpu.memory_space<hbm>>
      %dma_start3A_91 = arith.constant 0 : i32
      %dma_start3A_92 = tpu.memref_slice %arg4[%add3A_71, %dma_start3A_91] : memref<2560x128xi32, #tpu.memory_space<hbm>> -> memref<40x128xi32, #tpu.memory_space<hbm>>
      tpu.enqueue_dma source(%dma_start3A_92 : memref<40x128xi32, #tpu.memory_space<hbm>>) target(%arg9 : memref<40x128xi32, #tpu.memory_space<vmem>>) target_semaphore(%run_scoped3A : memref<!tpu.dma_semaphore, #tpu.memory_space<semaphore_mem>>)
      %dma_wait3A = arith.constant 0 : i32
      %dma_wait3A_93 = tpu.memref_slice %arg4[%add3A_71, %dma_wait3A] : memref<2560x128xi32, #tpu.memory_space<hbm>> -> memref<40x128xi32, #tpu.memory_space<hbm>>
      %dma_wait3A_94 = arith.constant 0 : i32
      %dma_wait3A_95 = tpu.memref_slice %arg4[%add3A_71, %dma_wait3A_94] : memref<2560x128xi32, #tpu.memory_space<hbm>> -> memref<40x128xi32, #tpu.memory_space<hbm>>
      tpu.wait_dma2 semaphore(%run_scoped3A : memref<!tpu.dma_semaphore, #tpu.memory_space<semaphore_mem>>) src(%dma_wait3A_95 : memref<40x128xi32, #tpu.memory_space<hbm>>) dst(%arg9 : memref<40x128xi32, #tpu.memory_space<vmem>>)
      tpu.yield
    }) : () -> ()
    %dma_start3A_72 = arith.constant 0 : i32
    %dma_start3A_73 = arith.constant 0 : i32
    %dma_start3A_74 = tpu.memref_slice %arg8[%dma_start3A_72, %dma_start3A_73] : memref<40x128xi32, #tpu.memory_space<vmem>> -> memref<1x128xi32, #tpu.memory_space<vmem>>
    %dma_start3A_75 = tpu.memref_squeeze %dma_start3A_74 : memref<1x128xi32, #tpu.memory_space<vmem>> -> memref<128xi32, #tpu.memory_space<vmem>>
    %dma_start3A_76 = arith.constant 0 : i32
    %dma_start3A_77 = arith.constant 0 : i32
    %dma_start3A_78 = tpu.memref_slice %arg2[%dma_start3A_76, %dma_start3A_77] : memref<20480x128xf32, #tpu.memory_space<hbm>> -> memref<20480x128xf32, #tpu.memory_space<hbm>>
    tpu.enqueue_indirect_dma source(%dma_start3A_78 : memref<20480x128xf32, #tpu.memory_space<hbm>>) target(%arg10 : memref<128x128xf32, #tpu.memory_space<vmem>>) offsets(%dma_start3A_75 : memref<128xi32, #tpu.memory_space<vmem>>) semaphore(%arg12 : memref<!tpu.dma_semaphore, #tpu.memory_space<semaphore_mem>>)
    %scan3A_79 = arith.constant 0 : i32
    %scan3A_80 = arith.constant 0 : i32
    %scan3A_81 = arith.constant 20 : i32
    %scan3A_82 = arith.addi %scan3A_80, %scan3A_81 : i32
    %scan3A_83 = arith.constant 1 : i32
    scf.for %scan3A_89 = %scan3A_80 to %scan3A_82 step %scan3A_83  : i32 {
      %mul3A_90 = arith.constant 2 : i32
      %mul3A_91 = arith.muli %mul3A_90, %scan3A_89 : i32
      %add3A_92 = arith.constant 1 : i32
      %add3A_93 = arith.addi %mul3A_91, %add3A_92 : i32
      %dma_start3A_94 = arith.constant 0 : i32
      %dma_start3A_95 = tpu.memref_slice %arg8[%add3A_93, %dma_start3A_94] : memref<40x128xi32, #tpu.memory_space<vmem>> -> memref<1x128xi32, #tpu.memory_space<vmem>>
      %dma_start3A_96 = tpu.memref_squeeze %dma_start3A_95 : memref<1x128xi32, #tpu.memory_space<vmem>> -> memref<128xi32, #tpu.memory_space<vmem>>
      %dma_start3A_97 = arith.constant 0 : i32
      %dma_start3A_98 = arith.constant 0 : i32
      %dma_start3A_99 = tpu.memref_slice %arg2[%dma_start3A_97, %dma_start3A_98] : memref<20480x128xf32, #tpu.memory_space<hbm>> -> memref<20480x128xf32, #tpu.memory_space<hbm>>
      tpu.enqueue_indirect_dma source(%dma_start3A_99 : memref<20480x128xf32, #tpu.memory_space<hbm>>) target(%arg11 : memref<128x128xf32, #tpu.memory_space<vmem>>) offsets(%dma_start3A_96 : memref<128xi32, #tpu.memory_space<vmem>>) semaphore(%arg13 : memref<!tpu.dma_semaphore, #tpu.memory_space<semaphore_mem>>)
      %mul3A_100 = arith.constant 2 : i32
      %mul3A_101 = arith.muli %mul3A_100, %scan3A_89 : i32
      %dma_wait3A = arith.constant 0 : i32
      %dma_wait3A_102 = tpu.memref_slice %arg8[%mul3A_101, %dma_wait3A] : memref<40x128xi32, #tpu.memory_space<vmem>> -> memref<1x128xi32, #tpu.memory_space<vmem>>
      %dma_wait3A_103 = tpu.memref_squeeze %dma_wait3A_102 : memref<1x128xi32, #tpu.memory_space<vmem>> -> memref<128xi32, #tpu.memory_space<vmem>>
      %dma_wait3A_104 = arith.constant 0 : i32
      %dma_wait3A_105 = arith.constant 0 : i32
      %dma_wait3A_106 = tpu.memref_slice %arg2[%dma_wait3A_104, %dma_wait3A_105] : memref<20480x128xf32, #tpu.memory_space<hbm>> -> memref<20480x128xf32, #tpu.memory_space<hbm>>
      tpu.wait_indirect_dma semaphore(%arg12 : memref<!tpu.dma_semaphore, #tpu.memory_space<semaphore_mem>>) src(%dma_wait3A_106 : memref<20480x128xf32, #tpu.memory_space<hbm>>) dst(%arg10 : memref<128x128xf32, #tpu.memory_space<vmem>>)
      %mul3A_107 = arith.constant 2 : i32
      %mul3A_108 = arith.muli %mul3A_107, %scan3A_89 : i32
      "tpu.region"() ({
        %run_scoped3A = tpu.sem_alloc : memref<!tpu.dma_semaphore, #tpu.memory_space<semaphore_mem>>
        %dma_start3A_125 = arith.constant 0 : i32
        %dma_start3A_126 = tpu.memref_slice %arg9[%mul3A_108, %dma_start3A_125] : memref<40x128xi32, #tpu.memory_space<vmem>> -> memref<1x128xi32, #tpu.memory_space<vmem>>
        %dma_start3A_127 = tpu.memref_squeeze %dma_start3A_126 : memref<1x128xi32, #tpu.memory_space<vmem>> -> memref<128xi32, #tpu.memory_space<vmem>>
        %dma_start3A_128 = arith.constant 0 : i32
        %dma_start3A_129 = arith.constant 0 : i32
        %dma_start3A_130 = tpu.memref_slice %arg7[%dma_start3A_128, %dma_start3A_129] : memref<10240x128xf32, #tpu.memory_space<vmem_shared>> -> memref<10240x128xf32, #tpu.memory_space<vmem_shared>>
        tpu.enqueue_indirect_dma source(%arg10 : memref<128x128xf32, #tpu.memory_space<vmem>>) target(%dma_start3A_130 : memref<10240x128xf32, #tpu.memory_space<vmem_shared>>) offsets(%dma_start3A_127 : memref<128xi32, #tpu.memory_space<vmem>>) semaphore(%run_scoped3A : memref<!tpu.dma_semaphore, #tpu.memory_space<semaphore_mem>>) {add = true}
        %dma_wait3A_131 = arith.constant 0 : i32
        %dma_wait3A_132 = tpu.memref_slice %arg9[%mul3A_108, %dma_wait3A_131] : memref<40x128xi32, #tpu.memory_space<vmem>> -> memref<1x128xi32, #tpu.memory_space<vmem>>
        %dma_wait3A_133 = tpu.memref_squeeze %dma_wait3A_132 : memref<1x128xi32, #tpu.memory_space<vmem>> -> memref<128xi32, #tpu.memory_space<vmem>>
        %dma_wait3A_134 = arith.constant 0 : i32
        %dma_wait3A_135 = arith.constant 0 : i32
        %dma_wait3A_136 = tpu.memref_slice %arg7[%dma_wait3A_134, %dma_wait3A_135] : memref<10240x128xf32, #tpu.memory_space<vmem_shared>> -> memref<10240x128xf32, #tpu.memory_space<vmem_shared>>
        tpu.wait_indirect_dma semaphore(%run_scoped3A : memref<!tpu.dma_semaphore, #tpu.memory_space<semaphore_mem>>) src(%arg10 : memref<128x128xf32, #tpu.memory_space<vmem>>) dst(%dma_wait3A_136 : memref<10240x128xf32, #tpu.memory_space<vmem_shared>>)
        tpu.yield
      }) : () -> ()
      %lt3A = arith.constant 19 : i32
      %lt3A_109 = arith.cmpi slt, %scan3A_89, %lt3A : i32
      %convert_element_type3A = arith.extui %lt3A_109 : i1 to i32
      %cond3A = arith.constant 0 : i32
      %cond3A_110 = arith.cmpi ne, %convert_element_type3A, %cond3A : i32
      scf.if %cond3A_110 {
        %mul3A_125 = arith.constant 2 : i32
        %mul3A_126 = arith.muli %mul3A_125, %scan3A_89 : i32
        %add3A_127 = arith.constant 2 : i32
        %add3A_128 = arith.addi %mul3A_126, %add3A_127 : i32
        %dma_start3A_129 = arith.constant 0 : i32
        %dma_start3A_130 = tpu.memref_slice %arg8[%add3A_128, %dma_start3A_129] : memref<40x128xi32, #tpu.memory_space<vmem>> -> memref<1x128xi32, #tpu.memory_space<vmem>>
        %dma_start3A_131 = tpu.memref_squeeze %dma_start3A_130 : memref<1x128xi32, #tpu.memory_space<vmem>> -> memref<128xi32, #tpu.memory_space<vmem>>
        %dma_start3A_132 = arith.constant 0 : i32
        %dma_start3A_133 = arith.constant 0 : i32
        %dma_start3A_134 = tpu.memref_slice %arg2[%dma_start3A_132, %dma_start3A_133] : memref<20480x128xf32, #tpu.memory_space<hbm>> -> memref<20480x128xf32, #tpu.memory_space<hbm>>
        tpu.enqueue_indirect_dma source(%dma_start3A_134 : memref<20480x128xf32, #tpu.memory_space<hbm>>) target(%arg10 : memref<128x128xf32, #tpu.memory_space<vmem>>) offsets(%dma_start3A_131 : memref<128xi32, #tpu.memory_space<vmem>>) semaphore(%arg12 : memref<!tpu.dma_semaphore, #tpu.memory_space<semaphore_mem>>)
      } else {
      }
      %mul3A_111 = arith.constant 2 : i32
      %mul3A_112 = arith.muli %mul3A_111, %scan3A_89 : i32
      %add3A_113 = arith.constant 1 : i32
      %add3A_114 = arith.addi %mul3A_112, %add3A_113 : i32
      %dma_wait3A_115 = arith.constant 0 : i32
      %dma_wait3A_116 = tpu.memref_slice %arg8[%add3A_114, %dma_wait3A_115] : memref<40x128xi32, #tpu.memory_space<vmem>> -> memref<1x128xi32, #tpu.memory_space<vmem>>
      %dma_wait3A_117 = tpu.memref_squeeze %dma_wait3A_116 : memref<1x128xi32, #tpu.memory_space<vmem>> -> memref<128xi32, #tpu.memory_space<vmem>>
      %dma_wait3A_118 = arith.constant 0 : i32
      %dma_wait3A_119 = arith.constant 0 : i32
      %dma_wait3A_120 = tpu.memref_slice %arg2[%dma_wait3A_118, %dma_wait3A_119] : memref<20480x128xf32, #tpu.memory_space<hbm>> -> memref<20480x128xf32, #tpu.memory_space<hbm>>
      tpu.wait_indirect_dma semaphore(%arg13 : memref<!tpu.dma_semaphore, #tpu.memory_space<semaphore_mem>>) src(%dma_wait3A_120 : memref<20480x128xf32, #tpu.memory_space<hbm>>) dst(%arg11 : memref<128x128xf32, #tpu.memory_space<vmem>>)
      %mul3A_121 = arith.constant 2 : i32
      %mul3A_122 = arith.muli %mul3A_121, %scan3A_89 : i32
      %add3A_123 = arith.constant 1 : i32
      %add3A_124 = arith.addi %mul3A_122, %add3A_123 : i32
      "tpu.region"() ({
        %run_scoped3A = tpu.sem_alloc : memref<!tpu.dma_semaphore, #tpu.memory_space<semaphore_mem>>
        %dma_start3A_125 = arith.constant 0 : i32
        %dma_start3A_126 = tpu.memref_slice %arg9[%add3A_124, %dma_start3A_125] : memref<40x128xi32, #tpu.memory_space<vmem>> -> memref<1x128xi32, #tpu.memory_space<vmem>>
        %dma_start3A_127 = tpu.memref_squeeze %dma_start3A_126 : memref<1x128xi32, #tpu.memory_space<vmem>> -> memref<128xi32, #tpu.memory_space<vmem>>
        %dma_start3A_128 = arith.constant 0 : i32
        %dma_start3A_129 = arith.constant 0 : i32
        %dma_start3A_130 = tpu.memref_slice %arg7[%dma_start3A_128, %dma_start3A_129] : memref<10240x128xf32, #tpu.memory_space<vmem_shared>> -> memref<10240x128xf32, #tpu.memory_space<vmem_shared>>
        tpu.enqueue_indirect_dma source(%arg11 : memref<128x128xf32, #tpu.memory_space<vmem>>) target(%dma_start3A_130 : memref<10240x128xf32, #tpu.memory_space<vmem_shared>>) offsets(%dma_start3A_127 : memref<128xi32, #tpu.memory_space<vmem>>) semaphore(%run_scoped3A : memref<!tpu.dma_semaphore, #tpu.memory_space<semaphore_mem>>) {add = true}
        %dma_wait3A_131 = arith.constant 0 : i32
        %dma_wait3A_132 = tpu.memref_slice %arg9[%add3A_124, %dma_wait3A_131] : memref<40x128xi32, #tpu.memory_space<vmem>> -> memref<1x128xi32, #tpu.memory_space<vmem>>
        %dma_wait3A_133 = tpu.memref_squeeze %dma_wait3A_132 : memref<1x128xi32, #tpu.memory_space<vmem>> -> memref<128xi32, #tpu.memory_space<vmem>>
        %dma_wait3A_134 = arith.constant 0 : i32
        %dma_wait3A_135 = arith.constant 0 : i32
        %dma_wait3A_136 = tpu.memref_slice %arg7[%dma_wait3A_134, %dma_wait3A_135] : memref<10240x128xf32, #tpu.memory_space<vmem_shared>> -> memref<10240x128xf32, #tpu.memory_space<vmem_shared>>
        tpu.wait_indirect_dma semaphore(%run_scoped3A : memref<!tpu.dma_semaphore, #tpu.memory_space<semaphore_mem>>) src(%arg11 : memref<128x128xf32, #tpu.memory_space<vmem>>) dst(%dma_wait3A_136 : memref<10240x128xf32, #tpu.memory_space<vmem_shared>>)
        tpu.yield
      }) : () -> ()
    }
    %scan3A_84 = arith.constant 20 : i32
    %barrier3A_85 = arith.constant 0 : index
    tpu.barrier barrier_id(%barrier3A_85)
    %mul3A_86 = arith.constant 10240 : i32
    %mul3A_87 = arith.muli %arg0, %mul3A_86 : i32
    %add3A_88 = arith.addi %mul3A_87, %mul3A_2 : i32
    "tpu.region"() ({
      %run_scoped3A = tpu.sem_alloc : memref<!tpu.dma_semaphore, #tpu.memory_space<semaphore_mem>>
      %dma_start3A_89 = arith.constant 0 : i32
      %dma_start3A_90 = tpu.memref_slice %arg6[%add3A_88, %dma_start3A_89] : memref<20480x128xf32, #tpu.memory_space<hbm>> -> memref<640x128xf32, #tpu.memory_space<hbm>>
      %dma_start3A_91 = arith.constant 0 : i32
      %dma_start3A_92 = tpu.memref_slice %arg7[%mul3A_2, %dma_start3A_91] : memref<10240x128xf32, #tpu.memory_space<vmem_shared>> -> memref<640x128xf32, #tpu.memory_space<vmem_shared>>
      tpu.enqueue_dma source(%dma_start3A_92 : memref<640x128xf32, #tpu.memory_space<vmem_shared>>) target(%dma_start3A_90 : memref<640x128xf32, #tpu.memory_space<hbm>>) target_semaphore(%run_scoped3A : memref<!tpu.dma_semaphore, #tpu.memory_space<semaphore_mem>>)
      %dma_wait3A = arith.constant 0 : i32
      %dma_wait3A_93 = tpu.memref_slice %arg6[%add3A_88, %dma_wait3A] : memref<20480x128xf32, #tpu.memory_space<hbm>> -> memref<640x128xf32, #tpu.memory_space<hbm>>
      %dma_wait3A_94 = arith.constant 0 : i32
      %dma_wait3A_95 = tpu.memref_slice %arg7[%mul3A_2, %dma_wait3A_94] : memref<10240x128xf32, #tpu.memory_space<vmem_shared>> -> memref<640x128xf32, #tpu.memory_space<vmem_shared>>
      tpu.wait_dma2 semaphore(%run_scoped3A : memref<!tpu.dma_semaphore, #tpu.memory_space<semaphore_mem>>) src(%dma_wait3A_95 : memref<640x128xf32, #tpu.memory_space<vmem_shared>>) dst(%dma_wait3A_93 : memref<640x128xf32, #tpu.memory_space<hbm>>)
      tpu.yield
    }) : () -> ()
    return
  }
}

module attributes {stable_mosaic.version = 14 : i64} {
  func.func @kern(%arg0: i32, %arg1: memref<2048x128xf32, #tpu.memory_space<vmem>>, %arg2: memref<128x512xf32, #tpu.memory_space<vmem>>, %arg3: memref<2048x256xf32, #tpu.memory_space<vmem>>, %arg4: memref<2x2048x128xf32, #tpu.memory_space<vmem>>) attributes {dimension_semantics = [#tpu.dimension_semantics<arbitrary>], iteration_bounds = array<i64: 5>, scalar_prefetch = 0 : i64, scratch_operands = 0 : i64, tpu.core_type = #tpu.core_type<tc>, window_params = [{transform_indices = @transform_0, window_bounds = array<i64: 2048, 128>}, {pipeline_mode = #tpu.pipeline_mode<synchronous>, transform_indices = @transform_1, window_bounds = array<i64: 128, 512>}, {transform_indices = @transform_2, window_bounds = array<i64: 2048, 256>}, {transform_indices = @transform_3, window_bounds = array<i64: 2, 2048, 128>}]} {
    %get3A = arith.constant 0 : index
    %get3A_0 = arith.constant 0 : index
    %get3A_1 = vector.load %arg1[%get3A, %get3A_0] : memref<2048x128xf32, #tpu.memory_space<vmem>>, vector<2048x128xf32>
    %get3A_2 = arith.constant 0 : index
    %get3A_3 = arith.constant 0 : index
    %get3A_4 = vector.load %arg2[%get3A_2, %get3A_3] : memref<128x512xf32, #tpu.memory_space<vmem>>, vector<128x512xf32>
    %dot_general3A = arith.constant dense<0.000000e+00> : vector<2048x512xf32>
    %dot_general3A_5 = tpu.matmul %get3A_1, %get3A_4, %dot_general3A {dimension_numbers = #tpu.dot_dimension_numbers<[1], [0], [0], [1], [0, 0, 1, 1], [], []>, transpose_lhs_hint = false} : vector<2048x128xf32>, vector<128x512xf32>, vector<2048x512xf32> -> vector<2048x512xf32>
    %slice3A = vector.extract_strided_slice %dot_general3A_5 {offsets = [0, 0], sizes = [2048, 256], strides = [1, 1]} : vector<2048x512xf32> to vector<2048x256xf32>
    %swap3A = arith.constant 0 : index
    %swap3A_6 = arith.constant 0 : index
    %swap3A_7 = vector.load %arg3[%swap3A, %swap3A_6] : memref<2048x256xf32, #tpu.memory_space<vmem>>, vector<2048x256xf32>
    tpu.vector_store %arg3[%swap3A, %swap3A_6], %slice3A {strides = array<i32>} : memref<2048x256xf32, #tpu.memory_space<vmem>>, vector<2048x256xf32>,
    %slice3A_8 = vector.extract_strided_slice %dot_general3A_5 {offsets = [0, 256], sizes = [2048, 128], strides = [1, 1]} : vector<2048x512xf32> to vector<2048x128xf32>
    %slice3A_9 = vector.extract_strided_slice %dot_general3A_5 {offsets = [0, 384], sizes = [2048, 128], strides = [1, 1]} : vector<2048x512xf32> to vector<2048x128xf32>
    %stack3A = vector.shape_cast %slice3A_8 : vector<2048x128xf32> to vector<1x2048x128xf32>
    %stack3A_10 = vector.shape_cast %slice3A_9 : vector<2048x128xf32> to vector<1x2048x128xf32>
    %stack3A_11 = tpu.concatenate %stack3A, %stack3A_10 in 0 : vector<1x2048x128xf32>, vector<1x2048x128xf32> -> vector<2x2048x128xf32>
    %swap3A_12 = arith.constant 0 : index
    %swap3A_13 = arith.constant 0 : index
    %swap3A_14 = arith.constant 0 : index
    %swap3A_15 = vector.load %arg4[%swap3A_12, %swap3A_13, %swap3A_14] : memref<2x2048x128xf32, #tpu.memory_space<vmem>>, vector<2x2048x128xf32>
    tpu.vector_store %arg4[%swap3A_12, %swap3A_13, %swap3A_14], %stack3A_11 {strides = array<i32>} : memref<2x2048x128xf32, #tpu.memory_space<vmem>>, vector<2x2048x128xf32>,
    return
  }
  func.func @transform_0(%arg0: i32) -> (i32, i32) {
    %c0_i32 = arith.constant 0 : i32
    %c0_i32_0 = arith.constant 0 : i32
    return %arg0, %c0_i32 : i32, i32
  }
  func.func @transform_1(%arg0: i32) -> (i32, i32) {
    %c0_i32 = arith.constant 0 : i32
    %c0_i32_0 = arith.constant 0 : i32
    %c0_i32_1 = arith.constant 0 : i32
    return %c0_i32, %c0_i32_0 : i32, i32
  }
  func.func @transform_2(%arg0: i32) -> (i32, i32) {
    %c0_i32 = arith.constant 0 : i32
    %c0_i32_0 = arith.constant 0 : i32
    return %arg0, %c0_i32 : i32, i32
  }
  func.func @transform_3(%arg0: i32) -> (i32, i32, i32) {
    %c0_i32 = arith.constant 0 : i32
    %c0_i32_0 = arith.constant 0 : i32
    %c0_i32_1 = arith.constant 0 : i32
    return %c0_i32, %arg0, %c0_i32_0 : i32, i32, i32
  }
}

module attributes {stable_mosaic.version = 14 : i64} {
  func.func @kern(%arg0: i32, %arg1: memref<2048x256xf32, #tpu.memory_space<vmem>>, %arg2: memref<2048x128xf32, #tpu.memory_space<vmem>>, %arg3: memref<2048x128xf32, #tpu.memory_space<vmem>>, %arg4: memref<2048x16xf32, #tpu.memory_space<vmem>>, %arg5: memref<2048x16xf32, #tpu.memory_space<vmem>>, %arg6: memref<2048x16xf32, #tpu.memory_space<vmem>>, %arg7: memref<2048x16xf32, #tpu.memory_space<vmem>>, %arg8: memref<16x256xf32, #tpu.memory_space<vmem>>, %arg9: memref<1x256xf32, #tpu.memory_space<vmem>>, %arg10: memref<256x512xf32, #tpu.memory_space<vmem>>, %arg11: memref<2048x256xf32, #tpu.memory_space<vmem>>, %arg12: memref<2x2048x128xf32, #tpu.memory_space<vmem>>) attributes {dimension_semantics = [#tpu.dimension_semantics<arbitrary>], iteration_bounds = array<i64: 5>, scalar_prefetch = 0 : i64, scratch_operands = 0 : i64, tpu.core_type = #tpu.core_type<tc>, window_params = [{transform_indices = @transform_0, window_bounds = array<i64: 2048, 256>}, {transform_indices = @transform_1, window_bounds = array<i64: 2048, 128>}, {transform_indices = @transform_2, window_bounds = array<i64: 2048, 128>}, {transform_indices = @transform_3, window_bounds = array<i64: 2048, 16>}, {transform_indices = @transform_4, window_bounds = array<i64: 2048, 16>}, {transform_indices = @transform_5, window_bounds = array<i64: 2048, 16>}, {transform_indices = @transform_6, window_bounds = array<i64: 2048, 16>}, {pipeline_mode = #tpu.pipeline_mode<synchronous>, transform_indices = @transform_7, window_bounds = array<i64: 16, 256>}, {pipeline_mode = #tpu.pipeline_mode<synchronous>, transform_indices = @transform_8, window_bounds = array<i64: 1, 256>}, {pipeline_mode = #tpu.pipeline_mode<synchronous>, transform_indices = @transform_9, window_bounds = array<i64: 256, 512>}, {transform_indices = @transform_10, window_bounds = array<i64: 2048, 256>}, {transform_indices = @transform_11, window_bounds = array<i64: 2, 2048, 128>}]} {
    %get3A = arith.constant 0 : index
    %get3A_0 = arith.constant 0 : index
    %get3A_1 = vector.load %arg2[%get3A, %get3A_0] : memref<2048x128xf32, #tpu.memory_space<vmem>>, vector<2048x128xf32>
    %get3A_2 = arith.constant 0 : index
    %get3A_3 = arith.constant 0 : index
    %get3A_4 = vector.load %arg3[%get3A_2, %get3A_3] : memref<2048x128xf32, #tpu.memory_space<vmem>>, vector<2048x128xf32>
    %concatenate3A = tpu.concatenate %get3A_1, %get3A_4 in 1 : vector<2048x128xf32>, vector<2048x128xf32> -> vector<2048x256xf32>
    %get3A_5 = arith.constant 0 : index
    %get3A_6 = arith.constant 0 : index
    %get3A_7 = vector.load %arg4[%get3A_5, %get3A_6] : memref<2048x16xf32, #tpu.memory_space<vmem>>, vector<2048x16xf32>
    %get3A_8 = arith.constant 0 : index
    %get3A_9 = arith.constant 0 : index
    %get3A_10 = vector.load %arg5[%get3A_8, %get3A_9] : memref<2048x16xf32, #tpu.memory_space<vmem>>, vector<2048x16xf32>
    %add3A = arith.addf %get3A_7, %get3A_10 : vector<2048x16xf32>
    %get3A_11 = arith.constant 0 : index
    %get3A_12 = arith.constant 0 : index
    %get3A_13 = vector.load %arg6[%get3A_11, %get3A_12] : memref<2048x16xf32, #tpu.memory_space<vmem>>, vector<2048x16xf32>
    %get3A_14 = arith.constant 0 : index
    %get3A_15 = arith.constant 0 : index
    %get3A_16 = vector.load %arg7[%get3A_14, %get3A_15] : memref<2048x16xf32, #tpu.memory_space<vmem>>, vector<2048x16xf32>
    %add3A_17 = arith.addf %get3A_13, %get3A_16 : vector<2048x16xf32>
    %slice3A = vector.extract_strided_slice %add3A_17 {offsets = [0, 0], sizes = [2048, 1], strides = [1, 1]} : vector<2048x16xf32> to vector<2048x1xf32>
    %get3A_18 = arith.constant 0 : index
    %get3A_19 = arith.constant 0 : index
    %get3A_20 = vector.load %arg8[%get3A_18, %get3A_19] : memref<16x256xf32, #tpu.memory_space<vmem>>, vector<16x256xf32>
    %dot_general3A = arith.constant dense<0.000000e+00> : vector<2048x256xf32>
    %dot_general3A_21 = tpu.matmul %add3A, %get3A_20, %dot_general3A {dimension_numbers = #tpu.dot_dimension_numbers<[1], [0], [0], [1], [0, 0, 1, 1], [], []>, transpose_lhs_hint = false} : vector<2048x16xf32>, vector<16x256xf32>, vector<2048x256xf32> -> vector<2048x256xf32>
    %get3A_22 = arith.constant 0 : index
    %get3A_23 = arith.constant 0 : index
    %get3A_24 = vector.load %arg1[%get3A_22, %get3A_23] : memref<2048x256xf32, #tpu.memory_space<vmem>>, vector<2048x256xf32>
    %get3A_25 = arith.constant 0 : index
    %get3A_26 = arith.constant 0 : index
    %get3A_27 = vector.load %arg9[%get3A_25, %get3A_26] : memref<1x256xf32, #tpu.memory_space<vmem>>, vector<1x256xf32>
    %add3A_28 = vector.broadcast %get3A_27 : vector<1x256xf32> to vector<2048x256xf32>
    %add3A_29 = arith.addf %get3A_24, %add3A_28 : vector<2048x256xf32>
    %mul3A = vector.broadcast %slice3A : vector<2048x1xf32> to vector<2048x256xf32>
    %mul3A_30 = arith.mulf %mul3A, %add3A_29 : vector<2048x256xf32>
    %add3A_31 = arith.addf %mul3A_30, %concatenate3A : vector<2048x256xf32>
    %add3A_32 = arith.addf %add3A_31, %dot_general3A_21 : vector<2048x256xf32>
    %max3A = arith.constant 0.000000e+00 : f32
    %max3A_33 = vector.broadcast %max3A : f32 to vector<2048x256xf32>
    %max3A_34 = arith.maximumf %add3A_32, %max3A_33 : vector<2048x256xf32>
    %get3A_35 = arith.constant 0 : index
    %get3A_36 = arith.constant 0 : index
    %get3A_37 = vector.load %arg10[%get3A_35, %get3A_36] : memref<256x512xf32, #tpu.memory_space<vmem>>, vector<256x512xf32>
    %dot_general3A_38 = arith.constant dense<0.000000e+00> : vector<2048x512xf32>
    %dot_general3A_39 = tpu.matmul %max3A_34, %get3A_37, %dot_general3A_38 {dimension_numbers = #tpu.dot_dimension_numbers<[1], [0], [0], [1], [0, 0, 1, 1], [], []>, transpose_lhs_hint = false} : vector<2048x256xf32>, vector<256x512xf32>, vector<2048x512xf32> -> vector<2048x512xf32>
    %slice3A_40 = vector.extract_strided_slice %dot_general3A_39 {offsets = [0, 0], sizes = [2048, 256], strides = [1, 1]} : vector<2048x512xf32> to vector<2048x256xf32>
    %swap3A = arith.constant 0 : index
    %swap3A_41 = arith.constant 0 : index
    %swap3A_42 = vector.load %arg11[%swap3A, %swap3A_41] : memref<2048x256xf32, #tpu.memory_space<vmem>>, vector<2048x256xf32>
    tpu.vector_store %arg11[%swap3A, %swap3A_41], %slice3A_40 {strides = array<i32>} : memref<2048x256xf32, #tpu.memory_space<vmem>>, vector<2048x256xf32>,
    %slice3A_43 = vector.extract_strided_slice %dot_general3A_39 {offsets = [0, 256], sizes = [2048, 128], strides = [1, 1]} : vector<2048x512xf32> to vector<2048x128xf32>
    %slice3A_44 = vector.extract_strided_slice %dot_general3A_39 {offsets = [0, 384], sizes = [2048, 128], strides = [1, 1]} : vector<2048x512xf32> to vector<2048x128xf32>
    %stack3A = vector.shape_cast %slice3A_43 : vector<2048x128xf32> to vector<1x2048x128xf32>
    %stack3A_45 = vector.shape_cast %slice3A_44 : vector<2048x128xf32> to vector<1x2048x128xf32>
    %stack3A_46 = tpu.concatenate %stack3A, %stack3A_45 in 0 : vector<1x2048x128xf32>, vector<1x2048x128xf32> -> vector<2x2048x128xf32>
    %swap3A_47 = arith.constant 0 : index
    %swap3A_48 = arith.constant 0 : index
    %swap3A_49 = arith.constant 0 : index
    %swap3A_50 = vector.load %arg12[%swap3A_47, %swap3A_48, %swap3A_49] : memref<2x2048x128xf32, #tpu.memory_space<vmem>>, vector<2x2048x128xf32>
    tpu.vector_store %arg12[%swap3A_47, %swap3A_48, %swap3A_49], %stack3A_46 {strides = array<i32>} : memref<2x2048x128xf32, #tpu.memory_space<vmem>>, vector<2x2048x128xf32>,
    return
  }
  func.func @transform_0(%arg0: i32) -> (i32, i32) {
    %c0_i32 = arith.constant 0 : i32
    %c0_i32_0 = arith.constant 0 : i32
    return %arg0, %c0_i32 : i32, i32
  }
  func.func @transform_1(%arg0: i32) -> (i32, i32) {
    %c0_i32 = arith.constant 0 : i32
    %c0_i32_0 = arith.constant 0 : i32
    return %arg0, %c0_i32 : i32, i32
  }
  func.func @transform_2(%arg0: i32) -> (i32, i32) {
    %add3A = arith.constant 5 : i32
    %add3A_0 = arith.addi %arg0, %add3A : i32
    %c0_i32 = arith.constant 0 : i32
    %c0_i32_1 = arith.constant 0 : i32
    return %add3A_0, %c0_i32 : i32, i32
  }
  func.func @transform_3(%arg0: i32) -> (i32, i32) {
    %c0_i32 = arith.constant 0 : i32
    %c0_i32_0 = arith.constant 0 : i32
    return %arg0, %c0_i32 : i32, i32
  }
  func.func @transform_4(%arg0: i32) -> (i32, i32) {
    %add3A = arith.constant 5 : i32
    %add3A_0 = arith.addi %arg0, %add3A : i32
    %c0_i32 = arith.constant 0 : i32
    %c0_i32_1 = arith.constant 0 : i32
    return %add3A_0, %c0_i32 : i32, i32
  }
  func.func @transform_5(%arg0: i32) -> (i32, i32) {
    %c0_i32 = arith.constant 0 : i32
    %c0_i32_0 = arith.constant 0 : i32
    return %arg0, %c0_i32 : i32, i32
  }
  func.func @transform_6(%arg0: i32) -> (i32, i32) {
    %add3A = arith.constant 5 : i32
    %add3A_0 = arith.addi %arg0, %add3A : i32
    %c0_i32 = arith.constant 0 : i32
    %c0_i32_1 = arith.constant 0 : i32
    return %add3A_0, %c0_i32 : i32, i32
  }
  func.func @transform_7(%arg0: i32) -> (i32, i32) {
    %c0_i32 = arith.constant 0 : i32
    %c0_i32_0 = arith.constant 0 : i32
    %c0_i32_1 = arith.constant 0 : i32
    return %c0_i32, %c0_i32_0 : i32, i32
  }
  func.func @transform_8(%arg0: i32) -> (i32, i32) {
    %c0_i32 = arith.constant 0 : i32
    %c0_i32_0 = arith.constant 0 : i32
    %c0_i32_1 = arith.constant 0 : i32
    return %c0_i32, %c0_i32_0 : i32, i32
  }
  func.func @transform_9(%arg0: i32) -> (i32, i32) {
    %c0_i32 = arith.constant 0 : i32
    %c0_i32_0 = arith.constant 0 : i32
    %c0_i32_1 = arith.constant 0 : i32
    return %c0_i32, %c0_i32_0 : i32, i32
  }
  func.func @transform_10(%arg0: i32) -> (i32, i32) {
    %c0_i32 = arith.constant 0 : i32
    %c0_i32_0 = arith.constant 0 : i32
    return %arg0, %c0_i32 : i32, i32
  }
  func.func @transform_11(%arg0: i32) -> (i32, i32, i32) {
    %c0_i32 = arith.constant 0 : i32
    %c0_i32_0 = arith.constant 0 : i32
    %c0_i32_1 = arith.constant 0 : i32
    return %c0_i32, %arg0, %c0_i32_0 : i32, i32, i32
  }
}

module attributes {stable_mosaic.version = 14 : i64} {
  func.func @kern(%arg0: i32, %arg1: memref<2048x256xf32, #tpu.memory_space<vmem>>, %arg2: memref<2048x128xf32, #tpu.memory_space<vmem>>, %arg3: memref<2048x128xf32, #tpu.memory_space<vmem>>, %arg4: memref<2048x16xf32, #tpu.memory_space<vmem>>, %arg5: memref<2048x16xf32, #tpu.memory_space<vmem>>, %arg6: memref<2048x16xf32, #tpu.memory_space<vmem>>, %arg7: memref<2048x16xf32, #tpu.memory_space<vmem>>, %arg8: memref<16x256xf32, #tpu.memory_space<vmem>>, %arg9: memref<1x256xf32, #tpu.memory_space<vmem>>, %arg10: memref<2048xi32, #tpu.memory_space<vmem>>, %arg11: memref<256x10xf32, #tpu.memory_space<vmem>>, %arg12: memref<1x10xf32, #tpu.memory_space<vmem>>, %arg13: memref<64x10xf32, #tpu.memory_space<vmem>>, %arg14: memref<64x256xf32, #tpu.memory_space<vmem>>, %arg15: memref<64x1xf32, #tpu.memory_space<vmem>>) attributes {dimension_semantics = [#tpu.dimension_semantics<arbitrary>], iteration_bounds = array<i64: 5>, scalar_prefetch = 0 : i64, scratch_operands = 2 : i64, tpu.core_type = #tpu.core_type<tc>, window_params = [{transform_indices = @transform_0, window_bounds = array<i64: 2048, 256>}, {transform_indices = @transform_1, window_bounds = array<i64: 2048, 128>}, {transform_indices = @transform_2, window_bounds = array<i64: 2048, 128>}, {transform_indices = @transform_3, window_bounds = array<i64: 2048, 16>}, {transform_indices = @transform_4, window_bounds = array<i64: 2048, 16>}, {transform_indices = @transform_5, window_bounds = array<i64: 2048, 16>}, {transform_indices = @transform_6, window_bounds = array<i64: 2048, 16>}, {pipeline_mode = #tpu.pipeline_mode<synchronous>, transform_indices = @transform_7, window_bounds = array<i64: 16, 256>}, {pipeline_mode = #tpu.pipeline_mode<synchronous>, transform_indices = @transform_8, window_bounds = array<i64: 1, 256>}, {transform_indices = @transform_9, window_bounds = array<i64: 2048>}, {pipeline_mode = #tpu.pipeline_mode<synchronous>, transform_indices = @transform_10, window_bounds = array<i64: 256, 10>}, {pipeline_mode = #tpu.pipeline_mode<synchronous>, transform_indices = @transform_11, window_bounds = array<i64: 1, 10>}, {pipeline_mode = #tpu.pipeline_mode<synchronous>, transform_indices = @transform_12, window_bounds = array<i64: 64, 10>}]} {
    %eq3A = arith.constant 0 : i32
    %eq3A_0 = arith.cmpi eq, %arg0, %eq3A : i32
    %convert_element_type3A = arith.extui %eq3A_0 : i1 to i32
    %cond3A = arith.constant 0 : i32
    %cond3A_1 = arith.cmpi ne, %convert_element_type3A, %cond3A : i32
    scf.if %cond3A_1 {
      %broadcast_in_dim3A_65 = arith.constant 0.000000e+00 : f32
      %broadcast_in_dim3A_66 = vector.broadcast %broadcast_in_dim3A_65 : f32 to vector<64x256xf32>
      %swap3A_67 = arith.constant 0 : index
      %swap3A_68 = arith.constant 0 : index
      %swap3A_69 = vector.load %arg14[%swap3A_67, %swap3A_68] : memref<64x256xf32, #tpu.memory_space<vmem>>, vector<64x256xf32>
      tpu.vector_store %arg14[%swap3A_67, %swap3A_68], %broadcast_in_dim3A_66 {strides = array<i32>} : memref<64x256xf32, #tpu.memory_space<vmem>>, vector<64x256xf32>,
      %broadcast_in_dim3A_70 = arith.constant 0.000000e+00 : f32
      %broadcast_in_dim3A_71 = vector.broadcast %broadcast_in_dim3A_70 : f32 to vector<64x1xf32>
      %swap3A_72 = arith.constant 0 : index
      %swap3A_73 = arith.constant 0 : index
      %swap3A_74 = vector.load %arg15[%swap3A_72, %swap3A_73] : memref<64x1xf32, #tpu.memory_space<vmem>>, vector<64x1xf32>
      tpu.vector_store %arg15[%swap3A_72, %swap3A_73], %broadcast_in_dim3A_71 {strides = array<i32>} : memref<64x1xf32, #tpu.memory_space<vmem>>, vector<64x1xf32>,
    } else {
    }
    %get3A = arith.constant 0 : index
    %get3A_2 = arith.constant 0 : index
    %get3A_3 = vector.load %arg2[%get3A, %get3A_2] : memref<2048x128xf32, #tpu.memory_space<vmem>>, vector<2048x128xf32>
    %get3A_4 = arith.constant 0 : index
    %get3A_5 = arith.constant 0 : index
    %get3A_6 = vector.load %arg3[%get3A_4, %get3A_5] : memref<2048x128xf32, #tpu.memory_space<vmem>>, vector<2048x128xf32>
    %concatenate3A = tpu.concatenate %get3A_3, %get3A_6 in 1 : vector<2048x128xf32>, vector<2048x128xf32> -> vector<2048x256xf32>
    %get3A_7 = arith.constant 0 : index
    %get3A_8 = arith.constant 0 : index
    %get3A_9 = vector.load %arg4[%get3A_7, %get3A_8] : memref<2048x16xf32, #tpu.memory_space<vmem>>, vector<2048x16xf32>
    %get3A_10 = arith.constant 0 : index
    %get3A_11 = arith.constant 0 : index
    %get3A_12 = vector.load %arg5[%get3A_10, %get3A_11] : memref<2048x16xf32, #tpu.memory_space<vmem>>, vector<2048x16xf32>
    %add3A = arith.addf %get3A_9, %get3A_12 : vector<2048x16xf32>
    %get3A_13 = arith.constant 0 : index
    %get3A_14 = arith.constant 0 : index
    %get3A_15 = vector.load %arg6[%get3A_13, %get3A_14] : memref<2048x16xf32, #tpu.memory_space<vmem>>, vector<2048x16xf32>
    %get3A_16 = arith.constant 0 : index
    %get3A_17 = arith.constant 0 : index
    %get3A_18 = vector.load %arg7[%get3A_16, %get3A_17] : memref<2048x16xf32, #tpu.memory_space<vmem>>, vector<2048x16xf32>
    %add3A_19 = arith.addf %get3A_15, %get3A_18 : vector<2048x16xf32>
    %slice3A = vector.extract_strided_slice %add3A_19 {offsets = [0, 0], sizes = [2048, 1], strides = [1, 1]} : vector<2048x16xf32> to vector<2048x1xf32>
    %get3A_20 = arith.constant 0 : index
    %get3A_21 = arith.constant 0 : index
    %get3A_22 = vector.load %arg8[%get3A_20, %get3A_21] : memref<16x256xf32, #tpu.memory_space<vmem>>, vector<16x256xf32>
    %dot_general3A = arith.constant dense<0.000000e+00> : vector<2048x256xf32>
    %dot_general3A_23 = tpu.matmul %add3A, %get3A_22, %dot_general3A {dimension_numbers = #tpu.dot_dimension_numbers<[1], [0], [0], [1], [0, 0, 1, 1], [], []>, transpose_lhs_hint = false} : vector<2048x16xf32>, vector<16x256xf32>, vector<2048x256xf32> -> vector<2048x256xf32>
    %get3A_24 = arith.constant 0 : index
    %get3A_25 = arith.constant 0 : index
    %get3A_26 = vector.load %arg1[%get3A_24, %get3A_25] : memref<2048x256xf32, #tpu.memory_space<vmem>>, vector<2048x256xf32>
    %get3A_27 = arith.constant 0 : index
    %get3A_28 = arith.constant 0 : index
    %get3A_29 = vector.load %arg9[%get3A_27, %get3A_28] : memref<1x256xf32, #tpu.memory_space<vmem>>, vector<1x256xf32>
    %add3A_30 = vector.broadcast %get3A_29 : vector<1x256xf32> to vector<2048x256xf32>
    %add3A_31 = arith.addf %get3A_26, %add3A_30 : vector<2048x256xf32>
    %mul3A = vector.broadcast %slice3A : vector<2048x1xf32> to vector<2048x256xf32>
    %mul3A_32 = arith.mulf %mul3A, %add3A_31 : vector<2048x256xf32>
    %add3A_33 = arith.addf %mul3A_32, %concatenate3A : vector<2048x256xf32>
    %add3A_34 = arith.addf %add3A_33, %dot_general3A_23 : vector<2048x256xf32>
    %max3A = arith.constant 0.000000e+00 : f32
    %max3A_35 = vector.broadcast %max3A : f32 to vector<2048x256xf32>
    %max3A_36 = arith.maximumf %add3A_34, %max3A_35 : vector<2048x256xf32>
    %get3A_37 = arith.constant 0 : index
    %get3A_38 = vector.load %arg10[%get3A_37] : memref<2048xi32, #tpu.memory_space<vmem>>, vector<2048xi32>
    %broadcast_in_dim3A = vector.shape_cast %get3A_38 : vector<2048xi32> to vector<1x2048xi32>
    %iota3A = tpu.iota {dimensions = array<i32: 0>} : vector<64x2048xi32>
    %eq3A_39 = vector.broadcast %broadcast_in_dim3A : vector<1x2048xi32> to vector<64x2048xi32>
    %eq3A_40 = arith.cmpi eq, %eq3A_39, %iota3A : vector<64x2048xi32>
    %convert_element_type3A_41 = arith.extui %eq3A_40 : vector<64x2048xi1> to vector<64x2048xi32>
    %convert_element_type3A_42 = arith.sitofp %convert_element_type3A_41 : vector<64x2048xi32> to vector<64x2048xf32>
    %get3A_43 = arith.constant 0 : index
    %get3A_44 = arith.constant 0 : index
    %get3A_45 = vector.load %arg14[%get3A_43, %get3A_44] : memref<64x256xf32, #tpu.memory_space<vmem>>, vector<64x256xf32>
    %dot_general3A_46 = arith.constant dense<0.000000e+00> : vector<64x256xf32>
    %dot_general3A_47 = tpu.matmul %convert_element_type3A_42, %max3A_36, %dot_general3A_46 {dimension_numbers = #tpu.dot_dimension_numbers<[1], [0], [0], [1], [0, 0, 1, 1], [], []>, transpose_lhs_hint = false} : vector<64x2048xf32>, vector<2048x256xf32>, vector<64x256xf32> -> vector<64x256xf32>
    %add3A_48 = arith.addf %get3A_45, %dot_general3A_47 : vector<64x256xf32>
    %swap3A = arith.constant 0 : index
    %swap3A_49 = arith.constant 0 : index
    %swap3A_50 = vector.load %arg14[%swap3A, %swap3A_49] : memref<64x256xf32, #tpu.memory_space<vmem>>, vector<64x256xf32>
    tpu.vector_store %arg14[%swap3A, %swap3A_49], %add3A_48 {strides = array<i32>} : memref<64x256xf32, #tpu.memory_space<vmem>>, vector<64x256xf32>,
    %get3A_51 = arith.constant 0 : index
    %get3A_52 = arith.constant 0 : index
    %get3A_53 = vector.load %arg15[%get3A_51, %get3A_52] : memref<64x1xf32, #tpu.memory_space<vmem>>, vector<64x1xf32>
    %reduce_sum3A = arith.constant dense<0.000000e+00> : vector<64xf32>
    %reduce_sum3A_54 = vector.multi_reduction <add>, %convert_element_type3A_42, %reduce_sum3A [1] : vector<64x2048xf32> to vector<64xf32>
    %broadcast_in_dim3A_55 = vector.shape_cast %reduce_sum3A_54 : vector<64xf32> to vector<64x1xf32>
    %add3A_56 = arith.addf %get3A_53, %broadcast_in_dim3A_55 : vector<64x1xf32>
    %swap3A_57 = arith.constant 0 : index
    %swap3A_58 = arith.constant 0 : index
    %swap3A_59 = vector.load %arg15[%swap3A_57, %swap3A_58] : memref<64x1xf32, #tpu.memory_space<vmem>>, vector<64x1xf32>
    tpu.vector_store %arg15[%swap3A_57, %swap3A_58], %add3A_56 {strides = array<i32>} : memref<64x1xf32, #tpu.memory_space<vmem>>, vector<64x1xf32>,
    %eq3A_60 = arith.constant 4 : i32
    %eq3A_61 = arith.cmpi eq, %arg0, %eq3A_60 : i32
    %convert_element_type3A_62 = arith.extui %eq3A_61 : i1 to i32
    %cond3A_63 = arith.constant 0 : i32
    %cond3A_64 = arith.cmpi ne, %convert_element_type3A_62, %cond3A_63 : i32
    scf.if %cond3A_64 {
      %get3A_65 = arith.constant 0 : index
      %get3A_66 = arith.constant 0 : index
      %get3A_67 = vector.load %arg14[%get3A_65, %get3A_66] : memref<64x256xf32, #tpu.memory_space<vmem>>, vector<64x256xf32>
      %get3A_68 = arith.constant 0 : index
      %get3A_69 = arith.constant 0 : index
      %get3A_70 = vector.load %arg15[%get3A_68, %get3A_69] : memref<64x1xf32, #tpu.memory_space<vmem>>, vector<64x1xf32>
      %max3A_71 = arith.constant 1.000000e+00 : f32
      %max3A_72 = vector.broadcast %max3A_71 : f32 to vector<64x1xf32>
      %max3A_73 = arith.maximumf %get3A_70, %max3A_72 : vector<64x1xf32>
      %div3A = vector.broadcast %max3A_73 : vector<64x1xf32> to vector<64x256xf32>
      %div3A_74 = arith.divf %get3A_67, %div3A : vector<64x256xf32>
      %get3A_75 = arith.constant 0 : index
      %get3A_76 = arith.constant 0 : index
      %get3A_77 = vector.load %arg11[%get3A_75, %get3A_76] : memref<256x10xf32, #tpu.memory_space<vmem>>, vector<256x10xf32>
      %dot_general3A_78 = arith.constant dense<0.000000e+00> : vector<64x10xf32>
      %dot_general3A_79 = tpu.matmul %div3A_74, %get3A_77, %dot_general3A_78 {dimension_numbers = #tpu.dot_dimension_numbers<[1], [0], [0], [1], [0, 0, 1, 1], [], []>, transpose_lhs_hint = false} : vector<64x256xf32>, vector<256x10xf32>, vector<64x10xf32> -> vector<64x10xf32>
      %get3A_80 = arith.constant 0 : index
      %get3A_81 = arith.constant 0 : index
      %get3A_82 = vector.load %arg12[%get3A_80, %get3A_81] : memref<1x10xf32, #tpu.memory_space<vmem>>, vector<1x10xf32>
      %add3A_83 = vector.broadcast %get3A_82 : vector<1x10xf32> to vector<64x10xf32>
      %add3A_84 = arith.addf %dot_general3A_79, %add3A_83 : vector<64x10xf32>
      %reduce_max3A = arith.constant dense<0xFF800000> : vector<64xf32>
      %reduce_max3A_85 = vector.multi_reduction <maximumf>, %add3A_84, %reduce_max3A [1] : vector<64x10xf32> to vector<64xf32>
      %broadcast_in_dim3A_86 = vector.shape_cast %reduce_max3A_85 : vector<64xf32> to vector<64x1xf32>
      %sub3A = vector.broadcast %broadcast_in_dim3A_86 : vector<64x1xf32> to vector<64x10xf32>
      %sub3A_87 = arith.subf %add3A_84, %sub3A : vector<64x10xf32>
      %exp3A = math.exp %sub3A_87 : vector<64x10xf32>
      %reduce_sum3A_88 = arith.constant dense<0.000000e+00> : vector<64xf32>
      %reduce_sum3A_89 = vector.multi_reduction <add>, %exp3A, %reduce_sum3A_88 [1] : vector<64x10xf32> to vector<64xf32>
      %broadcast_in_dim3A_90 = vector.shape_cast %reduce_sum3A_89 : vector<64xf32> to vector<64x1xf32>
      %log3A = math.log %broadcast_in_dim3A_90 : vector<64x1xf32>
      %sub3A_91 = vector.broadcast %broadcast_in_dim3A_86 : vector<64x1xf32> to vector<64x10xf32>
      %sub3A_92 = arith.subf %add3A_84, %sub3A_91 : vector<64x10xf32>
      %sub3A_93 = vector.broadcast %log3A : vector<64x1xf32> to vector<64x10xf32>
      %sub3A_94 = arith.subf %sub3A_92, %sub3A_93 : vector<64x10xf32>
      %swap3A_95 = arith.constant 0 : index
      %swap3A_96 = arith.constant 0 : index
      %swap3A_97 = vector.load %arg13[%swap3A_95, %swap3A_96] : memref<64x10xf32, #tpu.memory_space<vmem>>, vector<64x10xf32>
      tpu.vector_store %arg13[%swap3A_95, %swap3A_96], %sub3A_94 {strides = array<i32>} : memref<64x10xf32, #tpu.memory_space<vmem>>, vector<64x10xf32>,
    } else {
    }
    return
  }
  func.func @transform_0(%arg0: i32) -> (i32, i32) {
    %c0_i32 = arith.constant 0 : i32
    %c0_i32_0 = arith.constant 0 : i32
    return %arg0, %c0_i32 : i32, i32
  }
  func.func @transform_1(%arg0: i32) -> (i32, i32) {
    %c0_i32 = arith.constant 0 : i32
    %c0_i32_0 = arith.constant 0 : i32
    return %arg0, %c0_i32 : i32, i32
  }
  func.func @transform_2(%arg0: i32) -> (i32, i32) {
    %add3A = arith.constant 5 : i32
    %add3A_0 = arith.addi %arg0, %add3A : i32
    %c0_i32 = arith.constant 0 : i32
    %c0_i32_1 = arith.constant 0 : i32
    return %add3A_0, %c0_i32 : i32, i32
  }
  func.func @transform_3(%arg0: i32) -> (i32, i32) {
    %c0_i32 = arith.constant 0 : i32
    %c0_i32_0 = arith.constant 0 : i32
    return %arg0, %c0_i32 : i32, i32
  }
  func.func @transform_4(%arg0: i32) -> (i32, i32) {
    %add3A = arith.constant 5 : i32
    %add3A_0 = arith.addi %arg0, %add3A : i32
    %c0_i32 = arith.constant 0 : i32
    %c0_i32_1 = arith.constant 0 : i32
    return %add3A_0, %c0_i32 : i32, i32
  }
  func.func @transform_5(%arg0: i32) -> (i32, i32) {
    %c0_i32 = arith.constant 0 : i32
    %c0_i32_0 = arith.constant 0 : i32
    return %arg0, %c0_i32 : i32, i32
  }
  func.func @transform_6(%arg0: i32) -> (i32, i32) {
    %add3A = arith.constant 5 : i32
    %add3A_0 = arith.addi %arg0, %add3A : i32
    %c0_i32 = arith.constant 0 : i32
    %c0_i32_1 = arith.constant 0 : i32
    return %add3A_0, %c0_i32 : i32, i32
  }
  func.func @transform_7(%arg0: i32) -> (i32, i32) {
    %c0_i32 = arith.constant 0 : i32
    %c0_i32_0 = arith.constant 0 : i32
    %c0_i32_1 = arith.constant 0 : i32
    return %c0_i32, %c0_i32_0 : i32, i32
  }
  func.func @transform_8(%arg0: i32) -> (i32, i32) {
    %c0_i32 = arith.constant 0 : i32
    %c0_i32_0 = arith.constant 0 : i32
    %c0_i32_1 = arith.constant 0 : i32
    return %c0_i32, %c0_i32_0 : i32, i32
  }
  func.func @transform_9(%arg0: i32) -> i32 {
    %c0_i32 = arith.constant 0 : i32
    return %arg0 : i32
  }
  func.func @transform_10(%arg0: i32) -> (i32, i32) {
    %c0_i32 = arith.constant 0 : i32
    %c0_i32_0 = arith.constant 0 : i32
    %c0_i32_1 = arith.constant 0 : i32
    return %c0_i32, %c0_i32_0 : i32, i32
  }
  func.func @transform_11(%arg0: i32) -> (i32, i32) {
    %c0_i32 = arith.constant 0 : i32
    %c0_i32_0 = arith.constant 0 : i32
    %c0_i32_1 = arith.constant 0 : i32
    return %c0_i32, %c0_i32_0 : i32, i32
  }
  func.func @transform_12(%arg0: i32) -> (i32, i32) {
    %c0_i32 = arith.constant 0 : i32
    %c0_i32_0 = arith.constant 0 : i32
    %c0_i32_1 = arith.constant 0 : i32
    return %c0_i32, %c0_i32_0 : i32, i32
  }
}

</mosaic_0001>

<sc_bundles>
// kernel: kernel.10.cloned.1.call-start
scs
__scs_entry_jumppad:
0x0: {  	(pc) =	sbr.rel $0x88, $3  }
0x1: {  	(tag) =	ssettag $0x0;
	lr =	simm.s32 $0x1  }
0x2: {  	[smem:$0x3F95] =	sst lr;
	_ =	strace $0xD0000000  }
0x3: {  	_ = 	snop  }
0x4: {  	_ = 	snop  }
0x5: {  	_ = 	snop  }
0x6: {  	_ = 	snop  }
0x7: {  	_ = 	snop  }
__scs_overlays_trampoline_lowered:
0x8: {  	[smem:$0x3FA4] =	sst s0  }
0x9: {  	[smem:$0x3FA5] =	sst s1  }
0xa: {  	[smem:$0x3FA6] =	sst s2  }
0xb: {  	[smem:$0x3FA7] =	sst s3  }
0xc: {  	[smem:$0x3FA8] =	sst s4  }
0xd: {  	[smem:$0x3FA9] =	sst s5  }
0xe: {  	[smem:$0x3FAA] =	sst s6  }
0xf: {  	[smem:$0x3FAB] =	sst s7  }
0x10: {  	[smem:$0x3FAC] =	sst s8  }
0x11: {  	[smem:$0x3FAD] =	sst s9;
	s0 =	simm.s32 @!p0 $0x0  }
0x12: {  	s1 =	sld [smem:$0x3F93];
	s0 =	simm.s32 @p0 $0x1  }
0x13: {  	[smem:$0x3FAE] =	sst s0;
	s0 =	simm.s32 @!p1 $0x0  }
0x14: {  	s2 =	sld [smem:$0x3F92];
	s0 =	simm.s32 @p1 $0x1  }
0x15: {  	[smem:$0x3FAF] =	sst s0;
	s0 =	simm.s32 @!p2 $0x0  }
0x16: {  	s3 =	sld [smem:$0x3FDB];
	s0 =	simm.s32 @p2 $0x1  }
0x17: {  	s4 =	simm.s32 $0x1BF5;
	[smem:$0x3FB1] =	sst s0  }
0x18: {  	s0 =	sld [smem:$0x3F94];
	_ =	swait.ge [sflag:s4], $0x0  }
0x19: {  	s7 =	sld [smem:$0x3F95]  }
0x1a: {  	s8 =	sadd.s32 $0xFFFFE003, lr  }
0x1b: {  	s9 =	sadd.s32 $0xFFFFFEF7, lr;
	s5 =	simm.s32 $0xFFFFFFFF;
	p2 =	slt.u32 s8, $0xFFFFF086  }
0x1c: {  	p1 =	slt.u32 s9, $0xF7A;
	s5 =	simm.s32 @!p2 $0x0  }
0x1d: {  	s5 =	simm.s32 @p1 $0x1;
	p0 =	seq.s32 s7, s2  }
0x1e: {  	s7 =	smul.u32 @!p0 $0xF7A, s2;
	p2 =	seq.s32 @!p0 s5, $0x0  }
0x1f: {  	s9 =	smul.u32 $0xF7A, s1;
	s8 =	simm.s32 @!p0 $0x1BF5;
	p2 =	por !p2, p0  }
0x20: {  	[sflag:s8] =	ssyncset.s32 @!p0 $0xFFFFF086;
	s6 =	sadd.s32 @!p0 s3, s7;
	s7 =	simm.s32 @!p0 $0x108  }
0x21: {  	s3 =	sadd.s32 s3, s9;
	s6 =	sadd.s32 @!p0 $0x88, s6;
	s7 =	simm.s32 @p2 $0x1082  }
0x22: {  	[simem:s7], [sflag:s8] =	dma.local @!p0 [hbm:s6], $0xF7A  }
0x23: {  	s9 =	sor.u32 $0xD0000000, s2;
	s6 =	simm.s32 $0x108;
	_ =	swait.ge @!p0 [sflag:s8], $0x0  }
0x24: {  	s3 =	sadd.s32 $0x88, s3;
	s6 =	simm.s32 @!p1 $0x1082;
	[sflag:s4] =	ssyncset.s32 $0xFFFFF086  }
0x25: {  	[simem:s6], [sflag:s4] =	dma.local [hbm:s3], $0xF7A  }
0x26: {  	[smem:$0x3F95] =	sst s1;
	(tag) =	ssettag s2;
	_ =	strace s9  }
0x27: {  	s1 =	sld [smem:$0x3FA5]  }
0x28: {  	s2 =	sld [smem:$0x3FA6]  }
0x29: {  	s4 =	sld [smem:$0x3FA8]  }
0x2a: {  	p0 =	seq.s32 s5, $0x0;
	s5 =	sld [smem:$0x3FA9]  }
0x2b: {  	s6 =	sld [smem:$0x3FAA]  }
0x2c: {  	s7 =	sld [smem:$0x3FAB]  }
0x2d: {  	s3 =	simm.s32 $0x108;
	s8 =	sld [smem:$0x3FAC]  }
0x2e: {  	s3 =	simm.s32 @!p0 $0x1082;
	s9 =	sld [smem:$0x3FAD]  }
0x2f: {  	lr =	sadd.s32 s0, s3;
	s0 =	sld [smem:$0x3FA4]  }
0x30: {  	s3 =	sld [smem:$0x3FA7]  }
0x31: {  	[smem:$0x3FB0] =	sst s10  }
0x32: {  	s10 =	sld [smem:$0x3FAE];
	_ =	sdelay $0x3  }
0x33: {  	p0 =	seq.s32 s10, $0x1;
	s10 =	sld [smem:$0x3FB0];
	_ =	sdelay $0x3  }
0x34: {  	[smem:$0x3FB0] =	sst s10  }
0x35: {  	s10 =	sld [smem:$0x3FAF];
	_ =	sdelay $0x3  }
0x36: {  	p1 =	seq.s32 s10, $0x1;
	s10 =	sld [smem:$0x3FB0];
	_ =	sdelay $0x3  }
0x37: {  	[smem:$0x3FB0] =	sst s10  }
0x38: {  	s10 =	sld [smem:$0x3FB1]  }
0x39: {  	_ = 	snop;
	(pc) =	sbr.ind lr, $3  }
0x3a: {  	_ = 	snop  }
0x3b: {  	_ = 	snop  }
0x3c: {  	p2 =	seq.s32 s10, $0x1;
	s10 =	sld [smem:$0x3FB0]  }
0x3d: {  	_ =	shalt  }
0x3e: {  	_ =	shalt  }
0x3f: {  	_ =	shalt  }
0x40: {  	_ =	shalt  }
0x41: {  	_ =	shalt  }
0x42: {  	_ =	shalt  }
0x43: {  	_ =	shalt  }
0x44: {  	_ =	shalt  }
0x45: {  	_ =	shalt  }
0x46: {  	_ =	shalt  }
0x47: {  	_ =	shalt  }
0x48: {  	_ =	shalt  }
0x49: {  	_ =	shalt  }
0x4a: {  	_ =	shalt  }
0x4b: {  	_ =	shalt  }
0x4c: {  	_ =	shalt  }
0x4d: {  	_ =	shalt  }
0x4e: {  	_ =	shalt  }
0x4f: {  	_ =	shalt  }
0x50: {  	_ =	shalt  }
0x51: {  	_ =	shalt  }
0x52: {  	_ =	shalt  }
0x53: {  	_ =	shalt  }
0x54: {  	_ =	shalt  }
0x55: {  	_ =	shalt  }
0x56: {  	_ =	shalt  }
0x57: {  	_ =	shalt  }
0x58: {  	_ =	shalt  }
0x59: {  	_ =	shalt  }
0x5a: {  	_ =	shalt  }
0x5b: {  	_ =	shalt  }
0x5c: {  	_ =	shalt  }
0x5d: {  	_ =	shalt  }
0x5e: {  	_ =	shalt  }
0x5f: {  	_ =	shalt  }
0x60: {  	_ =	shalt  }
0x61: {  	_ =	shalt  }
0x62: {  	_ =	shalt  }
0x63: {  	_ =	shalt  }
0x64: {  	_ =	shalt  }
0x65: {  	_ =	shalt  }
0x66: {  	_ =	shalt  }
0x67: {  	_ =	shalt  }
0x68: {  	_ =	shalt  }
0x69: {  	_ =	shalt  }
0x6a: {  	_ =	shalt  }
0x6b: {  	_ =	shalt  }
0x6c: {  	_ =	shalt  }
0x6d: {  	_ =	shalt  }
0x6e: {  	_ =	shalt  }
0x6f: {  	_ =	shalt  }
0x70: {  	_ =	shalt  }
0x71: {  	_ =	shalt  }
0x72: {  	_ =	shalt  }
0x73: {  	_ =	shalt  }
0x74: {  	_ =	shalt  }
0x75: {  	_ =	shalt  }
0x76: {  	_ =	shalt  }
0x77: {  	_ =	shalt  }
0x78: {  	_ =	shalt  }
0x79: {  	_ =	shalt  }
0x7a: {  	_ =	shalt  }
0x7b: {  	_ =	shalt  }
0x7c: {  	_ =	shalt  }
0x7d: {  	_ =	shalt  }
0x7e: {  	_ =	shalt  }
0x7f: {  	_ =	shalt  }
0x80: {  	_ =	shalt  }
0x81: {  	_ =	shalt  }
0x82: {  	_ =	shalt  }
0x83: {  	_ =	shalt  }
0x84: {  	_ =	shalt  }
0x85: {  	_ =	shalt  }
0x86: {  	_ =	shalt  }
0x87: {  	_ =	shalt  }
.Lfunc_end0:
.L_simem_size_0:
called_computation_lowered:
.L_overlay_start_0:
0x88: {  	s2 =	sld [smem:$0x3FD9]  }
0x89: {  	s3 =	sld [smem:$0x3FFE];
	_ =	sdelay $0x1  }
0x8a: {  	s1 =	srdreg.scid  }
0x8b: {  	s0 =	sand.u32 $0x1, s1  }
0x8c: {  	s17 =	sshll.u32 s0, $0xA;
	s2 =	sadd.s32 s3, s2  }
0x8d: {  	s2 =	sadd.s32 s2, s17  }
0x8e: {  	[smem:$0x3FBC] =	sst s2  }
0x8f: {  	_ = 	snop  }
0x90: {  	s2 =	sld [smem:$0x3FD0];
	(tm) =	ssettm $0x1  }
0x91: {  	s18 =	sld [smem:$0x3FFB];
	_ =	sdelay $0x3  }
0x92: {  	_ =	strace s18  }
0x93: {  	s3 =	sld [smem:$0x3FFC];
	_ =	sdelay $0x3  }
0x94: {  	_ =	strace s3  }
0x95: {  	s3 =	sld [smem:$0x3FFD];
	_ =	sdelay $0x3  }
0x96: {  	_ =	strace s3  }
0x97: {  	_ =	strace $0x8FFFFFFF  }
0x98: {  	s19 =	sld [smem:$0x3FDB];
	_ =	sdelay $0x1  }
0x99: {  	s4 =	simm.s32 $_scs_section_size  }
0x9a: {  	s5 =	simm.s32 $_size__tile_overlayer_lowered;
	s6 =	simm.s32 $_tile_overlayer_lowered  }
0x9b: {  	s22 =	simm.s32 $0x1BFF;
	s21 =	sshll.u32 s6, $0x1;
	s3 =	sadd.s32 s4, s19  }
0x9c: {  	s7 =	simm.s32 $0x0;
	s20 =	sshll.u32 s5, $0x1;
	s5 =	sadd.s32 s21, s3  }
0x9d: {  	[timem:s7], [sflag:s22] =	dma.local [hbm:s5], s20  }
0x9e: {  	_ =	swait.ge [sflag:s22], s20  }
0x9f: {  	s4 =	ssub.s32 $0x0, s20;
	[sflag:s22] =	ssyncset.done $0x0  }
0xa0: {  	[sflag:s22] =	ssyncadd.s32 s4;
	_ =	sdelay $0x1  }
0xa1: {  	s23 =	simm.s32 $0x1B8B  }
0xa2: {  	_ =	swait.ge [sflag:s23], $0x1  }
0xa3: {  	[sflag:s23] =	ssyncset.done $0x0  }
0xa4: {  	s25 =	simm.s32 $0x1B8E;
	s24 =	sld [smem:$0x3FFE];
	[sflag:s23] =	ssyncadd.s32 $0xFFFFFFFF  }
0xa5: {  	s26 =	simm.s32 $execute0_lowered;
	[smem:$0x3FD2] =	sst s25  }
0xa6: {  	s5 =	sshll.u32 s26, $0x1;
	_ =	strace $0x80000046;
	[dreg:$0x1] =	wrdreg $0xFFFFFFFF  }
0xa7: {  	s28 =	simm.s32 $_size_execute0_lowered;
	s3 =	sadd.s32 s3, s5;
	[dreg:$0x0] =	wrdreg $0x0  }
0xa8: {  	s5 =	sshll.u32 s28, $0x1;
	[dreg:$0x2] =	wrdreg s3  }
0xa9: {  	[dreg:$0x3] =	wrdreg s5  }
0xaa: {  	[dreg:$0x4] =	wrdreg $0xC0  }
0xab: {  	_ =	task [dreg:s7], $0x5FFFF  }
0xac: {  	[dreg:$0x1] =	wrdreg $0xFFFFFFFF  }
0xad: {  	[dreg:$0x0] =	wrdreg $0x60  }
0xae: {  	[dreg:$0x2] =	wrdreg s24  }
0xaf: {  	[dreg:$0x3] =	wrdreg s2  }
0xb0: {  	[dreg:$0x4] =	wrdreg $0x0  }
0xb1: {  	[dreg:$0x5] =	wrdreg $0x28000  }
0xb2: {  	[dreg:$0x6] =	wrdreg $0x9  }
0xb3: {  	_ =	task.clear_ibuf [dreg:s7], $0x7FFFF;
	_ =	strace $0x90000046  }
0xb4: {  	s29 =	simm.s32 $0x9;
	_ =	strace $0x80000048  }
0xb5: {  	_ =	swait.ge [sflag:s29], $0x1  }
0xb6: {  	[sflag:s29] =	ssyncadd.s32 $0xFFFFFFFF  }
0xb7: {  	_ =	strace $0x90000048  }
0xb8: {  	_ =	sfence  }
0xb9: {  	s30 =	sld [smem:$0x0];
	_ =	sdelay $0x2  }
0xba: {  	s31 =	sshll.u32 s1, $0xD;
	s1 =	sshrl.u32 s1, $0x2  }
0xbb: {  	s3 =	sand.u32 $0x4000, s31;
	s1 =	sadd.s32 s1, s30  }
0xbc: {  	s0 =	sor.u32 s3, s0;
	s1 =	sshll.u32 s1, $0x11  }
0xbd: {  	s0 =	sor.u32 s1, s0  }
0xbe: {  	s0 =	sadd.s32 $0x8F2B, s0  }
0xbf: {  	[sflag:s0] =	ssyncadd.remote.s32 $0x1  }
0xc0: {  	_ =	sfence.sel $0xFFFF  }
0xc1: {  	[dreg:$0x0] =	wrdreg $0xFFFFFFFF;
	(pc) =	sbr.abs _section_cstart, $3  }
0xc2: {  	[dreg:$0x1] =	wrdreg $0xFFFFFFFF  }
0xc3: {  	_ =	task.clear_ibuf [dreg:s7], $0x2FFFF;
	_ =	strace $0x9FFFFFFF  }
0xc4: {  	(tm) =	ssettm $0x7FFFFFFF  }
0xc5: {  	_ =	shalt  }
tec
execute0_lowered:
.L_overlay_start_1:
0x0: {  	(tag) =	ssettag $0x1  }
0x1: {  	s6 =	rddreg [dreg:$0x0]  }
0x2: {  	s2 =	rddreg [dreg:$0x1]  }
0x3: {  	s3 =	rddreg [dreg:$0x2]  }
0x4: {  	s0 =	stileid.u32;
	s4 =	rddreg [dreg:$0x3]  }
0x5: {  	s1 =	rddreg [dreg:$0x4];
	s7 =	smul.u32 $0x9C40, s0  }
0x6: {  	s10 =	srdreg.scid;
	s8 =	smul.u32 $0xA28, s0  }
0x7: {  	s5 =	simm.s32 $0x0;
	s19 =	simm.s32 $0x64;
	s9 =	smul.u32 $0x2800, s0  }
0x8: {  	s20 =	simm.s32 $0x0;
	s10 =	sand.u32 $0x1, s10;
	s11 =	smul.u32 $0x280, s0  }
0x9: {  	[smem:$0x7FF] =	sst s5;
	s29 =	sshll.u32 s0, $0x6;
	s12 =	smul.u32 $0x2800, s10  }
0xa: {  	_ =	strace $0x80000047;
	s26 =	ssub.s32 $0x2, s10;
	s30 =	smul.u32 $0x4E20, s10  }
0xb: {  	s18 =	smul.u32 $0x514, s10;
	s13 =	sadd.s32 s7, s6;
	s14 =	sadd.s32 s8, s6  }
0xc: {  	s24 =	sshrl.u32 s9, $0x3;
	s28 =	sshrl.u32 s26, $0x1;
	s16 =	sadd.s32 s9, s3  }
0xd: {  	s17 =	sadd.s32 s9, s4;
	s25 =	sadd.s32 s11, s12;
	s7 =	sadd.s32 s24, s6  }
0xe: {  	s11 =	ssub.s32 s26, s28;
	s12 =	sadd.s32 s30, s13;
	s31 =	sadd.s32 s18, s14  }
0xf: {  	s13 =	sshrl.u32 s16, $0x3;
	s14 =	simm.s32 $0x1;
	s16 =	simm.s32 $0x56A8  }
0x10: {  	s18 =	simm.s32 $0x5068;
	s8 =	sshll.u32 s25, $0x1;
	s10 =	smax.u32 s11, $0x1  }
0x11: {  	s11 =	sadd.s32 $0x518000, s12;
	s12 =	sadd.s32 $0x4000, s31;
	s15 =	sadd.s32 s8, s6  }
0x12: {  	s6 =	sadd.s32 $0xE400, s7;
	s7 =	sor.u32 $0x1C01, s29;
	s8 =	sadd.s32 $0x13400, s15  }
0x13: {  	s9 =	sadd.s32 $0x1D400, s15;
	s15 =	sshrl.u32 s17, $0x3;
	s17 =	simm.s32 $0x5000  }
.LBB2_1:
0x14: {  	[spmem:s13], [sflag:s7] =	dma.local [hbm:s6], $0x500  }
0x15: {  	_ =	swait.ge [sflag:s14], $0x500  }
0x16: {  	[sflag:s14] =	ssyncset.done $0x0  }
0x17: {  	[sflag:s14] =	ssyncadd.s32 $0xFFFFFB00  }
0x18: {  	[spmem:s15], [sflag:s7] =	dma.local [hbm:s6], $0x500  }
0x19: {  	_ =	swait.ge [sflag:s14], $0x500  }
0x1a: {  	[sflag:s14] =	ssyncset.done $0x0  }
0x1b: {  	[sflag:s14] =	ssyncadd.s32 $0xFFFFFB00  }
0x1c: {  	[tilespmem:s16], [sflag:$0x1] =	stream.linear.gather [hbm4b:s2+s5], $0x640, $0x38;
	[tilespmem:$0x5CE8] =	vst v63  }
0x1d: {  	_ =	swait.ge [sflag:s14], $0x640  }
0x1e: {  	[sflag:s14] =	ssyncset.done $0x0  }
0x1f: {  	[sflag:s14] =	ssyncadd.s32 $0xFFFFF9C0  }
0x20: {  	s21 =	sadd.s32 $0x0, s12;
	[bflag:$0x0] =	sbarrier.arrive $0xFFFF  }
0x21: {  	[tilespmem:s17], [sflag:$0x1] =	stream.linear.gather [hbm4b:s21+s5], $0x68, $0x38;
	[tilespmem:$0x5CE8] =	vst v63  }
0x22: {  	_ =	swait.ge [sflag:s14], $0x68  }
0x23: {  	[sflag:s14] =	ssyncset.done $0x0  }
0x24: {  	[sflag:s14] =	ssyncadd.s32 $0xFFFFFF98  }
0x25: {  	[tilespmem:s18], [sflag:$0x1] =	stream.linear.gather [hbm4b:s11+s5], $0x640, $0x38;
	[tilespmem:$0x5CE8] =	vst v63  }
0x26: {  	_ =	swait.ge [sflag:s14], $0x640  }
0x27: {  	[sflag:s14] =	ssyncset.done $0x0  }
0x28: {  	[sflag:s14] =	ssyncadd.s32 $0xFFFFF9C0  }
0x29: {  	[spmem:s3] =	stream.indirect.scatter.add.f32 [tilespmem:s18], [sflag:$0x1], $0x10, s17, s19, $0xb8;
	[tilespmem:$0x5CE8] =	vst v63  }
0x2a: {  	_ =	swait.ge [sflag:s14], $0x640  }
0x2b: {  	[sflag:s14] =	ssyncset.done $0x0  }
0x2c: {  	[sflag:s14] =	ssyncadd.s32 $0xFFFFF9C0  }
0x2d: {  	[spmem:s4] =	stream.indirect.scatter.add.f32 [tilespmem:s16], [sflag:$0x1], $0x10, s17, s19, $0xb8;
	[tilespmem:$0x5CE8] =	vst v63  }
0x2e: {  	s22 =	simm.s32 $0xD;
	_ =	swait.ge [sflag:s14], $0x640  }
0x2f: {  	s23 =	simm.s32 $0x1A;
	s21 =	sadd.s32 $0xC8, s11;
	[sflag:s14] =	ssyncset.done $0x0  }
.LBB2_2:
0x30: {  	s24 =	sadd.s32 s22, s12  }
0x31: {  	[sflag:s14] =	ssyncadd.s32 $0xFFFFF9C0;
	s22 =	smov.u32 s23;
	s25 =	sadd.s32 $0xD, s23  }
0x32: {  	[tilespmem:s17], [sflag:$0x1] =	stream.linear.gather [hbm4b:s24+s5], $0x68, $0x38;
	[tilespmem:$0x5CE8] =	vst v63  }
0x33: {  	p0 =	sne.s32 s23, $0x507;
	_ =	swait.ge [sflag:s14], $0x68  }
0x34: {  	[sflag:s14] =	ssyncset.done $0x0  }
0x35: {  	[sflag:s14] =	ssyncadd.s32 $0xFFFFFF98  }
0x36: {  	[tilespmem:s18], [sflag:$0x1] =	stream.linear.gather [hbm4b:s21+s5], $0x640, $0x38;
	[tilespmem:$0x5CE8] =	vst v63  }
0x37: {  	_ =	swait.ge [sflag:s14], $0x640  }
0x38: {  	[sflag:s14] =	ssyncset.done $0x0  }
0x39: {  	[sflag:s14] =	ssyncadd.s32 $0xFFFFF9C0  }
0x3a: {  	[spmem:s3] =	stream.indirect.scatter.add.f32 [tilespmem:s18], [sflag:$0x1], $0x10, s17, s19, $0xb8;
	[tilespmem:$0x5CE8] =	vst v63  }
0x3b: {  	_ =	swait.ge [sflag:s14], $0x640  }
.Ltmp0:
0x3c: {  	[sflag:s14] =	ssyncset.done $0x0;
	(pc) =	sbr.rel @p0 .LBB2_2-.Ltmp0, $4  }
0x3d: {  	[sflag:s14] =	ssyncadd.s32 $0xFFFFF9C0  }
0x3e: {  	[spmem:s4] =	stream.indirect.scatter.add.f32 [tilespmem:s16], [sflag:$0x1], $0x10, s17, s19, $0xb8;
	[tilespmem:$0x5CE8] =	vst v63  }
0x3f: {  	_ =	swait.ge [sflag:s14], $0x640  }
0x40: {  	s23 =	smov.u32 s25;
	s21 =	sadd.s32 $0xC8, s21;
	[sflag:s14] =	ssyncset.done $0x0  }
0x41: {  	s22 =	sadd.s32 s22, s12;
	[sflag:s14] =	ssyncadd.s32 $0xFFFFF9C0  }
0x42: {  	[tilespmem:s17], [sflag:$0x1] =	stream.linear.gather [hbm4b:s22+s5], $0x68, $0x38;
	[tilespmem:$0x5CE8] =	vst v63  }
0x43: {  	_ =	swait.ge [sflag:s14], $0x68  }
0x44: {  	[sflag:s14] =	ssyncset.done $0x0  }
0x45: {  	[sflag:s14] =	ssyncadd.s32 $0xFFFFFF98  }
0x46: {  	[tilespmem:s18], [sflag:$0x1] =	stream.linear.gather [hbm4b:s21+s5], $0x640, $0x38;
	[tilespmem:$0x5CE8] =	vst v63  }
0x47: {  	_ =	swait.ge [sflag:s14], $0x640  }
0x48: {  	[sflag:s14] =	ssyncset.done $0x0  }
0x49: {  	[sflag:s14] =	ssyncadd.s32 $0xFFFFF9C0  }
0x4a: {  	[spmem:s3] =	stream.indirect.scatter.add.f32 [tilespmem:s18], [sflag:$0x1], $0x10, s17, s19, $0xb8;
	[tilespmem:$0x5CE8] =	vst v63  }
0x4b: {  	_ =	swait.ge [sflag:s14], $0x640  }
0x4c: {  	[sflag:s14] =	ssyncset.done $0x0  }
0x4d: {  	[sflag:s14] =	ssyncadd.s32 $0xFFFFF9C0  }
0x4e: {  	[spmem:s4] =	stream.indirect.scatter.add.f32 [tilespmem:s16], [sflag:$0x1], $0x10, s17, s19, $0xb8;
	[tilespmem:$0x5CE8] =	vst v63  }
0x4f: {  	_ =	swait.ge [sflag:s14], $0x640  }
0x50: {  	[sflag:s14] =	ssyncset.done $0x0  }
0x51: {  	[sflag:s14] =	ssyncadd.s32 $0xFFFFF9C0  }
0x52: {  	[bflag:$0x0] =	sbarrier.arrive $0xFFFF  }
0x53: {  	[hbm:s8], [sflag:s7] =	dma.local [spmem:s13], $0x500  }
0x54: {  	s20 =	sadd.s32 $0x1, s20;
	_ =	swait.ge [sflag:s14], $0x500  }
0x55: {  	p0 =	sne.s32 s20, s10;
	[sflag:s14] =	ssyncset.done $0x0  }
.Ltmp1:
0x56: {  	[sflag:s14] =	ssyncadd.s32 $0xFFFFFB00;
	(pc) =	sbr.rel @p0 .LBB2_1-.Ltmp1, $4  }
0x57: {  	[hbm:s9], [sflag:s7] =	dma.local [spmem:s15], $0x500  }
0x58: {  	_ =	swait.ge [sflag:s14], $0x500  }
0x59: {  	[sflag:s14] =	ssyncset.done $0x0  }
0x5a: {  	[sflag:s14] =	ssyncadd.s32 $0xFFFFFB00  }
0x5b: {  	_ =	sfence.sel $0x180000  }
0x5c: {  	[bflag:$0x0] =	sbarrier.arrive $0xFFFF  }
0x5d: {  	p0 =	sne.s32 s0, $0x0;
	_ =	strace $0x90000047  }
0x5e: {  	s0 =	sadd.s32 @!p0 $0x100000, s1;
	[bflag:$0x2] =	sbarrier.arrive $0xFFFF  }
0x5f: {  	[sflag:s0] =	ssyncadd.tile.s32 @!p0 $0x1;
	_ =	shalt  }
.Lfunc_end2:
_tile_overlayer_lowered:
.L_overlay_start_2:
0x60: {  	(tag) =	ssettag $0x2  }
0x61: {  	s0 =	rddreg [dreg:$0x0];
	s2 =	stileid.u32  }
0x62: {  	s1 =	rddreg [dreg:$0x1];
	p0 =	sne.s32 s2, $0x0  }
0x63: {  	s3 =	rddreg [dreg:$0x2];
	[bflag:$0x3] =	sbarrier.arrive $0xFFFF;
	s2 =	simm.s32 @!p0 $0x1C01  }
0x64: {  	[timem:s3], [sflag:s2] =	dma.local @!p0 [hbm:s0], s1  }
0x65: {  	s0 =	simm.s32 @!p0 $0x1  }
0x66: {  	_ =	swait.ge @!p0 [sflag:s0], s1  }
0x67: {  	s1 =	ssub.s32 @!p0 $0x0, s1;
	[sflag:s0] =	ssyncset.done @!p0 $0x0  }
0x68: {  	[sflag:s0] =	ssyncadd.s32 @!p0 s1  }
0x69: {  	[bflag:$0x3] =	sbarrier.arrive $0xFFFF  }
0x6a: {  	_ =	shalt  }

// kernel: kernel.13.cloned.1.call-start
scs
__scs_entry_jumppad:
0x0: {  	(pc) =	sbr.rel $0x88, $3  }
0x1: {  	(tag) =	ssettag $0x0;
	lr =	simm.s32 $0x1  }
0x2: {  	[smem:$0x3F95] =	sst lr;
	_ =	strace $0xD0000000  }
0x3: {  	_ = 	snop  }
0x4: {  	_ = 	snop  }
0x5: {  	_ = 	snop  }
0x6: {  	_ = 	snop  }
0x7: {  	_ = 	snop  }
__scs_overlays_trampoline_lowered:
0x8: {  	[smem:$0x3FA4] =	sst s0  }
0x9: {  	[smem:$0x3FA5] =	sst s1  }
0xa: {  	[smem:$0x3FA6] =	sst s2  }
0xb: {  	[smem:$0x3FA7] =	sst s3  }
0xc: {  	[smem:$0x3FA8] =	sst s4  }
0xd: {  	[smem:$0x3FA9] =	sst s5  }
0xe: {  	[smem:$0x3FAA] =	sst s6  }
0xf: {  	[smem:$0x3FAB] =	sst s7  }
0x10: {  	[smem:$0x3FAC] =	sst s8  }
0x11: {  	[smem:$0x3FAD] =	sst s9;
	s0 =	simm.s32 @!p0 $0x0  }
0x12: {  	s1 =	sld [smem:$0x3F93];
	s0 =	simm.s32 @p0 $0x1  }
0x13: {  	[smem:$0x3FAE] =	sst s0;
	s0 =	simm.s32 @!p1 $0x0  }
0x14: {  	s2 =	sld [smem:$0x3F92];
	s0 =	simm.s32 @p1 $0x1  }
0x15: {  	[smem:$0x3FAF] =	sst s0;
	s0 =	simm.s32 @!p2 $0x0  }
0x16: {  	s3 =	sld [smem:$0x3FDB];
	s0 =	simm.s32 @p2 $0x1  }
0x17: {  	s4 =	simm.s32 $0x1BF5;
	[smem:$0x3FB1] =	sst s0  }
0x18: {  	s0 =	sld [smem:$0x3F94];
	_ =	swait.ge [sflag:s4], $0x0  }
0x19: {  	s7 =	sld [smem:$0x3F95]  }
0x1a: {  	s8 =	sadd.s32 $0xFFFFE003, lr  }
0x1b: {  	s9 =	sadd.s32 $0xFFFFFEF7, lr;
	s5 =	simm.s32 $0xFFFFFFFF;
	p2 =	slt.u32 s8, $0xFFFFF086  }
0x1c: {  	p1 =	slt.u32 s9, $0xF7A;
	s5 =	simm.s32 @!p2 $0x0  }
0x1d: {  	s5 =	simm.s32 @p1 $0x1;
	p0 =	seq.s32 s7, s2  }
0x1e: {  	s7 =	smul.u32 @!p0 $0xF7A, s2;
	p2 =	seq.s32 @!p0 s5, $0x0  }
0x1f: {  	s9 =	smul.u32 $0xF7A, s1;
	s8 =	simm.s32 @!p0 $0x1BF5;
	p2 =	por !p2, p0  }
0x20: {  	[sflag:s8] =	ssyncset.s32 @!p0 $0xFFFFF086;
	s6 =	sadd.s32 @!p0 s3, s7;
	s7 =	simm.s32 @!p0 $0x108  }
0x21: {  	s3 =	sadd.s32 s3, s9;
	s6 =	sadd.s32 @!p0 $0x88, s6;
	s7 =	simm.s32 @p2 $0x1082  }
0x22: {  	[simem:s7], [sflag:s8] =	dma.local @!p0 [hbm:s6], $0xF7A  }
0x23: {  	s9 =	sor.u32 $0xD0000000, s2;
	s6 =	simm.s32 $0x108;
	_ =	swait.ge @!p0 [sflag:s8], $0x0  }
0x24: {  	s3 =	sadd.s32 $0x88, s3;
	s6 =	simm.s32 @!p1 $0x1082;
	[sflag:s4] =	ssyncset.s32 $0xFFFFF086  }
0x25: {  	[simem:s6], [sflag:s4] =	dma.local [hbm:s3], $0xF7A  }
0x26: {  	[smem:$0x3F95] =	sst s1;
	(tag) =	ssettag s2;
	_ =	strace s9  }
0x27: {  	s1 =	sld [smem:$0x3FA5]  }
0x28: {  	s2 =	sld [smem:$0x3FA6]  }
0x29: {  	s4 =	sld [smem:$0x3FA8]  }
0x2a: {  	p0 =	seq.s32 s5, $0x0;
	s5 =	sld [smem:$0x3FA9]  }
0x2b: {  	s6 =	sld [smem:$0x3FAA]  }
0x2c: {  	s7 =	sld [smem:$0x3FAB]  }
0x2d: {  	s3 =	simm.s32 $0x108;
	s8 =	sld [smem:$0x3FAC]  }
0x2e: {  	s3 =	simm.s32 @!p0 $0x1082;
	s9 =	sld [smem:$0x3FAD]  }
0x2f: {  	lr =	sadd.s32 s0, s3;
	s0 =	sld [smem:$0x3FA4]  }
0x30: {  	s3 =	sld [smem:$0x3FA7]  }
0x31: {  	[smem:$0x3FB0] =	sst s10  }
0x32: {  	s10 =	sld [smem:$0x3FAE];
	_ =	sdelay $0x3  }
0x33: {  	p0 =	seq.s32 s10, $0x1;
	s10 =	sld [smem:$0x3FB0];
	_ =	sdelay $0x3  }
0x34: {  	[smem:$0x3FB0] =	sst s10  }
0x35: {  	s10 =	sld [smem:$0x3FAF];
	_ =	sdelay $0x3  }
0x36: {  	p1 =	seq.s32 s10, $0x1;
	s10 =	sld [smem:$0x3FB0];
	_ =	sdelay $0x3  }
0x37: {  	[smem:$0x3FB0] =	sst s10  }
0x38: {  	s10 =	sld [smem:$0x3FB1]  }
0x39: {  	_ = 	snop;
	(pc) =	sbr.ind lr, $3  }
0x3a: {  	_ = 	snop  }
0x3b: {  	_ = 	snop  }
0x3c: {  	p2 =	seq.s32 s10, $0x1;
	s10 =	sld [smem:$0x3FB0]  }
0x3d: {  	_ =	shalt  }
0x3e: {  	_ =	shalt  }
0x3f: {  	_ =	shalt  }
0x40: {  	_ =	shalt  }
0x41: {  	_ =	shalt  }
0x42: {  	_ =	shalt  }
0x43: {  	_ =	shalt  }
0x44: {  	_ =	shalt  }
0x45: {  	_ =	shalt  }
0x46: {  	_ =	shalt  }
0x47: {  	_ =	shalt  }
0x48: {  	_ =	shalt  }
0x49: {  	_ =	shalt  }
0x4a: {  	_ =	shalt  }
0x4b: {  	_ =	shalt  }
0x4c: {  	_ =	shalt  }
0x4d: {  	_ =	shalt  }
0x4e: {  	_ =	shalt  }
0x4f: {  	_ =	shalt  }
0x50: {  	_ =	shalt  }
0x51: {  	_ =	shalt  }
0x52: {  	_ =	shalt  }
0x53: {  	_ =	shalt  }
0x54: {  	_ =	shalt  }
0x55: {  	_ =	shalt  }
0x56: {  	_ =	shalt  }
0x57: {  	_ =	shalt  }
0x58: {  	_ =	shalt  }
0x59: {  	_ =	shalt  }
0x5a: {  	_ =	shalt  }
0x5b: {  	_ =	shalt  }
0x5c: {  	_ =	shalt  }
0x5d: {  	_ =	shalt  }
0x5e: {  	_ =	shalt  }
0x5f: {  	_ =	shalt  }
0x60: {  	_ =	shalt  }
0x61: {  	_ =	shalt  }
0x62: {  	_ =	shalt  }
0x63: {  	_ =	shalt  }
0x64: {  	_ =	shalt  }
0x65: {  	_ =	shalt  }
0x66: {  	_ =	shalt  }
0x67: {  	_ =	shalt  }
0x68: {  	_ =	shalt  }
0x69: {  	_ =	shalt  }
0x6a: {  	_ =	shalt  }
0x6b: {  	_ =	shalt  }
0x6c: {  	_ =	shalt  }
0x6d: {  	_ =	shalt  }
0x6e: {  	_ =	shalt  }
0x6f: {  	_ =	shalt  }
0x70: {  	_ =	shalt  }
0x71: {  	_ =	shalt  }
0x72: {  	_ =	shalt  }
0x73: {  	_ =	shalt  }
0x74: {  	_ =	shalt  }
0x75: {  	_ =	shalt  }
0x76: {  	_ =	shalt  }
0x77: {  	_ =	shalt  }
0x78: {  	_ =	shalt  }
0x79: {  	_ =	shalt  }
0x7a: {  	_ =	shalt  }
0x7b: {  	_ =	shalt  }
0x7c: {  	_ =	shalt  }
0x7d: {  	_ =	shalt  }
0x7e: {  	_ =	shalt  }
0x7f: {  	_ =	shalt  }
0x80: {  	_ =	shalt  }
0x81: {  	_ =	shalt  }
0x82: {  	_ =	shalt  }
0x83: {  	_ =	shalt  }
0x84: {  	_ =	shalt  }
0x85: {  	_ =	shalt  }
0x86: {  	_ =	shalt  }
0x87: {  	_ =	shalt  }
.Lfunc_end0:
.L_simem_size_0:
called_computation.1_lowered:
.L_overlay_start_0:
0x88: {  	s2 =	sld [smem:$0x3FD9]  }
0x89: {  	s3 =	sld [smem:$0x3FFE];
	_ =	sdelay $0x1  }
0x8a: {  	s1 =	srdreg.scid  }
0x8b: {  	s0 =	sand.u32 $0x1, s1  }
0x8c: {  	s17 =	sshll.u32 s0, $0xA;
	s2 =	sadd.s32 s3, s2  }
0x8d: {  	s2 =	sadd.s32 s2, s17  }
0x8e: {  	[smem:$0x3FBC] =	sst s2  }
0x8f: {  	_ = 	snop  }
0x90: {  	(tm) =	ssettm $0x1  }
0x91: {  	s18 =	sld [smem:$0x3FFB];
	_ =	sdelay $0x3  }
0x92: {  	_ =	strace s18  }
0x93: {  	s2 =	sld [smem:$0x3FFC];
	_ =	sdelay $0x3  }
0x94: {  	_ =	strace s2  }
0x95: {  	s2 =	sld [smem:$0x3FFD];
	_ =	sdelay $0x3  }
0x96: {  	_ =	strace s2  }
0x97: {  	_ =	strace $0x8FFFFFFF  }
0x98: {  	s19 =	sld [smem:$0x3FDB];
	_ =	sdelay $0x1  }
0x99: {  	s20 =	simm.s32 $_scs_section_size  }
0x9a: {  	s4 =	simm.s32 $_size__tile_overlayer_lowered;
	s5 =	simm.s32 $_tile_overlayer_lowered  }
0x9b: {  	s6 =	simm.s32 $0x1BFF;
	s21 =	sshll.u32 s5, $0x1;
	s3 =	sadd.s32 s20, s19  }
0x9c: {  	s22 =	simm.s32 $0x0;
	s4 =	sshll.u32 s4, $0x1;
	s5 =	sadd.s32 s21, s3  }
0x9d: {  	[timem:s22], [sflag:s6] =	dma.local [hbm:s5], s4  }
0x9e: {  	_ =	swait.ge [sflag:s6], s4  }
0x9f: {  	s4 =	ssub.s32 $0x0, s4;
	[sflag:s6] =	ssyncset.done $0x0  }
0xa0: {  	[sflag:s6] =	ssyncadd.s32 s4;
	_ =	sdelay $0x1  }
0xa1: {  	s23 =	simm.s32 $0x1B8B  }
0xa2: {  	_ =	swait.ge [sflag:s23], $0x1  }
0xa3: {  	[sflag:s23] =	ssyncset.done $0x0  }
0xa4: {  	[sflag:s23] =	ssyncadd.s32 $0xFFFFFFFF  }
0xa5: {  	s4 =	sld [smem:$0x0]  }
0xa6: {  	s5 =	sand.u32 $0xFFFFFFFE, s1  }
0xa7: {  	p0 =	sne.s32 s1, s5  }
0xa8: {  	s5 =	sshll.u32 @p0 s5, $0xE  }
0xa9: {  	s5 =	sadd.s32 @p0 $0x11B8D, s5;
	s6 =	sshll.u32 @p0 s4, $0x11  }
0xaa: {  	s5 =	sor.u32 @p0 s6, s5  }
0xab: {  	[sflag:s5] =	ssyncadd.remote.s32 @p0 $0x1;
	_ =	sdelay $0x1  }
0xac: {  	s5 =	simm.s32 @p0 $0x1B8D  }
0xad: {  	_ =	swait.eq @p0 [sflag:s5], $0x1  }
0xae: {  	[sflag:s5] =	ssyncadd.s32 @p0 $0xFFFFFFFF  }
0xaf: {  	s6 =	sshll.u32 @!p0 s1, $0xE  }
0xb0: {  	s6 =	sor.u32 @!p0 $0x4000, s6;
	s5 =	simm.s32 @!p0 $0x1B8D  }
0xb1: {  	s4 =	sshll.u32 @!p0 s4, $0x11;
	s6 =	sadd.s32 @!p0 $0x11B8D, s6;
	_ =	swait.eq @!p0 [sflag:s5], $0x1  }
0xb2: {  	s4 =	sor.u32 @!p0 s4, s6;
	[sflag:s5] =	ssyncadd.s32 @!p0 $0xFFFFFFFF  }
0xb3: {  	s25 =	simm.s32 $0x1B8E;
	s24 =	sld [smem:$0x3FFE];
	[sflag:s4] =	ssyncadd.remote.s32 @!p0 $0x1  }
0xb4: {  	s26 =	simm.s32 $execute0_lowered;
	[smem:$0x3FD2] =	sst s25  }
0xb5: {  	s5 =	sshll.u32 s26, $0x1;
	_ =	strace $0x80000049;
	[dreg:$0x1] =	wrdreg $0xFFFFFFFF  }
0xb6: {  	s28 =	simm.s32 $_size_execute0_lowered;
	s3 =	sadd.s32 s3, s5;
	[dreg:$0x0] =	wrdreg $0x0  }
0xb7: {  	s5 =	sshll.u32 s28, $0x1;
	[dreg:$0x2] =	wrdreg s3  }
0xb8: {  	[dreg:$0x3] =	wrdreg s5  }
0xb9: {  	[dreg:$0x4] =	wrdreg $0xC0  }
0xba: {  	_ =	task [dreg:s22], $0x5FFFF  }
0xbb: {  	[dreg:$0x1] =	wrdreg $0xFFFFFFFF  }
0xbc: {  	[dreg:$0x0] =	wrdreg $0x60  }
0xbd: {  	[dreg:$0x2] =	wrdreg s24  }
0xbe: {  	[dreg:$0x3] =	wrdreg $0x0  }
0xbf: {  	[dreg:$0x4] =	wrdreg $0xA  }
0xc0: {  	_ =	task.clear_ibuf [dreg:s22], $0x5FFFF;
	_ =	strace $0x90000049  }
0xc1: {  	s29 =	simm.s32 $0xA;
	_ =	strace $0x8000004B  }
0xc2: {  	_ =	swait.ge [sflag:s29], $0x1  }
0xc3: {  	[sflag:s29] =	ssyncadd.s32 $0xFFFFFFFF  }
0xc4: {  	_ =	strace $0x9000004B  }
0xc5: {  	_ =	sfence  }
0xc6: {  	s30 =	sld [smem:$0x0];
	_ =	sdelay $0x2  }
0xc7: {  	s31 =	sshll.u32 s1, $0xD;
	s1 =	sshrl.u32 s1, $0x2  }
0xc8: {  	s4 =	sand.u32 $0x4000, s31;
	s1 =	sadd.s32 s1, s30  }
0xc9: {  	s0 =	sor.u32 s4, s0;
	s1 =	sshll.u32 s1, $0x11  }
0xca: {  	s0 =	sor.u32 s1, s0  }
0xcb: {  	s0 =	sadd.s32 $0x8F2B, s0  }
0xcc: {  	[sflag:s0] =	ssyncadd.remote.s32 $0x1  }
0xcd: {  	_ =	sfence.sel $0xFFFF  }
0xce: {  	[dreg:$0x0] =	wrdreg $0xFFFFFFFF;
	(pc) =	sbr.abs _section_cstart, $3  }
0xcf: {  	[dreg:$0x1] =	wrdreg $0xFFFFFFFF  }
0xd0: {  	_ =	task.clear_ibuf [dreg:s22], $0x2FFFF;
	_ =	strace $0x9FFFFFFF  }
0xd1: {  	(tm) =	ssettm $0x7FFFFFFF  }
tec
execute0_lowered:
.L_overlay_start_1:
0x0: {  	(tag) =	ssettag $0x1  }
0x1: {  	s0 =	rddreg [dreg:$0x0]  }
0x2: {  	s1 =	rddreg [dreg:$0x1]  }
0x3: {  	s2 =	simm.s32 $0x0;
	s21 =	stileid.u32;
	s6 =	srdreg.scid  }
0x4: {  	s18 =	simm.s32 $0x3;
	s19 =	simm.s32 $0x14000;
	s20 =	simm.s32 $0x15400  }
0x5: {  	s28 =	simm.s32 $0x16700;
	s29 =	simm.s32 $0x16780;
	s5 =	smul.u32 $0x14000, s21  }
0x6: {  	s30 =	simm.s32 $0x0;
	[smem:$0x7FF] =	sst s2;
	s7 =	smul.u32 $0x2800, s21  }
0x7: {  	s4 =	sadd.s32 $0x45400, s0;
	s9 =	sadd.s32 $0x27400, s0;
	s25 =	smul.u32 $0x5000, s21  }
0x8: {  	s10 =	sadd.s32 $0x3B400, s0;
	s6 =	sand.u32 $0x1, s6;
	s26 =	smul.u32 $0xA00, s21  }
0x9: {  	s24 =	sshll.u32 s21, $0x6;
	_ =	strace $0x8000004A;
	s11 =	smul.u32 $0x28000, s6  }
0xa: {  	s12 =	sshll.u32 s6, $0x4;
	s6 =	ssub.s32 $0x2, s6;
	s8 =	sshrl.u32 s5, $0x3  }
0xb: {  	s12 =	sor.u32 s21, s12;
	s22 =	sshrl.u32 s6, $0x1;
	s17 =	sadd.s32 s5, s1  }
0xc: {  	s21 =	simm.s32 $0x80;
	s8 =	sadd.s32 s8, s0;
	s13 =	smul.u32 $0xA00, s12  }
0xd: {  	s7 =	sadd.s32 s7, s11;
	s16 =	ssub.s32 s6, s22;
	s23 =	smul.u32 $0x5000, s12  }
0xe: {  	s6 =	sor.u32 $0x1C03, s24;
	s12 =	sshrl.u32 s25, $0x3;
	s17 =	sshrl.u32 s17, $0x3  }
0xf: {  	s22 =	simm.s32 $0x16800;
	s24 =	simm.s32 $0x1;
	s25 =	simm.s32 $0x2  }
0x10: {  	s0 =	sadd.s32 s7, s0;
	s3 =	sadd.s32 $0xE5400, s8;
	s8 =	sadd.s32 s10, s26  }
0x11: {  	s14 =	sadd.s32 s10, s12;
	s16 =	smax.u32 s16, $0x1;
	s26 =	simm.s32 $0x15380  }
0x12: {  	[dreg:$0x3] =	wrdreg s3;
	s7 =	sadd.s32 s9, s13;
	s11 =	sshrl.u32 s23, $0x3  }
0x13: {  	s10 =	sadd.s32 $0x280, s14;
	s12 =	sadd.s32 $0x500, s14;
	s14 =	sadd.s32 $0x780, s14  }
0x14: {  	s15 =	sadd.s32 $0x10D400, s0;
	s23 =	simm.s32 $0x1A800;
	s31 =	sadd.s32 s9, s11  }
0x15: {  	s9 =	sadd.s32 $0x280, s31;
	s11 =	sadd.s32 $0x500, s31;
	s13 =	sadd.s32 $0x780, s31  }
.LBB2_1:
0x16: {  	s0 =	rddreg [dreg:$0x3]  }
0x17: {  	[spmem:s17], [sflag:s6] =	dma.local [hbm:s0], $0x2800  }
0x18: {  	_ =	swait.ge [sflag:s18], $0x2800  }
0x19: {  	[sflag:s18] =	ssyncset.done $0x0  }
0x1a: {  	[sflag:s18] =	ssyncadd.s32 $0xFFFFD800  }
0x1b: {  	s3 =	simm.s32 $0x0;
	[bflag:$0x0] =	sbarrier.arrive $0xFFFF  }
0x1c: {  	[tilespmem:s19], [sflag:$0x3] =	stream.linear.gather [hbm4b:s7+s3], $0x1400, $0x38;
	[tilespmem:$0x1E800] =	vst v63  }
0x1d: {  	_ =	swait.ge [sflag:s18], $0x1400  }
0x1e: {  	[sflag:s18] =	ssyncset.done $0x0  }
0x1f: {  	[sflag:s18] =	ssyncadd.s32 $0xFFFFEC00  }
0x20: {  	[tilespmem:s20], [sflag:$0x3] =	stream.linear.gather [hbm4b:s8+s3], $0x1400, $0x38;
	[tilespmem:$0x1E800] =	vst v63  }
0x21: {  	_ =	swait.ge [sflag:s18], $0x1400  }
0x22: {  	[sflag:s18] =	ssyncset.done $0x0  }
0x23: {  	[sflag:s18] =	ssyncadd.s32 $0xFFFFEC00  }
0x24: {  	[tilespmem:s22], [sflag:$0x1] =	stream.indirect.gather [hbm4b:s4+s21], $0x80, s19, s21, $0xb8;
	[tilespmem:$0x1E800] =	vst v63  }
0x25: {  	s5 =	simm.s32 $0x14080  }
0x26: {  	[tilespmem:s23], [sflag:$0x2] =	stream.indirect.gather [hbm4b:s4+s21], $0x80, s5, s21, $0xb8;
	[tilespmem:$0x1E800] =	vst v63  }
0x27: {  	_ =	swait.ge [sflag:s24], $0x4000  }
0x28: {  	[sflag:s24] =	ssyncset.done $0x0  }
0x29: {  	s2 =	simm.s32 $0x15400;
	[sflag:s24] =	ssyncadd.s32 $0xFFFFC000  }
0x2a: {  	[spmem:s1] =	stream.indirect.scatter.add.f32 [tilespmem:s22], [sflag:$0x3], $0x80, s2, s21, $0xb8;
	[tilespmem:$0x1E800] =	vst v63  }
0x2b: {  	_ =	swait.ge [sflag:s18], $0x4000  }
0x2c: {  	[sflag:s18] =	ssyncset.done $0x0  }
0x2d: {  	s3 =	simm.s32 $0x14100;
	[sflag:s18] =	ssyncadd.s32 $0xFFFFC000  }
0x2e: {  	[tilespmem:s22], [sflag:$0x1] =	stream.indirect.gather [hbm4b:s4+s21], $0x80, s3, s21, $0xb8;
	[tilespmem:$0x1E800] =	vst v63  }
0x2f: {  	_ =	swait.ge [sflag:s25], $0x4000  }
0x30: {  	[sflag:s25] =	ssyncset.done $0x0  }
0x31: {  	s5 =	simm.s32 $0x15480;
	[sflag:s25] =	ssyncadd.s32 $0xFFFFC000  }
0x32: {  	[spmem:s1] =	stream.indirect.scatter.add.f32 [tilespmem:s23], [sflag:$0x3], $0x80, s5, s21, $0xb8;
	[tilespmem:$0x1E800] =	vst v63  }
0x33: {  	_ =	swait.ge [sflag:s18], $0x4000  }
0x34: {  	s31 =	simm.s32 $0x100;
	s0 =	simm.s32 $0x800;
	[sflag:s18] =	ssyncset.done $0x0  }
.LBB2_2:
0x35: {  	s2 =	sadd.s32 $0x14080, s31  }
0x36: {  	[sflag:s18] =	ssyncadd.s32 $0xFFFFC000;
	s3 =	smov.u32 s0;
	s5 =	sadd.s32 $0x400, s0  }
0x37: {  	[tilespmem:s23], [sflag:$0x2] =	stream.indirect.gather [hbm4b:s4+s21], $0x80, s2, s21, $0xb8;
	[tilespmem:$0x1E800] =	vst v63  }
0x38: {  	p0 =	sne.s32 s0, $0x4800;
	_ =	swait.ge [sflag:s24], $0x4000  }
0x39: {  	[sflag:s24] =	ssyncset.done $0x0  }
0x3a: {  	s0 =	sadd.s32 $0x15400, s31;
	[sflag:s24] =	ssyncadd.s32 $0xFFFFC000  }
0x3b: {  	[spmem:s1] =	stream.indirect.scatter.add.f32 [tilespmem:s22], [sflag:$0x3], $0x80, s0, s21, $0xb8;
	[tilespmem:$0x1E800] =	vst v63  }
0x3c: {  	_ =	swait.ge [sflag:s18], $0x4000  }
0x3d: {  	[sflag:s18] =	ssyncset.done $0x0  }
0x3e: {  	s0 =	sadd.s32 $0x14100, s31;
	[sflag:s18] =	ssyncadd.s32 $0xFFFFC000  }
0x3f: {  	[tilespmem:s22], [sflag:$0x1] =	stream.indirect.gather [hbm4b:s4+s21], $0x80, s0, s21, $0xb8;
	[tilespmem:$0x1E800] =	vst v63  }
0x40: {  	_ =	swait.ge [sflag:s25], $0x4000  }
.Ltmp0:
0x41: {  	[sflag:s25] =	ssyncset.done $0x0;
	(pc) =	sbr.rel @p0 .LBB2_2-.Ltmp0, $4  }
0x42: {  	s0 =	sadd.s32 $0x15480, s31;
	[sflag:s25] =	ssyncadd.s32 $0xFFFFC000  }
0x43: {  	[spmem:s1] =	stream.indirect.scatter.add.f32 [tilespmem:s23], [sflag:$0x3], $0x80, s0, s21, $0xb8;
	[tilespmem:$0x1E800] =	vst v63  }
0x44: {  	_ =	swait.ge [sflag:s18], $0x4000  }
0x45: {  	s31 =	sshra.s32 s3, $0x2;
	s0 =	smov.u32 s5;
	[sflag:s18] =	ssyncset.done $0x0  }
0x46: {  	s0 =	sadd.s32 $0x14080, s31;
	[sflag:s18] =	ssyncadd.s32 $0xFFFFC000  }
0x47: {  	[tilespmem:s23], [sflag:$0x2] =	stream.indirect.gather [hbm4b:s4+s21], $0x80, s0, s21, $0xb8;
	[tilespmem:$0x1E800] =	vst v63  }
0x48: {  	_ =	swait.ge [sflag:s24], $0x4000  }
0x49: {  	[sflag:s24] =	ssyncset.done $0x0  }
0x4a: {  	s3 =	sadd.s32 $0x15400, s31;
	[sflag:s24] =	ssyncadd.s32 $0xFFFFC000  }
0x4b: {  	[spmem:s1] =	stream.indirect.scatter.add.f32 [tilespmem:s22], [sflag:$0x3], $0x80, s3, s21, $0xb8;
	[tilespmem:$0x1E800] =	vst v63  }
0x4c: {  	_ =	swait.ge [sflag:s18], $0x4000  }
0x4d: {  	[sflag:s18] =	ssyncset.done $0x0  }
0x4e: {  	s5 =	sadd.s32 $0x14100, s31;
	[sflag:s18] =	ssyncadd.s32 $0xFFFFC000  }
0x4f: {  	[tilespmem:s22], [sflag:$0x1] =	stream.indirect.gather [hbm4b:s4+s21], $0x80, s5, s21, $0xb8;
	[tilespmem:$0x1E800] =	vst v63  }
0x50: {  	_ =	swait.ge [sflag:s25], $0x4000  }
0x51: {  	[sflag:s25] =	ssyncset.done $0x0  }
0x52: {  	s2 =	sadd.s32 $0x15480, s31;
	[sflag:s25] =	ssyncadd.s32 $0xFFFFC000  }
0x53: {  	[spmem:s1] =	stream.indirect.scatter.add.f32 [tilespmem:s23], [sflag:$0x3], $0x80, s2, s21, $0xb8;
	[tilespmem:$0x1E800] =	vst v63  }
0x54: {  	_ =	swait.ge [sflag:s18], $0x4000  }
0x55: {  	[sflag:s18] =	ssyncset.done $0x0  }
0x56: {  	[sflag:s18] =	ssyncadd.s32 $0xFFFFC000  }
0x57: {  	[tilespmem:s23], [sflag:$0x2] =	stream.indirect.gather [hbm4b:s4+s21], $0x80, s26, s21, $0xb8;
	[tilespmem:$0x1E800] =	vst v63  }
0x58: {  	_ =	swait.ge [sflag:s24], $0x4000  }
0x59: {  	[sflag:s24] =	ssyncset.done $0x0  }
0x5a: {  	[sflag:s24] =	ssyncadd.s32 $0xFFFFC000  }
0x5b: {  	[spmem:s1] =	stream.indirect.scatter.add.f32 [tilespmem:s22], [sflag:$0x3], $0x80, s28, s21, $0xb8;
	[tilespmem:$0x1E800] =	vst v63  }
0x5c: {  	_ =	swait.ge [sflag:s18], $0x4000  }
0x5d: {  	[sflag:s18] =	ssyncset.done $0x0  }
0x5e: {  	[sflag:s18] =	ssyncadd.s32 $0xFFFFC000  }
0x5f: {  	_ =	swait.ge [sflag:s25], $0x4000  }
0x60: {  	[sflag:s25] =	ssyncset.done $0x0  }
0x61: {  	[sflag:s25] =	ssyncadd.s32 $0xFFFFC000  }
0x62: {  	[spmem:s1] =	stream.indirect.scatter.add.f32 [tilespmem:s23], [sflag:$0x3], $0x80, s29, s21, $0xb8;
	[tilespmem:$0x1E800] =	vst v63  }
0x63: {  	_ =	swait.ge [sflag:s18], $0x4000  }
0x64: {  	[sflag:s18] =	ssyncset.done $0x0  }
0x65: {  	s3 =	simm.s32 $0x0;
	[sflag:s18] =	ssyncadd.s32 $0xFFFFC000  }
0x66: {  	[tilespmem:s19], [sflag:$0x3] =	stream.linear.gather [hbm4b:s9+s3], $0x1400, $0x38;
	[tilespmem:$0x1E800] =	vst v63  }
0x67: {  	_ =	swait.ge [sflag:s18], $0x1400  }
0x68: {  	[sflag:s18] =	ssyncset.done $0x0  }
0x69: {  	[sflag:s18] =	ssyncadd.s32 $0xFFFFEC00  }
0x6a: {  	[tilespmem:s20], [sflag:$0x3] =	stream.linear.gather [hbm4b:s10+s3], $0x1400, $0x38;
	[tilespmem:$0x1E800] =	vst v63  }
0x6b: {  	_ =	swait.ge [sflag:s18], $0x1400  }
0x6c: {  	[sflag:s18] =	ssyncset.done $0x0  }
0x6d: {  	[sflag:s18] =	ssyncadd.s32 $0xFFFFEC00  }
0x6e: {  	[tilespmem:s22], [sflag:$0x1] =	stream.indirect.gather [hbm4b:s4+s21], $0x80, s19, s21, $0xb8;
	[tilespmem:$0x1E800] =	vst v63  }
0x6f: {  	s5 =	simm.s32 $0x14080  }
0x70: {  	[tilespmem:s23], [sflag:$0x2] =	stream.indirect.gather [hbm4b:s4+s21], $0x80, s5, s21, $0xb8;
	[tilespmem:$0x1E800] =	vst v63  }
0x71: {  	_ =	swait.ge [sflag:s24], $0x4000  }
0x72: {  	[sflag:s24] =	ssyncset.done $0x0  }
0x73: {  	s2 =	simm.s32 $0x15400;
	[sflag:s24] =	ssyncadd.s32 $0xFFFFC000  }
0x74: {  	[spmem:s1] =	stream.indirect.scatter.add.f32 [tilespmem:s22], [sflag:$0x3], $0x80, s2, s21, $0xb8;
	[tilespmem:$0x1E800] =	vst v63  }
0x75: {  	_ =	swait.ge [sflag:s18], $0x4000  }
0x76: {  	[sflag:s18] =	ssyncset.done $0x0  }
0x77: {  	s3 =	simm.s32 $0x14100;
	[sflag:s18] =	ssyncadd.s32 $0xFFFFC000  }
0x78: {  	[tilespmem:s22], [sflag:$0x1] =	stream.indirect.gather [hbm4b:s4+s21], $0x80, s3, s21, $0xb8;
	[tilespmem:$0x1E800] =	vst v63  }
0x79: {  	_ =	swait.ge [sflag:s25], $0x4000  }
0x7a: {  	[sflag:s25] =	ssyncset.done $0x0  }
0x7b: {  	s5 =	simm.s32 $0x15480;
	[sflag:s25] =	ssyncadd.s32 $0xFFFFC000  }
0x7c: {  	[spmem:s1] =	stream.indirect.scatter.add.f32 [tilespmem:s23], [sflag:$0x3], $0x80, s5, s21, $0xb8;
	[tilespmem:$0x1E800] =	vst v63  }
0x7d: {  	_ =	swait.ge [sflag:s18], $0x4000  }
0x7e: {  	s31 =	simm.s32 $0x100;
	s0 =	simm.s32 $0x800;
	[sflag:s18] =	ssyncset.done $0x0  }
.LBB2_4:
0x7f: {  	s2 =	sadd.s32 $0x14080, s31  }
0x80: {  	[sflag:s18] =	ssyncadd.s32 $0xFFFFC000;
	s3 =	smov.u32 s0;
	s5 =	sadd.s32 $0x400, s0  }
0x81: {  	[tilespmem:s23], [sflag:$0x2] =	stream.indirect.gather [hbm4b:s4+s21], $0x80, s2, s21, $0xb8;
	[tilespmem:$0x1E800] =	vst v63  }
0x82: {  	p0 =	sne.s32 s0, $0x4800;
	_ =	swait.ge [sflag:s24], $0x4000  }
0x83: {  	[sflag:s24] =	ssyncset.done $0x0  }
0x84: {  	s0 =	sadd.s32 $0x15400, s31;
	[sflag:s24] =	ssyncadd.s32 $0xFFFFC000  }
0x85: {  	[spmem:s1] =	stream.indirect.scatter.add.f32 [tilespmem:s22], [sflag:$0x3], $0x80, s0, s21, $0xb8;
	[tilespmem:$0x1E800] =	vst v63  }
0x86: {  	_ =	swait.ge [sflag:s18], $0x4000  }
0x87: {  	[sflag:s18] =	ssyncset.done $0x0  }
0x88: {  	s0 =	sadd.s32 $0x14100, s31;
	[sflag:s18] =	ssyncadd.s32 $0xFFFFC000  }
0x89: {  	[tilespmem:s22], [sflag:$0x1] =	stream.indirect.gather [hbm4b:s4+s21], $0x80, s0, s21, $0xb8;
	[tilespmem:$0x1E800] =	vst v63  }
0x8a: {  	_ =	swait.ge [sflag:s25], $0x4000  }
.Ltmp1:
0x8b: {  	[sflag:s25] =	ssyncset.done $0x0;
	(pc) =	sbr.rel @p0 .LBB2_4-.Ltmp1, $4  }
0x8c: {  	s0 =	sadd.s32 $0x15480, s31;
	[sflag:s25] =	ssyncadd.s32 $0xFFFFC000  }
0x8d: {  	[spmem:s1] =	stream.indirect.scatter.add.f32 [tilespmem:s23], [sflag:$0x3], $0x80, s0, s21, $0xb8;
	[tilespmem:$0x1E800] =	vst v63  }
0x8e: {  	_ =	swait.ge [sflag:s18], $0x4000  }
0x8f: {  	s31 =	sshra.s32 s3, $0x2;
	s0 =	smov.u32 s5;
	[sflag:s18] =	ssyncset.done $0x0  }
0x90: {  	s0 =	sadd.s32 $0x14080, s31;
	[sflag:s18] =	ssyncadd.s32 $0xFFFFC000  }
0x91: {  	[tilespmem:s23], [sflag:$0x2] =	stream.indirect.gather [hbm4b:s4+s21], $0x80, s0, s21, $0xb8;
	[tilespmem:$0x1E800] =	vst v63  }
0x92: {  	_ =	swait.ge [sflag:s24], $0x4000  }
0x93: {  	[sflag:s24] =	ssyncset.done $0x0  }
0x94: {  	s3 =	sadd.s32 $0x15400, s31;
	[sflag:s24] =	ssyncadd.s32 $0xFFFFC000  }
0x95: {  	[spmem:s1] =	stream.indirect.scatter.add.f32 [tilespmem:s22], [sflag:$0x3], $0x80, s3, s21, $0xb8;
	[tilespmem:$0x1E800] =	vst v63  }
0x96: {  	_ =	swait.ge [sflag:s18], $0x4000  }
0x97: {  	[sflag:s18] =	ssyncset.done $0x0  }
0x98: {  	s5 =	sadd.s32 $0x14100, s31;
	[sflag:s18] =	ssyncadd.s32 $0xFFFFC000  }
0x99: {  	[tilespmem:s22], [sflag:$0x1] =	stream.indirect.gather [hbm4b:s4+s21], $0x80, s5, s21, $0xb8;
	[tilespmem:$0x1E800] =	vst v63  }
0x9a: {  	_ =	swait.ge [sflag:s25], $0x4000  }
0x9b: {  	[sflag:s25] =	ssyncset.done $0x0  }
0x9c: {  	s2 =	sadd.s32 $0x15480, s31;
	[sflag:s25] =	ssyncadd.s32 $0xFFFFC000  }
0x9d: {  	[spmem:s1] =	stream.indirect.scatter.add.f32 [tilespmem:s23], [sflag:$0x3], $0x80, s2, s21, $0xb8;
	[tilespmem:$0x1E800] =	vst v63  }
0x9e: {  	_ =	swait.ge [sflag:s18], $0x4000  }
0x9f: {  	[sflag:s18] =	ssyncset.done $0x0  }
0xa0: {  	[sflag:s18] =	ssyncadd.s32 $0xFFFFC000  }
0xa1: {  	[tilespmem:s23], [sflag:$0x2] =	stream.indirect.gather [hbm4b:s4+s21], $0x80, s26, s21, $0xb8;
	[tilespmem:$0x1E800] =	vst v63  }
0xa2: {  	_ =	swait.ge [sflag:s24], $0x4000  }
0xa3: {  	[sflag:s24] =	ssyncset.done $0x0  }
0xa4: {  	[sflag:s24] =	ssyncadd.s32 $0xFFFFC000  }
0xa5: {  	[spmem:s1] =	stream.indirect.scatter.add.f32 [tilespmem:s22], [sflag:$0x3], $0x80, s28, s21, $0xb8;
	[tilespmem:$0x1E800] =	vst v63  }
0xa6: {  	_ =	swait.ge [sflag:s18], $0x4000  }
0xa7: {  	[sflag:s18] =	ssyncset.done $0x0  }
0xa8: {  	[sflag:s18] =	ssyncadd.s32 $0xFFFFC000  }
0xa9: {  	_ =	swait.ge [sflag:s25], $0x4000  }
0xaa: {  	[sflag:s25] =	ssyncset.done $0x0  }
0xab: {  	[sflag:s25] =	ssyncadd.s32 $0xFFFFC000  }
0xac: {  	[spmem:s1] =	stream.indirect.scatter.add.f32 [tilespmem:s23], [sflag:$0x3], $0x80, s29, s21, $0xb8;
	[tilespmem:$0x1E800] =	vst v63  }
0xad: {  	_ =	swait.ge [sflag:s18], $0x4000  }
0xae: {  	[sflag:s18] =	ssyncset.done $0x0  }
0xaf: {  	s3 =	simm.s32 $0x0;
	[sflag:s18] =	ssyncadd.s32 $0xFFFFC000  }
0xb0: {  	[tilespmem:s19], [sflag:$0x3] =	stream.linear.gather [hbm4b:s11+s3], $0x1400, $0x38;
	[tilespmem:$0x1E800] =	vst v63  }
0xb1: {  	_ =	swait.ge [sflag:s18], $0x1400  }
0xb2: {  	[sflag:s18] =	ssyncset.done $0x0  }
0xb3: {  	[sflag:s18] =	ssyncadd.s32 $0xFFFFEC00  }
0xb4: {  	[tilespmem:s20], [sflag:$0x3] =	stream.linear.gather [hbm4b:s12+s3], $0x1400, $0x38;
	[tilespmem:$0x1E800] =	vst v63  }
0xb5: {  	_ =	swait.ge [sflag:s18], $0x1400  }
0xb6: {  	[sflag:s18] =	ssyncset.done $0x0  }
0xb7: {  	[sflag:s18] =	ssyncadd.s32 $0xFFFFEC00  }
0xb8: {  	[tilespmem:s22], [sflag:$0x1] =	stream.indirect.gather [hbm4b:s4+s21], $0x80, s19, s21, $0xb8;
	[tilespmem:$0x1E800] =	vst v63  }
0xb9: {  	s5 =	simm.s32 $0x14080  }
0xba: {  	[tilespmem:s23], [sflag:$0x2] =	stream.indirect.gather [hbm4b:s4+s21], $0x80, s5, s21, $0xb8;
	[tilespmem:$0x1E800] =	vst v63  }
0xbb: {  	_ =	swait.ge [sflag:s24], $0x4000  }
0xbc: {  	[sflag:s24] =	ssyncset.done $0x0  }
0xbd: {  	s2 =	simm.s32 $0x15400;
	[sflag:s24] =	ssyncadd.s32 $0xFFFFC000  }
0xbe: {  	[spmem:s1] =	stream.indirect.scatter.add.f32 [tilespmem:s22], [sflag:$0x3], $0x80, s2, s21, $0xb8;
	[tilespmem:$0x1E800] =	vst v63  }
0xbf: {  	_ =	swait.ge [sflag:s18], $0x4000  }
0xc0: {  	[sflag:s18] =	ssyncset.done $0x0  }
0xc1: {  	s3 =	simm.s32 $0x14100;
	[sflag:s18] =	ssyncadd.s32 $0xFFFFC000  }
0xc2: {  	[tilespmem:s22], [sflag:$0x1] =	stream.indirect.gather [hbm4b:s4+s21], $0x80, s3, s21, $0xb8;
	[tilespmem:$0x1E800] =	vst v63  }
0xc3: {  	_ =	swait.ge [sflag:s25], $0x4000  }
0xc4: {  	[sflag:s25] =	ssyncset.done $0x0  }
0xc5: {  	s5 =	simm.s32 $0x15480;
	[sflag:s25] =	ssyncadd.s32 $0xFFFFC000  }
0xc6: {  	[spmem:s1] =	stream.indirect.scatter.add.f32 [tilespmem:s23], [sflag:$0x3], $0x80, s5, s21, $0xb8;
	[tilespmem:$0x1E800] =	vst v63  }
0xc7: {  	_ =	swait.ge [sflag:s18], $0x4000  }
0xc8: {  	s31 =	simm.s32 $0x100;
	s0 =	simm.s32 $0x800;
	[sflag:s18] =	ssyncset.done $0x0  }
.LBB2_6:
0xc9: {  	s2 =	sadd.s32 $0x14080, s31  }
0xca: {  	[sflag:s18] =	ssyncadd.s32 $0xFFFFC000;
	s3 =	smov.u32 s0;
	s5 =	sadd.s32 $0x400, s0  }
0xcb: {  	[tilespmem:s23], [sflag:$0x2] =	stream.indirect.gather [hbm4b:s4+s21], $0x80, s2, s21, $0xb8;
	[tilespmem:$0x1E800] =	vst v63  }
0xcc: {  	p0 =	sne.s32 s0, $0x4800;
	_ =	swait.ge [sflag:s24], $0x4000  }
0xcd: {  	[sflag:s24] =	ssyncset.done $0x0  }
0xce: {  	s0 =	sadd.s32 $0x15400, s31;
	[sflag:s24] =	ssyncadd.s32 $0xFFFFC000  }
0xcf: {  	[spmem:s1] =	stream.indirect.scatter.add.f32 [tilespmem:s22], [sflag:$0x3], $0x80, s0, s21, $0xb8;
	[tilespmem:$0x1E800] =	vst v63  }
0xd0: {  	_ =	swait.ge [sflag:s18], $0x4000  }
0xd1: {  	[sflag:s18] =	ssyncset.done $0x0  }
0xd2: {  	s0 =	sadd.s32 $0x14100, s31;
	[sflag:s18] =	ssyncadd.s32 $0xFFFFC000  }
0xd3: {  	[tilespmem:s22], [sflag:$0x1] =	stream.indirect.gather [hbm4b:s4+s21], $0x80, s0, s21, $0xb8;
	[tilespmem:$0x1E800] =	vst v63  }
0xd4: {  	_ =	swait.ge [sflag:s25], $0x4000  }
.Ltmp2:
0xd5: {  	[sflag:s25] =	ssyncset.done $0x0;
	(pc) =	sbr.rel @p0 .LBB2_6-.Ltmp2, $4  }
0xd6: {  	s0 =	sadd.s32 $0x15480, s31;
	[sflag:s25] =	ssyncadd.s32 $0xFFFFC000  }
0xd7: {  	[spmem:s1] =	stream.indirect.scatter.add.f32 [tilespmem:s23], [sflag:$0x3], $0x80, s0, s21, $0xb8;
	[tilespmem:$0x1E800] =	vst v63  }
0xd8: {  	_ =	swait.ge [sflag:s18], $0x4000  }
0xd9: {  	s31 =	sshra.s32 s3, $0x2;
	s0 =	smov.u32 s5;
	[sflag:s18] =	ssyncset.done $0x0  }
0xda: {  	s0 =	sadd.s32 $0x14080, s31;
	[sflag:s18] =	ssyncadd.s32 $0xFFFFC000  }
0xdb: {  	[tilespmem:s23], [sflag:$0x2] =	stream.indirect.gather [hbm4b:s4+s21], $0x80, s0, s21, $0xb8;
	[tilespmem:$0x1E800] =	vst v63  }
0xdc: {  	_ =	swait.ge [sflag:s24], $0x4000  }
0xdd: {  	[sflag:s24] =	ssyncset.done $0x0  }
0xde: {  	s3 =	sadd.s32 $0x15400, s31;
	[sflag:s24] =	ssyncadd.s32 $0xFFFFC000  }
0xdf: {  	[spmem:s1] =	stream.indirect.scatter.add.f32 [tilespmem:s22], [sflag:$0x3], $0x80, s3, s21, $0xb8;
	[tilespmem:$0x1E800] =	vst v63  }
0xe0: {  	_ =	swait.ge [sflag:s18], $0x4000  }
0xe1: {  	[sflag:s18] =	ssyncset.done $0x0  }
0xe2: {  	s5 =	sadd.s32 $0x14100, s31;
	[sflag:s18] =	ssyncadd.s32 $0xFFFFC000  }
0xe3: {  	[tilespmem:s22], [sflag:$0x1] =	stream.indirect.gather [hbm4b:s4+s21], $0x80, s5, s21, $0xb8;
	[tilespmem:$0x1E800] =	vst v63  }
0xe4: {  	_ =	swait.ge [sflag:s25], $0x4000  }
0xe5: {  	[sflag:s25] =	ssyncset.done $0x0  }
0xe6: {  	s2 =	sadd.s32 $0x15480, s31;
	[sflag:s25] =	ssyncadd.s32 $0xFFFFC000  }
0xe7: {  	[spmem:s1] =	stream.indirect.scatter.add.f32 [tilespmem:s23], [sflag:$0x3], $0x80, s2, s21, $0xb8;
	[tilespmem:$0x1E800] =	vst v63  }
0xe8: {  	_ =	swait.ge [sflag:s18], $0x4000  }
0xe9: {  	[sflag:s18] =	ssyncset.done $0x0  }
0xea: {  	[sflag:s18] =	ssyncadd.s32 $0xFFFFC000  }
0xeb: {  	[tilespmem:s23], [sflag:$0x2] =	stream.indirect.gather [hbm4b:s4+s21], $0x80, s26, s21, $0xb8;
	[tilespmem:$0x1E800] =	vst v63  }
0xec: {  	_ =	swait.ge [sflag:s24], $0x4000  }
0xed: {  	[sflag:s24] =	ssyncset.done $0x0  }
0xee: {  	[sflag:s24] =	ssyncadd.s32 $0xFFFFC000  }
0xef: {  	[spmem:s1] =	stream.indirect.scatter.add.f32 [tilespmem:s22], [sflag:$0x3], $0x80, s28, s21, $0xb8;
	[tilespmem:$0x1E800] =	vst v63  }
0xf0: {  	_ =	swait.ge [sflag:s18], $0x4000  }
0xf1: {  	[sflag:s18] =	ssyncset.done $0x0  }
0xf2: {  	[sflag:s18] =	ssyncadd.s32 $0xFFFFC000  }
0xf3: {  	_ =	swait.ge [sflag:s25], $0x4000  }
0xf4: {  	[sflag:s25] =	ssyncset.done $0x0  }
0xf5: {  	[sflag:s25] =	ssyncadd.s32 $0xFFFFC000  }
0xf6: {  	[spmem:s1] =	stream.indirect.scatter.add.f32 [tilespmem:s23], [sflag:$0x3], $0x80, s29, s21, $0xb8;
	[tilespmem:$0x1E800] =	vst v63  }
0xf7: {  	_ =	swait.ge [sflag:s18], $0x4000  }
0xf8: {  	[sflag:s18] =	ssyncset.done $0x0  }
0xf9: {  	s3 =	simm.s32 $0x0;
	[sflag:s18] =	ssyncadd.s32 $0xFFFFC000  }
0xfa: {  	[tilespmem:s19], [sflag:$0x3] =	stream.linear.gather [hbm4b:s13+s3], $0x1400, $0x38;
	[tilespmem:$0x1E800] =	vst v63  }
0xfb: {  	_ =	swait.ge [sflag:s18], $0x1400  }
0xfc: {  	[sflag:s18] =	ssyncset.done $0x0  }
0xfd: {  	[sflag:s18] =	ssyncadd.s32 $0xFFFFEC00  }
0xfe: {  	[tilespmem:s20], [sflag:$0x3] =	stream.linear.gather [hbm4b:s14+s3], $0x1400, $0x38;
	[tilespmem:$0x1E800] =	vst v63  }
0xff: {  	_ =	swait.ge [sflag:s18], $0x1400  }
0x100: {  	[sflag:s18] =	ssyncset.done $0x0  }
0x101: {  	[sflag:s18] =	ssyncadd.s32 $0xFFFFEC00  }
0x102: {  	[tilespmem:s22], [sflag:$0x1] =	stream.indirect.gather [hbm4b:s4+s21], $0x80, s19, s21, $0xb8;
	[tilespmem:$0x1E800] =	vst v63  }
0x103: {  	s5 =	simm.s32 $0x14080  }
0x104: {  	[tilespmem:s23], [sflag:$0x2] =	stream.indirect.gather [hbm4b:s4+s21], $0x80, s5, s21, $0xb8;
	[tilespmem:$0x1E800] =	vst v63  }
0x105: {  	_ =	swait.ge [sflag:s24], $0x4000  }
0x106: {  	[sflag:s24] =	ssyncset.done $0x0  }
0x107: {  	s2 =	simm.s32 $0x15400;
	[sflag:s24] =	ssyncadd.s32 $0xFFFFC000  }
0x108: {  	[spmem:s1] =	stream.indirect.scatter.add.f32 [tilespmem:s22], [sflag:$0x3], $0x80, s2, s21, $0xb8;
	[tilespmem:$0x1E800] =	vst v63  }
0x109: {  	_ =	swait.ge [sflag:s18], $0x4000  }
0x10a: {  	[sflag:s18] =	ssyncset.done $0x0  }
0x10b: {  	s3 =	simm.s32 $0x14100;
	[sflag:s18] =	ssyncadd.s32 $0xFFFFC000  }
0x10c: {  	[tilespmem:s22], [sflag:$0x1] =	stream.indirect.gather [hbm4b:s4+s21], $0x80, s3, s21, $0xb8;
	[tilespmem:$0x1E800] =	vst v63  }
0x10d: {  	_ =	swait.ge [sflag:s25], $0x4000  }
0x10e: {  	[sflag:s25] =	ssyncset.done $0x0  }
0x10f: {  	s5 =	simm.s32 $0x15480;
	[sflag:s25] =	ssyncadd.s32 $0xFFFFC000  }
0x110: {  	[spmem:s1] =	stream.indirect.scatter.add.f32 [tilespmem:s23], [sflag:$0x3], $0x80, s5, s21, $0xb8;
	[tilespmem:$0x1E800] =	vst v63  }
0x111: {  	_ =	swait.ge [sflag:s18], $0x4000  }
0x112: {  	s31 =	simm.s32 $0x100;
	s0 =	simm.s32 $0x800;
	[sflag:s18] =	ssyncset.done $0x0  }
.LBB2_8:
0x113: {  	s2 =	sadd.s32 $0x14080, s31  }
0x114: {  	[sflag:s18] =	ssyncadd.s32 $0xFFFFC000;
	s3 =	smov.u32 s0;
	s5 =	sadd.s32 $0x400, s0  }
0x115: {  	[tilespmem:s23], [sflag:$0x2] =	stream.indirect.gather [hbm4b:s4+s21], $0x80, s2, s21, $0xb8;
	[tilespmem:$0x1E800] =	vst v63  }
0x116: {  	p0 =	sne.s32 s0, $0x4800;
	_ =	swait.ge [sflag:s24], $0x4000  }
0x117: {  	[sflag:s24] =	ssyncset.done $0x0  }
0x118: {  	s0 =	sadd.s32 $0x15400, s31;
	[sflag:s24] =	ssyncadd.s32 $0xFFFFC000  }
0x119: {  	[spmem:s1] =	stream.indirect.scatter.add.f32 [tilespmem:s22], [sflag:$0x3], $0x80, s0, s21, $0xb8;
	[tilespmem:$0x1E800] =	vst v63  }
0x11a: {  	_ =	swait.ge [sflag:s18], $0x4000  }
0x11b: {  	[sflag:s18] =	ssyncset.done $0x0  }
0x11c: {  	s0 =	sadd.s32 $0x14100, s31;
	[sflag:s18] =	ssyncadd.s32 $0xFFFFC000  }
0x11d: {  	[tilespmem:s22], [sflag:$0x1] =	stream.indirect.gather [hbm4b:s4+s21], $0x80, s0, s21, $0xb8;
	[tilespmem:$0x1E800] =	vst v63  }
0x11e: {  	_ =	swait.ge [sflag:s25], $0x4000  }
.Ltmp3:
0x11f: {  	[sflag:s25] =	ssyncset.done $0x0;
	(pc) =	sbr.rel @p0 .LBB2_8-.Ltmp3, $4  }
0x120: {  	s0 =	sadd.s32 $0x15480, s31;
	[sflag:s25] =	ssyncadd.s32 $0xFFFFC000  }
0x121: {  	[spmem:s1] =	stream.indirect.scatter.add.f32 [tilespmem:s23], [sflag:$0x3], $0x80, s0, s21, $0xb8;
	[tilespmem:$0x1E800] =	vst v63  }
0x122: {  	_ =	swait.ge [sflag:s18], $0x4000  }
0x123: {  	s31 =	sshra.s32 s3, $0x2;
	s0 =	smov.u32 s5;
	[sflag:s18] =	ssyncset.done $0x0  }
0x124: {  	s0 =	sadd.s32 $0x14080, s31;
	[sflag:s18] =	ssyncadd.s32 $0xFFFFC000  }
0x125: {  	[tilespmem:s23], [sflag:$0x2] =	stream.indirect.gather [hbm4b:s4+s21], $0x80, s0, s21, $0xb8;
	[tilespmem:$0x1E800] =	vst v63  }
0x126: {  	_ =	swait.ge [sflag:s24], $0x4000  }
0x127: {  	[sflag:s24] =	ssyncset.done $0x0  }
0x128: {  	s3 =	sadd.s32 $0x15400, s31;
	[sflag:s24] =	ssyncadd.s32 $0xFFFFC000  }
0x129: {  	[spmem:s1] =	stream.indirect.scatter.add.f32 [tilespmem:s22], [sflag:$0x3], $0x80, s3, s21, $0xb8;
	[tilespmem:$0x1E800] =	vst v63  }
0x12a: {  	_ =	swait.ge [sflag:s18], $0x4000  }
0x12b: {  	[sflag:s18] =	ssyncset.done $0x0  }
0x12c: {  	s5 =	sadd.s32 $0x14100, s31;
	[sflag:s18] =	ssyncadd.s32 $0xFFFFC000  }
0x12d: {  	[tilespmem:s22], [sflag:$0x1] =	stream.indirect.gather [hbm4b:s4+s21], $0x80, s5, s21, $0xb8;
	[tilespmem:$0x1E800] =	vst v63  }
0x12e: {  	_ =	swait.ge [sflag:s25], $0x4000  }
0x12f: {  	[sflag:s25] =	ssyncset.done $0x0  }
0x130: {  	s31 =	sadd.s32 $0x15480, s31;
	[sflag:s25] =	ssyncadd.s32 $0xFFFFC000  }
0x131: {  	[spmem:s1] =	stream.indirect.scatter.add.f32 [tilespmem:s23], [sflag:$0x3], $0x80, s31, s21, $0xb8;
	[tilespmem:$0x1E800] =	vst v63  }
0x132: {  	_ =	swait.ge [sflag:s18], $0x4000  }
0x133: {  	[sflag:s18] =	ssyncset.done $0x0  }
0x134: {  	[sflag:s18] =	ssyncadd.s32 $0xFFFFC000  }
0x135: {  	[tilespmem:s23], [sflag:$0x2] =	stream.indirect.gather [hbm4b:s4+s21], $0x80, s26, s21, $0xb8;
	[tilespmem:$0x1E800] =	vst v63  }
0x136: {  	_ =	swait.ge [sflag:s24], $0x4000  }
0x137: {  	[sflag:s24] =	ssyncset.done $0x0  }
0x138: {  	[sflag:s24] =	ssyncadd.s32 $0xFFFFC000  }
0x139: {  	[spmem:s1] =	stream.indirect.scatter.add.f32 [tilespmem:s22], [sflag:$0x3], $0x80, s28, s21, $0xb8;
	[tilespmem:$0x1E800] =	vst v63  }
0x13a: {  	_ =	swait.ge [sflag:s18], $0x4000  }
0x13b: {  	[sflag:s18] =	ssyncset.done $0x0  }
0x13c: {  	[sflag:s18] =	ssyncadd.s32 $0xFFFFC000  }
0x13d: {  	_ =	swait.ge [sflag:s25], $0x4000  }
0x13e: {  	[sflag:s25] =	ssyncset.done $0x0  }
0x13f: {  	[sflag:s25] =	ssyncadd.s32 $0xFFFFC000  }
0x140: {  	[spmem:s1] =	stream.indirect.scatter.add.f32 [tilespmem:s23], [sflag:$0x3], $0x80, s29, s21, $0xb8;
	[tilespmem:$0x1E800] =	vst v63  }
0x141: {  	_ =	swait.ge [sflag:s18], $0x4000  }
0x142: {  	s30 =	sadd.s32 $0x1, s30;
	[sflag:s18] =	ssyncset.done $0x0  }
0x143: {  	p0 =	sne.s32 s30, s16;
	[sflag:s18] =	ssyncadd.s32 $0xFFFFC000  }
.Ltmp4:
0x144: {  	[bflag:$0x0] =	sbarrier.arrive $0xFFFF;
	(pc) =	sbr.rel @p0 .LBB2_1-.Ltmp4, $4  }
0x145: {  	[hbm:s15], [sflag:s6] =	dma.local [spmem:s17], $0x2800  }
0x146: {  	_ =	swait.ge [sflag:s18], $0x2800  }
0x147: {  	[sflag:s18] =	ssyncset.done $0x0  }
0x148: {  	[sflag:s18] =	ssyncadd.s32 $0xFFFFD800  }
0x149: {  	_ =	sfence.sel $0x180000  }
0x14a: {  	[bflag:$0x0] =	sbarrier.arrive $0xFFFF  }
0x14b: {  	_ =	strace $0x9000004A  }
0x14c: {  	s0 =	stileid.u32;
	[bflag:$0x2] =	sbarrier.arrive $0xFFFF  }
0x14d: {  	p0 =	sne.s32 s0, $0x0;
	s0 =	rddreg [dreg:$0x2]  }
0x14e: {  	s0 =	sadd.s32 @!p0 $0x100000, s0  }
0x14f: {  	[sflag:s0] =	ssyncadd.tile.s32 @!p0 $0x1;
	_ =	shalt  }
.Lfunc_end2:
_tile_overlayer_lowered:
.L_overlay_start_2:
0x150: {  	(tag) =	ssettag $0x2  }
0x151: {  	s0 =	rddreg [dreg:$0x0];
	s2 =	stileid.u32  }
0x152: {  	s1 =	rddreg [dreg:$0x1];
	p0 =	sne.s32 s2, $0x0  }
0x153: {  	s3 =	rddreg [dreg:$0x2];
	[bflag:$0x3] =	sbarrier.arrive $0xFFFF;
	s2 =	simm.s32 @!p0 $0x1C03  }
0x154: {  	[timem:s3], [sflag:s2] =	dma.local @!p0 [hbm:s0], s1  }
0x155: {  	s0 =	simm.s32 @!p0 $0x3  }
0x156: {  	_ =	swait.ge @!p0 [sflag:s0], s1  }
0x157: {  	s1 =	ssub.s32 @!p0 $0x0, s1;
	[sflag:s0] =	ssyncset.done @!p0 $0x0  }
0x158: {  	[sflag:s0] =	ssyncadd.s32 @!p0 s1  }
0x159: {  	[bflag:$0x3] =	sbarrier.arrive $0xFFFF  }
0x15a: {  	_ =	shalt  }

// kernel: kernel.16.cloned.1.call-start
scs
__scs_entry_jumppad:
0x0: {  	(pc) =	sbr.rel $0x88, $3  }
0x1: {  	(tag) =	ssettag $0x0;
	lr =	simm.s32 $0x1  }
0x2: {  	[smem:$0x3F95] =	sst lr;
	_ =	strace $0xD0000000  }
0x3: {  	_ = 	snop  }
0x4: {  	_ = 	snop  }
0x5: {  	_ = 	snop  }
0x6: {  	_ = 	snop  }
0x7: {  	_ = 	snop  }
__scs_overlays_trampoline_lowered:
0x8: {  	[smem:$0x3FA4] =	sst s0  }
0x9: {  	[smem:$0x3FA5] =	sst s1  }
0xa: {  	[smem:$0x3FA6] =	sst s2  }
0xb: {  	[smem:$0x3FA7] =	sst s3  }
0xc: {  	[smem:$0x3FA8] =	sst s4  }
0xd: {  	[smem:$0x3FA9] =	sst s5  }
0xe: {  	[smem:$0x3FAA] =	sst s6  }
0xf: {  	[smem:$0x3FAB] =	sst s7  }
0x10: {  	[smem:$0x3FAC] =	sst s8  }
0x11: {  	[smem:$0x3FAD] =	sst s9;
	s0 =	simm.s32 @!p0 $0x0  }
0x12: {  	s1 =	sld [smem:$0x3F93];
	s0 =	simm.s32 @p0 $0x1  }
0x13: {  	[smem:$0x3FAE] =	sst s0;
	s0 =	simm.s32 @!p1 $0x0  }
0x14: {  	s2 =	sld [smem:$0x3F92];
	s0 =	simm.s32 @p1 $0x1  }
0x15: {  	[smem:$0x3FAF] =	sst s0;
	s0 =	simm.s32 @!p2 $0x0  }
0x16: {  	s3 =	sld [smem:$0x3FDB];
	s0 =	simm.s32 @p2 $0x1  }
0x17: {  	s4 =	simm.s32 $0x1BF5;
	[smem:$0x3FB1] =	sst s0  }
0x18: {  	s0 =	sld [smem:$0x3F94];
	_ =	swait.ge [sflag:s4], $0x0  }
0x19: {  	s7 =	sld [smem:$0x3F95]  }
0x1a: {  	s8 =	sadd.s32 $0xFFFFE003, lr  }
0x1b: {  	s9 =	sadd.s32 $0xFFFFFEF7, lr;
	s5 =	simm.s32 $0xFFFFFFFF;
	p2 =	slt.u32 s8, $0xFFFFF086  }
0x1c: {  	p1 =	slt.u32 s9, $0xF7A;
	s5 =	simm.s32 @!p2 $0x0  }
0x1d: {  	s5 =	simm.s32 @p1 $0x1;
	p0 =	seq.s32 s7, s2  }
0x1e: {  	s7 =	smul.u32 @!p0 $0xF7A, s2;
	p2 =	seq.s32 @!p0 s5, $0x0  }
0x1f: {  	s9 =	smul.u32 $0xF7A, s1;
	s8 =	simm.s32 @!p0 $0x1BF5;
	p2 =	por !p2, p0  }
0x20: {  	[sflag:s8] =	ssyncset.s32 @!p0 $0xFFFFF086;
	s6 =	sadd.s32 @!p0 s3, s7;
	s7 =	simm.s32 @!p0 $0x108  }
0x21: {  	s3 =	sadd.s32 s3, s9;
	s6 =	sadd.s32 @!p0 $0x88, s6;
	s7 =	simm.s32 @p2 $0x1082  }
0x22: {  	[simem:s7], [sflag:s8] =	dma.local @!p0 [hbm:s6], $0xF7A  }
0x23: {  	s9 =	sor.u32 $0xD0000000, s2;
	s6 =	simm.s32 $0x108;
	_ =	swait.ge @!p0 [sflag:s8], $0x0  }
0x24: {  	s3 =	sadd.s32 $0x88, s3;
	s6 =	simm.s32 @!p1 $0x1082;
	[sflag:s4] =	ssyncset.s32 $0xFFFFF086  }
0x25: {  	[simem:s6], [sflag:s4] =	dma.local [hbm:s3], $0xF7A  }
0x26: {  	[smem:$0x3F95] =	sst s1;
	(tag) =	ssettag s2;
	_ =	strace s9  }
0x27: {  	s1 =	sld [smem:$0x3FA5]  }
0x28: {  	s2 =	sld [smem:$0x3FA6]  }
0x29: {  	s4 =	sld [smem:$0x3FA8]  }
0x2a: {  	p0 =	seq.s32 s5, $0x0;
	s5 =	sld [smem:$0x3FA9]  }
0x2b: {  	s6 =	sld [smem:$0x3FAA]  }
0x2c: {  	s7 =	sld [smem:$0x3FAB]  }
0x2d: {  	s3 =	simm.s32 $0x108;
	s8 =	sld [smem:$0x3FAC]  }
0x2e: {  	s3 =	simm.s32 @!p0 $0x1082;
	s9 =	sld [smem:$0x3FAD]  }
0x2f: {  	lr =	sadd.s32 s0, s3;
	s0 =	sld [smem:$0x3FA4]  }
0x30: {  	s3 =	sld [smem:$0x3FA7]  }
0x31: {  	[smem:$0x3FB0] =	sst s10  }
0x32: {  	s10 =	sld [smem:$0x3FAE];
	_ =	sdelay $0x3  }
0x33: {  	p0 =	seq.s32 s10, $0x1;
	s10 =	sld [smem:$0x3FB0];
	_ =	sdelay $0x3  }
0x34: {  	[smem:$0x3FB0] =	sst s10  }
0x35: {  	s10 =	sld [smem:$0x3FAF];
	_ =	sdelay $0x3  }
0x36: {  	p1 =	seq.s32 s10, $0x1;
	s10 =	sld [smem:$0x3FB0];
	_ =	sdelay $0x3  }
0x37: {  	[smem:$0x3FB0] =	sst s10  }
0x38: {  	s10 =	sld [smem:$0x3FB1]  }
0x39: {  	_ = 	snop;
	(pc) =	sbr.ind lr, $3  }
0x3a: {  	_ = 	snop  }
0x3b: {  	_ = 	snop  }
0x3c: {  	p2 =	seq.s32 s10, $0x1;
	s10 =	sld [smem:$0x3FB0]  }
0x3d: {  	_ =	shalt  }
0x3e: {  	_ =	shalt  }
0x3f: {  	_ =	shalt  }
0x40: {  	_ =	shalt  }
0x41: {  	_ =	shalt  }
0x42: {  	_ =	shalt  }
0x43: {  	_ =	shalt  }
0x44: {  	_ =	shalt  }
0x45: {  	_ =	shalt  }
0x46: {  	_ =	shalt  }
0x47: {  	_ =	shalt  }
0x48: {  	_ =	shalt  }
0x49: {  	_ =	shalt  }
0x4a: {  	_ =	shalt  }
0x4b: {  	_ =	shalt  }
0x4c: {  	_ =	shalt  }
0x4d: {  	_ =	shalt  }
0x4e: {  	_ =	shalt  }
0x4f: {  	_ =	shalt  }
0x50: {  	_ =	shalt  }
0x51: {  	_ =	shalt  }
0x52: {  	_ =	shalt  }
0x53: {  	_ =	shalt  }
0x54: {  	_ =	shalt  }
0x55: {  	_ =	shalt  }
0x56: {  	_ =	shalt  }
0x57: {  	_ =	shalt  }
0x58: {  	_ =	shalt  }
0x59: {  	_ =	shalt  }
0x5a: {  	_ =	shalt  }
0x5b: {  	_ =	shalt  }
0x5c: {  	_ =	shalt  }
0x5d: {  	_ =	shalt  }
0x5e: {  	_ =	shalt  }
0x5f: {  	_ =	shalt  }
0x60: {  	_ =	shalt  }
0x61: {  	_ =	shalt  }
0x62: {  	_ =	shalt  }
0x63: {  	_ =	shalt  }
0x64: {  	_ =	shalt  }
0x65: {  	_ =	shalt  }
0x66: {  	_ =	shalt  }
0x67: {  	_ =	shalt  }
0x68: {  	_ =	shalt  }
0x69: {  	_ =	shalt  }
0x6a: {  	_ =	shalt  }
0x6b: {  	_ =	shalt  }
0x6c: {  	_ =	shalt  }
0x6d: {  	_ =	shalt  }
0x6e: {  	_ =	shalt  }
0x6f: {  	_ =	shalt  }
0x70: {  	_ =	shalt  }
0x71: {  	_ =	shalt  }
0x72: {  	_ =	shalt  }
0x73: {  	_ =	shalt  }
0x74: {  	_ =	shalt  }
0x75: {  	_ =	shalt  }
0x76: {  	_ =	shalt  }
0x77: {  	_ =	shalt  }
0x78: {  	_ =	shalt  }
0x79: {  	_ =	shalt  }
0x7a: {  	_ =	shalt  }
0x7b: {  	_ =	shalt  }
0x7c: {  	_ =	shalt  }
0x7d: {  	_ =	shalt  }
0x7e: {  	_ =	shalt  }
0x7f: {  	_ =	shalt  }
0x80: {  	_ =	shalt  }
0x81: {  	_ =	shalt  }
0x82: {  	_ =	shalt  }
0x83: {  	_ =	shalt  }
0x84: {  	_ =	shalt  }
0x85: {  	_ =	shalt  }
0x86: {  	_ =	shalt  }
0x87: {  	_ =	shalt  }
.Lfunc_end0:
.L_simem_size_0:
called_computation.2_lowered:
.L_overlay_start_0:
0x88: {  	s2 =	sld [smem:$0x3FD9]  }
0x89: {  	s3 =	sld [smem:$0x3FFE];
	_ =	sdelay $0x1  }
0x8a: {  	s1 =	srdreg.scid  }
0x8b: {  	s0 =	sand.u32 $0x1, s1  }
0x8c: {  	s16 =	sshll.u32 s0, $0xA;
	s2 =	sadd.s32 s3, s2  }
0x8d: {  	s2 =	sadd.s32 s2, s16  }
0x8e: {  	[smem:$0x3FBC] =	sst s2  }
0x8f: {  	_ = 	snop  }
0x90: {  	(tm) =	ssettm $0x1  }
0x91: {  	s17 =	sld [smem:$0x3FFB];
	_ =	sdelay $0x3  }
0x92: {  	_ =	strace s17  }
0x93: {  	s2 =	sld [smem:$0x3FFC];
	_ =	sdelay $0x3  }
0x94: {  	_ =	strace s2  }
0x95: {  	s2 =	sld [smem:$0x3FFD];
	_ =	sdelay $0x3  }
0x96: {  	_ =	strace s2  }
0x97: {  	_ =	strace $0x8FFFFFFF  }
0x98: {  	s18 =	sld [smem:$0x3FDB];
	_ =	sdelay $0x1  }
0x99: {  	s19 =	simm.s32 $_scs_section_size  }
0x9a: {  	s4 =	simm.s32 $_size__tile_overlayer_lowered;
	s5 =	simm.s32 $_tile_overlayer_lowered  }
0x9b: {  	s22 =	simm.s32 $0x1BFF;
	s21 =	sshll.u32 s5, $0x1;
	s2 =	sadd.s32 s19, s18  }
0x9c: {  	s6 =	simm.s32 $0x0;
	s20 =	sshll.u32 s4, $0x1;
	s4 =	sadd.s32 s21, s2  }
0x9d: {  	[timem:s6], [sflag:s22] =	dma.local [hbm:s4], s20  }
0x9e: {  	_ =	swait.ge [sflag:s22], s20  }
0x9f: {  	s3 =	ssub.s32 $0x0, s20;
	[sflag:s22] =	ssyncset.done $0x0  }
0xa0: {  	[sflag:s22] =	ssyncadd.s32 s3;
	_ =	sdelay $0x1  }
0xa1: {  	s23 =	simm.s32 $0x1B8B  }
0xa2: {  	_ =	swait.ge [sflag:s23], $0x1  }
0xa3: {  	[sflag:s23] =	ssyncset.done $0x0  }
0xa4: {  	s25 =	simm.s32 $0x1B8E;
	s24 =	sld [smem:$0x3FFE];
	[sflag:s23] =	ssyncadd.s32 $0xFFFFFFFF  }
0xa5: {  	s26 =	simm.s32 $execute0_lowered;
	[smem:$0x3FD2] =	sst s25  }
0xa6: {  	s4 =	sshll.u32 s26, $0x1;
	_ =	strace $0x8000004C;
	[dreg:$0x1] =	wrdreg $0xFFFFFFFF  }
0xa7: {  	s28 =	simm.s32 $_size_execute0_lowered;
	s2 =	sadd.s32 s2, s4;
	[dreg:$0x0] =	wrdreg $0x0  }
0xa8: {  	s4 =	sshll.u32 s28, $0x1;
	[dreg:$0x2] =	wrdreg s2  }
0xa9: {  	[dreg:$0x3] =	wrdreg s4  }
0xaa: {  	[dreg:$0x4] =	wrdreg $0xC0  }
0xab: {  	_ =	task [dreg:s6], $0x5FFFF  }
0xac: {  	[dreg:$0x1] =	wrdreg $0xFFFFFFFF  }
0xad: {  	[dreg:$0x0] =	wrdreg $0x60  }
0xae: {  	[dreg:$0x2] =	wrdreg s24  }
0xaf: {  	[dreg:$0x3] =	wrdreg $0x0  }
0xb0: {  	[dreg:$0x4] =	wrdreg $0x9  }
0xb1: {  	_ =	task.clear_ibuf [dreg:s6], $0x5FFFF;
	_ =	strace $0x9000004C  }
0xb2: {  	s29 =	simm.s32 $0x9;
	_ =	strace $0x8000004E  }
0xb3: {  	_ =	swait.ge [sflag:s29], $0x1  }
0xb4: {  	[sflag:s29] =	ssyncadd.s32 $0xFFFFFFFF  }
0xb5: {  	_ =	strace $0x9000004E  }
0xb6: {  	_ =	sfence  }
0xb7: {  	s30 =	sld [smem:$0x0];
	_ =	sdelay $0x2  }
0xb8: {  	s31 =	sshll.u32 s1, $0xD;
	s1 =	sshrl.u32 s1, $0x2  }
0xb9: {  	s3 =	sand.u32 $0x4000, s31;
	s1 =	sadd.s32 s1, s30  }
0xba: {  	s0 =	sor.u32 s3, s0;
	s1 =	sshll.u32 s1, $0x11  }
0xbb: {  	s0 =	sor.u32 s1, s0  }
0xbc: {  	s0 =	sadd.s32 $0x8F2B, s0  }
0xbd: {  	[sflag:s0] =	ssyncadd.remote.s32 $0x1  }
0xbe: {  	_ =	sfence.sel $0xFFFF  }
0xbf: {  	[dreg:$0x0] =	wrdreg $0xFFFFFFFF;
	(pc) =	sbr.abs _section_cstart, $3  }
0xc0: {  	[dreg:$0x1] =	wrdreg $0xFFFFFFFF  }
0xc1: {  	_ =	task.clear_ibuf [dreg:s6], $0x2FFFF;
	_ =	strace $0x9FFFFFFF  }
0xc2: {  	(tm) =	ssettm $0x7FFFFFFF  }
0xc3: {  	_ =	shalt  }
tec
execute0_lowered:
.L_overlay_start_1:
0x0: {  	(tag) =	ssettag $0x1  }
0x1: {  	s0 =	rddreg [dreg:$0x0]  }
0x2: {  	s1 =	rddreg [dreg:$0x1]  }
0x3: {  	s2 =	simm.s32 $0x0;
	s21 =	stileid.u32;
	s6 =	srdreg.scid  }
0x4: {  	s18 =	simm.s32 $0x3;
	s19 =	simm.s32 $0x14000;
	s20 =	simm.s32 $0x15400  }
0x5: {  	s28 =	simm.s32 $0x16700;
	s29 =	simm.s32 $0x16780;
	s5 =	smul.u32 $0x14000, s21  }
0x6: {  	s30 =	simm.s32 $0x0;
	[smem:$0x7FF] =	sst s2;
	s7 =	smul.u32 $0x2800, s21  }
0x7: {  	s4 =	sadd.s32 $0x10D400, s0;
	s9 =	sadd.s32 $0x27400, s0;
	s25 =	smul.u32 $0x5000, s21  }
0x8: {  	s10 =	sadd.s32 $0x3B400, s0;
	s6 =	sand.u32 $0x1, s6;
	s26 =	smul.u32 $0xA00, s21  }
0x9: {  	s24 =	sshll.u32 s21, $0x6;
	_ =	strace $0x8000004D;
	s11 =	smul.u32 $0x28000, s6  }
0xa: {  	s12 =	sshll.u32 s6, $0x4;
	s6 =	ssub.s32 $0x2, s6;
	s8 =	sshrl.u32 s5, $0x3  }
0xb: {  	s12 =	sor.u32 s21, s12;
	s22 =	sshrl.u32 s6, $0x1;
	s17 =	sadd.s32 s5, s1  }
0xc: {  	s21 =	simm.s32 $0x80;
	s8 =	sadd.s32 s8, s0;
	s13 =	smul.u32 $0xA00, s12  }
0xd: {  	s7 =	sadd.s32 s7, s11;
	s16 =	ssub.s32 s6, s22;
	s23 =	smul.u32 $0x5000, s12  }
0xe: {  	s6 =	sor.u32 $0x1C03, s24;
	s12 =	sshrl.u32 s25, $0x3;
	s17 =	sshrl.u32 s17, $0x3  }
0xf: {  	s22 =	simm.s32 $0x16800;
	s24 =	simm.s32 $0x1;
	s25 =	simm.s32 $0x2  }
0x10: {  	s0 =	sadd.s32 s7, s0;
	s3 =	sadd.s32 $0xE5400, s8;
	s8 =	sadd.s32 s10, s26  }
0x11: {  	s14 =	sadd.s32 s10, s12;
	s16 =	smax.u32 s16, $0x1;
	s26 =	simm.s32 $0x15380  }
0x12: {  	[dreg:$0x3] =	wrdreg s3;
	s7 =	sadd.s32 s9, s13;
	s11 =	sshrl.u32 s23, $0x3  }
0x13: {  	s10 =	sadd.s32 $0x280, s14;
	s12 =	sadd.s32 $0x500, s14;
	s14 =	sadd.s32 $0x780, s14  }
0x14: {  	s15 =	sadd.s32 $0x95400, s0;
	s23 =	simm.s32 $0x1A800;
	s31 =	sadd.s32 s9, s11  }
0x15: {  	s9 =	sadd.s32 $0x280, s31;
	s11 =	sadd.s32 $0x500, s31;
	s13 =	sadd.s32 $0x780, s31  }
.LBB2_1:
0x16: {  	s0 =	rddreg [dreg:$0x3]  }
0x17: {  	[spmem:s17], [sflag:s6] =	dma.local [hbm:s0], $0x2800  }
0x18: {  	_ =	swait.ge [sflag:s18], $0x2800  }
0x19: {  	[sflag:s18] =	ssyncset.done $0x0  }
0x1a: {  	[sflag:s18] =	ssyncadd.s32 $0xFFFFD800  }
0x1b: {  	s3 =	simm.s32 $0x0;
	[bflag:$0x0] =	sbarrier.arrive $0xFFFF  }
0x1c: {  	[tilespmem:s19], [sflag:$0x3] =	stream.linear.gather [hbm4b:s7+s3], $0x1400, $0x38;
	[tilespmem:$0x1E800] =	vst v63  }
0x1d: {  	_ =	swait.ge [sflag:s18], $0x1400  }
0x1e: {  	[sflag:s18] =	ssyncset.done $0x0  }
0x1f: {  	[sflag:s18] =	ssyncadd.s32 $0xFFFFEC00  }
0x20: {  	[tilespmem:s20], [sflag:$0x3] =	stream.linear.gather [hbm4b:s8+s3], $0x1400, $0x38;
	[tilespmem:$0x1E800] =	vst v63  }
0x21: {  	_ =	swait.ge [sflag:s18], $0x1400  }
0x22: {  	[sflag:s18] =	ssyncset.done $0x0  }
0x23: {  	[sflag:s18] =	ssyncadd.s32 $0xFFFFEC00  }
0x24: {  	[tilespmem:s22], [sflag:$0x1] =	stream.indirect.gather [hbm4b:s4+s21], $0x80, s19, s21, $0xb8;
	[tilespmem:$0x1E800] =	vst v63  }
0x25: {  	s5 =	simm.s32 $0x14080  }
0x26: {  	[tilespmem:s23], [sflag:$0x2] =	stream.indirect.gather [hbm4b:s4+s21], $0x80, s5, s21, $0xb8;
	[tilespmem:$0x1E800] =	vst v63  }
0x27: {  	_ =	swait.ge [sflag:s24], $0x4000  }
0x28: {  	[sflag:s24] =	ssyncset.done $0x0  }
0x29: {  	s2 =	simm.s32 $0x15400;
	[sflag:s24] =	ssyncadd.s32 $0xFFFFC000  }
0x2a: {  	[spmem:s1] =	stream.indirect.scatter.add.f32 [tilespmem:s22], [sflag:$0x3], $0x80, s2, s21, $0xb8;
	[tilespmem:$0x1E800] =	vst v63  }
0x2b: {  	_ =	swait.ge [sflag:s18], $0x4000  }
0x2c: {  	[sflag:s18] =	ssyncset.done $0x0  }
0x2d: {  	s3 =	simm.s32 $0x14100;
	[sflag:s18] =	ssyncadd.s32 $0xFFFFC000  }
0x2e: {  	[tilespmem:s22], [sflag:$0x1] =	stream.indirect.gather [hbm4b:s4+s21], $0x80, s3, s21, $0xb8;
	[tilespmem:$0x1E800] =	vst v63  }
0x2f: {  	_ =	swait.ge [sflag:s25], $0x4000  }
0x30: {  	[sflag:s25] =	ssyncset.done $0x0  }
0x31: {  	s5 =	simm.s32 $0x15480;
	[sflag:s25] =	ssyncadd.s32 $0xFFFFC000  }
0x32: {  	[spmem:s1] =	stream.indirect.scatter.add.f32 [tilespmem:s23], [sflag:$0x3], $0x80, s5, s21, $0xb8;
	[tilespmem:$0x1E800] =	vst v63  }
0x33: {  	_ =	swait.ge [sflag:s18], $0x4000  }
0x34: {  	s31 =	simm.s32 $0x100;
	s0 =	simm.s32 $0x800;
	[sflag:s18] =	ssyncset.done $0x0  }
.LBB2_2:
0x35: {  	s2 =	sadd.s32 $0x14080, s31  }
0x36: {  	[sflag:s18] =	ssyncadd.s32 $0xFFFFC000;
	s3 =	smov.u32 s0;
	s5 =	sadd.s32 $0x400, s0  }
0x37: {  	[tilespmem:s23], [sflag:$0x2] =	stream.indirect.gather [hbm4b:s4+s21], $0x80, s2, s21, $0xb8;
	[tilespmem:$0x1E800] =	vst v63  }
0x38: {  	p0 =	sne.s32 s0, $0x4800;
	_ =	swait.ge [sflag:s24], $0x4000  }
0x39: {  	[sflag:s24] =	ssyncset.done $0x0  }
0x3a: {  	s0 =	sadd.s32 $0x15400, s31;
	[sflag:s24] =	ssyncadd.s32 $0xFFFFC000  }
0x3b: {  	[spmem:s1] =	stream.indirect.scatter.add.f32 [tilespmem:s22], [sflag:$0x3], $0x80, s0, s21, $0xb8;
	[tilespmem:$0x1E800] =	vst v63  }
0x3c: {  	_ =	swait.ge [sflag:s18], $0x4000  }
0x3d: {  	[sflag:s18] =	ssyncset.done $0x0  }
0x3e: {  	s0 =	sadd.s32 $0x14100, s31;
	[sflag:s18] =	ssyncadd.s32 $0xFFFFC000  }
0x3f: {  	[tilespmem:s22], [sflag:$0x1] =	stream.indirect.gather [hbm4b:s4+s21], $0x80, s0, s21, $0xb8;
	[tilespmem:$0x1E800] =	vst v63  }
0x40: {  	_ =	swait.ge [sflag:s25], $0x4000  }
.Ltmp0:
0x41: {  	[sflag:s25] =	ssyncset.done $0x0;
	(pc) =	sbr.rel @p0 .LBB2_2-.Ltmp0, $4  }
0x42: {  	s0 =	sadd.s32 $0x15480, s31;
	[sflag:s25] =	ssyncadd.s32 $0xFFFFC000  }
0x43: {  	[spmem:s1] =	stream.indirect.scatter.add.f32 [tilespmem:s23], [sflag:$0x3], $0x80, s0, s21, $0xb8;
	[tilespmem:$0x1E800] =	vst v63  }
0x44: {  	_ =	swait.ge [sflag:s18], $0x4000  }
0x45: {  	s31 =	sshra.s32 s3, $0x2;
	s0 =	smov.u32 s5;
	[sflag:s18] =	ssyncset.done $0x0  }
0x46: {  	s0 =	sadd.s32 $0x14080, s31;
	[sflag:s18] =	ssyncadd.s32 $0xFFFFC000  }
0x47: {  	[tilespmem:s23], [sflag:$0x2] =	stream.indirect.gather [hbm4b:s4+s21], $0x80, s0, s21, $0xb8;
	[tilespmem:$0x1E800] =	vst v63  }
0x48: {  	_ =	swait.ge [sflag:s24], $0x4000  }
0x49: {  	[sflag:s24] =	ssyncset.done $0x0  }
0x4a: {  	s3 =	sadd.s32 $0x15400, s31;
	[sflag:s24] =	ssyncadd.s32 $0xFFFFC000  }
0x4b: {  	[spmem:s1] =	stream.indirect.scatter.add.f32 [tilespmem:s22], [sflag:$0x3], $0x80, s3, s21, $0xb8;
	[tilespmem:$0x1E800] =	vst v63  }
0x4c: {  	_ =	swait.ge [sflag:s18], $0x4000  }
0x4d: {  	[sflag:s18] =	ssyncset.done $0x0  }
0x4e: {  	s5 =	sadd.s32 $0x14100, s31;
	[sflag:s18] =	ssyncadd.s32 $0xFFFFC000  }
0x4f: {  	[tilespmem:s22], [sflag:$0x1] =	stream.indirect.gather [hbm4b:s4+s21], $0x80, s5, s21, $0xb8;
	[tilespmem:$0x1E800] =	vst v63  }
0x50: {  	_ =	swait.ge [sflag:s25], $0x4000  }
0x51: {  	[sflag:s25] =	ssyncset.done $0x0  }
0x52: {  	s2 =	sadd.s32 $0x15480, s31;
	[sflag:s25] =	ssyncadd.s32 $0xFFFFC000  }
0x53: {  	[spmem:s1] =	stream.indirect.scatter.add.f32 [tilespmem:s23], [sflag:$0x3], $0x80, s2, s21, $0xb8;
	[tilespmem:$0x1E800] =	vst v63  }
0x54: {  	_ =	swait.ge [sflag:s18], $0x4000  }
0x55: {  	[sflag:s18] =	ssyncset.done $0x0  }
0x56: {  	[sflag:s18] =	ssyncadd.s32 $0xFFFFC000  }
0x57: {  	[tilespmem:s23], [sflag:$0x2] =	stream.indirect.gather [hbm4b:s4+s21], $0x80, s26, s21, $0xb8;
	[tilespmem:$0x1E800] =	vst v63  }
0x58: {  	_ =	swait.ge [sflag:s24], $0x4000  }
0x59: {  	[sflag:s24] =	ssyncset.done $0x0  }
0x5a: {  	[sflag:s24] =	ssyncadd.s32 $0xFFFFC000  }
0x5b: {  	[spmem:s1] =	stream.indirect.scatter.add.f32 [tilespmem:s22], [sflag:$0x3], $0x80, s28, s21, $0xb8;
	[tilespmem:$0x1E800] =	vst v63  }
0x5c: {  	_ =	swait.ge [sflag:s18], $0x4000  }
0x5d: {  	[sflag:s18] =	ssyncset.done $0x0  }
0x5e: {  	[sflag:s18] =	ssyncadd.s32 $0xFFFFC000  }
0x5f: {  	_ =	swait.ge [sflag:s25], $0x4000  }
0x60: {  	[sflag:s25] =	ssyncset.done $0x0  }
0x61: {  	[sflag:s25] =	ssyncadd.s32 $0xFFFFC000  }
0x62: {  	[spmem:s1] =	stream.indirect.scatter.add.f32 [tilespmem:s23], [sflag:$0x3], $0x80, s29, s21, $0xb8;
	[tilespmem:$0x1E800] =	vst v63  }
0x63: {  	_ =	swait.ge [sflag:s18], $0x4000  }
0x64: {  	[sflag:s18] =	ssyncset.done $0x0  }
0x65: {  	s3 =	simm.s32 $0x0;
	[sflag:s18] =	ssyncadd.s32 $0xFFFFC000  }
0x66: {  	[tilespmem:s19], [sflag:$0x3] =	stream.linear.gather [hbm4b:s9+s3], $0x1400, $0x38;
	[tilespmem:$0x1E800] =	vst v63  }
0x67: {  	_ =	swait.ge [sflag:s18], $0x1400  }
0x68: {  	[sflag:s18] =	ssyncset.done $0x0  }
0x69: {  	[sflag:s18] =	ssyncadd.s32 $0xFFFFEC00  }
0x6a: {  	[tilespmem:s20], [sflag:$0x3] =	stream.linear.gather [hbm4b:s10+s3], $0x1400, $0x38;
	[tilespmem:$0x1E800] =	vst v63  }
0x6b: {  	_ =	swait.ge [sflag:s18], $0x1400  }
0x6c: {  	[sflag:s18] =	ssyncset.done $0x0  }
0x6d: {  	[sflag:s18] =	ssyncadd.s32 $0xFFFFEC00  }
0x6e: {  	[tilespmem:s22], [sflag:$0x1] =	stream.indirect.gather [hbm4b:s4+s21], $0x80, s19, s21, $0xb8;
	[tilespmem:$0x1E800] =	vst v63  }
0x6f: {  	s5 =	simm.s32 $0x14080  }
0x70: {  	[tilespmem:s23], [sflag:$0x2] =	stream.indirect.gather [hbm4b:s4+s21], $0x80, s5, s21, $0xb8;
	[tilespmem:$0x1E800] =	vst v63  }
0x71: {  	_ =	swait.ge [sflag:s24], $0x4000  }
0x72: {  	[sflag:s24] =	ssyncset.done $0x0  }
0x73: {  	s2 =	simm.s32 $0x15400;
	[sflag:s24] =	ssyncadd.s32 $0xFFFFC000  }
0x74: {  	[spmem:s1] =	stream.indirect.scatter.add.f32 [tilespmem:s22], [sflag:$0x3], $0x80, s2, s21, $0xb8;
	[tilespmem:$0x1E800] =	vst v63  }
0x75: {  	_ =	swait.ge [sflag:s18], $0x4000  }
0x76: {  	[sflag:s18] =	ssyncset.done $0x0  }
0x77: {  	s3 =	simm.s32 $0x14100;
	[sflag:s18] =	ssyncadd.s32 $0xFFFFC000  }
0x78: {  	[tilespmem:s22], [sflag:$0x1] =	stream.indirect.gather [hbm4b:s4+s21], $0x80, s3, s21, $0xb8;
	[tilespmem:$0x1E800] =	vst v63  }
0x79: {  	_ =	swait.ge [sflag:s25], $0x4000  }
0x7a: {  	[sflag:s25] =	ssyncset.done $0x0  }
0x7b: {  	s5 =	simm.s32 $0x15480;
	[sflag:s25] =	ssyncadd.s32 $0xFFFFC000  }
0x7c: {  	[spmem:s1] =	stream.indirect.scatter.add.f32 [tilespmem:s23], [sflag:$0x3], $0x80, s5, s21, $0xb8;
	[tilespmem:$0x1E800] =	vst v63  }
0x7d: {  	_ =	swait.ge [sflag:s18], $0x4000  }
0x7e: {  	s31 =	simm.s32 $0x100;
	s0 =	simm.s32 $0x800;
	[sflag:s18] =	ssyncset.done $0x0  }
.LBB2_4:
0x7f: {  	s2 =	sadd.s32 $0x14080, s31  }
0x80: {  	[sflag:s18] =	ssyncadd.s32 $0xFFFFC000;
	s3 =	smov.u32 s0;
	s5 =	sadd.s32 $0x400, s0  }
0x81: {  	[tilespmem:s23], [sflag:$0x2] =	stream.indirect.gather [hbm4b:s4+s21], $0x80, s2, s21, $0xb8;
	[tilespmem:$0x1E800] =	vst v63  }
0x82: {  	p0 =	sne.s32 s0, $0x4800;
	_ =	swait.ge [sflag:s24], $0x4000  }
0x83: {  	[sflag:s24] =	ssyncset.done $0x0  }
0x84: {  	s0 =	sadd.s32 $0x15400, s31;
	[sflag:s24] =	ssyncadd.s32 $0xFFFFC000  }
0x85: {  	[spmem:s1] =	stream.indirect.scatter.add.f32 [tilespmem:s22], [sflag:$0x3], $0x80, s0, s21, $0xb8;
	[tilespmem:$0x1E800] =	vst v63  }
0x86: {  	_ =	swait.ge [sflag:s18], $0x4000  }
0x87: {  	[sflag:s18] =	ssyncset.done $0x0  }
0x88: {  	s0 =	sadd.s32 $0x14100, s31;
	[sflag:s18] =	ssyncadd.s32 $0xFFFFC000  }
0x89: {  	[tilespmem:s22], [sflag:$0x1] =	stream.indirect.gather [hbm4b:s4+s21], $0x80, s0, s21, $0xb8;
	[tilespmem:$0x1E800] =	vst v63  }
0x8a: {  	_ =	swait.ge [sflag:s25], $0x4000  }
.Ltmp1:
0x8b: {  	[sflag:s25] =	ssyncset.done $0x0;
	(pc) =	sbr.rel @p0 .LBB2_4-.Ltmp1, $4  }
0x8c: {  	s0 =	sadd.s32 $0x15480, s31;
	[sflag:s25] =	ssyncadd.s32 $0xFFFFC000  }
0x8d: {  	[spmem:s1] =	stream.indirect.scatter.add.f32 [tilespmem:s23], [sflag:$0x3], $0x80, s0, s21, $0xb8;
	[tilespmem:$0x1E800] =	vst v63  }
0x8e: {  	_ =	swait.ge [sflag:s18], $0x4000  }
0x8f: {  	s31 =	sshra.s32 s3, $0x2;
	s0 =	smov.u32 s5;
	[sflag:s18] =	ssyncset.done $0x0  }
0x90: {  	s0 =	sadd.s32 $0x14080, s31;
	[sflag:s18] =	ssyncadd.s32 $0xFFFFC000  }
0x91: {  	[tilespmem:s23], [sflag:$0x2] =	stream.indirect.gather [hbm4b:s4+s21], $0x80, s0, s21, $0xb8;
	[tilespmem:$0x1E800] =	vst v63  }
0x92: {  	_ =	swait.ge [sflag:s24], $0x4000  }
0x93: {  	[sflag:s24] =	ssyncset.done $0x0  }
0x94: {  	s3 =	sadd.s32 $0x15400, s31;
	[sflag:s24] =	ssyncadd.s32 $0xFFFFC000  }
0x95: {  	[spmem:s1] =	stream.indirect.scatter.add.f32 [tilespmem:s22], [sflag:$0x3], $0x80, s3, s21, $0xb8;
	[tilespmem:$0x1E800] =	vst v63  }
0x96: {  	_ =	swait.ge [sflag:s18], $0x4000  }
0x97: {  	[sflag:s18] =	ssyncset.done $0x0  }
0x98: {  	s5 =	sadd.s32 $0x14100, s31;
	[sflag:s18] =	ssyncadd.s32 $0xFFFFC000  }
0x99: {  	[tilespmem:s22], [sflag:$0x1] =	stream.indirect.gather [hbm4b:s4+s21], $0x80, s5, s21, $0xb8;
	[tilespmem:$0x1E800] =	vst v63  }
0x9a: {  	_ =	swait.ge [sflag:s25], $0x4000  }
0x9b: {  	[sflag:s25] =	ssyncset.done $0x0  }
0x9c: {  	s2 =	sadd.s32 $0x15480, s31;
	[sflag:s25] =	ssyncadd.s32 $0xFFFFC000  }
0x9d: {  	[spmem:s1] =	stream.indirect.scatter.add.f32 [tilespmem:s23], [sflag:$0x3], $0x80, s2, s21, $0xb8;
	[tilespmem:$0x1E800] =	vst v63  }
0x9e: {  	_ =	swait.ge [sflag:s18], $0x4000  }
0x9f: {  	[sflag:s18] =	ssyncset.done $0x0  }
0xa0: {  	[sflag:s18] =	ssyncadd.s32 $0xFFFFC000  }
0xa1: {  	[tilespmem:s23], [sflag:$0x2] =	stream.indirect.gather [hbm4b:s4+s21], $0x80, s26, s21, $0xb8;
	[tilespmem:$0x1E800] =	vst v63  }
0xa2: {  	_ =	swait.ge [sflag:s24], $0x4000  }
0xa3: {  	[sflag:s24] =	ssyncset.done $0x0  }
0xa4: {  	[sflag:s24] =	ssyncadd.s32 $0xFFFFC000  }
0xa5: {  	[spmem:s1] =	stream.indirect.scatter.add.f32 [tilespmem:s22], [sflag:$0x3], $0x80, s28, s21, $0xb8;
	[tilespmem:$0x1E800] =	vst v63  }
0xa6: {  	_ =	swait.ge [sflag:s18], $0x4000  }
0xa7: {  	[sflag:s18] =	ssyncset.done $0x0  }
0xa8: {  	[sflag:s18] =	ssyncadd.s32 $0xFFFFC000  }
0xa9: {  	_ =	swait.ge [sflag:s25], $0x4000  }
0xaa: {  	[sflag:s25] =	ssyncset.done $0x0  }
0xab: {  	[sflag:s25] =	ssyncadd.s32 $0xFFFFC000  }
0xac: {  	[spmem:s1] =	stream.indirect.scatter.add.f32 [tilespmem:s23], [sflag:$0x3], $0x80, s29, s21, $0xb8;
	[tilespmem:$0x1E800] =	vst v63  }
0xad: {  	_ =	swait.ge [sflag:s18], $0x4000  }
0xae: {  	[sflag:s18] =	ssyncset.done $0x0  }
0xaf: {  	s3 =	simm.s32 $0x0;
	[sflag:s18] =	ssyncadd.s32 $0xFFFFC000  }
0xb0: {  	[tilespmem:s19], [sflag:$0x3] =	stream.linear.gather [hbm4b:s11+s3], $0x1400, $0x38;
	[tilespmem:$0x1E800] =	vst v63  }
0xb1: {  	_ =	swait.ge [sflag:s18], $0x1400  }
0xb2: {  	[sflag:s18] =	ssyncset.done $0x0  }
0xb3: {  	[sflag:s18] =	ssyncadd.s32 $0xFFFFEC00  }
0xb4: {  	[tilespmem:s20], [sflag:$0x3] =	stream.linear.gather [hbm4b:s12+s3], $0x1400, $0x38;
	[tilespmem:$0x1E800] =	vst v63  }
0xb5: {  	_ =	swait.ge [sflag:s18], $0x1400  }
0xb6: {  	[sflag:s18] =	ssyncset.done $0x0  }
0xb7: {  	[sflag:s18] =	ssyncadd.s32 $0xFFFFEC00  }
0xb8: {  	[tilespmem:s22], [sflag:$0x1] =	stream.indirect.gather [hbm4b:s4+s21], $0x80, s19, s21, $0xb8;
	[tilespmem:$0x1E800] =	vst v63  }
0xb9: {  	s5 =	simm.s32 $0x14080  }
0xba: {  	[tilespmem:s23], [sflag:$0x2] =	stream.indirect.gather [hbm4b:s4+s21], $0x80, s5, s21, $0xb8;
	[tilespmem:$0x1E800] =	vst v63  }
0xbb: {  	_ =	swait.ge [sflag:s24], $0x4000  }
0xbc: {  	[sflag:s24] =	ssyncset.done $0x0  }
0xbd: {  	s2 =	simm.s32 $0x15400;
	[sflag:s24] =	ssyncadd.s32 $0xFFFFC000  }
0xbe: {  	[spmem:s1] =	stream.indirect.scatter.add.f32 [tilespmem:s22], [sflag:$0x3], $0x80, s2, s21, $0xb8;
	[tilespmem:$0x1E800] =	vst v63  }
0xbf: {  	_ =	swait.ge [sflag:s18], $0x4000  }
0xc0: {  	[sflag:s18] =	ssyncset.done $0x0  }
0xc1: {  	s3 =	simm.s32 $0x14100;
	[sflag:s18] =	ssyncadd.s32 $0xFFFFC000  }
0xc2: {  	[tilespmem:s22], [sflag:$0x1] =	stream.indirect.gather [hbm4b:s4+s21], $0x80, s3, s21, $0xb8;
	[tilespmem:$0x1E800] =	vst v63  }
0xc3: {  	_ =	swait.ge [sflag:s25], $0x4000  }
0xc4: {  	[sflag:s25] =	ssyncset.done $0x0  }
0xc5: {  	s5 =	simm.s32 $0x15480;
	[sflag:s25] =	ssyncadd.s32 $0xFFFFC000  }
0xc6: {  	[spmem:s1] =	stream.indirect.scatter.add.f32 [tilespmem:s23], [sflag:$0x3], $0x80, s5, s21, $0xb8;
	[tilespmem:$0x1E800] =	vst v63  }
0xc7: {  	_ =	swait.ge [sflag:s18], $0x4000  }
0xc8: {  	s31 =	simm.s32 $0x100;
	s0 =	simm.s32 $0x800;
	[sflag:s18] =	ssyncset.done $0x0  }
.LBB2_6:
0xc9: {  	s2 =	sadd.s32 $0x14080, s31  }
0xca: {  	[sflag:s18] =	ssyncadd.s32 $0xFFFFC000;
	s3 =	smov.u32 s0;
	s5 =	sadd.s32 $0x400, s0  }
0xcb: {  	[tilespmem:s23], [sflag:$0x2] =	stream.indirect.gather [hbm4b:s4+s21], $0x80, s2, s21, $0xb8;
	[tilespmem:$0x1E800] =	vst v63  }
0xcc: {  	p0 =	sne.s32 s0, $0x4800;
	_ =	swait.ge [sflag:s24], $0x4000  }
0xcd: {  	[sflag:s24] =	ssyncset.done $0x0  }
0xce: {  	s0 =	sadd.s32 $0x15400, s31;
	[sflag:s24] =	ssyncadd.s32 $0xFFFFC000  }
0xcf: {  	[spmem:s1] =	stream.indirect.scatter.add.f32 [tilespmem:s22], [sflag:$0x3], $0x80, s0, s21, $0xb8;
	[tilespmem:$0x1E800] =	vst v63  }
0xd0: {  	_ =	swait.ge [sflag:s18], $0x4000  }
0xd1: {  	[sflag:s18] =	ssyncset.done $0x0  }
0xd2: {  	s0 =	sadd.s32 $0x14100, s31;
	[sflag:s18] =	ssyncadd.s32 $0xFFFFC000  }
0xd3: {  	[tilespmem:s22], [sflag:$0x1] =	stream.indirect.gather [hbm4b:s4+s21], $0x80, s0, s21, $0xb8;
	[tilespmem:$0x1E800] =	vst v63  }
0xd4: {  	_ =	swait.ge [sflag:s25], $0x4000  }
.Ltmp2:
0xd5: {  	[sflag:s25] =	ssyncset.done $0x0;
	(pc) =	sbr.rel @p0 .LBB2_6-.Ltmp2, $4  }
0xd6: {  	s0 =	sadd.s32 $0x15480, s31;
	[sflag:s25] =	ssyncadd.s32 $0xFFFFC000  }
0xd7: {  	[spmem:s1] =	stream.indirect.scatter.add.f32 [tilespmem:s23], [sflag:$0x3], $0x80, s0, s21, $0xb8;
	[tilespmem:$0x1E800] =	vst v63  }
0xd8: {  	_ =	swait.ge [sflag:s18], $0x4000  }
0xd9: {  	s31 =	sshra.s32 s3, $0x2;
	s0 =	smov.u32 s5;
	[sflag:s18] =	ssyncset.done $0x0  }
0xda: {  	s0 =	sadd.s32 $0x14080, s31;
	[sflag:s18] =	ssyncadd.s32 $0xFFFFC000  }
0xdb: {  	[tilespmem:s23], [sflag:$0x2] =	stream.indirect.gather [hbm4b:s4+s21], $0x80, s0, s21, $0xb8;
	[tilespmem:$0x1E800] =	vst v63  }
0xdc: {  	_ =	swait.ge [sflag:s24], $0x4000  }
0xdd: {  	[sflag:s24] =	ssyncset.done $0x0  }
0xde: {  	s3 =	sadd.s32 $0x15400, s31;
	[sflag:s24] =	ssyncadd.s32 $0xFFFFC000  }
0xdf: {  	[spmem:s1] =	stream.indirect.scatter.add.f32 [tilespmem:s22], [sflag:$0x3], $0x80, s3, s21, $0xb8;
	[tilespmem:$0x1E800] =	vst v63  }
0xe0: {  	_ =	swait.ge [sflag:s18], $0x4000  }
0xe1: {  	[sflag:s18] =	ssyncset.done $0x0  }
0xe2: {  	s5 =	sadd.s32 $0x14100, s31;
	[sflag:s18] =	ssyncadd.s32 $0xFFFFC000  }
0xe3: {  	[tilespmem:s22], [sflag:$0x1] =	stream.indirect.gather [hbm4b:s4+s21], $0x80, s5, s21, $0xb8;
	[tilespmem:$0x1E800] =	vst v63  }
0xe4: {  	_ =	swait.ge [sflag:s25], $0x4000  }
0xe5: {  	[sflag:s25] =	ssyncset.done $0x0  }
0xe6: {  	s2 =	sadd.s32 $0x15480, s31;
	[sflag:s25] =	ssyncadd.s32 $0xFFFFC000  }
0xe7: {  	[spmem:s1] =	stream.indirect.scatter.add.f32 [tilespmem:s23], [sflag:$0x3], $0x80, s2, s21, $0xb8;
	[tilespmem:$0x1E800] =	vst v63  }
0xe8: {  	_ =	swait.ge [sflag:s18], $0x4000  }
0xe9: {  	[sflag:s18] =	ssyncset.done $0x0  }
0xea: {  	[sflag:s18] =	ssyncadd.s32 $0xFFFFC000  }
0xeb: {  	[tilespmem:s23], [sflag:$0x2] =	stream.indirect.gather [hbm4b:s4+s21], $0x80, s26, s21, $0xb8;
	[tilespmem:$0x1E800] =	vst v63  }
0xec: {  	_ =	swait.ge [sflag:s24], $0x4000  }
0xed: {  	[sflag:s24] =	ssyncset.done $0x0  }
0xee: {  	[sflag:s24] =	ssyncadd.s32 $0xFFFFC000  }
0xef: {  	[spmem:s1] =	stream.indirect.scatter.add.f32 [tilespmem:s22], [sflag:$0x3], $0x80, s28, s21, $0xb8;
	[tilespmem:$0x1E800] =	vst v63  }
0xf0: {  	_ =	swait.ge [sflag:s18], $0x4000  }
0xf1: {  	[sflag:s18] =	ssyncset.done $0x0  }
0xf2: {  	[sflag:s18] =	ssyncadd.s32 $0xFFFFC000  }
0xf3: {  	_ =	swait.ge [sflag:s25], $0x4000  }
0xf4: {  	[sflag:s25] =	ssyncset.done $0x0  }
0xf5: {  	[sflag:s25] =	ssyncadd.s32 $0xFFFFC000  }
0xf6: {  	[spmem:s1] =	stream.indirect.scatter.add.f32 [tilespmem:s23], [sflag:$0x3], $0x80, s29, s21, $0xb8;
	[tilespmem:$0x1E800] =	vst v63  }
0xf7: {  	_ =	swait.ge [sflag:s18], $0x4000  }
0xf8: {  	[sflag:s18] =	ssyncset.done $0x0  }
0xf9: {  	s3 =	simm.s32 $0x0;
	[sflag:s18] =	ssyncadd.s32 $0xFFFFC000  }
0xfa: {  	[tilespmem:s19], [sflag:$0x3] =	stream.linear.gather [hbm4b:s13+s3], $0x1400, $0x38;
	[tilespmem:$0x1E800] =	vst v63  }
0xfb: {  	_ =	swait.ge [sflag:s18], $0x1400  }
0xfc: {  	[sflag:s18] =	ssyncset.done $0x0  }
0xfd: {  	[sflag:s18] =	ssyncadd.s32 $0xFFFFEC00  }
0xfe: {  	[tilespmem:s20], [sflag:$0x3] =	stream.linear.gather [hbm4b:s14+s3], $0x1400, $0x38;
	[tilespmem:$0x1E800] =	vst v63  }
0xff: {  	_ =	swait.ge [sflag:s18], $0x1400  }
0x100: {  	[sflag:s18] =	ssyncset.done $0x0  }
0x101: {  	[sflag:s18] =	ssyncadd.s32 $0xFFFFEC00  }
0x102: {  	[tilespmem:s22], [sflag:$0x1] =	stream.indirect.gather [hbm4b:s4+s21], $0x80, s19, s21, $0xb8;
	[tilespmem:$0x1E800] =	vst v63  }
0x103: {  	s5 =	simm.s32 $0x14080  }
0x104: {  	[tilespmem:s23], [sflag:$0x2] =	stream.indirect.gather [hbm4b:s4+s21], $0x80, s5, s21, $0xb8;
	[tilespmem:$0x1E800] =	vst v63  }
0x105: {  	_ =	swait.ge [sflag:s24], $0x4000  }
0x106: {  	[sflag:s24] =	ssyncset.done $0x0  }
0x107: {  	s2 =	simm.s32 $0x15400;
	[sflag:s24] =	ssyncadd.s32 $0xFFFFC000  }
0x108: {  	[spmem:s1] =	stream.indirect.scatter.add.f32 [tilespmem:s22], [sflag:$0x3], $0x80, s2, s21, $0xb8;
	[tilespmem:$0x1E800] =	vst v63  }
0x109: {  	_ =	swait.ge [sflag:s18], $0x4000  }
0x10a: {  	[sflag:s18] =	ssyncset.done $0x0  }
0x10b: {  	s3 =	simm.s32 $0x14100;
	[sflag:s18] =	ssyncadd.s32 $0xFFFFC000  }
0x10c: {  	[tilespmem:s22], [sflag:$0x1] =	stream.indirect.gather [hbm4b:s4+s21], $0x80, s3, s21, $0xb8;
	[tilespmem:$0x1E800] =	vst v63  }
0x10d: {  	_ =	swait.ge [sflag:s25], $0x4000  }
0x10e: {  	[sflag:s25] =	ssyncset.done $0x0  }
0x10f: {  	s5 =	simm.s32 $0x15480;
	[sflag:s25] =	ssyncadd.s32 $0xFFFFC000  }
0x110: {  	[spmem:s1] =	stream.indirect.scatter.add.f32 [tilespmem:s23], [sflag:$0x3], $0x80, s5, s21, $0xb8;
	[tilespmem:$0x1E800] =	vst v63  }
0x111: {  	_ =	swait.ge [sflag:s18], $0x4000  }
0x112: {  	s31 =	simm.s32 $0x100;
	s0 =	simm.s32 $0x800;
	[sflag:s18] =	ssyncset.done $0x0  }
.LBB2_8:
0x113: {  	s2 =	sadd.s32 $0x14080, s31  }
0x114: {  	[sflag:s18] =	ssyncadd.s32 $0xFFFFC000;
	s3 =	smov.u32 s0;
	s5 =	sadd.s32 $0x400, s0  }
0x115: {  	[tilespmem:s23], [sflag:$0x2] =	stream.indirect.gather [hbm4b:s4+s21], $0x80, s2, s21, $0xb8;
	[tilespmem:$0x1E800] =	vst v63  }
0x116: {  	p0 =	sne.s32 s0, $0x4800;
	_ =	swait.ge [sflag:s24], $0x4000  }
0x117: {  	[sflag:s24] =	ssyncset.done $0x0  }
0x118: {  	s0 =	sadd.s32 $0x15400, s31;
	[sflag:s24] =	ssyncadd.s32 $0xFFFFC000  }
0x119: {  	[spmem:s1] =	stream.indirect.scatter.add.f32 [tilespmem:s22], [sflag:$0x3], $0x80, s0, s21, $0xb8;
	[tilespmem:$0x1E800] =	vst v63  }
0x11a: {  	_ =	swait.ge [sflag:s18], $0x4000  }
0x11b: {  	[sflag:s18] =	ssyncset.done $0x0  }
0x11c: {  	s0 =	sadd.s32 $0x14100, s31;
	[sflag:s18] =	ssyncadd.s32 $0xFFFFC000  }
0x11d: {  	[tilespmem:s22], [sflag:$0x1] =	stream.indirect.gather [hbm4b:s4+s21], $0x80, s0, s21, $0xb8;
	[tilespmem:$0x1E800] =	vst v63  }
0x11e: {  	_ =	swait.ge [sflag:s25], $0x4000  }
.Ltmp3:
0x11f: {  	[sflag:s25] =	ssyncset.done $0x0;
	(pc) =	sbr.rel @p0 .LBB2_8-.Ltmp3, $4  }
0x120: {  	s0 =	sadd.s32 $0x15480, s31;
	[sflag:s25] =	ssyncadd.s32 $0xFFFFC000  }
0x121: {  	[spmem:s1] =	stream.indirect.scatter.add.f32 [tilespmem:s23], [sflag:$0x3], $0x80, s0, s21, $0xb8;
	[tilespmem:$0x1E800] =	vst v63  }
0x122: {  	_ =	swait.ge [sflag:s18], $0x4000  }
0x123: {  	s31 =	sshra.s32 s3, $0x2;
	s0 =	smov.u32 s5;
	[sflag:s18] =	ssyncset.done $0x0  }
0x124: {  	s0 =	sadd.s32 $0x14080, s31;
	[sflag:s18] =	ssyncadd.s32 $0xFFFFC000  }
0x125: {  	[tilespmem:s23], [sflag:$0x2] =	stream.indirect.gather [hbm4b:s4+s21], $0x80, s0, s21, $0xb8;
	[tilespmem:$0x1E800] =	vst v63  }
0x126: {  	_ =	swait.ge [sflag:s24], $0x4000  }
0x127: {  	[sflag:s24] =	ssyncset.done $0x0  }
0x128: {  	s3 =	sadd.s32 $0x15400, s31;
	[sflag:s24] =	ssyncadd.s32 $0xFFFFC000  }
0x129: {  	[spmem:s1] =	stream.indirect.scatter.add.f32 [tilespmem:s22], [sflag:$0x3], $0x80, s3, s21, $0xb8;
	[tilespmem:$0x1E800] =	vst v63  }
0x12a: {  	_ =	swait.ge [sflag:s18], $0x4000  }
0x12b: {  	[sflag:s18] =	ssyncset.done $0x0  }
0x12c: {  	s5 =	sadd.s32 $0x14100, s31;
	[sflag:s18] =	ssyncadd.s32 $0xFFFFC000  }
0x12d: {  	[tilespmem:s22], [sflag:$0x1] =	stream.indirect.gather [hbm4b:s4+s21], $0x80, s5, s21, $0xb8;
	[tilespmem:$0x1E800] =	vst v63  }
0x12e: {  	_ =	swait.ge [sflag:s25], $0x4000  }
0x12f: {  	[sflag:s25] =	ssyncset.done $0x0  }
0x130: {  	s31 =	sadd.s32 $0x15480, s31;
	[sflag:s25] =	ssyncadd.s32 $0xFFFFC000  }
0x131: {  	[spmem:s1] =	stream.indirect.scatter.add.f32 [tilespmem:s23], [sflag:$0x3], $0x80, s31, s21, $0xb8;
	[tilespmem:$0x1E800] =	vst v63  }
0x132: {  	_ =	swait.ge [sflag:s18], $0x4000  }
0x133: {  	[sflag:s18] =	ssyncset.done $0x0  }
0x134: {  	[sflag:s18] =	ssyncadd.s32 $0xFFFFC000  }
0x135: {  	[tilespmem:s23], [sflag:$0x2] =	stream.indirect.gather [hbm4b:s4+s21], $0x80, s26, s21, $0xb8;
	[tilespmem:$0x1E800] =	vst v63  }
0x136: {  	_ =	swait.ge [sflag:s24], $0x4000  }
0x137: {  	[sflag:s24] =	ssyncset.done $0x0  }
0x138: {  	[sflag:s24] =	ssyncadd.s32 $0xFFFFC000  }
0x139: {  	[spmem:s1] =	stream.indirect.scatter.add.f32 [tilespmem:s22], [sflag:$0x3], $0x80, s28, s21, $0xb8;
	[tilespmem:$0x1E800] =	vst v63  }
0x13a: {  	_ =	swait.ge [sflag:s18], $0x4000  }
0x13b: {  	[sflag:s18] =	ssyncset.done $0x0  }
0x13c: {  	[sflag:s18] =	ssyncadd.s32 $0xFFFFC000  }
0x13d: {  	_ =	swait.ge [sflag:s25], $0x4000  }
0x13e: {  	[sflag:s25] =	ssyncset.done $0x0  }
0x13f: {  	[sflag:s25] =	ssyncadd.s32 $0xFFFFC000  }
0x140: {  	[spmem:s1] =	stream.indirect.scatter.add.f32 [tilespmem:s23], [sflag:$0x3], $0x80, s29, s21, $0xb8;
	[tilespmem:$0x1E800] =	vst v63  }
0x141: {  	_ =	swait.ge [sflag:s18], $0x4000  }
0x142: {  	s30 =	sadd.s32 $0x1, s30;
	[sflag:s18] =	ssyncset.done $0x0  }
0x143: {  	p0 =	sne.s32 s30, s16;
	[sflag:s18] =	ssyncadd.s32 $0xFFFFC000  }
.Ltmp4:
0x144: {  	[bflag:$0x0] =	sbarrier.arrive $0xFFFF;
	(pc) =	sbr.rel @p0 .LBB2_1-.Ltmp4, $4  }
0x145: {  	[hbm:s15], [sflag:s6] =	dma.local [spmem:s17], $0x2800  }
0x146: {  	_ =	swait.ge [sflag:s18], $0x2800  }
0x147: {  	[sflag:s18] =	ssyncset.done $0x0  }
0x148: {  	[sflag:s18] =	ssyncadd.s32 $0xFFFFD800  }
0x149: {  	_ =	sfence.sel $0x180000  }
0x14a: {  	[bflag:$0x0] =	sbarrier.arrive $0xFFFF  }
0x14b: {  	_ =	strace $0x9000004D  }
0x14c: {  	s0 =	stileid.u32;
	[bflag:$0x2] =	sbarrier.arrive $0xFFFF  }
0x14d: {  	p0 =	sne.s32 s0, $0x0;
	s0 =	rddreg [dreg:$0x2]  }
0x14e: {  	s0 =	sadd.s32 @!p0 $0x100000, s0  }
0x14f: {  	[sflag:s0] =	ssyncadd.tile.s32 @!p0 $0x1;
	_ =	shalt  }
.Lfunc_end2:
_tile_overlayer_lowered:
.L_overlay_start_2:
0x150: {  	(tag) =	ssettag $0x2  }
0x151: {  	s0 =	rddreg [dreg:$0x0];
	s2 =	stileid.u32  }
0x152: {  	s1 =	rddreg [dreg:$0x1];
	p0 =	sne.s32 s2, $0x0  }
0x153: {  	s3 =	rddreg [dreg:$0x2];
	[bflag:$0x3] =	sbarrier.arrive $0xFFFF;
	s2 =	simm.s32 @!p0 $0x1C03  }
0x154: {  	[timem:s3], [sflag:s2] =	dma.local @!p0 [hbm:s0], s1  }
0x155: {  	s0 =	simm.s32 @!p0 $0x3  }
0x156: {  	_ =	swait.ge @!p0 [sflag:s0], s1  }
0x157: {  	s1 =	ssub.s32 @!p0 $0x0, s1;
	[sflag:s0] =	ssyncset.done @!p0 $0x0  }
0x158: {  	[sflag:s0] =	ssyncadd.s32 @!p0 s1  }
0x159: {  	[bflag:$0x3] =	sbarrier.arrive $0xFFFF  }
0x15a: {  	_ =	shalt  }

// kernel: kernel.19.cloned.1.call-start
scs
__scs_entry_jumppad:
0x0: {  	(pc) =	sbr.rel $0x88, $3  }
0x1: {  	(tag) =	ssettag $0x0;
	lr =	simm.s32 $0x1  }
0x2: {  	[smem:$0x3F95] =	sst lr;
	_ =	strace $0xD0000000  }
0x3: {  	_ = 	snop  }
0x4: {  	_ = 	snop  }
0x5: {  	_ = 	snop  }
0x6: {  	_ = 	snop  }
0x7: {  	_ = 	snop  }
__scs_overlays_trampoline_lowered:
0x8: {  	[smem:$0x3FA4] =	sst s0  }
0x9: {  	[smem:$0x3FA5] =	sst s1  }
0xa: {  	[smem:$0x3FA6] =	sst s2  }
0xb: {  	[smem:$0x3FA7] =	sst s3  }
0xc: {  	[smem:$0x3FA8] =	sst s4  }
0xd: {  	[smem:$0x3FA9] =	sst s5  }
0xe: {  	[smem:$0x3FAA] =	sst s6  }
0xf: {  	[smem:$0x3FAB] =	sst s7  }
0x10: {  	[smem:$0x3FAC] =	sst s8  }
0x11: {  	[smem:$0x3FAD] =	sst s9;
	s0 =	simm.s32 @!p0 $0x0  }
0x12: {  	s1 =	sld [smem:$0x3F93];
	s0 =	simm.s32 @p0 $0x1  }
0x13: {  	[smem:$0x3FAE] =	sst s0;
	s0 =	simm.s32 @!p1 $0x0  }
0x14: {  	s2 =	sld [smem:$0x3F92];
	s0 =	simm.s32 @p1 $0x1  }
0x15: {  	[smem:$0x3FAF] =	sst s0;
	s0 =	simm.s32 @!p2 $0x0  }
0x16: {  	s3 =	sld [smem:$0x3FDB];
	s0 =	simm.s32 @p2 $0x1  }
0x17: {  	s4 =	simm.s32 $0x1BF5;
	[smem:$0x3FB1] =	sst s0  }
0x18: {  	s0 =	sld [smem:$0x3F94];
	_ =	swait.ge [sflag:s4], $0x0  }
0x19: {  	s7 =	sld [smem:$0x3F95]  }
0x1a: {  	s8 =	sadd.s32 $0xFFFFE003, lr  }
0x1b: {  	s9 =	sadd.s32 $0xFFFFFEF7, lr;
	s5 =	simm.s32 $0xFFFFFFFF;
	p2 =	slt.u32 s8, $0xFFFFF086  }
0x1c: {  	p1 =	slt.u32 s9, $0xF7A;
	s5 =	simm.s32 @!p2 $0x0  }
0x1d: {  	s5 =	simm.s32 @p1 $0x1;
	p0 =	seq.s32 s7, s2  }
0x1e: {  	s7 =	smul.u32 @!p0 $0xF7A, s2;
	p2 =	seq.s32 @!p0 s5, $0x0  }
0x1f: {  	s9 =	smul.u32 $0xF7A, s1;
	s8 =	simm.s32 @!p0 $0x1BF5;
	p2 =	por !p2, p0  }
0x20: {  	[sflag:s8] =	ssyncset.s32 @!p0 $0xFFFFF086;
	s6 =	sadd.s32 @!p0 s3, s7;
	s7 =	simm.s32 @!p0 $0x108  }
0x21: {  	s3 =	sadd.s32 s3, s9;
	s6 =	sadd.s32 @!p0 $0x88, s6;
	s7 =	simm.s32 @p2 $0x1082  }
0x22: {  	[simem:s7], [sflag:s8] =	dma.local @!p0 [hbm:s6], $0xF7A  }
0x23: {  	s9 =	sor.u32 $0xD0000000, s2;
	s6 =	simm.s32 $0x108;
	_ =	swait.ge @!p0 [sflag:s8], $0x0  }
0x24: {  	s3 =	sadd.s32 $0x88, s3;
	s6 =	simm.s32 @!p1 $0x1082;
	[sflag:s4] =	ssyncset.s32 $0xFFFFF086  }
0x25: {  	[simem:s6], [sflag:s4] =	dma.local [hbm:s3], $0xF7A  }
0x26: {  	[smem:$0x3F95] =	sst s1;
	(tag) =	ssettag s2;
	_ =	strace s9  }
0x27: {  	s1 =	sld [smem:$0x3FA5]  }
0x28: {  	s2 =	sld [smem:$0x3FA6]  }
0x29: {  	s4 =	sld [smem:$0x3FA8]  }
0x2a: {  	p0 =	seq.s32 s5, $0x0;
	s5 =	sld [smem:$0x3FA9]  }
0x2b: {  	s6 =	sld [smem:$0x3FAA]  }
0x2c: {  	s7 =	sld [smem:$0x3FAB]  }
0x2d: {  	s3 =	simm.s32 $0x108;
	s8 =	sld [smem:$0x3FAC]  }
0x2e: {  	s3 =	simm.s32 @!p0 $0x1082;
	s9 =	sld [smem:$0x3FAD]  }
0x2f: {  	lr =	sadd.s32 s0, s3;
	s0 =	sld [smem:$0x3FA4]  }
0x30: {  	s3 =	sld [smem:$0x3FA7]  }
0x31: {  	[smem:$0x3FB0] =	sst s10  }
0x32: {  	s10 =	sld [smem:$0x3FAE];
	_ =	sdelay $0x3  }
0x33: {  	p0 =	seq.s32 s10, $0x1;
	s10 =	sld [smem:$0x3FB0];
	_ =	sdelay $0x3  }
0x34: {  	[smem:$0x3FB0] =	sst s10  }
0x35: {  	s10 =	sld [smem:$0x3FAF];
	_ =	sdelay $0x3  }
0x36: {  	p1 =	seq.s32 s10, $0x1;
	s10 =	sld [smem:$0x3FB0];
	_ =	sdelay $0x3  }
0x37: {  	[smem:$0x3FB0] =	sst s10  }
0x38: {  	s10 =	sld [smem:$0x3FB1]  }
0x39: {  	_ = 	snop;
	(pc) =	sbr.ind lr, $3  }
0x3a: {  	_ = 	snop  }
0x3b: {  	_ = 	snop  }
0x3c: {  	p2 =	seq.s32 s10, $0x1;
	s10 =	sld [smem:$0x3FB0]  }
0x3d: {  	_ =	shalt  }
0x3e: {  	_ =	shalt  }
0x3f: {  	_ =	shalt  }
0x40: {  	_ =	shalt  }
0x41: {  	_ =	shalt  }
0x42: {  	_ =	shalt  }
0x43: {  	_ =	shalt  }
0x44: {  	_ =	shalt  }
0x45: {  	_ =	shalt  }
0x46: {  	_ =	shalt  }
0x47: {  	_ =	shalt  }
0x48: {  	_ =	shalt  }
0x49: {  	_ =	shalt  }
0x4a: {  	_ =	shalt  }
0x4b: {  	_ =	shalt  }
0x4c: {  	_ =	shalt  }
0x4d: {  	_ =	shalt  }
0x4e: {  	_ =	shalt  }
0x4f: {  	_ =	shalt  }
0x50: {  	_ =	shalt  }
0x51: {  	_ =	shalt  }
0x52: {  	_ =	shalt  }
0x53: {  	_ =	shalt  }
0x54: {  	_ =	shalt  }
0x55: {  	_ =	shalt  }
0x56: {  	_ =	shalt  }
0x57: {  	_ =	shalt  }
0x58: {  	_ =	shalt  }
0x59: {  	_ =	shalt  }
0x5a: {  	_ =	shalt  }
0x5b: {  	_ =	shalt  }
0x5c: {  	_ =	shalt  }
0x5d: {  	_ =	shalt  }
0x5e: {  	_ =	shalt  }
0x5f: {  	_ =	shalt  }
0x60: {  	_ =	shalt  }
0x61: {  	_ =	shalt  }
0x62: {  	_ =	shalt  }
0x63: {  	_ =	shalt  }
0x64: {  	_ =	shalt  }
0x65: {  	_ =	shalt  }
0x66: {  	_ =	shalt  }
0x67: {  	_ =	shalt  }
0x68: {  	_ =	shalt  }
0x69: {  	_ =	shalt  }
0x6a: {  	_ =	shalt  }
0x6b: {  	_ =	shalt  }
0x6c: {  	_ =	shalt  }
0x6d: {  	_ =	shalt  }
0x6e: {  	_ =	shalt  }
0x6f: {  	_ =	shalt  }
0x70: {  	_ =	shalt  }
0x71: {  	_ =	shalt  }
0x72: {  	_ =	shalt  }
0x73: {  	_ =	shalt  }
0x74: {  	_ =	shalt  }
0x75: {  	_ =	shalt  }
0x76: {  	_ =	shalt  }
0x77: {  	_ =	shalt  }
0x78: {  	_ =	shalt  }
0x79: {  	_ =	shalt  }
0x7a: {  	_ =	shalt  }
0x7b: {  	_ =	shalt  }
0x7c: {  	_ =	shalt  }
0x7d: {  	_ =	shalt  }
0x7e: {  	_ =	shalt  }
0x7f: {  	_ =	shalt  }
0x80: {  	_ =	shalt  }
0x81: {  	_ =	shalt  }
0x82: {  	_ =	shalt  }
0x83: {  	_ =	shalt  }
0x84: {  	_ =	shalt  }
0x85: {  	_ =	shalt  }
0x86: {  	_ =	shalt  }
0x87: {  	_ =	shalt  }
.Lfunc_end0:
.L_simem_size_0:
called_computation.3_lowered:
.L_overlay_start_0:
0x88: {  	s2 =	sld [smem:$0x3FD9]  }
0x89: {  	s3 =	sld [smem:$0x3FFE];
	_ =	sdelay $0x1  }
0x8a: {  	s1 =	srdreg.scid  }
0x8b: {  	s0 =	sand.u32 $0x1, s1  }
0x8c: {  	s16 =	sshll.u32 s0, $0xA;
	s2 =	sadd.s32 s3, s2  }
0x8d: {  	s2 =	sadd.s32 s2, s16  }
0x8e: {  	[smem:$0x3FBC] =	sst s2  }
0x8f: {  	_ = 	snop  }
0x90: {  	(tm) =	ssettm $0x1  }
0x91: {  	s17 =	sld [smem:$0x3FFB];
	_ =	sdelay $0x3  }
0x92: {  	_ =	strace s17  }
0x93: {  	s2 =	sld [smem:$0x3FFC];
	_ =	sdelay $0x3  }
0x94: {  	_ =	strace s2  }
0x95: {  	s2 =	sld [smem:$0x3FFD];
	_ =	sdelay $0x3  }
0x96: {  	_ =	strace s2  }
0x97: {  	_ =	strace $0x8FFFFFFF  }
0x98: {  	s18 =	sld [smem:$0x3FDB];
	_ =	sdelay $0x1  }
0x99: {  	s19 =	simm.s32 $_scs_section_size  }
0x9a: {  	s4 =	simm.s32 $_size__tile_overlayer_lowered;
	s5 =	simm.s32 $_tile_overlayer_lowered  }
0x9b: {  	s22 =	simm.s32 $0x1BFF;
	s21 =	sshll.u32 s5, $0x1;
	s2 =	sadd.s32 s19, s18  }
0x9c: {  	s6 =	simm.s32 $0x0;
	s20 =	sshll.u32 s4, $0x1;
	s4 =	sadd.s32 s21, s2  }
0x9d: {  	[timem:s6], [sflag:s22] =	dma.local [hbm:s4], s20  }
0x9e: {  	_ =	swait.ge [sflag:s22], s20  }
0x9f: {  	s3 =	ssub.s32 $0x0, s20;
	[sflag:s22] =	ssyncset.done $0x0  }
0xa0: {  	[sflag:s22] =	ssyncadd.s32 s3;
	_ =	sdelay $0x1  }
0xa1: {  	s23 =	simm.s32 $0x1B8B  }
0xa2: {  	_ =	swait.ge [sflag:s23], $0x1  }
0xa3: {  	[sflag:s23] =	ssyncset.done $0x0  }
0xa4: {  	s25 =	simm.s32 $0x1B8E;
	s24 =	sld [smem:$0x3FFE];
	[sflag:s23] =	ssyncadd.s32 $0xFFFFFFFF  }
0xa5: {  	s26 =	simm.s32 $execute0_lowered;
	[smem:$0x3FD2] =	sst s25  }
0xa6: {  	s4 =	sshll.u32 s26, $0x1;
	_ =	strace $0x8000004F;
	[dreg:$0x1] =	wrdreg $0xFFFFFFFF  }
0xa7: {  	s28 =	simm.s32 $_size_execute0_lowered;
	s2 =	sadd.s32 s2, s4;
	[dreg:$0x0] =	wrdreg $0x0  }
0xa8: {  	s4 =	sshll.u32 s28, $0x1;
	[dreg:$0x2] =	wrdreg s2  }
0xa9: {  	[dreg:$0x3] =	wrdreg s4  }
0xaa: {  	[dreg:$0x4] =	wrdreg $0xC0  }
0xab: {  	_ =	task [dreg:s6], $0x5FFFF  }
0xac: {  	[dreg:$0x1] =	wrdreg $0xFFFFFFFF  }
0xad: {  	[dreg:$0x0] =	wrdreg $0x60  }
0xae: {  	[dreg:$0x2] =	wrdreg s24  }
0xaf: {  	[dreg:$0x3] =	wrdreg $0x0  }
0xb0: {  	[dreg:$0x4] =	wrdreg $0x9  }
0xb1: {  	_ =	task.clear_ibuf [dreg:s6], $0x5FFFF;
	_ =	strace $0x9000004F  }
0xb2: {  	s29 =	simm.s32 $0x9;
	_ =	strace $0x80000051  }
0xb3: {  	_ =	swait.ge [sflag:s29], $0x1  }
0xb4: {  	[sflag:s29] =	ssyncadd.s32 $0xFFFFFFFF  }
0xb5: {  	_ =	strace $0x90000051  }
0xb6: {  	_ =	sfence  }
0xb7: {  	s30 =	sld [smem:$0x0];
	_ =	sdelay $0x2  }
0xb8: {  	s31 =	sshll.u32 s1, $0xD;
	s1 =	sshrl.u32 s1, $0x2  }
0xb9: {  	s3 =	sand.u32 $0x4000, s31;
	s1 =	sadd.s32 s1, s30  }
0xba: {  	s0 =	sor.u32 s3, s0;
	s1 =	sshll.u32 s1, $0x11  }
0xbb: {  	s0 =	sor.u32 s1, s0  }
0xbc: {  	s0 =	sadd.s32 $0x8F2B, s0  }
0xbd: {  	[sflag:s0] =	ssyncadd.remote.s32 $0x1  }
0xbe: {  	_ =	sfence.sel $0xFFFF  }
0xbf: {  	[dreg:$0x0] =	wrdreg $0xFFFFFFFF;
	(pc) =	sbr.abs _section_cstart, $3  }
0xc0: {  	[dreg:$0x1] =	wrdreg $0xFFFFFFFF  }
0xc1: {  	_ =	task.clear_ibuf [dreg:s6], $0x2FFFF;
	_ =	strace $0x9FFFFFFF  }
0xc2: {  	(tm) =	ssettm $0x7FFFFFFF  }
0xc3: {  	_ =	shalt  }
tec
execute0_lowered:
.L_overlay_start_1:
0x0: {  	(tag) =	ssettag $0x1  }
0x1: {  	s0 =	rddreg [dreg:$0x0]  }
0x2: {  	s1 =	rddreg [dreg:$0x1]  }
0x3: {  	s2 =	simm.s32 $0x0;
	s21 =	stileid.u32;
	s6 =	srdreg.scid  }
0x4: {  	s18 =	simm.s32 $0x3;
	s19 =	simm.s32 $0x14000;
	s20 =	simm.s32 $0x15400  }
0x5: {  	s28 =	simm.s32 $0x16700;
	s29 =	simm.s32 $0x16780;
	s5 =	smul.u32 $0x14000, s21  }
0x6: {  	s30 =	simm.s32 $0x0;
	[smem:$0x7FF] =	sst s2;
	s7 =	smul.u32 $0x2800, s21  }
0x7: {  	s4 =	sadd.s32 $0x10D400, s0;
	s9 =	sadd.s32 $0x27400, s0;
	s25 =	smul.u32 $0x5000, s21  }
0x8: {  	s10 =	sadd.s32 $0x3B400, s0;
	s6 =	sand.u32 $0x1, s6;
	s26 =	smul.u32 $0xA00, s21  }
0x9: {  	s24 =	sshll.u32 s21, $0x6;
	_ =	strace $0x80000050;
	s11 =	smul.u32 $0x28000, s6  }
0xa: {  	s12 =	sshll.u32 s6, $0x4;
	s6 =	ssub.s32 $0x2, s6;
	s8 =	sshrl.u32 s5, $0x3  }
0xb: {  	s12 =	sor.u32 s21, s12;
	s22 =	sshrl.u32 s6, $0x1;
	s17 =	sadd.s32 s5, s1  }
0xc: {  	s21 =	simm.s32 $0x80;
	s8 =	sadd.s32 s8, s0;
	s13 =	smul.u32 $0xA00, s12  }
0xd: {  	s7 =	sadd.s32 s7, s11;
	s16 =	ssub.s32 s6, s22;
	s23 =	smul.u32 $0x5000, s12  }
0xe: {  	s6 =	sor.u32 $0x1C03, s24;
	s12 =	sshrl.u32 s25, $0x3;
	s17 =	sshrl.u32 s17, $0x3  }
0xf: {  	s22 =	simm.s32 $0x16800;
	s24 =	simm.s32 $0x1;
	s25 =	simm.s32 $0x2  }
0x10: {  	s0 =	sadd.s32 s7, s0;
	s3 =	sadd.s32 $0xE5400, s8;
	s8 =	sadd.s32 s10, s26  }
0x11: {  	s14 =	sadd.s32 s10, s12;
	s16 =	smax.u32 s16, $0x1;
	s26 =	simm.s32 $0x15380  }
0x12: {  	[dreg:$0x3] =	wrdreg s3;
	s7 =	sadd.s32 s9, s13;
	s11 =	sshrl.u32 s23, $0x3  }
0x13: {  	s10 =	sadd.s32 $0x280, s14;
	s12 =	sadd.s32 $0x500, s14;
	s14 =	sadd.s32 $0x780, s14  }
0x14: {  	s15 =	sadd.s32 $0x45400, s0;
	s23 =	simm.s32 $0x1A800;
	s31 =	sadd.s32 s9, s11  }
0x15: {  	s9 =	sadd.s32 $0x280, s31;
	s11 =	sadd.s32 $0x500, s31;
	s13 =	sadd.s32 $0x780, s31  }
.LBB2_1:
0x16: {  	s0 =	rddreg [dreg:$0x3]  }
0x17: {  	[spmem:s17], [sflag:s6] =	dma.local [hbm:s0], $0x2800  }
0x18: {  	_ =	swait.ge [sflag:s18], $0x2800  }
0x19: {  	[sflag:s18] =	ssyncset.done $0x0  }
0x1a: {  	[sflag:s18] =	ssyncadd.s32 $0xFFFFD800  }
0x1b: {  	s3 =	simm.s32 $0x0;
	[bflag:$0x0] =	sbarrier.arrive $0xFFFF  }
0x1c: {  	[tilespmem:s19], [sflag:$0x3] =	stream.linear.gather [hbm4b:s7+s3], $0x1400, $0x38;
	[tilespmem:$0x1E800] =	vst v63  }
0x1d: {  	_ =	swait.ge [sflag:s18], $0x1400  }
0x1e: {  	[sflag:s18] =	ssyncset.done $0x0  }
0x1f: {  	[sflag:s18] =	ssyncadd.s32 $0xFFFFEC00  }
0x20: {  	[tilespmem:s20], [sflag:$0x3] =	stream.linear.gather [hbm4b:s8+s3], $0x1400, $0x38;
	[tilespmem:$0x1E800] =	vst v63  }
0x21: {  	_ =	swait.ge [sflag:s18], $0x1400  }
0x22: {  	[sflag:s18] =	ssyncset.done $0x0  }
0x23: {  	[sflag:s18] =	ssyncadd.s32 $0xFFFFEC00  }
0x24: {  	[tilespmem:s22], [sflag:$0x1] =	stream.indirect.gather [hbm4b:s4+s21], $0x80, s19, s21, $0xb8;
	[tilespmem:$0x1E800] =	vst v63  }
0x25: {  	s5 =	simm.s32 $0x14080  }
0x26: {  	[tilespmem:s23], [sflag:$0x2] =	stream.indirect.gather [hbm4b:s4+s21], $0x80, s5, s21, $0xb8;
	[tilespmem:$0x1E800] =	vst v63  }
0x27: {  	_ =	swait.ge [sflag:s24], $0x4000  }
0x28: {  	[sflag:s24] =	ssyncset.done $0x0  }
0x29: {  	s2 =	simm.s32 $0x15400;
	[sflag:s24] =	ssyncadd.s32 $0xFFFFC000  }
0x2a: {  	[spmem:s1] =	stream.indirect.scatter.add.f32 [tilespmem:s22], [sflag:$0x3], $0x80, s2, s21, $0xb8;
	[tilespmem:$0x1E800] =	vst v63  }
0x2b: {  	_ =	swait.ge [sflag:s18], $0x4000  }
0x2c: {  	[sflag:s18] =	ssyncset.done $0x0  }
0x2d: {  	s3 =	simm.s32 $0x14100;
	[sflag:s18] =	ssyncadd.s32 $0xFFFFC000  }
0x2e: {  	[tilespmem:s22], [sflag:$0x1] =	stream.indirect.gather [hbm4b:s4+s21], $0x80, s3, s21, $0xb8;
	[tilespmem:$0x1E800] =	vst v63  }
0x2f: {  	_ =	swait.ge [sflag:s25], $0x4000  }
0x30: {  	[sflag:s25] =	ssyncset.done $0x0  }
0x31: {  	s5 =	simm.s32 $0x15480;
	[sflag:s25] =	ssyncadd.s32 $0xFFFFC000  }
0x32: {  	[spmem:s1] =	stream.indirect.scatter.add.f32 [tilespmem:s23], [sflag:$0x3], $0x80, s5, s21, $0xb8;
	[tilespmem:$0x1E800] =	vst v63  }
0x33: {  	_ =	swait.ge [sflag:s18], $0x4000  }
0x34: {  	s31 =	simm.s32 $0x100;
	s0 =	simm.s32 $0x800;
	[sflag:s18] =	ssyncset.done $0x0  }
.LBB2_2:
0x35: {  	s2 =	sadd.s32 $0x14080, s31  }
0x36: {  	[sflag:s18] =	ssyncadd.s32 $0xFFFFC000;
	s3 =	smov.u32 s0;
	s5 =	sadd.s32 $0x400, s0  }
0x37: {  	[tilespmem:s23], [sflag:$0x2] =	stream.indirect.gather [hbm4b:s4+s21], $0x80, s2, s21, $0xb8;
	[tilespmem:$0x1E800] =	vst v63  }
0x38: {  	p0 =	sne.s32 s0, $0x4800;
	_ =	swait.ge [sflag:s24], $0x4000  }
0x39: {  	[sflag:s24] =	ssyncset.done $0x0  }
0x3a: {  	s0 =	sadd.s32 $0x15400, s31;
	[sflag:s24] =	ssyncadd.s32 $0xFFFFC000  }
0x3b: {  	[spmem:s1] =	stream.indirect.scatter.add.f32 [tilespmem:s22], [sflag:$0x3], $0x80, s0, s21, $0xb8;
	[tilespmem:$0x1E800] =	vst v63  }
0x3c: {  	_ =	swait.ge [sflag:s18], $0x4000  }
0x3d: {  	[sflag:s18] =	ssyncset.done $0x0  }
0x3e: {  	s0 =	sadd.s32 $0x14100, s31;
	[sflag:s18] =	ssyncadd.s32 $0xFFFFC000  }
0x3f: {  	[tilespmem:s22], [sflag:$0x1] =	stream.indirect.gather [hbm4b:s4+s21], $0x80, s0, s21, $0xb8;
	[tilespmem:$0x1E800] =	vst v63  }
0x40: {  	_ =	swait.ge [sflag:s25], $0x4000  }
.Ltmp0:
0x41: {  	[sflag:s25] =	ssyncset.done $0x0;
	(pc) =	sbr.rel @p0 .LBB2_2-.Ltmp0, $4  }
0x42: {  	s0 =	sadd.s32 $0x15480, s31;
	[sflag:s25] =	ssyncadd.s32 $0xFFFFC000  }
0x43: {  	[spmem:s1] =	stream.indirect.scatter.add.f32 [tilespmem:s23], [sflag:$0x3], $0x80, s0, s21, $0xb8;
	[tilespmem:$0x1E800] =	vst v63  }
0x44: {  	_ =	swait.ge [sflag:s18], $0x4000  }
0x45: {  	s31 =	sshra.s32 s3, $0x2;
	s0 =	smov.u32 s5;
	[sflag:s18] =	ssyncset.done $0x0  }
0x46: {  	s0 =	sadd.s32 $0x14080, s31;
	[sflag:s18] =	ssyncadd.s32 $0xFFFFC000  }
0x47: {  	[tilespmem:s23], [sflag:$0x2] =	stream.indirect.gather [hbm4b:s4+s21], $0x80, s0, s21, $0xb8;
	[tilespmem:$0x1E800] =	vst v63  }
0x48: {  	_ =	swait.ge [sflag:s24], $0x4000  }
0x49: {  	[sflag:s24] =	ssyncset.done $0x0  }
0x4a: {  	s3 =	sadd.s32 $0x15400, s31;
	[sflag:s24] =	ssyncadd.s32 $0xFFFFC000  }
0x4b: {  	[spmem:s1] =	stream.indirect.scatter.add.f32 [tilespmem:s22], [sflag:$0x3], $0x80, s3, s21, $0xb8;
	[tilespmem:$0x1E800] =	vst v63  }
0x4c: {  	_ =	swait.ge [sflag:s18], $0x4000  }
0x4d: {  	[sflag:s18] =	ssyncset.done $0x0  }
0x4e: {  	s5 =	sadd.s32 $0x14100, s31;
	[sflag:s18] =	ssyncadd.s32 $0xFFFFC000  }
0x4f: {  	[tilespmem:s22], [sflag:$0x1] =	stream.indirect.gather [hbm4b:s4+s21], $0x80, s5, s21, $0xb8;
	[tilespmem:$0x1E800] =	vst v63  }
0x50: {  	_ =	swait.ge [sflag:s25], $0x4000  }
0x51: {  	[sflag:s25] =	ssyncset.done $0x0  }
0x52: {  	s2 =	sadd.s32 $0x15480, s31;
	[sflag:s25] =	ssyncadd.s32 $0xFFFFC000  }
0x53: {  	[spmem:s1] =	stream.indirect.scatter.add.f32 [tilespmem:s23], [sflag:$0x3], $0x80, s2, s21, $0xb8;
	[tilespmem:$0x1E800] =	vst v63  }
0x54: {  	_ =	swait.ge [sflag:s18], $0x4000  }
0x55: {  	[sflag:s18] =	ssyncset.done $0x0  }
0x56: {  	[sflag:s18] =	ssyncadd.s32 $0xFFFFC000  }
0x57: {  	[tilespmem:s23], [sflag:$0x2] =	stream.indirect.gather [hbm4b:s4+s21], $0x80, s26, s21, $0xb8;
	[tilespmem:$0x1E800] =	vst v63  }
0x58: {  	_ =	swait.ge [sflag:s24], $0x4000  }
0x59: {  	[sflag:s24] =	ssyncset.done $0x0  }
0x5a: {  	[sflag:s24] =	ssyncadd.s32 $0xFFFFC000  }
0x5b: {  	[spmem:s1] =	stream.indirect.scatter.add.f32 [tilespmem:s22], [sflag:$0x3], $0x80, s28, s21, $0xb8;
	[tilespmem:$0x1E800] =	vst v63  }
0x5c: {  	_ =	swait.ge [sflag:s18], $0x4000  }
0x5d: {  	[sflag:s18] =	ssyncset.done $0x0  }
0x5e: {  	[sflag:s18] =	ssyncadd.s32 $0xFFFFC000  }
0x5f: {  	_ =	swait.ge [sflag:s25], $0x4000  }
0x60: {  	[sflag:s25] =	ssyncset.done $0x0  }
0x61: {  	[sflag:s25] =	ssyncadd.s32 $0xFFFFC000  }
0x62: {  	[spmem:s1] =	stream.indirect.scatter.add.f32 [tilespmem:s23], [sflag:$0x3], $0x80, s29, s21, $0xb8;
	[tilespmem:$0x1E800] =	vst v63  }
0x63: {  	_ =	swait.ge [sflag:s18], $0x4000  }
0x64: {  	[sflag:s18] =	ssyncset.done $0x0  }
0x65: {  	s3 =	simm.s32 $0x0;
	[sflag:s18] =	ssyncadd.s32 $0xFFFFC000  }
0x66: {  	[tilespmem:s19], [sflag:$0x3] =	stream.linear.gather [hbm4b:s9+s3], $0x1400, $0x38;
	[tilespmem:$0x1E800] =	vst v63  }
0x67: {  	_ =	swait.ge [sflag:s18], $0x1400  }
0x68: {  	[sflag:s18] =	ssyncset.done $0x0  }
0x69: {  	[sflag:s18] =	ssyncadd.s32 $0xFFFFEC00  }
0x6a: {  	[tilespmem:s20], [sflag:$0x3] =	stream.linear.gather [hbm4b:s10+s3], $0x1400, $0x38;
	[tilespmem:$0x1E800] =	vst v63  }
0x6b: {  	_ =	swait.ge [sflag:s18], $0x1400  }
0x6c: {  	[sflag:s18] =	ssyncset.done $0x0  }
0x6d: {  	[sflag:s18] =	ssyncadd.s32 $0xFFFFEC00  }
0x6e: {  	[tilespmem:s22], [sflag:$0x1] =	stream.indirect.gather [hbm4b:s4+s21], $0x80, s19, s21, $0xb8;
	[tilespmem:$0x1E800] =	vst v63  }
0x6f: {  	s5 =	simm.s32 $0x14080  }
0x70: {  	[tilespmem:s23], [sflag:$0x2] =	stream.indirect.gather [hbm4b:s4+s21], $0x80, s5, s21, $0xb8;
	[tilespmem:$0x1E800] =	vst v63  }
0x71: {  	_ =	swait.ge [sflag:s24], $0x4000  }
0x72: {  	[sflag:s24] =	ssyncset.done $0x0  }
0x73: {  	s2 =	simm.s32 $0x15400;
	[sflag:s24] =	ssyncadd.s32 $0xFFFFC000  }
0x74: {  	[spmem:s1] =	stream.indirect.scatter.add.f32 [tilespmem:s22], [sflag:$0x3], $0x80, s2, s21, $0xb8;
	[tilespmem:$0x1E800] =	vst v63  }
0x75: {  	_ =	swait.ge [sflag:s18], $0x4000  }
0x76: {  	[sflag:s18] =	ssyncset.done $0x0  }
0x77: {  	s3 =	simm.s32 $0x14100;
	[sflag:s18] =	ssyncadd.s32 $0xFFFFC000  }
0x78: {  	[tilespmem:s22], [sflag:$0x1] =	stream.indirect.gather [hbm4b:s4+s21], $0x80, s3, s21, $0xb8;
	[tilespmem:$0x1E800] =	vst v63  }
0x79: {  	_ =	swait.ge [sflag:s25], $0x4000  }
0x7a: {  	[sflag:s25] =	ssyncset.done $0x0  }
0x7b: {  	s5 =	simm.s32 $0x15480;
	[sflag:s25] =	ssyncadd.s32 $0xFFFFC000  }
0x7c: {  	[spmem:s1] =	stream.indirect.scatter.add.f32 [tilespmem:s23], [sflag:$0x3], $0x80, s5, s21, $0xb8;
	[tilespmem:$0x1E800] =	vst v63  }
0x7d: {  	_ =	swait.ge [sflag:s18], $0x4000  }
0x7e: {  	s31 =	simm.s32 $0x100;
	s0 =	simm.s32 $0x800;
	[sflag:s18] =	ssyncset.done $0x0  }
.LBB2_4:
0x7f: {  	s2 =	sadd.s32 $0x14080, s31  }
0x80: {  	[sflag:s18] =	ssyncadd.s32 $0xFFFFC000;
	s3 =	smov.u32 s0;
	s5 =	sadd.s32 $0x400, s0  }
0x81: {  	[tilespmem:s23], [sflag:$0x2] =	stream.indirect.gather [hbm4b:s4+s21], $0x80, s2, s21, $0xb8;
	[tilespmem:$0x1E800] =	vst v63  }
0x82: {  	p0 =	sne.s32 s0, $0x4800;
	_ =	swait.ge [sflag:s24], $0x4000  }
0x83: {  	[sflag:s24] =	ssyncset.done $0x0  }
0x84: {  	s0 =	sadd.s32 $0x15400, s31;
	[sflag:s24] =	ssyncadd.s32 $0xFFFFC000  }
0x85: {  	[spmem:s1] =	stream.indirect.scatter.add.f32 [tilespmem:s22], [sflag:$0x3], $0x80, s0, s21, $0xb8;
	[tilespmem:$0x1E800] =	vst v63  }
0x86: {  	_ =	swait.ge [sflag:s18], $0x4000  }
0x87: {  	[sflag:s18] =	ssyncset.done $0x0  }
0x88: {  	s0 =	sadd.s32 $0x14100, s31;
	[sflag:s18] =	ssyncadd.s32 $0xFFFFC000  }
0x89: {  	[tilespmem:s22], [sflag:$0x1] =	stream.indirect.gather [hbm4b:s4+s21], $0x80, s0, s21, $0xb8;
	[tilespmem:$0x1E800] =	vst v63  }
0x8a: {  	_ =	swait.ge [sflag:s25], $0x4000  }
.Ltmp1:
0x8b: {  	[sflag:s25] =	ssyncset.done $0x0;
	(pc) =	sbr.rel @p0 .LBB2_4-.Ltmp1, $4  }
0x8c: {  	s0 =	sadd.s32 $0x15480, s31;
	[sflag:s25] =	ssyncadd.s32 $0xFFFFC000  }
0x8d: {  	[spmem:s1] =	stream.indirect.scatter.add.f32 [tilespmem:s23], [sflag:$0x3], $0x80, s0, s21, $0xb8;
	[tilespmem:$0x1E800] =	vst v63  }
0x8e: {  	_ =	swait.ge [sflag:s18], $0x4000  }
0x8f: {  	s31 =	sshra.s32 s3, $0x2;
	s0 =	smov.u32 s5;
	[sflag:s18] =	ssyncset.done $0x0  }
0x90: {  	s0 =	sadd.s32 $0x14080, s31;
	[sflag:s18] =	ssyncadd.s32 $0xFFFFC000  }
0x91: {  	[tilespmem:s23], [sflag:$0x2] =	stream.indirect.gather [hbm4b:s4+s21], $0x80, s0, s21, $0xb8;
	[tilespmem:$0x1E800] =	vst v63  }
0x92: {  	_ =	swait.ge [sflag:s24], $0x4000  }
0x93: {  	[sflag:s24] =	ssyncset.done $0x0  }
0x94: {  	s3 =	sadd.s32 $0x15400, s31;
	[sflag:s24] =	ssyncadd.s32 $0xFFFFC000  }
0x95: {  	[spmem:s1] =	stream.indirect.scatter.add.f32 [tilespmem:s22], [sflag:$0x3], $0x80, s3, s21, $0xb8;
	[tilespmem:$0x1E800] =	vst v63  }
0x96: {  	_ =	swait.ge [sflag:s18], $0x4000  }
0x97: {  	[sflag:s18] =	ssyncset.done $0x0  }
0x98: {  	s5 =	sadd.s32 $0x14100, s31;
	[sflag:s18] =	ssyncadd.s32 $0xFFFFC000  }
0x99: {  	[tilespmem:s22], [sflag:$0x1] =	stream.indirect.gather [hbm4b:s4+s21], $0x80, s5, s21, $0xb8;
	[tilespmem:$0x1E800] =	vst v63  }
0x9a: {  	_ =	swait.ge [sflag:s25], $0x4000  }
0x9b: {  	[sflag:s25] =	ssyncset.done $0x0  }
0x9c: {  	s2 =	sadd.s32 $0x15480, s31;
	[sflag:s25] =	ssyncadd.s32 $0xFFFFC000  }
0x9d: {  	[spmem:s1] =	stream.indirect.scatter.add.f32 [tilespmem:s23], [sflag:$0x3], $0x80, s2, s21, $0xb8;
	[tilespmem:$0x1E800] =	vst v63  }
0x9e: {  	_ =	swait.ge [sflag:s18], $0x4000  }
0x9f: {  	[sflag:s18] =	ssyncset.done $0x0  }
0xa0: {  	[sflag:s18] =	ssyncadd.s32 $0xFFFFC000  }
0xa1: {  	[tilespmem:s23], [sflag:$0x2] =	stream.indirect.gather [hbm4b:s4+s21], $0x80, s26, s21, $0xb8;
	[tilespmem:$0x1E800] =	vst v63  }
0xa2: {  	_ =	swait.ge [sflag:s24], $0x4000  }
0xa3: {  	[sflag:s24] =	ssyncset.done $0x0  }
0xa4: {  	[sflag:s24] =	ssyncadd.s32 $0xFFFFC000  }
0xa5: {  	[spmem:s1] =	stream.indirect.scatter.add.f32 [tilespmem:s22], [sflag:$0x3], $0x80, s28, s21, $0xb8;
	[tilespmem:$0x1E800] =	vst v63  }
0xa6: {  	_ =	swait.ge [sflag:s18], $0x4000  }
0xa7: {  	[sflag:s18] =	ssyncset.done $0x0  }
0xa8: {  	[sflag:s18] =	ssyncadd.s32 $0xFFFFC000  }
0xa9: {  	_ =	swait.ge [sflag:s25], $0x4000  }
0xaa: {  	[sflag:s25] =	ssyncset.done $0x0  }
0xab: {  	[sflag:s25] =	ssyncadd.s32 $0xFFFFC000  }
0xac: {  	[spmem:s1] =	stream.indirect.scatter.add.f32 [tilespmem:s23], [sflag:$0x3], $0x80, s29, s21, $0xb8;
	[tilespmem:$0x1E800] =	vst v63  }
0xad: {  	_ =	swait.ge [sflag:s18], $0x4000  }
0xae: {  	[sflag:s18] =	ssyncset.done $0x0  }
0xaf: {  	s3 =	simm.s32 $0x0;
	[sflag:s18] =	ssyncadd.s32 $0xFFFFC000  }
0xb0: {  	[tilespmem:s19], [sflag:$0x3] =	stream.linear.gather [hbm4b:s11+s3], $0x1400, $0x38;
	[tilespmem:$0x1E800] =	vst v63  }
0xb1: {  	_ =	swait.ge [sflag:s18], $0x1400  }
0xb2: {  	[sflag:s18] =	ssyncset.done $0x0  }
0xb3: {  	[sflag:s18] =	ssyncadd.s32 $0xFFFFEC00  }
0xb4: {  	[tilespmem:s20], [sflag:$0x3] =	stream.linear.gather [hbm4b:s12+s3], $0x1400, $0x38;
	[tilespmem:$0x1E800] =	vst v63  }
0xb5: {  	_ =	swait.ge [sflag:s18], $0x1400  }
0xb6: {  	[sflag:s18] =	ssyncset.done $0x0  }
0xb7: {  	[sflag:s18] =	ssyncadd.s32 $0xFFFFEC00  }
0xb8: {  	[tilespmem:s22], [sflag:$0x1] =	stream.indirect.gather [hbm4b:s4+s21], $0x80, s19, s21, $0xb8;
	[tilespmem:$0x1E800] =	vst v63  }
0xb9: {  	s5 =	simm.s32 $0x14080  }
0xba: {  	[tilespmem:s23], [sflag:$0x2] =	stream.indirect.gather [hbm4b:s4+s21], $0x80, s5, s21, $0xb8;
	[tilespmem:$0x1E800] =	vst v63  }
0xbb: {  	_ =	swait.ge [sflag:s24], $0x4000  }
0xbc: {  	[sflag:s24] =	ssyncset.done $0x0  }
0xbd: {  	s2 =	simm.s32 $0x15400;
	[sflag:s24] =	ssyncadd.s32 $0xFFFFC000  }
0xbe: {  	[spmem:s1] =	stream.indirect.scatter.add.f32 [tilespmem:s22], [sflag:$0x3], $0x80, s2, s21, $0xb8;
	[tilespmem:$0x1E800] =	vst v63  }
0xbf: {  	_ =	swait.ge [sflag:s18], $0x4000  }
0xc0: {  	[sflag:s18] =	ssyncset.done $0x0  }
0xc1: {  	s3 =	simm.s32 $0x14100;
	[sflag:s18] =	ssyncadd.s32 $0xFFFFC000  }
0xc2: {  	[tilespmem:s22], [sflag:$0x1] =	stream.indirect.gather [hbm4b:s4+s21], $0x80, s3, s21, $0xb8;
	[tilespmem:$0x1E800] =	vst v63  }
0xc3: {  	_ =	swait.ge [sflag:s25], $0x4000  }
0xc4: {  	[sflag:s25] =	ssyncset.done $0x0  }
0xc5: {  	s5 =	simm.s32 $0x15480;
	[sflag:s25] =	ssyncadd.s32 $0xFFFFC000  }
0xc6: {  	[spmem:s1] =	stream.indirect.scatter.add.f32 [tilespmem:s23], [sflag:$0x3], $0x80, s5, s21, $0xb8;
	[tilespmem:$0x1E800] =	vst v63  }
0xc7: {  	_ =	swait.ge [sflag:s18], $0x4000  }
0xc8: {  	s31 =	simm.s32 $0x100;
	s0 =	simm.s32 $0x800;
	[sflag:s18] =	ssyncset.done $0x0  }
.LBB2_6:
0xc9: {  	s2 =	sadd.s32 $0x14080, s31  }
0xca: {  	[sflag:s18] =	ssyncadd.s32 $0xFFFFC000;
	s3 =	smov.u32 s0;
	s5 =	sadd.s32 $0x400, s0  }
0xcb: {  	[tilespmem:s23], [sflag:$0x2] =	stream.indirect.gather [hbm4b:s4+s21], $0x80, s2, s21, $0xb8;
	[tilespmem:$0x1E800] =	vst v63  }
0xcc: {  	p0 =	sne.s32 s0, $0x4800;
	_ =	swait.ge [sflag:s24], $0x4000  }
0xcd: {  	[sflag:s24] =	ssyncset.done $0x0  }
0xce: {  	s0 =	sadd.s32 $0x15400, s31;
	[sflag:s24] =	ssyncadd.s32 $0xFFFFC000  }
0xcf: {  	[spmem:s1] =	stream.indirect.scatter.add.f32 [tilespmem:s22], [sflag:$0x3], $0x80, s0, s21, $0xb8;
	[tilespmem:$0x1E800] =	vst v63  }
0xd0: {  	_ =	swait.ge [sflag:s18], $0x4000  }
0xd1: {  	[sflag:s18] =	ssyncset.done $0x0  }
0xd2: {  	s0 =	sadd.s32 $0x14100, s31;
	[sflag:s18] =	ssyncadd.s32 $0xFFFFC000  }
0xd3: {  	[tilespmem:s22], [sflag:$0x1] =	stream.indirect.gather [hbm4b:s4+s21], $0x80, s0, s21, $0xb8;
	[tilespmem:$0x1E800] =	vst v63  }
0xd4: {  	_ =	swait.ge [sflag:s25], $0x4000  }
.Ltmp2:
0xd5: {  	[sflag:s25] =	ssyncset.done $0x0;
	(pc) =	sbr.rel @p0 .LBB2_6-.Ltmp2, $4  }
0xd6: {  	s0 =	sadd.s32 $0x15480, s31;
	[sflag:s25] =	ssyncadd.s32 $0xFFFFC000  }
0xd7: {  	[spmem:s1] =	stream.indirect.scatter.add.f32 [tilespmem:s23], [sflag:$0x3], $0x80, s0, s21, $0xb8;
	[tilespmem:$0x1E800] =	vst v63  }
0xd8: {  	_ =	swait.ge [sflag:s18], $0x4000  }
0xd9: {  	s31 =	sshra.s32 s3, $0x2;
	s0 =	smov.u32 s5;
	[sflag:s18] =	ssyncset.done $0x0  }
0xda: {  	s0 =	sadd.s32 $0x14080, s31;
	[sflag:s18] =	ssyncadd.s32 $0xFFFFC000  }
0xdb: {  	[tilespmem:s23], [sflag:$0x2] =	stream.indirect.gather [hbm4b:s4+s21], $0x80, s0, s21, $0xb8;
	[tilespmem:$0x1E800] =	vst v63  }
0xdc: {  	_ =	swait.ge [sflag:s24], $0x4000  }
0xdd: {  	[sflag:s24] =	ssyncset.done $0x0  }
0xde: {  	s3 =	sadd.s32 $0x15400, s31;
	[sflag:s24] =	ssyncadd.s32 $0xFFFFC000  }
0xdf: {  	[spmem:s1] =	stream.indirect.scatter.add.f32 [tilespmem:s22], [sflag:$0x3], $0x80, s3, s21, $0xb8;
	[tilespmem:$0x1E800] =	vst v63  }
0xe0: {  	_ =	swait.ge [sflag:s18], $0x4000  }
0xe1: {  	[sflag:s18] =	ssyncset.done $0x0  }
0xe2: {  	s5 =	sadd.s32 $0x14100, s31;
	[sflag:s18] =	ssyncadd.s32 $0xFFFFC000  }
0xe3: {  	[tilespmem:s22], [sflag:$0x1] =	stream.indirect.gather [hbm4b:s4+s21], $0x80, s5, s21, $0xb8;
	[tilespmem:$0x1E800] =	vst v63  }
0xe4: {  	_ =	swait.ge [sflag:s25], $0x4000  }
0xe5: {  	[sflag:s25] =	ssyncset.done $0x0  }
0xe6: {  	s2 =	sadd.s32 $0x15480, s31;
	[sflag:s25] =	ssyncadd.s32 $0xFFFFC000  }
0xe7: {  	[spmem:s1] =	stream.indirect.scatter.add.f32 [tilespmem:s23], [sflag:$0x3], $0x80, s2, s21, $0xb8;
	[tilespmem:$0x1E800] =	vst v63  }
0xe8: {  	_ =	swait.ge [sflag:s18], $0x4000  }
0xe9: {  	[sflag:s18] =	ssyncset.done $0x0  }
0xea: {  	[sflag:s18] =	ssyncadd.s32 $0xFFFFC000  }
0xeb: {  	[tilespmem:s23], [sflag:$0x2] =	stream.indirect.gather [hbm4b:s4+s21], $0x80, s26, s21, $0xb8;
	[tilespmem:$0x1E800] =	vst v63  }
0xec: {  	_ =	swait.ge [sflag:s24], $0x4000  }
0xed: {  	[sflag:s24] =	ssyncset.done $0x0  }
0xee: {  	[sflag:s24] =	ssyncadd.s32 $0xFFFFC000  }
0xef: {  	[spmem:s1] =	stream.indirect.scatter.add.f32 [tilespmem:s22], [sflag:$0x3], $0x80, s28, s21, $0xb8;
	[tilespmem:$0x1E800] =	vst v63  }
0xf0: {  	_ =	swait.ge [sflag:s18], $0x4000  }
0xf1: {  	[sflag:s18] =	ssyncset.done $0x0  }
0xf2: {  	[sflag:s18] =	ssyncadd.s32 $0xFFFFC000  }
0xf3: {  	_ =	swait.ge [sflag:s25], $0x4000  }
0xf4: {  	[sflag:s25] =	ssyncset.done $0x0  }
0xf5: {  	[sflag:s25] =	ssyncadd.s32 $0xFFFFC000  }
0xf6: {  	[spmem:s1] =	stream.indirect.scatter.add.f32 [tilespmem:s23], [sflag:$0x3], $0x80, s29, s21, $0xb8;
	[tilespmem:$0x1E800] =	vst v63  }
0xf7: {  	_ =	swait.ge [sflag:s18], $0x4000  }
0xf8: {  	[sflag:s18] =	ssyncset.done $0x0  }
0xf9: {  	s3 =	simm.s32 $0x0;
	[sflag:s18] =	ssyncadd.s32 $0xFFFFC000  }
0xfa: {  	[tilespmem:s19], [sflag:$0x3] =	stream.linear.gather [hbm4b:s13+s3], $0x1400, $0x38;
	[tilespmem:$0x1E800] =	vst v63  }
0xfb: {  	_ =	swait.ge [sflag:s18], $0x1400  }
0xfc: {  	[sflag:s18] =	ssyncset.done $0x0  }
0xfd: {  	[sflag:s18] =	ssyncadd.s32 $0xFFFFEC00  }
0xfe: {  	[tilespmem:s20], [sflag:$0x3] =	stream.linear.gather [hbm4b:s14+s3], $0x1400, $0x38;
	[tilespmem:$0x1E800] =	vst v63  }
0xff: {  	_ =	swait.ge [sflag:s18], $0x1400  }
0x100: {  	[sflag:s18] =	ssyncset.done $0x0  }
0x101: {  	[sflag:s18] =	ssyncadd.s32 $0xFFFFEC00  }
0x102: {  	[tilespmem:s22], [sflag:$0x1] =	stream.indirect.gather [hbm4b:s4+s21], $0x80, s19, s21, $0xb8;
	[tilespmem:$0x1E800] =	vst v63  }
0x103: {  	s5 =	simm.s32 $0x14080  }
0x104: {  	[tilespmem:s23], [sflag:$0x2] =	stream.indirect.gather [hbm4b:s4+s21], $0x80, s5, s21, $0xb8;
	[tilespmem:$0x1E800] =	vst v63  }
0x105: {  	_ =	swait.ge [sflag:s24], $0x4000  }
0x106: {  	[sflag:s24] =	ssyncset.done $0x0  }
0x107: {  	s2 =	simm.s32 $0x15400;
	[sflag:s24] =	ssyncadd.s32 $0xFFFFC000  }
0x108: {  	[spmem:s1] =	stream.indirect.scatter.add.f32 [tilespmem:s22], [sflag:$0x3], $0x80, s2, s21, $0xb8;
	[tilespmem:$0x1E800] =	vst v63  }
0x109: {  	_ =	swait.ge [sflag:s18], $0x4000  }
0x10a: {  	[sflag:s18] =	ssyncset.done $0x0  }
0x10b: {  	s3 =	simm.s32 $0x14100;
	[sflag:s18] =	ssyncadd.s32 $0xFFFFC000  }
0x10c: {  	[tilespmem:s22], [sflag:$0x1] =	stream.indirect.gather [hbm4b:s4+s21], $0x80, s3, s21, $0xb8;
	[tilespmem:$0x1E800] =	vst v63  }
0x10d: {  	_ =	swait.ge [sflag:s25], $0x4000  }
0x10e: {  	[sflag:s25] =	ssyncset.done $0x0  }
0x10f: {  	s5 =	simm.s32 $0x15480;
	[sflag:s25] =	ssyncadd.s32 $0xFFFFC000  }
0x110: {  	[spmem:s1] =	stream.indirect.scatter.add.f32 [tilespmem:s23], [sflag:$0x3], $0x80, s5, s21, $0xb8;
	[tilespmem:$0x1E800] =	vst v63  }
0x111: {  	_ =	swait.ge [sflag:s18], $0x4000  }
0x112: {  	s31 =	simm.s32 $0x100;
	s0 =	simm.s32 $0x800;
	[sflag:s18] =	ssyncset.done $0x0  }
.LBB2_8:
0x113: {  	s2 =	sadd.s32 $0x14080, s31  }
0x114: {  	[sflag:s18] =	ssyncadd.s32 $0xFFFFC000;
	s3 =	smov.u32 s0;
	s5 =	sadd.s32 $0x400, s0  }
0x115: {  	[tilespmem:s23], [sflag:$0x2] =	stream.indirect.gather [hbm4b:s4+s21], $0x80, s2, s21, $0xb8;
	[tilespmem:$0x1E800] =	vst v63  }
0x116: {  	p0 =	sne.s32 s0, $0x4800;
	_ =	swait.ge [sflag:s24], $0x4000  }
0x117: {  	[sflag:s24] =	ssyncset.done $0x0  }
0x118: {  	s0 =	sadd.s32 $0x15400, s31;
	[sflag:s24] =	ssyncadd.s32 $0xFFFFC000  }
0x119: {  	[spmem:s1] =	stream.indirect.scatter.add.f32 [tilespmem:s22], [sflag:$0x3], $0x80, s0, s21, $0xb8;
	[tilespmem:$0x1E800] =	vst v63  }
0x11a: {  	_ =	swait.ge [sflag:s18], $0x4000  }
0x11b: {  	[sflag:s18] =	ssyncset.done $0x0  }
0x11c: {  	s0 =	sadd.s32 $0x14100, s31;
	[sflag:s18] =	ssyncadd.s32 $0xFFFFC000  }
0x11d: {  	[tilespmem:s22], [sflag:$0x1] =	stream.indirect.gather [hbm4b:s4+s21], $0x80, s0, s21, $0xb8;
	[tilespmem:$0x1E800] =	vst v63  }
0x11e: {  	_ =	swait.ge [sflag:s25], $0x4000  }
.Ltmp3:
0x11f: {  	[sflag:s25] =	ssyncset.done $0x0;
	(pc) =	sbr.rel @p0 .LBB2_8-.Ltmp3, $4  }
0x120: {  	s0 =	sadd.s32 $0x15480, s31;
	[sflag:s25] =	ssyncadd.s32 $0xFFFFC000  }
0x121: {  	[spmem:s1] =	stream.indirect.scatter.add.f32 [tilespmem:s23], [sflag:$0x3], $0x80, s0, s21, $0xb8;
	[tilespmem:$0x1E800] =	vst v63  }
0x122: {  	_ =	swait.ge [sflag:s18], $0x4000  }
0x123: {  	s31 =	sshra.s32 s3, $0x2;
	s0 =	smov.u32 s5;
	[sflag:s18] =	ssyncset.done $0x0  }
0x124: {  	s0 =	sadd.s32 $0x14080, s31;
	[sflag:s18] =	ssyncadd.s32 $0xFFFFC000  }
0x125: {  	[tilespmem:s23], [sflag:$0x2] =	stream.indirect.gather [hbm4b:s4+s21], $0x80, s0, s21, $0xb8;
	[tilespmem:$0x1E800] =	vst v63  }
0x126: {  	_ =	swait.ge [sflag:s24], $0x4000  }
0x127: {  	[sflag:s24] =	ssyncset.done $0x0  }
0x128: {  	s3 =	sadd.s32 $0x15400, s31;
	[sflag:s24] =	ssyncadd.s32 $0xFFFFC000  }
0x129: {  	[spmem:s1] =	stream.indirect.scatter.add.f32 [tilespmem:s22], [sflag:$0x3], $0x80, s3, s21, $0xb8;
	[tilespmem:$0x1E800] =	vst v63  }
0x12a: {  	_ =	swait.ge [sflag:s18], $0x4000  }
0x12b: {  	[sflag:s18] =	ssyncset.done $0x0  }
0x12c: {  	s5 =	sadd.s32 $0x14100, s31;
	[sflag:s18] =	ssyncadd.s32 $0xFFFFC000  }
0x12d: {  	[tilespmem:s22], [sflag:$0x1] =	stream.indirect.gather [hbm4b:s4+s21], $0x80, s5, s21, $0xb8;
	[tilespmem:$0x1E800] =	vst v63  }
0x12e: {  	_ =	swait.ge [sflag:s25], $0x4000  }
0x12f: {  	[sflag:s25] =	ssyncset.done $0x0  }
0x130: {  	s31 =	sadd.s32 $0x15480, s31;
	[sflag:s25] =	ssyncadd.s32 $0xFFFFC000  }
0x131: {  	[spmem:s1] =	stream.indirect.scatter.add.f32 [tilespmem:s23], [sflag:$0x3], $0x80, s31, s21, $0xb8;
	[tilespmem:$0x1E800] =	vst v63  }
0x132: {  	_ =	swait.ge [sflag:s18], $0x4000  }
0x133: {  	[sflag:s18] =	ssyncset.done $0x0  }
0x134: {  	[sflag:s18] =	ssyncadd.s32 $0xFFFFC000  }
0x135: {  	[tilespmem:s23], [sflag:$0x2] =	stream.indirect.gather [hbm4b:s4+s21], $0x80, s26, s21, $0xb8;
	[tilespmem:$0x1E800] =	vst v63  }
0x136: {  	_ =	swait.ge [sflag:s24], $0x4000  }
0x137: {  	[sflag:s24] =	ssyncset.done $0x0  }
0x138: {  	[sflag:s24] =	ssyncadd.s32 $0xFFFFC000  }
0x139: {  	[spmem:s1] =	stream.indirect.scatter.add.f32 [tilespmem:s22], [sflag:$0x3], $0x80, s28, s21, $0xb8;
	[tilespmem:$0x1E800] =	vst v63  }
0x13a: {  	_ =	swait.ge [sflag:s18], $0x4000  }
0x13b: {  	[sflag:s18] =	ssyncset.done $0x0  }
0x13c: {  	[sflag:s18] =	ssyncadd.s32 $0xFFFFC000  }
0x13d: {  	_ =	swait.ge [sflag:s25], $0x4000  }
0x13e: {  	[sflag:s25] =	ssyncset.done $0x0  }
0x13f: {  	[sflag:s25] =	ssyncadd.s32 $0xFFFFC000  }
0x140: {  	[spmem:s1] =	stream.indirect.scatter.add.f32 [tilespmem:s23], [sflag:$0x3], $0x80, s29, s21, $0xb8;
	[tilespmem:$0x1E800] =	vst v63  }
0x141: {  	_ =	swait.ge [sflag:s18], $0x4000  }
0x142: {  	s30 =	sadd.s32 $0x1, s30;
	[sflag:s18] =	ssyncset.done $0x0  }
0x143: {  	p0 =	sne.s32 s30, s16;
	[sflag:s18] =	ssyncadd.s32 $0xFFFFC000  }
.Ltmp4:
0x144: {  	[bflag:$0x0] =	sbarrier.arrive $0xFFFF;
	(pc) =	sbr.rel @p0 .LBB2_1-.Ltmp4, $4  }
0x145: {  	[hbm:s15], [sflag:s6] =	dma.local [spmem:s17], $0x2800  }
0x146: {  	_ =	swait.ge [sflag:s18], $0x2800  }
0x147: {  	[sflag:s18] =	ssyncset.done $0x0  }
0x148: {  	[sflag:s18] =	ssyncadd.s32 $0xFFFFD800  }
0x149: {  	_ =	sfence.sel $0x180000  }
0x14a: {  	[bflag:$0x0] =	sbarrier.arrive $0xFFFF  }
0x14b: {  	_ =	strace $0x90000050  }
0x14c: {  	s0 =	stileid.u32;
	[bflag:$0x2] =	sbarrier.arrive $0xFFFF  }
0x14d: {  	p0 =	sne.s32 s0, $0x0;
	s0 =	rddreg [dreg:$0x2]  }
0x14e: {  	s0 =	sadd.s32 @!p0 $0x100000, s0  }
0x14f: {  	[sflag:s0] =	ssyncadd.tile.s32 @!p0 $0x1;
	_ =	shalt  }
.Lfunc_end2:
_tile_overlayer_lowered:
.L_overlay_start_2:
0x150: {  	(tag) =	ssettag $0x2  }
0x151: {  	s0 =	rddreg [dreg:$0x0];
	s2 =	stileid.u32  }
0x152: {  	s1 =	rddreg [dreg:$0x1];
	p0 =	sne.s32 s2, $0x0  }
0x153: {  	s3 =	rddreg [dreg:$0x2];
	[bflag:$0x3] =	sbarrier.arrive $0xFFFF;
	s2 =	simm.s32 @!p0 $0x1C03  }
0x154: {  	[timem:s3], [sflag:s2] =	dma.local @!p0 [hbm:s0], s1  }
0x155: {  	s0 =	simm.s32 @!p0 $0x3  }
0x156: {  	_ =	swait.ge @!p0 [sflag:s0], s1  }
0x157: {  	s1 =	ssub.s32 @!p0 $0x0, s1;
	[sflag:s0] =	ssyncset.done @!p0 $0x0  }
0x158: {  	[sflag:s0] =	ssyncadd.s32 @!p0 s1  }
0x159: {  	[bflag:$0x3] =	sbarrier.arrive $0xFFFF  }
0x15a: {  	_ =	shalt  }

</sc_bundles>
